<compile_context>
chip_gen: v7x
topology: tpu7x:2x2x1
jax: 0.10.2.dev20260603
libtpu: 0.0.44.dev20260713+nightly
codegen_flags: <defaults>
</compile_context>

<pallas_src>
import functools

import jax
import jax.numpy as jnp
from jax import lax
from jax.experimental import pallas as pl
from jax.experimental.pallas import tpu as pltpu
from jax.experimental.pallas import tpu_sc as plsc

N = 10000
E = 320000
D = 128
G = 16
NC = 2
NS = 16
NW = NC * NS
NB = 10
BLK = 1024
NT = NB * BLK
CW = 128
NCHUNK = 80
EPW = NCHUNK * CW
RPT = NT // NS
NBUF = 4
NEG = -jnp.inf



@functools.cache
def _sc_kernels():
    mesh = plsc.VectorSubcoreMesh(core_axis_name="c", subcore_axis_name="s",
                                  num_cores=NC, num_subcores=NS)

    @functools.partial(
        pl.kernel,
        out_type=jax.ShapeDtypeStruct((NC, NT, D), jnp.float32),
        mesh=mesh,
        compiler_params=pltpu.CompilerParams(needs_layout_passes=False),
        scratch_types=[
            pltpu.VMEM((NCHUNK, CW), jnp.int32),
            pltpu.VMEM((2, CW), jnp.int32),
            pltpu.VMEM((2, CW, D), jnp.float32),
            pltpu.VMEM_SHARED((NT, D), jnp.float32),
            pltpu.SemaphoreType.DMA,
            pltpu.SemaphoreType.DMA,
            pltpu.SemaphoreType.DMA,
            pltpu.SemaphoreType.DMA,
            pltpu.SemaphoreType.DMA,
            pltpu.SemaphoreType.DMA,
        ],
    )
    def sc_scatter_rows(h_hbm, src_hbm, dst_hbm, z_hbm, out_hbm,
                        src_v, didx, rows_v, acc_sh, g0, g1, d0, d1, t0, t1):
        gsem = (g0, g1)
        dsem = (d0, d1)
        ssem = (t0, t1)
        c = lax.axis_index("c")
        s = lax.axis_index("s")
        w = s * NC + c
        cz = pltpu.async_copy(z_hbm, acc_sh.at[pl.ds(s * RPT, RPT)], g0)
        cs = pltpu.async_copy(src_hbm.at[w], src_v, g1)
        cz.wait()
        cs.wait()
        plsc.subcore_barrier()

        def gather(j, b):
            pltpu.async_copy(h_hbm.at[src_v.at[j]], rows_v.at[b], gsem[b])

        def wait_gather(j, b):
            pltpu.make_async_copy(h_hbm.at[src_v.at[j]], rows_v.at[b],
                                  gsem[b]).wait()

        def fetch_didx(j, b):
            pltpu.async_copy(dst_hbm.at[w, j], didx.at[b], dsem[b])

        def wait_didx(j, b):
            pltpu.make_async_copy(dst_hbm.at[w, j], didx.at[b],
                                  dsem[b]).wait()

        def scatter(j, b):
            pltpu.async_copy(rows_v.at[b], acc_sh.at[didx.at[b]], ssem[b],
                             add=True)

        def wait_scatter(j, b):
            pltpu.make_async_copy(rows_v.at[b], acc_sh.at[didx.at[b]],
                                  ssem[b]).wait()

        fetch_didx(0, 0)
        gather(0, 0)
        wait_gather(0, 0)
        wait_didx(0, 0)
        scatter(0, 0)
        gather(1, 1)
        fetch_didx(1, 1)

        def body(it, carry):
            for b in (1, 0):
                j = it * 2 + (1 if b == 1 else 2)
                wait_scatter(j - 1, 1 - b)
                gather(j + 1, 1 - b)
                fetch_didx(j + 1, 1 - b)
                wait_gather(j, b)
                wait_didx(j, b)
                scatter(j, b)
            return carry

        lax.fori_loop(0, (NCHUNK - 2) // 2, body, 0)
        wait_gather(NCHUNK - 1, 1)
        wait_didx(NCHUNK - 1, 1)
        scatter(NCHUNK - 1, 1)
        wait_scatter(NCHUNK - 2, 0)
        wait_scatter(NCHUNK - 1, 1)
        plsc.subcore_barrier()
        pltpu.sync_copy(acc_sh.at[pl.ds(s * RPT, RPT)],
                        out_hbm.at[c, pl.ds(s * RPT, RPT)])

    @functools.partial(
        pl.kernel,
        out_type=jax.ShapeDtypeStruct((NB, NW, BLK), jnp.float32),
        mesh=mesh,
        compiler_params=pltpu.CompilerParams(needs_layout_passes=False),
        scratch_types=[
            pltpu.VMEM((EPW,), jnp.int32),
            pltpu.VMEM((NT,), jnp.float32),
        ],
    )
    def sc_counts(dst_hbm, out_hbm, dst_v, acc_v):
        c = lax.axis_index("c")
        s = lax.axis_index("s")
        w = s * NC + c
        pltpu.sync_copy(dst_hbm.at[w], dst_v)
        zeros16 = jnp.zeros((16,), jnp.float32)

        def zbody(i, carry):
            acc_v[pl.ds(i * 16, 16)] = zeros16
            return carry

        lax.fori_loop(0, NT // 16, zbody, 0)
        ones16 = jnp.ones((16,), jnp.float32)

        def body(j, carry):
            idx = dst_v[pl.ds(j * 16, 16)]
            plsc.addupdate_scatter(acc_v, [idx], ones16)
            return carry

        lax.fori_loop(0, EPW // 16, body, 0)
        for r in range(NB):
            pltpu.sync_copy(acc_v.at[pl.ds(r * BLK, BLK)], out_hbm.at[r, w])

    @functools.partial(
        pl.kernel,
        out_type=jax.ShapeDtypeStruct((NB, NW, BLK), jnp.float32),
        mesh=mesh,
        compiler_params=pltpu.CompilerParams(needs_layout_passes=False),
        scratch_types=[
            pltpu.VMEM((NT,), jnp.float32),
            pltpu.VMEM((EPW,), jnp.int32),
            pltpu.VMEM((EPW,), jnp.int32),
            pltpu.VMEM((NT,), jnp.float32),
        ],
    )
    def sc_edge_scalar(q_hbm, src_hbm, dst_hbm, out_hbm,
                       q_v, src_v, dst_v, acc_v):
        c = lax.axis_index("c")
        s = lax.axis_index("s")
        w = s * NC + c
        pltpu.sync_copy(q_hbm, q_v)
        pltpu.sync_copy(src_hbm.at[w], src_v)
        pltpu.sync_copy(dst_hbm.at[w], dst_v)
        zeros16 = jnp.zeros((16,), jnp.float32)

        def zbody(i, carry):
            acc_v[pl.ds(i * 16, 16)] = zeros16
            return carry

        lax.fori_loop(0, NT // 16, zbody, 0)

        def body(j, carry):
            si = src_v[pl.ds(j * 16, 16)]
            di = dst_v[pl.ds(j * 16, 16)]
            vals = plsc.load_gather(q_v, [si])
            plsc.addupdate_scatter(acc_v, [di], vals)
            return carry

        lax.fori_loop(0, EPW // 16, body, 0)
        for r in range(NB):
            pltpu.sync_copy(acc_v.at[pl.ds(r * BLK, BLK)], out_hbm.at[r, w])

    return sc_scatter_rows, sc_counts, sc_edge_scalar



def _gmax_update(gm_ref, hn, bb, r):
    prev = jnp.where(r == 0, jnp.full((G, D), NEG, jnp.float32), gm_ref[...])
    bcol = bb[:, None]
    cand = jnp.stack(
        [jnp.max(jnp.where(bcol == g, hn, NEG), axis=0)
         for g in range(G)], axis=0)
    gm_ref[...] = jnp.maximum(prev, cand)


def _make_conv_call(has_cnt, has_q):
    def body(*refs):
        it = iter(refs)
        p_ref = next(it); h_ref = next(it); b_ref = next(it)
        wl_ref = next(it); bl_ref = next(it); wr_ref = next(it)
        cnt_ref = next(it) if has_cnt else None
        c_ref = None if has_cnt else next(it)
        gcn_ref = next(it) if has_q else None
        hn_ref = next(it)
        c_out = next(it) if has_cnt else None
        q_out = next(it) if has_q else None

        ssum = p_ref[0] + p_ref[1]
        if has_cnt:
            cvec = jnp.sum(cnt_ref[0], axis=0)
            c_out[0, 0] = cvec
        else:
            cvec = c_ref[0, 0]
        mean = ssum / jnp.maximum(cvec, 1.0)[:, None]
        hn = (jnp.dot(mean, wl_ref[...], preferred_element_type=jnp.float32)
              + bl_ref[...]
              + jnp.dot(h_ref[...], wr_ref[...],
                        preferred_element_type=jnp.float32))
        hn_ref[...] = hn
        if has_q:
            hl = jnp.dot(hn, gcn_ref[...], preferred_element_type=jnp.float32)
            dinv = lax.rsqrt(cvec + 1.0)
            q_out[0, 0] = hl[:, 0] * dinv

    in_specs = [
        pl.BlockSpec((2, BLK, D), lambda r: (0, r, 0)),
        pl.BlockSpec((BLK, D), lambda r: (r, 0)),
        pl.BlockSpec((1, 1, BLK), lambda r: (r, 0, 0)),
        pl.BlockSpec((D, D), lambda r: (0, 0)),
        pl.BlockSpec((1, D), lambda r: (0, 0)),
        pl.BlockSpec((D, D), lambda r: (0, 0)),
    ]
    if has_cnt:
        in_specs.append(pl.BlockSpec((1, NW, BLK), lambda r: (r, 0, 0)))
    else:
        in_specs.append(pl.BlockSpec((1, 1, BLK), lambda r: (r, 0, 0)))
    if has_q:
        in_specs.append(pl.BlockSpec((D, 1), lambda r: (0, 0)))

    out_shapes = [jax.ShapeDtypeStruct((NT, D), jnp.float32)]
    out_specs = [pl.BlockSpec((BLK, D), lambda r: (r, 0))]
    if has_cnt:
        out_shapes.append(jax.ShapeDtypeStruct((NB, 1, BLK), jnp.float32))
        out_specs.append(pl.BlockSpec((1, 1, BLK), lambda r: (r, 0, 0)))
    if has_q:
        out_shapes.append(jax.ShapeDtypeStruct((NB, 1, BLK), jnp.float32))
        out_specs.append(pl.BlockSpec((1, 1, BLK), lambda r: (r, 0, 0)))

    return pl.pallas_call(
        body,
        grid=(NB,),
        in_specs=in_specs,
        out_specs=tuple(out_specs),
        out_shape=tuple(out_shapes),
    )


_conv1_call = _make_conv_call(True, False)
_conv2_call = _make_conv_call(False, False)
_conv3_call = _make_conv_call(False, True)


def _gmax_body(h_ref, bc_ref, gm_ref):
    r = pl.program_id(0)
    _gmax_update(gm_ref, h_ref[...], bc_ref[0, 0], r)


_gmax_call = pl.pallas_call(
    _gmax_body,
    grid=(NB,),
    in_specs=[
        pl.BlockSpec((BLK, D), lambda r: (r, 0)),
        pl.BlockSpec((1, 1, BLK), lambda r: (r, 0, 0)),
    ],
    out_specs=pl.BlockSpec((G, D), lambda r: (0, 0)),
    out_shape=jax.ShapeDtypeStruct((G, D), jnp.float32),
)


def _score_body(sp_ref, c_ref, q_ref, b_ref, gb_ref, score_ref, keep_ref):
    es = jnp.sum(sp_ref[...], axis=1)
    cc = c_ref[...][:, 0, :]
    qq = q_ref[...][:, 0, :]
    bb = b_ref[...][:, 0, :]
    dinv = lax.rsqrt(cc + 1.0)
    sraw = dinv * (es + qq) + gb_ref[0, 0]
    masks = [bb == g for g in range(G)]
    smax_n = jnp.zeros_like(sraw)
    for g in range(G):
        mg = jnp.max(jnp.where(masks[g], sraw, NEG))
        smax_n = smax_n + jnp.where(masks[g], mg, 0.0)
    e = jnp.exp(sraw - smax_n)
    ssum_n = jnp.zeros_like(sraw)
    for g in range(G):
        sg = jnp.sum(jnp.where(masks[g], e, 0.0))
        ssum_n = ssum_n + jnp.where(masks[g], sg, 0.0)
    score = e / ssum_n
    scmax_n = jnp.zeros_like(sraw)
    for g in range(G):
        mg = jnp.max(jnp.where(masks[g], score, NEG))
        scmax_n = scmax_n + jnp.where(masks[g], mg, 0.0)
    scmin = jnp.minimum(scmax_n - 1e-7, 0.001)
    score_ref[...] = score[:, None, :]
    keep_ref[...] = jnp.where(score > scmin, 1.0, 0.0)[:, None, :]


_score_call = pl.pallas_call(
    _score_body,
    out_shape=(jax.ShapeDtypeStruct((NB, 1, BLK), jnp.float32),
               jax.ShapeDtypeStruct((NB, 1, BLK), jnp.float32)),
)


def _pool4_body(h3_ref, sc_ref, kp_ref, bc_ref, gm_ref):
    r = pl.program_id(0)
    sc = sc_ref[0, 0][:, None]
    kp = kp_ref[0, 0][:, None]
    bcol = bc_ref[0, 0][:, None]
    masked = jnp.where(kp > 0.0, h3_ref[...] * sc, NEG)
    prev = jnp.where(r == 0, jnp.full((G, D), NEG, jnp.float32), gm_ref[...])
    cand = jnp.stack(
        [jnp.max(jnp.where(bcol == g, masked, NEG), axis=0)
         for g in range(G)], axis=0)
    gm_ref[...] = jnp.maximum(prev, cand)


_pool4_call = pl.pallas_call(
    _pool4_body,
    grid=(NB,),
    in_specs=[
        pl.BlockSpec((BLK, D), lambda r: (r, 0)),
        pl.BlockSpec((1, 1, BLK), lambda r: (r, 0, 0)),
        pl.BlockSpec((1, 1, BLK), lambda r: (r, 0, 0)),
        pl.BlockSpec((1, 1, BLK), lambda r: (r, 0, 0)),
    ],
    out_specs=pl.BlockSpec((G, D), lambda r: (0, 0)),
    out_shape=jax.ShapeDtypeStruct((G, D), jnp.float32),
)


def _head_body(g1_ref, g2_ref, g3_ref, g4_ref, w1_ref, b1_ref, bg_ref, bb_ref,
               w2_ref, b2_ref, y_ref, logits_ref, loss_ref):
    z = jnp.concatenate(
        [g1_ref[...], g2_ref[...], g3_ref[...], g4_ref[...]], axis=1)
    z = jnp.dot(z, w1_ref[...], preferred_element_type=jnp.float32) + b1_ref[...]
    mu = jnp.mean(z, axis=0, keepdims=True)
    var = jnp.mean((z - mu) ** 2, axis=0, keepdims=True)
    z = (z - mu) / jnp.sqrt(var + 1e-5) * bg_ref[...] + bb_ref[...]
    z = jnp.maximum(z, 0.0)
    logits = jnp.dot(z, w2_ref[...], preferred_element_type=jnp.float32) + b2_ref[...]
    m = jnp.max(logits, axis=1, keepdims=True)
    lse = m + jnp.log(jnp.sum(jnp.exp(logits - m), axis=1, keepdims=True))
    logp = logits - lse
    oh = (y_ref[...] == lax.broadcasted_iota(jnp.int32, (1, 2), 1)
          ).astype(jnp.float32)
    loss = -jnp.mean(jnp.sum(logp * oh, axis=1))
    logits_ref[...] = logits
    loss_ref[...] = jnp.reshape(loss, (1, 1))


_head_call = pl.pallas_call(
    _head_body,
    out_shape=(jax.ShapeDtypeStruct((G, 2), jnp.float32),
               jax.ShapeDtypeStruct((1, 1), jnp.float32)),
)


def _pad_rows(a):
    return jnp.pad(a.reshape(NB, N // NB, D),
                   ((0, 0), (0, BLK - N // NB), (0, 0))).reshape(NT, D)



def kernel(x, edge_index, batch, y, conv_Wl, conv_bl, conv_Wr,
           conv1_Wl, conv1_bl, conv1_Wr, conv3_Wl, conv3_bl, conv3_Wr,
           gcn_W, gcn_b, fc1_W, fc1_b, bn_g, bn_b, fc2_W, fc2_b):
    src = edge_index[0]
    dst = edge_index[1]
    srcm = src + 24 * (src // 1000)
    dstm = dst + 24 * (dst // 1000)
    npad = NW * EPW - E
    k = jnp.arange(npad, dtype=jnp.int32)
    pslot = 1000 + (k % 24) + BLK * ((k // 24) % NB)
    sfull = jnp.concatenate([srcm, pslot])
    dfull = jnp.concatenate([dstm, pslot])
    src3 = sfull.reshape(NW, NCHUNK, CW)
    dst3 = dfull.reshape(NW, NCHUNK, CW)
    srcf = sfull.reshape(NW, EPW)
    dstf = dfull.reshape(NW, EPW)
    xp = _pad_rows(x)
    batch3 = jnp.pad(batch.reshape(NB, 1, N // NB),
                     ((0, 0), (0, 0), (0, BLK - N // NB)),
                     constant_values=G)
    zrows = jnp.zeros((RPT, D), jnp.float32)
    bl2 = conv_bl.reshape(1, D)
    b12 = conv1_bl.reshape(1, D)
    b32 = conv3_bl.reshape(1, D)

    _sc_scatter_rows, _sc_counts, _sc_edge_scalar = _sc_kernels()
    cntp = _sc_counts(dstf)
    zrows = zrows + jnp.minimum(cntp[0, 0, 0], 0.0)

    p1 = _sc_scatter_rows(xp, src3, dst3, zrows)
    h1, cvec = _conv1_call(p1, xp, batch3, conv_Wl, bl2, conv_Wr, cntp)

    def zero_dep(x):
        return jnp.minimum(jnp.abs(x), 0.0)

    p2 = _sc_scatter_rows(h1, src3, dst3, zrows)
    gm1 = _gmax_call(h1, batch3)
    h2, = _conv2_call(p2, h1, batch3, conv1_Wl, b12 + zero_dep(gm1[0, 0]),
                      conv1_Wr, cvec)

    p3 = _sc_scatter_rows(h2, src3, dst3, zrows)
    gm2 = _gmax_call(h2, batch3)
    h3, q3 = _conv3_call(p3, h2, batch3, conv3_Wl,
                         b32 + zero_dep(gm2[0, 0]), conv3_Wr, cvec, gcn_W)

    sp = _sc_edge_scalar(q3.reshape(NT), srcf, dstf)
    gm3 = _gmax_call(h3, batch3)
    score, keep = _score_call(sp, cvec, q3, batch3,
                              gcn_b.reshape(1, 1) + zero_dep(gm3[0, 0]))
    gm4 = _pool4_call(h3, score, keep, batch3)

    logits, loss = _head_call(gm1, gm2, gm3, gm4, fc1_W,
                              fc1_b.reshape(1, -1), bn_g.reshape(1, -1),
                              bn_b.reshape(1, -1), fc2_W, fc2_b.reshape(1, -1),
                              y.reshape(G, 1))
    return logits, loss[0, 0]

# --- scband reference (transcript-rebuilt; emitter-appended) ---
"""Pipeline reference for scband-prostate-58428735094818 (READ-ONLY COPY).

The authoritative reference and input builder live on the scoring server;
editing this copy changes nothing except your own understanding.
"""

import jax, jax.numpy as jnp
import numpy as np

N = 10000
E = 320000
DIN = 128
DIM = 128
OUT = 2
G = 16

def _glorot(key, shape):
    lim = float(np.sqrt(6.0 / (shape[0] + shape[1])))
    return jax.random.uniform(key, shape, minval=-lim, maxval=lim, dtype=jnp.float32)

def setup_inputs(seed: int = 0):
    key = jax.random.key(seed)
    ks = jax.random.split(key, 16)
    inp = {}
    inp['x'] = jax.random.normal(ks[0], (N, DIN), dtype=jnp.float32)
    inp['edge_index'] = jax.random.randint(ks[1], (2, E), 0, N, dtype=jnp.int32)
    inp['batch'] = jnp.sort(jax.random.randint(ks[2], (N,), 0, G, dtype=jnp.int32))
    inp['y'] = jax.random.randint(ks[3], (G,), 0, OUT, dtype=jnp.int32)
    inp['conv_Wl'] = _glorot(ks[4], (DIN, DIM)); inp['conv_bl'] = jnp.zeros((DIM,), jnp.float32); inp['conv_Wr'] = _glorot(ks[5], (DIN, DIM))
    inp['conv1_Wl'] = _glorot(ks[6], (DIM, DIM)); inp['conv1_bl'] = jnp.zeros((DIM,), jnp.float32); inp['conv1_Wr'] = _glorot(ks[7], (DIM, DIM))
    inp['conv3_Wl'] = _glorot(ks[8], (DIM, DIM)); inp['conv3_bl'] = jnp.zeros((DIM,), jnp.float32); inp['conv3_Wr'] = _glorot(ks[9], (DIM, DIM))
    inp['gcn_W'] = _glorot(ks[10], (DIM, 1)); inp['gcn_b'] = jnp.zeros((1,), jnp.float32)
    inp['fc1_W'] = _glorot(ks[11], (4 * DIM, 4 * DIM)); inp['fc1_b'] = jnp.zeros((4 * DIM,), jnp.float32)
    inp['bn_g'] = jnp.ones((4 * DIM,), jnp.float32); inp['bn_b'] = jnp.zeros((4 * DIM,), jnp.float32)
    inp['fc2_W'] = _glorot(ks[12], (4 * DIM, OUT)); inp['fc2_b'] = jnp.zeros((OUT,), jnp.float32)
    return inp

def reference(x, edge_index, batch, y, conv_Wl, conv_bl, conv_Wr, conv1_Wl, conv1_bl, conv1_Wr, conv3_Wl, conv3_bl, conv3_Wr, gcn_W, gcn_b, fc1_W, fc1_b, bn_g, bn_b, fc2_W, fc2_b):
    src = edge_index[0]
    dst = edge_index[1]
    n = x.shape[0]
    ones_e = jnp.ones((src.shape[0],), jnp.float32)

    def sage(h, Wl, bl, Wr):
        s = jax.ops.segment_sum(h[src], dst, num_segments=n)
        c = jax.ops.segment_sum(ones_e, dst, num_segments=n)
        mean = s / jnp.maximum(c, 1.0)[:, None]
        return mean @ Wl + bl + h @ Wr

    def gmax(h):
        return jax.ops.segment_max(h, batch, num_segments=G)

    outs = []
    h = sage(x, conv_Wl, conv_bl, conv_Wr)
    outs.append(gmax(h))
    h = sage(h, conv1_Wl, conv1_bl, conv1_Wr)
    outs.append(gmax(h))
    h = sage(h, conv3_Wl, conv3_bl, conv3_Wr)
    outs.append(gmax(h))
    # SAGPooling (pool2) with GCNConv scorer, min_score=0.001
    loop = jnp.arange(n, dtype=src.dtype)
    s2 = jnp.concatenate([src, loop])
    d2 = jnp.concatenate([dst, loop])
    deg = jax.ops.segment_sum(jnp.ones((s2.shape[0],), jnp.float32), d2, num_segments=n)
    dinv = jnp.where(deg > 0, deg ** -0.5, 0.0)
    norm = dinv[s2] * dinv[d2]
    hl = h @ gcn_W
    score_raw = (jax.ops.segment_sum(hl[s2] * norm[:, None], d2, num_segments=n) + gcn_b).reshape(-1)
    smax = jax.ops.segment_max(score_raw, batch, num_segments=G)
    e = jnp.exp(score_raw - smax[batch])
    ssum = jax.ops.segment_sum(e, batch, num_segments=G)
    score = e / ssum[batch]
    scores_max = jax.ops.segment_max(score, batch, num_segments=G)[batch] - 1e-7
    scores_min = jnp.minimum(scores_max, 0.001)
    keep = score > scores_min
    h4 = h * score[:, None]
    masked = jnp.where(keep[:, None], h4, -jnp.inf)
    outs.append(jax.ops.segment_max(masked, batch, num_segments=G))
    z = jnp.concatenate(outs, axis=1)
    z = z @ fc1_W + fc1_b
    mu = jnp.mean(z, axis=0)
    var = jnp.var(z, axis=0)
    z = (z - mu) / jnp.sqrt(var + 1e-5) * bn_g + bn_b
    z = jax.nn.relu(z)
    # dropout: identity (deterministic / eval behavior)
    logits = z @ fc2_W + fc2_b
    logp = jax.nn.log_softmax(logits, axis=-1)
    loss = -jnp.mean(jnp.take_along_axis(logp, y[:, None], axis=1))
    return logits, loss

if __name__ == "__main__":
    import jax
    _d = setup_inputs()
    print(jax.jit(kernel)(*tuple(_d.values())))

</pallas_src>

<mosaic_0001>
#map = affine_map<(d0, d1) -> (0, 0)>
#map1 = affine_map<(d0, d1) -> (0, 0, 0)>
module attributes {stable_mosaic.version = 14 : i64} {
  func.func @sc_counts(%arg0: i32, %arg1: i32, %arg2: memref<32x10240xi32, #tpu.memory_space<hbm>>, %arg3: memref<10x32x1024xf32, #tpu.memory_space<hbm>>, %arg4: memref<10240xi32, #tpu.memory_space<vmem>>, %arg5: memref<10240xf32, #tpu.memory_space<vmem>>) attributes {dimension_semantics = [#tpu.dimension_semantics<core_parallel>, #tpu.dimension_semantics<subcore_parallel>], iteration_bounds = array<i64: 2, 16>, scalar_prefetch = 0 : i64, scratch_operands = 2 : i64, tpu.core_type = #tpu.core_type<sc_vector_subcore>, window_params = [{transform_indices = #map}, {transform_indices = #map1}]} {
    %mul3A = arith.constant 2 : i32
    %mul3A_0 = arith.muli %arg1, %mul3A : i32
    %add3A = arith.addi %mul3A_0, %arg0 : i32
    "tpu.region"() ({
      %run_scoped3A_24 = tpu.sem_alloc : memref<!tpu.dma_semaphore, #tpu.memory_space<semaphore_mem>>
      %dma_start3A = arith.constant 0 : i32
      %dma_start3A_25 = tpu.memref_slice %arg2[%add3A, %dma_start3A] : memref<32x10240xi32, #tpu.memory_space<hbm>> -> memref<1x10240xi32, #tpu.memory_space<hbm>>
      %dma_start3A_26 = tpu.memref_squeeze %dma_start3A_25 : memref<1x10240xi32, #tpu.memory_space<hbm>> -> memref<10240xi32, #tpu.memory_space<hbm>>
      %dma_start3A_27 = arith.constant 0 : i32
      %dma_start3A_28 = tpu.memref_slice %arg2[%add3A, %dma_start3A_27] : memref<32x10240xi32, #tpu.memory_space<hbm>> -> memref<1x10240xi32, #tpu.memory_space<hbm>>
      %dma_start3A_29 = tpu.memref_squeeze %dma_start3A_28 : memref<1x10240xi32, #tpu.memory_space<hbm>> -> memref<10240xi32, #tpu.memory_space<hbm>>
      tpu.enqueue_dma source(%dma_start3A_29 : memref<10240xi32, #tpu.memory_space<hbm>>) target(%arg4 : memref<10240xi32, #tpu.memory_space<vmem>>) target_semaphore(%run_scoped3A_24 : memref<!tpu.dma_semaphore, #tpu.memory_space<semaphore_mem>>)
      %dma_wait3A = arith.constant 0 : i32
      %dma_wait3A_30 = tpu.memref_slice %arg2[%add3A, %dma_wait3A] : memref<32x10240xi32, #tpu.memory_space<hbm>> -> memref<1x10240xi32, #tpu.memory_space<hbm>>
      %dma_wait3A_31 = tpu.memref_squeeze %dma_wait3A_30 : memref<1x10240xi32, #tpu.memory_space<hbm>> -> memref<10240xi32, #tpu.memory_space<hbm>>
      %dma_wait3A_32 = arith.constant 0 : i32
      %dma_wait3A_33 = tpu.memref_slice %arg2[%add3A, %dma_wait3A_32] : memref<32x10240xi32, #tpu.memory_space<hbm>> -> memref<1x10240xi32, #tpu.memory_space<hbm>>
      %dma_wait3A_34 = tpu.memref_squeeze %dma_wait3A_33 : memref<1x10240xi32, #tpu.memory_space<hbm>> -> memref<10240xi32, #tpu.memory_space<hbm>>
      tpu.wait_dma2 semaphore(%run_scoped3A_24 : memref<!tpu.dma_semaphore, #tpu.memory_space<semaphore_mem>>) src(%dma_wait3A_34 : memref<10240xi32, #tpu.memory_space<hbm>>) dst(%arg4 : memref<10240xi32, #tpu.memory_space<vmem>>)
      tpu.yield
    }) : () -> ()
    %broadcast_in_dim3A = arith.constant 0.000000e+00 : f32
    %broadcast_in_dim3A_1 = vector.broadcast %broadcast_in_dim3A : f32 to vector<16xf32>
    %scan3A = arith.constant 0 : i32
    %scan3A_2 = arith.constant 0 : i32
    %scan3A_3 = arith.constant 640 : i32
    %scan3A_4 = arith.addi %scan3A_2, %scan3A_3 : i32
    %scan3A_5 = arith.constant 1 : i32
    scf.for %scan3A_24 = %scan3A_2 to %scan3A_4 step %scan3A_5  : i32 {
      %mul3A_25 = arith.constant 16 : i32
      %mul3A_26 = arith.muli %scan3A_24, %mul3A_25 : i32
      %swap3A = arith.index_cast %mul3A_26 : i32 to index
      %swap3A_27 = tpu.vector_load %arg5[%swap3A] {strides = array<i32>} : memref<10240xf32, #tpu.memory_space<vmem>>, vector<16xf32>,
      tpu.vector_store %arg5[%swap3A], %broadcast_in_dim3A_1 {strides = array<i32>} : memref<10240xf32, #tpu.memory_space<vmem>>, vector<16xf32>,
    }
    %scan3A_6 = arith.constant 640 : i32
    %broadcast_in_dim3A_7 = arith.constant 1.000000e+00 : f32
    %broadcast_in_dim3A_8 = vector.broadcast %broadcast_in_dim3A_7 : f32 to vector<16xf32>
    %scan3A_9 = arith.constant 0 : i32
    %scan3A_10 = arith.constant 0 : i32
    %scan3A_11 = arith.constant 640 : i32
    %scan3A_12 = arith.addi %scan3A_10, %scan3A_11 : i32
    %scan3A_13 = arith.constant 1 : i32
    scf.for %scan3A_24 = %scan3A_10 to %scan3A_12 step %scan3A_13  : i32 {
      %mul3A_25 = arith.constant 16 : i32
      %mul3A_26 = arith.muli %scan3A_24, %mul3A_25 : i32
      %get3A = arith.index_cast %mul3A_26 : i32 to index
      %get3A_27 = tpu.vector_load %arg4[%get3A] {strides = array<i32>} : memref<10240xi32, #tpu.memory_space<vmem>>, vector<16xi32>,
      tpu.vector_store_idx %arg5[%get3A_27], %broadcast_in_dim3A_8 {add = true} : memref<10240xf32, #tpu.memory_space<vmem>>[vector<16xi32>], vector<16xf32>,
    }
    %scan3A_14 = arith.constant 640 : i32
    %run_scoped3A = arith.constant 0 : i32
    "tpu.region"() ({
      %run_scoped3A_24 = tpu.sem_alloc : memref<!tpu.dma_semaphore, #tpu.memory_space<semaphore_mem>>
      %dma_start3A = arith.constant 0 : i32
      %dma_start3A_25 = tpu.memref_slice %arg5[%dma_start3A] : memref<10240xf32, #tpu.memory_space<vmem>> -> memref<1024xf32, #tpu.memory_space<vmem>>
      %dma_start3A_26 = arith.constant 0 : i32
      %dma_start3A_27 = tpu.memref_slice %arg3[%run_scoped3A, %add3A, %dma_start3A_26] : memref<10x32x1024xf32, #tpu.memory_space<hbm>> -> memref<1x1x1024xf32, #tpu.memory_space<hbm>>
      %dma_start3A_28 = tpu.memref_squeeze %dma_start3A_27 : memref<1x1x1024xf32, #tpu.memory_space<hbm>> -> memref<1024xf32, #tpu.memory_space<hbm>>
      %dma_start3A_29 = arith.constant 0 : i32
      %dma_start3A_30 = tpu.memref_slice %arg3[%run_scoped3A, %add3A, %dma_start3A_29] : memref<10x32x1024xf32, #tpu.memory_space<hbm>> -> memref<1x1x1024xf32, #tpu.memory_space<hbm>>
      %dma_start3A_31 = tpu.memref_squeeze %dma_start3A_30 : memref<1x1x1024xf32, #tpu.memory_space<hbm>> -> memref<1024xf32, #tpu.memory_space<hbm>>
      %dma_start3A_32 = arith.constant 0 : i32
      %dma_start3A_33 = tpu.memref_slice %arg5[%dma_start3A_32] : memref<10240xf32, #tpu.memory_space<vmem>> -> memref<1024xf32, #tpu.memory_space<vmem>>
      tpu.enqueue_dma source(%dma_start3A_33 : memref<1024xf32, #tpu.memory_space<vmem>>) target(%dma_start3A_31 : memref<1024xf32, #tpu.memory_space<hbm>>) target_semaphore(%run_scoped3A_24 : memref<!tpu.dma_semaphore, #tpu.memory_space<semaphore_mem>>)
      %dma_wait3A = arith.constant 0 : i32
      %dma_wait3A_34 = tpu.memref_slice %arg5[%dma_wait3A] : memref<10240xf32, #tpu.memory_space<vmem>> -> memref<1024xf32, #tpu.memory_space<vmem>>
      %dma_wait3A_35 = arith.constant 0 : i32
      %dma_wait3A_36 = tpu.memref_slice %arg3[%run_scoped3A, %add3A, %dma_wait3A_35] : memref<10x32x1024xf32, #tpu.memory_space<hbm>> -> memref<1x1x1024xf32, #tpu.memory_space<hbm>>
      %dma_wait3A_37 = tpu.memref_squeeze %dma_wait3A_36 : memref<1x1x1024xf32, #tpu.memory_space<hbm>> -> memref<1024xf32, #tpu.memory_space<hbm>>
      %dma_wait3A_38 = arith.constant 0 : i32
      %dma_wait3A_39 = tpu.memref_slice %arg3[%run_scoped3A, %add3A, %dma_wait3A_38] : memref<10x32x1024xf32, #tpu.memory_space<hbm>> -> memref<1x1x1024xf32, #tpu.memory_space<hbm>>
      %dma_wait3A_40 = tpu.memref_squeeze %dma_wait3A_39 : memref<1x1x1024xf32, #tpu.memory_space<hbm>> -> memref<1024xf32, #tpu.memory_space<hbm>>
      %dma_wait3A_41 = arith.constant 0 : i32
      %dma_wait3A_42 = tpu.memref_slice %arg5[%dma_wait3A_41] : memref<10240xf32, #tpu.memory_space<vmem>> -> memref<1024xf32, #tpu.memory_space<vmem>>
      tpu.wait_dma2 semaphore(%run_scoped3A_24 : memref<!tpu.dma_semaphore, #tpu.memory_space<semaphore_mem>>) src(%dma_wait3A_42 : memref<1024xf32, #tpu.memory_space<vmem>>) dst(%dma_wait3A_40 : memref<1024xf32, #tpu.memory_space<hbm>>)
      tpu.yield
    }) : () -> ()
    %run_scoped3A_15 = arith.constant 1 : i32
    "tpu.region"() ({
      %run_scoped3A_24 = tpu.sem_alloc : memref<!tpu.dma_semaphore, #tpu.memory_space<semaphore_mem>>
      %dma_start3A = arith.constant 1024 : i32
      %dma_start3A_25 = tpu.memref_slice %arg5[%dma_start3A] : memref<10240xf32, #tpu.memory_space<vmem>> -> memref<1024xf32, #tpu.memory_space<vmem>>
      %dma_start3A_26 = arith.constant 0 : i32
      %dma_start3A_27 = tpu.memref_slice %arg3[%run_scoped3A_15, %add3A, %dma_start3A_26] : memref<10x32x1024xf32, #tpu.memory_space<hbm>> -> memref<1x1x1024xf32, #tpu.memory_space<hbm>>
      %dma_start3A_28 = tpu.memref_squeeze %dma_start3A_27 : memref<1x1x1024xf32, #tpu.memory_space<hbm>> -> memref<1024xf32, #tpu.memory_space<hbm>>
      %dma_start3A_29 = arith.constant 0 : i32
      %dma_start3A_30 = tpu.memref_slice %arg3[%run_scoped3A_15, %add3A, %dma_start3A_29] : memref<10x32x1024xf32, #tpu.memory_space<hbm>> -> memref<1x1x1024xf32, #tpu.memory_space<hbm>>
      %dma_start3A_31 = tpu.memref_squeeze %dma_start3A_30 : memref<1x1x1024xf32, #tpu.memory_space<hbm>> -> memref<1024xf32, #tpu.memory_space<hbm>>
      %dma_start3A_32 = arith.constant 1024 : i32
      %dma_start3A_33 = tpu.memref_slice %arg5[%dma_start3A_32] : memref<10240xf32, #tpu.memory_space<vmem>> -> memref<1024xf32, #tpu.memory_space<vmem>>
      tpu.enqueue_dma source(%dma_start3A_33 : memref<1024xf32, #tpu.memory_space<vmem>>) target(%dma_start3A_31 : memref<1024xf32, #tpu.memory_space<hbm>>) target_semaphore(%run_scoped3A_24 : memref<!tpu.dma_semaphore, #tpu.memory_space<semaphore_mem>>)
      %dma_wait3A = arith.constant 1024 : i32
      %dma_wait3A_34 = tpu.memref_slice %arg5[%dma_wait3A] : memref<10240xf32, #tpu.memory_space<vmem>> -> memref<1024xf32, #tpu.memory_space<vmem>>
      %dma_wait3A_35 = arith.constant 0 : i32
      %dma_wait3A_36 = tpu.memref_slice %arg3[%run_scoped3A_15, %add3A, %dma_wait3A_35] : memref<10x32x1024xf32, #tpu.memory_space<hbm>> -> memref<1x1x1024xf32, #tpu.memory_space<hbm>>
      %dma_wait3A_37 = tpu.memref_squeeze %dma_wait3A_36 : memref<1x1x1024xf32, #tpu.memory_space<hbm>> -> memref<1024xf32, #tpu.memory_space<hbm>>
      %dma_wait3A_38 = arith.constant 0 : i32
      %dma_wait3A_39 = tpu.memref_slice %arg3[%run_scoped3A_15, %add3A, %dma_wait3A_38] : memref<10x32x1024xf32, #tpu.memory_space<hbm>> -> memref<1x1x1024xf32, #tpu.memory_space<hbm>>
      %dma_wait3A_40 = tpu.memref_squeeze %dma_wait3A_39 : memref<1x1x1024xf32, #tpu.memory_space<hbm>> -> memref<1024xf32, #tpu.memory_space<hbm>>
      %dma_wait3A_41 = arith.constant 1024 : i32
      %dma_wait3A_42 = tpu.memref_slice %arg5[%dma_wait3A_41] : memref<10240xf32, #tpu.memory_space<vmem>> -> memref<1024xf32, #tpu.memory_space<vmem>>
      tpu.wait_dma2 semaphore(%run_scoped3A_24 : memref<!tpu.dma_semaphore, #tpu.memory_space<semaphore_mem>>) src(%dma_wait3A_42 : memref<1024xf32, #tpu.memory_space<vmem>>) dst(%dma_wait3A_40 : memref<1024xf32, #tpu.memory_space<hbm>>)
      tpu.yield
    }) : () -> ()
    %run_scoped3A_16 = arith.constant 2 : i32
    "tpu.region"() ({
      %run_scoped3A_24 = tpu.sem_alloc : memref<!tpu.dma_semaphore, #tpu.memory_space<semaphore_mem>>
      %dma_start3A = arith.constant 2048 : i32
      %dma_start3A_25 = tpu.memref_slice %arg5[%dma_start3A] : memref<10240xf32, #tpu.memory_space<vmem>> -> memref<1024xf32, #tpu.memory_space<vmem>>
      %dma_start3A_26 = arith.constant 0 : i32
      %dma_start3A_27 = tpu.memref_slice %arg3[%run_scoped3A_16, %add3A, %dma_start3A_26] : memref<10x32x1024xf32, #tpu.memory_space<hbm>> -> memref<1x1x1024xf32, #tpu.memory_space<hbm>>
      %dma_start3A_28 = tpu.memref_squeeze %dma_start3A_27 : memref<1x1x1024xf32, #tpu.memory_space<hbm>> -> memref<1024xf32, #tpu.memory_space<hbm>>
      %dma_start3A_29 = arith.constant 0 : i32
      %dma_start3A_30 = tpu.memref_slice %arg3[%run_scoped3A_16, %add3A, %dma_start3A_29] : memref<10x32x1024xf32, #tpu.memory_space<hbm>> -> memref<1x1x1024xf32, #tpu.memory_space<hbm>>
      %dma_start3A_31 = tpu.memref_squeeze %dma_start3A_30 : memref<1x1x1024xf32, #tpu.memory_space<hbm>> -> memref<1024xf32, #tpu.memory_space<hbm>>
      %dma_start3A_32 = arith.constant 2048 : i32
      %dma_start3A_33 = tpu.memref_slice %arg5[%dma_start3A_32] : memref<10240xf32, #tpu.memory_space<vmem>> -> memref<1024xf32, #tpu.memory_space<vmem>>
      tpu.enqueue_dma source(%dma_start3A_33 : memref<1024xf32, #tpu.memory_space<vmem>>) target(%dma_start3A_31 : memref<1024xf32, #tpu.memory_space<hbm>>) target_semaphore(%run_scoped3A_24 : memref<!tpu.dma_semaphore, #tpu.memory_space<semaphore_mem>>)
      %dma_wait3A = arith.constant 2048 : i32
      %dma_wait3A_34 = tpu.memref_slice %arg5[%dma_wait3A] : memref<10240xf32, #tpu.memory_space<vmem>> -> memref<1024xf32, #tpu.memory_space<vmem>>
      %dma_wait3A_35 = arith.constant 0 : i32
      %dma_wait3A_36 = tpu.memref_slice %arg3[%run_scoped3A_16, %add3A, %dma_wait3A_35] : memref<10x32x1024xf32, #tpu.memory_space<hbm>> -> memref<1x1x1024xf32, #tpu.memory_space<hbm>>
      %dma_wait3A_37 = tpu.memref_squeeze %dma_wait3A_36 : memref<1x1x1024xf32, #tpu.memory_space<hbm>> -> memref<1024xf32, #tpu.memory_space<hbm>>
      %dma_wait3A_38 = arith.constant 0 : i32
      %dma_wait3A_39 = tpu.memref_slice %arg3[%run_scoped3A_16, %add3A, %dma_wait3A_38] : memref<10x32x1024xf32, #tpu.memory_space<hbm>> -> memref<1x1x1024xf32, #tpu.memory_space<hbm>>
      %dma_wait3A_40 = tpu.memref_squeeze %dma_wait3A_39 : memref<1x1x1024xf32, #tpu.memory_space<hbm>> -> memref<1024xf32, #tpu.memory_space<hbm>>
      %dma_wait3A_41 = arith.constant 2048 : i32
      %dma_wait3A_42 = tpu.memref_slice %arg5[%dma_wait3A_41] : memref<10240xf32, #tpu.memory_space<vmem>> -> memref<1024xf32, #tpu.memory_space<vmem>>
      tpu.wait_dma2 semaphore(%run_scoped3A_24 : memref<!tpu.dma_semaphore, #tpu.memory_space<semaphore_mem>>) src(%dma_wait3A_42 : memref<1024xf32, #tpu.memory_space<vmem>>) dst(%dma_wait3A_40 : memref<1024xf32, #tpu.memory_space<hbm>>)
      tpu.yield
    }) : () -> ()
    %run_scoped3A_17 = arith.constant 3 : i32
    "tpu.region"() ({
      %run_scoped3A_24 = tpu.sem_alloc : memref<!tpu.dma_semaphore, #tpu.memory_space<semaphore_mem>>
      %dma_start3A = arith.constant 3072 : i32
      %dma_start3A_25 = tpu.memref_slice %arg5[%dma_start3A] : memref<10240xf32, #tpu.memory_space<vmem>> -> memref<1024xf32, #tpu.memory_space<vmem>>
      %dma_start3A_26 = arith.constant 0 : i32
      %dma_start3A_27 = tpu.memref_slice %arg3[%run_scoped3A_17, %add3A, %dma_start3A_26] : memref<10x32x1024xf32, #tpu.memory_space<hbm>> -> memref<1x1x1024xf32, #tpu.memory_space<hbm>>
      %dma_start3A_28 = tpu.memref_squeeze %dma_start3A_27 : memref<1x1x1024xf32, #tpu.memory_space<hbm>> -> memref<1024xf32, #tpu.memory_space<hbm>>
      %dma_start3A_29 = arith.constant 0 : i32
      %dma_start3A_30 = tpu.memref_slice %arg3[%run_scoped3A_17, %add3A, %dma_start3A_29] : memref<10x32x1024xf32, #tpu.memory_space<hbm>> -> memref<1x1x1024xf32, #tpu.memory_space<hbm>>
      %dma_start3A_31 = tpu.memref_squeeze %dma_start3A_30 : memref<1x1x1024xf32, #tpu.memory_space<hbm>> -> memref<1024xf32, #tpu.memory_space<hbm>>
      %dma_start3A_32 = arith.constant 3072 : i32
      %dma_start3A_33 = tpu.memref_slice %arg5[%dma_start3A_32] : memref<10240xf32, #tpu.memory_space<vmem>> -> memref<1024xf32, #tpu.memory_space<vmem>>
      tpu.enqueue_dma source(%dma_start3A_33 : memref<1024xf32, #tpu.memory_space<vmem>>) target(%dma_start3A_31 : memref<1024xf32, #tpu.memory_space<hbm>>) target_semaphore(%run_scoped3A_24 : memref<!tpu.dma_semaphore, #tpu.memory_space<semaphore_mem>>)
      %dma_wait3A = arith.constant 3072 : i32
      %dma_wait3A_34 = tpu.memref_slice %arg5[%dma_wait3A] : memref<10240xf32, #tpu.memory_space<vmem>> -> memref<1024xf32, #tpu.memory_space<vmem>>
      %dma_wait3A_35 = arith.constant 0 : i32
      %dma_wait3A_36 = tpu.memref_slice %arg3[%run_scoped3A_17, %add3A, %dma_wait3A_35] : memref<10x32x1024xf32, #tpu.memory_space<hbm>> -> memref<1x1x1024xf32, #tpu.memory_space<hbm>>
      %dma_wait3A_37 = tpu.memref_squeeze %dma_wait3A_36 : memref<1x1x1024xf32, #tpu.memory_space<hbm>> -> memref<1024xf32, #tpu.memory_space<hbm>>
      %dma_wait3A_38 = arith.constant 0 : i32
      %dma_wait3A_39 = tpu.memref_slice %arg3[%run_scoped3A_17, %add3A, %dma_wait3A_38] : memref<10x32x1024xf32, #tpu.memory_space<hbm>> -> memref<1x1x1024xf32, #tpu.memory_space<hbm>>
      %dma_wait3A_40 = tpu.memref_squeeze %dma_wait3A_39 : memref<1x1x1024xf32, #tpu.memory_space<hbm>> -> memref<1024xf32, #tpu.memory_space<hbm>>
      %dma_wait3A_41 = arith.constant 3072 : i32
      %dma_wait3A_42 = tpu.memref_slice %arg5[%dma_wait3A_41] : memref<10240xf32, #tpu.memory_space<vmem>> -> memref<1024xf32, #tpu.memory_space<vmem>>
      tpu.wait_dma2 semaphore(%run_scoped3A_24 : memref<!tpu.dma_semaphore, #tpu.memory_space<semaphore_mem>>) src(%dma_wait3A_42 : memref<1024xf32, #tpu.memory_space<vmem>>) dst(%dma_wait3A_40 : memref<1024xf32, #tpu.memory_space<hbm>>)
      tpu.yield
    }) : () -> ()
    %run_scoped3A_18 = arith.constant 4 : i32
    "tpu.region"() ({
      %run_scoped3A_24 = tpu.sem_alloc : memref<!tpu.dma_semaphore, #tpu.memory_space<semaphore_mem>>
      %dma_start3A = arith.constant 4096 : i32
      %dma_start3A_25 = tpu.memref_slice %arg5[%dma_start3A] : memref<10240xf32, #tpu.memory_space<vmem>> -> memref<1024xf32, #tpu.memory_space<vmem>>
      %dma_start3A_26 = arith.constant 0 : i32
      %dma_start3A_27 = tpu.memref_slice %arg3[%run_scoped3A_18, %add3A, %dma_start3A_26] : memref<10x32x1024xf32, #tpu.memory_space<hbm>> -> memref<1x1x1024xf32, #tpu.memory_space<hbm>>
      %dma_start3A_28 = tpu.memref_squeeze %dma_start3A_27 : memref<1x1x1024xf32, #tpu.memory_space<hbm>> -> memref<1024xf32, #tpu.memory_space<hbm>>
      %dma_start3A_29 = arith.constant 0 : i32
      %dma_start3A_30 = tpu.memref_slice %arg3[%run_scoped3A_18, %add3A, %dma_start3A_29] : memref<10x32x1024xf32, #tpu.memory_space<hbm>> -> memref<1x1x1024xf32, #tpu.memory_space<hbm>>
      %dma_start3A_31 = tpu.memref_squeeze %dma_start3A_30 : memref<1x1x1024xf32, #tpu.memory_space<hbm>> -> memref<1024xf32, #tpu.memory_space<hbm>>
      %dma_start3A_32 = arith.constant 4096 : i32
      %dma_start3A_33 = tpu.memref_slice %arg5[%dma_start3A_32] : memref<10240xf32, #tpu.memory_space<vmem>> -> memref<1024xf32, #tpu.memory_space<vmem>>
      tpu.enqueue_dma source(%dma_start3A_33 : memref<1024xf32, #tpu.memory_space<vmem>>) target(%dma_start3A_31 : memref<1024xf32, #tpu.memory_space<hbm>>) target_semaphore(%run_scoped3A_24 : memref<!tpu.dma_semaphore, #tpu.memory_space<semaphore_mem>>)
      %dma_wait3A = arith.constant 4096 : i32
      %dma_wait3A_34 = tpu.memref_slice %arg5[%dma_wait3A] : memref<10240xf32, #tpu.memory_space<vmem>> -> memref<1024xf32, #tpu.memory_space<vmem>>
      %dma_wait3A_35 = arith.constant 0 : i32
      %dma_wait3A_36 = tpu.memref_slice %arg3[%run_scoped3A_18, %add3A, %dma_wait3A_35] : memref<10x32x1024xf32, #tpu.memory_space<hbm>> -> memref<1x1x1024xf32, #tpu.memory_space<hbm>>
      %dma_wait3A_37 = tpu.memref_squeeze %dma_wait3A_36 : memref<1x1x1024xf32, #tpu.memory_space<hbm>> -> memref<1024xf32, #tpu.memory_space<hbm>>
      %dma_wait3A_38 = arith.constant 0 : i32
      %dma_wait3A_39 = tpu.memref_slice %arg3[%run_scoped3A_18, %add3A, %dma_wait3A_38] : memref<10x32x1024xf32, #tpu.memory_space<hbm>> -> memref<1x1x1024xf32, #tpu.memory_space<hbm>>
      %dma_wait3A_40 = tpu.memref_squeeze %dma_wait3A_39 : memref<1x1x1024xf32, #tpu.memory_space<hbm>> -> memref<1024xf32, #tpu.memory_space<hbm>>
      %dma_wait3A_41 = arith.constant 4096 : i32
      %dma_wait3A_42 = tpu.memref_slice %arg5[%dma_wait3A_41] : memref<10240xf32, #tpu.memory_space<vmem>> -> memref<1024xf32, #tpu.memory_space<vmem>>
      tpu.wait_dma2 semaphore(%run_scoped3A_24 : memref<!tpu.dma_semaphore, #tpu.memory_space<semaphore_mem>>) src(%dma_wait3A_42 : memref<1024xf32, #tpu.memory_space<vmem>>) dst(%dma_wait3A_40 : memref<1024xf32, #tpu.memory_space<hbm>>)
      tpu.yield
    }) : () -> ()
    %run_scoped3A_19 = arith.constant 5 : i32
    "tpu.region"() ({
      %run_scoped3A_24 = tpu.sem_alloc : memref<!tpu.dma_semaphore, #tpu.memory_space<semaphore_mem>>
      %dma_start3A = arith.constant 5120 : i32
      %dma_start3A_25 = tpu.memref_slice %arg5[%dma_start3A] : memref<10240xf32, #tpu.memory_space<vmem>> -> memref<1024xf32, #tpu.memory_space<vmem>>
      %dma_start3A_26 = arith.constant 0 : i32
      %dma_start3A_27 = tpu.memref_slice %arg3[%run_scoped3A_19, %add3A, %dma_start3A_26] : memref<10x32x1024xf32, #tpu.memory_space<hbm>> -> memref<1x1x1024xf32, #tpu.memory_space<hbm>>
      %dma_start3A_28 = tpu.memref_squeeze %dma_start3A_27 : memref<1x1x1024xf32, #tpu.memory_space<hbm>> -> memref<1024xf32, #tpu.memory_space<hbm>>
      %dma_start3A_29 = arith.constant 0 : i32
      %dma_start3A_30 = tpu.memref_slice %arg3[%run_scoped3A_19, %add3A, %dma_start3A_29] : memref<10x32x1024xf32, #tpu.memory_space<hbm>> -> memref<1x1x1024xf32, #tpu.memory_space<hbm>>
      %dma_start3A_31 = tpu.memref_squeeze %dma_start3A_30 : memref<1x1x1024xf32, #tpu.memory_space<hbm>> -> memref<1024xf32, #tpu.memory_space<hbm>>
      %dma_start3A_32 = arith.constant 5120 : i32
      %dma_start3A_33 = tpu.memref_slice %arg5[%dma_start3A_32] : memref<10240xf32, #tpu.memory_space<vmem>> -> memref<1024xf32, #tpu.memory_space<vmem>>
      tpu.enqueue_dma source(%dma_start3A_33 : memref<1024xf32, #tpu.memory_space<vmem>>) target(%dma_start3A_31 : memref<1024xf32, #tpu.memory_space<hbm>>) target_semaphore(%run_scoped3A_24 : memref<!tpu.dma_semaphore, #tpu.memory_space<semaphore_mem>>)
      %dma_wait3A = arith.constant 5120 : i32
      %dma_wait3A_34 = tpu.memref_slice %arg5[%dma_wait3A] : memref<10240xf32, #tpu.memory_space<vmem>> -> memref<1024xf32, #tpu.memory_space<vmem>>
      %dma_wait3A_35 = arith.constant 0 : i32
      %dma_wait3A_36 = tpu.memref_slice %arg3[%run_scoped3A_19, %add3A, %dma_wait3A_35] : memref<10x32x1024xf32, #tpu.memory_space<hbm>> -> memref<1x1x1024xf32, #tpu.memory_space<hbm>>
      %dma_wait3A_37 = tpu.memref_squeeze %dma_wait3A_36 : memref<1x1x1024xf32, #tpu.memory_space<hbm>> -> memref<1024xf32, #tpu.memory_space<hbm>>
      %dma_wait3A_38 = arith.constant 0 : i32
      %dma_wait3A_39 = tpu.memref_slice %arg3[%run_scoped3A_19, %add3A, %dma_wait3A_38] : memref<10x32x1024xf32, #tpu.memory_space<hbm>> -> memref<1x1x1024xf32, #tpu.memory_space<hbm>>
      %dma_wait3A_40 = tpu.memref_squeeze %dma_wait3A_39 : memref<1x1x1024xf32, #tpu.memory_space<hbm>> -> memref<1024xf32, #tpu.memory_space<hbm>>
      %dma_wait3A_41 = arith.constant 5120 : i32
      %dma_wait3A_42 = tpu.memref_slice %arg5[%dma_wait3A_41] : memref<10240xf32, #tpu.memory_space<vmem>> -> memref<1024xf32, #tpu.memory_space<vmem>>
      tpu.wait_dma2 semaphore(%run_scoped3A_24 : memref<!tpu.dma_semaphore, #tpu.memory_space<semaphore_mem>>) src(%dma_wait3A_42 : memref<1024xf32, #tpu.memory_space<vmem>>) dst(%dma_wait3A_40 : memref<1024xf32, #tpu.memory_space<hbm>>)
      tpu.yield
    }) : () -> ()
    %run_scoped3A_20 = arith.constant 6 : i32
    "tpu.region"() ({
      %run_scoped3A_24 = tpu.sem_alloc : memref<!tpu.dma_semaphore, #tpu.memory_space<semaphore_mem>>
      %dma_start3A = arith.constant 6144 : i32
      %dma_start3A_25 = tpu.memref_slice %arg5[%dma_start3A] : memref<10240xf32, #tpu.memory_space<vmem>> -> memref<1024xf32, #tpu.memory_space<vmem>>
      %dma_start3A_26 = arith.constant 0 : i32
      %dma_start3A_27 = tpu.memref_slice %arg3[%run_scoped3A_20, %add3A, %dma_start3A_26] : memref<10x32x1024xf32, #tpu.memory_space<hbm>> -> memref<1x1x1024xf32, #tpu.memory_space<hbm>>
      %dma_start3A_28 = tpu.memref_squeeze %dma_start3A_27 : memref<1x1x1024xf32, #tpu.memory_space<hbm>> -> memref<1024xf32, #tpu.memory_space<hbm>>
      %dma_start3A_29 = arith.constant 0 : i32
      %dma_start3A_30 = tpu.memref_slice %arg3[%run_scoped3A_20, %add3A, %dma_start3A_29] : memref<10x32x1024xf32, #tpu.memory_space<hbm>> -> memref<1x1x1024xf32, #tpu.memory_space<hbm>>
      %dma_start3A_31 = tpu.memref_squeeze %dma_start3A_30 : memref<1x1x1024xf32, #tpu.memory_space<hbm>> -> memref<1024xf32, #tpu.memory_space<hbm>>
      %dma_start3A_32 = arith.constant 6144 : i32
      %dma_start3A_33 = tpu.memref_slice %arg5[%dma_start3A_32] : memref<10240xf32, #tpu.memory_space<vmem>> -> memref<1024xf32, #tpu.memory_space<vmem>>
      tpu.enqueue_dma source(%dma_start3A_33 : memref<1024xf32, #tpu.memory_space<vmem>>) target(%dma_start3A_31 : memref<1024xf32, #tpu.memory_space<hbm>>) target_semaphore(%run_scoped3A_24 : memref<!tpu.dma_semaphore, #tpu.memory_space<semaphore_mem>>)
      %dma_wait3A = arith.constant 6144 : i32
      %dma_wait3A_34 = tpu.memref_slice %arg5[%dma_wait3A] : memref<10240xf32, #tpu.memory_space<vmem>> -> memref<1024xf32, #tpu.memory_space<vmem>>
      %dma_wait3A_35 = arith.constant 0 : i32
      %dma_wait3A_36 = tpu.memref_slice %arg3[%run_scoped3A_20, %add3A, %dma_wait3A_35] : memref<10x32x1024xf32, #tpu.memory_space<hbm>> -> memref<1x1x1024xf32, #tpu.memory_space<hbm>>
      %dma_wait3A_37 = tpu.memref_squeeze %dma_wait3A_36 : memref<1x1x1024xf32, #tpu.memory_space<hbm>> -> memref<1024xf32, #tpu.memory_space<hbm>>
      %dma_wait3A_38 = arith.constant 0 : i32
      %dma_wait3A_39 = tpu.memref_slice %arg3[%run_scoped3A_20, %add3A, %dma_wait3A_38] : memref<10x32x1024xf32, #tpu.memory_space<hbm>> -> memref<1x1x1024xf32, #tpu.memory_space<hbm>>
      %dma_wait3A_40 = tpu.memref_squeeze %dma_wait3A_39 : memref<1x1x1024xf32, #tpu.memory_space<hbm>> -> memref<1024xf32, #tpu.memory_space<hbm>>
      %dma_wait3A_41 = arith.constant 6144 : i32
      %dma_wait3A_42 = tpu.memref_slice %arg5[%dma_wait3A_41] : memref<10240xf32, #tpu.memory_space<vmem>> -> memref<1024xf32, #tpu.memory_space<vmem>>
      tpu.wait_dma2 semaphore(%run_scoped3A_24 : memref<!tpu.dma_semaphore, #tpu.memory_space<semaphore_mem>>) src(%dma_wait3A_42 : memref<1024xf32, #tpu.memory_space<vmem>>) dst(%dma_wait3A_40 : memref<1024xf32, #tpu.memory_space<hbm>>)
      tpu.yield
    }) : () -> ()
    %run_scoped3A_21 = arith.constant 7 : i32
    "tpu.region"() ({
      %run_scoped3A_24 = tpu.sem_alloc : memref<!tpu.dma_semaphore, #tpu.memory_space<semaphore_mem>>
      %dma_start3A = arith.constant 7168 : i32
      %dma_start3A_25 = tpu.memref_slice %arg5[%dma_start3A] : memref<10240xf32, #tpu.memory_space<vmem>> -> memref<1024xf32, #tpu.memory_space<vmem>>
      %dma_start3A_26 = arith.constant 0 : i32
      %dma_start3A_27 = tpu.memref_slice %arg3[%run_scoped3A_21, %add3A, %dma_start3A_26] : memref<10x32x1024xf32, #tpu.memory_space<hbm>> -> memref<1x1x1024xf32, #tpu.memory_space<hbm>>
      %dma_start3A_28 = tpu.memref_squeeze %dma_start3A_27 : memref<1x1x1024xf32, #tpu.memory_space<hbm>> -> memref<1024xf32, #tpu.memory_space<hbm>>
      %dma_start3A_29 = arith.constant 0 : i32
      %dma_start3A_30 = tpu.memref_slice %arg3[%run_scoped3A_21, %add3A, %dma_start3A_29] : memref<10x32x1024xf32, #tpu.memory_space<hbm>> -> memref<1x1x1024xf32, #tpu.memory_space<hbm>>
      %dma_start3A_31 = tpu.memref_squeeze %dma_start3A_30 : memref<1x1x1024xf32, #tpu.memory_space<hbm>> -> memref<1024xf32, #tpu.memory_space<hbm>>
      %dma_start3A_32 = arith.constant 7168 : i32
      %dma_start3A_33 = tpu.memref_slice %arg5[%dma_start3A_32] : memref<10240xf32, #tpu.memory_space<vmem>> -> memref<1024xf32, #tpu.memory_space<vmem>>
      tpu.enqueue_dma source(%dma_start3A_33 : memref<1024xf32, #tpu.memory_space<vmem>>) target(%dma_start3A_31 : memref<1024xf32, #tpu.memory_space<hbm>>) target_semaphore(%run_scoped3A_24 : memref<!tpu.dma_semaphore, #tpu.memory_space<semaphore_mem>>)
      %dma_wait3A = arith.constant 7168 : i32
      %dma_wait3A_34 = tpu.memref_slice %arg5[%dma_wait3A] : memref<10240xf32, #tpu.memory_space<vmem>> -> memref<1024xf32, #tpu.memory_space<vmem>>
      %dma_wait3A_35 = arith.constant 0 : i32
      %dma_wait3A_36 = tpu.memref_slice %arg3[%run_scoped3A_21, %add3A, %dma_wait3A_35] : memref<10x32x1024xf32, #tpu.memory_space<hbm>> -> memref<1x1x1024xf32, #tpu.memory_space<hbm>>
      %dma_wait3A_37 = tpu.memref_squeeze %dma_wait3A_36 : memref<1x1x1024xf32, #tpu.memory_space<hbm>> -> memref<1024xf32, #tpu.memory_space<hbm>>
      %dma_wait3A_38 = arith.constant 0 : i32
      %dma_wait3A_39 = tpu.memref_slice %arg3[%run_scoped3A_21, %add3A, %dma_wait3A_38] : memref<10x32x1024xf32, #tpu.memory_space<hbm>> -> memref<1x1x1024xf32, #tpu.memory_space<hbm>>
      %dma_wait3A_40 = tpu.memref_squeeze %dma_wait3A_39 : memref<1x1x1024xf32, #tpu.memory_space<hbm>> -> memref<1024xf32, #tpu.memory_space<hbm>>
      %dma_wait3A_41 = arith.constant 7168 : i32
      %dma_wait3A_42 = tpu.memref_slice %arg5[%dma_wait3A_41] : memref<10240xf32, #tpu.memory_space<vmem>> -> memref<1024xf32, #tpu.memory_space<vmem>>
      tpu.wait_dma2 semaphore(%run_scoped3A_24 : memref<!tpu.dma_semaphore, #tpu.memory_space<semaphore_mem>>) src(%dma_wait3A_42 : memref<1024xf32, #tpu.memory_space<vmem>>) dst(%dma_wait3A_40 : memref<1024xf32, #tpu.memory_space<hbm>>)
      tpu.yield
    }) : () -> ()
    %run_scoped3A_22 = arith.constant 8 : i32
    "tpu.region"() ({
      %run_scoped3A_24 = tpu.sem_alloc : memref<!tpu.dma_semaphore, #tpu.memory_space<semaphore_mem>>
      %dma_start3A = arith.constant 8192 : i32
      %dma_start3A_25 = tpu.memref_slice %arg5[%dma_start3A] : memref<10240xf32, #tpu.memory_space<vmem>> -> memref<1024xf32, #tpu.memory_space<vmem>>
      %dma_start3A_26 = arith.constant 0 : i32
      %dma_start3A_27 = tpu.memref_slice %arg3[%run_scoped3A_22, %add3A, %dma_start3A_26] : memref<10x32x1024xf32, #tpu.memory_space<hbm>> -> memref<1x1x1024xf32, #tpu.memory_space<hbm>>
      %dma_start3A_28 = tpu.memref_squeeze %dma_start3A_27 : memref<1x1x1024xf32, #tpu.memory_space<hbm>> -> memref<1024xf32, #tpu.memory_space<hbm>>
      %dma_start3A_29 = arith.constant 0 : i32
      %dma_start3A_30 = tpu.memref_slice %arg3[%run_scoped3A_22, %add3A, %dma_start3A_29] : memref<10x32x1024xf32, #tpu.memory_space<hbm>> -> memref<1x1x1024xf32, #tpu.memory_space<hbm>>
      %dma_start3A_31 = tpu.memref_squeeze %dma_start3A_30 : memref<1x1x1024xf32, #tpu.memory_space<hbm>> -> memref<1024xf32, #tpu.memory_space<hbm>>
      %dma_start3A_32 = arith.constant 8192 : i32
      %dma_start3A_33 = tpu.memref_slice %arg5[%dma_start3A_32] : memref<10240xf32, #tpu.memory_space<vmem>> -> memref<1024xf32, #tpu.memory_space<vmem>>
      tpu.enqueue_dma source(%dma_start3A_33 : memref<1024xf32, #tpu.memory_space<vmem>>) target(%dma_start3A_31 : memref<1024xf32, #tpu.memory_space<hbm>>) target_semaphore(%run_scoped3A_24 : memref<!tpu.dma_semaphore, #tpu.memory_space<semaphore_mem>>)
      %dma_wait3A = arith.constant 8192 : i32
      %dma_wait3A_34 = tpu.memref_slice %arg5[%dma_wait3A] : memref<10240xf32, #tpu.memory_space<vmem>> -> memref<1024xf32, #tpu.memory_space<vmem>>
      %dma_wait3A_35 = arith.constant 0 : i32
      %dma_wait3A_36 = tpu.memref_slice %arg3[%run_scoped3A_22, %add3A, %dma_wait3A_35] : memref<10x32x1024xf32, #tpu.memory_space<hbm>> -> memref<1x1x1024xf32, #tpu.memory_space<hbm>>
      %dma_wait3A_37 = tpu.memref_squeeze %dma_wait3A_36 : memref<1x1x1024xf32, #tpu.memory_space<hbm>> -> memref<1024xf32, #tpu.memory_space<hbm>>
      %dma_wait3A_38 = arith.constant 0 : i32
      %dma_wait3A_39 = tpu.memref_slice %arg3[%run_scoped3A_22, %add3A, %dma_wait3A_38] : memref<10x32x1024xf32, #tpu.memory_space<hbm>> -> memref<1x1x1024xf32, #tpu.memory_space<hbm>>
      %dma_wait3A_40 = tpu.memref_squeeze %dma_wait3A_39 : memref<1x1x1024xf32, #tpu.memory_space<hbm>> -> memref<1024xf32, #tpu.memory_space<hbm>>
      %dma_wait3A_41 = arith.constant 8192 : i32
      %dma_wait3A_42 = tpu.memref_slice %arg5[%dma_wait3A_41] : memref<10240xf32, #tpu.memory_space<vmem>> -> memref<1024xf32, #tpu.memory_space<vmem>>
      tpu.wait_dma2 semaphore(%run_scoped3A_24 : memref<!tpu.dma_semaphore, #tpu.memory_space<semaphore_mem>>) src(%dma_wait3A_42 : memref<1024xf32, #tpu.memory_space<vmem>>) dst(%dma_wait3A_40 : memref<1024xf32, #tpu.memory_space<hbm>>)
      tpu.yield
    }) : () -> ()
    %run_scoped3A_23 = arith.constant 9 : i32
    "tpu.region"() ({
      %run_scoped3A_24 = tpu.sem_alloc : memref<!tpu.dma_semaphore, #tpu.memory_space<semaphore_mem>>
      %dma_start3A = arith.constant 9216 : i32
      %dma_start3A_25 = tpu.memref_slice %arg5[%dma_start3A] : memref<10240xf32, #tpu.memory_space<vmem>> -> memref<1024xf32, #tpu.memory_space<vmem>>
      %dma_start3A_26 = arith.constant 0 : i32
      %dma_start3A_27 = tpu.memref_slice %arg3[%run_scoped3A_23, %add3A, %dma_start3A_26] : memref<10x32x1024xf32, #tpu.memory_space<hbm>> -> memref<1x1x1024xf32, #tpu.memory_space<hbm>>
      %dma_start3A_28 = tpu.memref_squeeze %dma_start3A_27 : memref<1x1x1024xf32, #tpu.memory_space<hbm>> -> memref<1024xf32, #tpu.memory_space<hbm>>
      %dma_start3A_29 = arith.constant 0 : i32
      %dma_start3A_30 = tpu.memref_slice %arg3[%run_scoped3A_23, %add3A, %dma_start3A_29] : memref<10x32x1024xf32, #tpu.memory_space<hbm>> -> memref<1x1x1024xf32, #tpu.memory_space<hbm>>
      %dma_start3A_31 = tpu.memref_squeeze %dma_start3A_30 : memref<1x1x1024xf32, #tpu.memory_space<hbm>> -> memref<1024xf32, #tpu.memory_space<hbm>>
      %dma_start3A_32 = arith.constant 9216 : i32
      %dma_start3A_33 = tpu.memref_slice %arg5[%dma_start3A_32] : memref<10240xf32, #tpu.memory_space<vmem>> -> memref<1024xf32, #tpu.memory_space<vmem>>
      tpu.enqueue_dma source(%dma_start3A_33 : memref<1024xf32, #tpu.memory_space<vmem>>) target(%dma_start3A_31 : memref<1024xf32, #tpu.memory_space<hbm>>) target_semaphore(%run_scoped3A_24 : memref<!tpu.dma_semaphore, #tpu.memory_space<semaphore_mem>>)
      %dma_wait3A = arith.constant 9216 : i32
      %dma_wait3A_34 = tpu.memref_slice %arg5[%dma_wait3A] : memref<10240xf32, #tpu.memory_space<vmem>> -> memref<1024xf32, #tpu.memory_space<vmem>>
      %dma_wait3A_35 = arith.constant 0 : i32
      %dma_wait3A_36 = tpu.memref_slice %arg3[%run_scoped3A_23, %add3A, %dma_wait3A_35] : memref<10x32x1024xf32, #tpu.memory_space<hbm>> -> memref<1x1x1024xf32, #tpu.memory_space<hbm>>
      %dma_wait3A_37 = tpu.memref_squeeze %dma_wait3A_36 : memref<1x1x1024xf32, #tpu.memory_space<hbm>> -> memref<1024xf32, #tpu.memory_space<hbm>>
      %dma_wait3A_38 = arith.constant 0 : i32
      %dma_wait3A_39 = tpu.memref_slice %arg3[%run_scoped3A_23, %add3A, %dma_wait3A_38] : memref<10x32x1024xf32, #tpu.memory_space<hbm>> -> memref<1x1x1024xf32, #tpu.memory_space<hbm>>
      %dma_wait3A_40 = tpu.memref_squeeze %dma_wait3A_39 : memref<1x1x1024xf32, #tpu.memory_space<hbm>> -> memref<1024xf32, #tpu.memory_space<hbm>>
      %dma_wait3A_41 = arith.constant 9216 : i32
      %dma_wait3A_42 = tpu.memref_slice %arg5[%dma_wait3A_41] : memref<10240xf32, #tpu.memory_space<vmem>> -> memref<1024xf32, #tpu.memory_space<vmem>>
      tpu.wait_dma2 semaphore(%run_scoped3A_24 : memref<!tpu.dma_semaphore, #tpu.memory_space<semaphore_mem>>) src(%dma_wait3A_42 : memref<1024xf32, #tpu.memory_space<vmem>>) dst(%dma_wait3A_40 : memref<1024xf32, #tpu.memory_space<hbm>>)
      tpu.yield
    }) : () -> ()
    return
  }
}

#map = affine_map<(d0, d1) -> (0, 0)>
#map1 = affine_map<(d0, d1) -> (0, 0, 0)>
module attributes {stable_mosaic.version = 14 : i64} {
  func.func @sc_scatter_rows(%arg0: i32, %arg1: i32, %arg2: memref<10240x128xf32, #tpu.memory_space<hbm>>, %arg3: memref<32x80x128xi32, #tpu.memory_space<hbm>>, %arg4: memref<32x80x128xi32, #tpu.memory_space<hbm>>, %arg5: memref<640x128xf32, #tpu.memory_space<hbm>>, %arg6: memref<2x10240x128xf32, #tpu.memory_space<hbm>>, %arg7: memref<80x128xi32, #tpu.memory_space<vmem>>, %arg8: memref<2x128xi32, #tpu.memory_space<vmem>>, %arg9: memref<2x128x128xf32, #tpu.memory_space<vmem>>, %arg10: memref<10240x128xf32, #tpu.memory_space<vmem_shared>>, %arg11: memref<!tpu.dma_semaphore, #tpu.memory_space<semaphore_mem>>, %arg12: memref<!tpu.dma_semaphore, #tpu.memory_space<semaphore_mem>>, %arg13: memref<!tpu.dma_semaphore, #tpu.memory_space<semaphore_mem>>, %arg14: memref<!tpu.dma_semaphore, #tpu.memory_space<semaphore_mem>>, %arg15: memref<!tpu.dma_semaphore, #tpu.memory_space<semaphore_mem>>, %arg16: memref<!tpu.dma_semaphore, #tpu.memory_space<semaphore_mem>>) attributes {dimension_semantics = [#tpu.dimension_semantics<core_parallel>, #tpu.dimension_semantics<subcore_parallel>], iteration_bounds = array<i64: 2, 16>, scalar_prefetch = 0 : i64, scratch_operands = 10 : i64, tpu.core_type = #tpu.core_type<sc_vector_subcore>, window_params = [{transform_indices = #map}, {transform_indices = #map1}, {transform_indices = #map1}, {transform_indices = #map}, {transform_indices = #map1}]} {
    %mul3A = arith.constant 2 : i32
    %mul3A_0 = arith.muli %arg1, %mul3A : i32
    %add3A = arith.addi %mul3A_0, %arg0 : i32
    %mul3A_1 = arith.constant 640 : i32
    %mul3A_2 = arith.muli %arg1, %mul3A_1 : i32
    %dma_start3A = arith.constant 0 : i32
    %dma_start3A_3 = tpu.memref_slice %arg10[%mul3A_2, %dma_start3A] : memref<10240x128xf32, #tpu.memory_space<vmem_shared>> -> memref<640x128xf32, #tpu.memory_space<vmem_shared>>
    tpu.enqueue_dma source(%arg5 : memref<640x128xf32, #tpu.memory_space<hbm>>) target(%dma_start3A_3 : memref<640x128xf32, #tpu.memory_space<vmem_shared>>) target_semaphore(%arg11 : memref<!tpu.dma_semaphore, #tpu.memory_space<semaphore_mem>>)
    %dma_start3A_4 = arith.constant 0 : i32
    %dma_start3A_5 = arith.constant 0 : i32
    %dma_start3A_6 = tpu.memref_slice %arg3[%add3A, %dma_start3A_4, %dma_start3A_5] : memref<32x80x128xi32, #tpu.memory_space<hbm>> -> memref<1x80x128xi32, #tpu.memory_space<hbm>>
    %dma_start3A_7 = tpu.memref_squeeze %dma_start3A_6 : memref<1x80x128xi32, #tpu.memory_space<hbm>> -> memref<80x128xi32, #tpu.memory_space<hbm>>
    %dma_start3A_8 = arith.constant 0 : i32
    %dma_start3A_9 = arith.constant 0 : i32
    %dma_start3A_10 = tpu.memref_slice %arg3[%add3A, %dma_start3A_8, %dma_start3A_9] : memref<32x80x128xi32, #tpu.memory_space<hbm>> -> memref<1x80x128xi32, #tpu.memory_space<hbm>>
    %dma_start3A_11 = tpu.memref_squeeze %dma_start3A_10 : memref<1x80x128xi32, #tpu.memory_space<hbm>> -> memref<80x128xi32, #tpu.memory_space<hbm>>
    tpu.enqueue_dma source(%dma_start3A_11 : memref<80x128xi32, #tpu.memory_space<hbm>>) target(%arg7 : memref<80x128xi32, #tpu.memory_space<vmem>>) target_semaphore(%arg12 : memref<!tpu.dma_semaphore, #tpu.memory_space<semaphore_mem>>)
    %dma_wait3A = arith.constant 0 : i32
    %dma_wait3A_12 = tpu.memref_slice %arg10[%mul3A_2, %dma_wait3A] : memref<10240x128xf32, #tpu.memory_space<vmem_shared>> -> memref<640x128xf32, #tpu.memory_space<vmem_shared>>
    tpu.wait_dma2 semaphore(%arg11 : memref<!tpu.dma_semaphore, #tpu.memory_space<semaphore_mem>>) src(%arg5 : memref<640x128xf32, #tpu.memory_space<hbm>>) dst(%dma_wait3A_12 : memref<640x128xf32, #tpu.memory_space<vmem_shared>>)
    %dma_wait3A_13 = arith.constant 0 : i32
    %dma_wait3A_14 = arith.constant 0 : i32
    %dma_wait3A_15 = tpu.memref_slice %arg3[%add3A, %dma_wait3A_13, %dma_wait3A_14] : memref<32x80x128xi32, #tpu.memory_space<hbm>> -> memref<1x80x128xi32, #tpu.memory_space<hbm>>
    %dma_wait3A_16 = tpu.memref_squeeze %dma_wait3A_15 : memref<1x80x128xi32, #tpu.memory_space<hbm>> -> memref<80x128xi32, #tpu.memory_space<hbm>>
    %dma_wait3A_17 = arith.constant 0 : i32
    %dma_wait3A_18 = arith.constant 0 : i32
    %dma_wait3A_19 = tpu.memref_slice %arg3[%add3A, %dma_wait3A_17, %dma_wait3A_18] : memref<32x80x128xi32, #tpu.memory_space<hbm>> -> memref<1x80x128xi32, #tpu.memory_space<hbm>>
    %dma_wait3A_20 = tpu.memref_squeeze %dma_wait3A_19 : memref<1x80x128xi32, #tpu.memory_space<hbm>> -> memref<80x128xi32, #tpu.memory_space<hbm>>
    tpu.wait_dma2 semaphore(%arg12 : memref<!tpu.dma_semaphore, #tpu.memory_space<semaphore_mem>>) src(%dma_wait3A_20 : memref<80x128xi32, #tpu.memory_space<hbm>>) dst(%arg7 : memref<80x128xi32, #tpu.memory_space<vmem>>)
    %barrier3A = arith.constant 0 : index
    tpu.barrier barrier_id(%barrier3A)
    %dma_start3A_21 = arith.constant 0 : i32
    %dma_start3A_22 = arith.constant 0 : i32
    %dma_start3A_23 = arith.constant 0 : i32
    %dma_start3A_24 = tpu.memref_slice %arg8[%dma_start3A_22, %dma_start3A_23] : memref<2x128xi32, #tpu.memory_space<vmem>> -> memref<1x128xi32, #tpu.memory_space<vmem>>
    %dma_start3A_25 = tpu.memref_squeeze %dma_start3A_24 : memref<1x128xi32, #tpu.memory_space<vmem>> -> memref<128xi32, #tpu.memory_space<vmem>>
    %dma_start3A_26 = arith.constant 0 : i32
    %dma_start3A_27 = tpu.memref_slice %arg4[%add3A, %dma_start3A_21, %dma_start3A_26] : memref<32x80x128xi32, #tpu.memory_space<hbm>> -> memref<1x1x128xi32, #tpu.memory_space<hbm>>
    %dma_start3A_28 = tpu.memref_squeeze %dma_start3A_27 : memref<1x1x128xi32, #tpu.memory_space<hbm>> -> memref<128xi32, #tpu.memory_space<hbm>>
    %dma_start3A_29 = arith.constant 0 : i32
    %dma_start3A_30 = tpu.memref_slice %arg8[%dma_start3A_22, %dma_start3A_29] : memref<2x128xi32, #tpu.memory_space<vmem>> -> memref<1x128xi32, #tpu.memory_space<vmem>>
    %dma_start3A_31 = tpu.memref_squeeze %dma_start3A_30 : memref<1x128xi32, #tpu.memory_space<vmem>> -> memref<128xi32, #tpu.memory_space<vmem>>
    %dma_start3A_32 = arith.constant 0 : i32
    %dma_start3A_33 = tpu.memref_slice %arg4[%add3A, %dma_start3A_21, %dma_start3A_32] : memref<32x80x128xi32, #tpu.memory_space<hbm>> -> memref<1x1x128xi32, #tpu.memory_space<hbm>>
    %dma_start3A_34 = tpu.memref_squeeze %dma_start3A_33 : memref<1x1x128xi32, #tpu.memory_space<hbm>> -> memref<128xi32, #tpu.memory_space<hbm>>
    tpu.enqueue_dma source(%dma_start3A_34 : memref<128xi32, #tpu.memory_space<hbm>>) target(%dma_start3A_31 : memref<128xi32, #tpu.memory_space<vmem>>) target_semaphore(%arg13 : memref<!tpu.dma_semaphore, #tpu.memory_space<semaphore_mem>>)
    %dma_start3A_35 = arith.constant 0 : i32
    %dma_start3A_36 = arith.constant 0 : i32
    %dma_start3A_37 = arith.constant 0 : i32
    %dma_start3A_38 = arith.constant 0 : i32
    %dma_start3A_39 = tpu.memref_slice %arg9[%dma_start3A_36, %dma_start3A_37, %dma_start3A_38] : memref<2x128x128xf32, #tpu.memory_space<vmem>> -> memref<1x128x128xf32, #tpu.memory_space<vmem>>
    %dma_start3A_40 = tpu.memref_squeeze %dma_start3A_39 : memref<1x128x128xf32, #tpu.memory_space<vmem>> -> memref<128x128xf32, #tpu.memory_space<vmem>>
    %dma_start3A_41 = arith.constant 0 : i32
    %dma_start3A_42 = tpu.memref_slice %arg7[%dma_start3A_35, %dma_start3A_41] : memref<80x128xi32, #tpu.memory_space<vmem>> -> memref<1x128xi32, #tpu.memory_space<vmem>>
    %dma_start3A_43 = tpu.memref_squeeze %dma_start3A_42 : memref<1x128xi32, #tpu.memory_space<vmem>> -> memref<128xi32, #tpu.memory_space<vmem>>
    %dma_start3A_44 = arith.constant 0 : i32
    %dma_start3A_45 = arith.constant 0 : i32
    %dma_start3A_46 = tpu.memref_slice %arg2[%dma_start3A_44, %dma_start3A_45] : memref<10240x128xf32, #tpu.memory_space<hbm>> -> memref<10240x128xf32, #tpu.memory_space<hbm>>
    tpu.enqueue_indirect_dma source(%dma_start3A_46 : memref<10240x128xf32, #tpu.memory_space<hbm>>) target(%dma_start3A_40 : memref<128x128xf32, #tpu.memory_space<vmem>>) offsets(%dma_start3A_43 : memref<128xi32, #tpu.memory_space<vmem>>) semaphore(%arg11 : memref<!tpu.dma_semaphore, #tpu.memory_space<semaphore_mem>>)
    %dma_wait3A_47 = arith.constant 0 : i32
    %dma_wait3A_48 = arith.constant 0 : i32
    %dma_wait3A_49 = arith.constant 0 : i32
    %dma_wait3A_50 = arith.constant 0 : i32
    %dma_wait3A_51 = tpu.memref_slice %arg9[%dma_wait3A_48, %dma_wait3A_49, %dma_wait3A_50] : memref<2x128x128xf32, #tpu.memory_space<vmem>> -> memref<1x128x128xf32, #tpu.memory_space<vmem>>
    %dma_wait3A_52 = tpu.memref_squeeze %dma_wait3A_51 : memref<1x128x128xf32, #tpu.memory_space<vmem>> -> memref<128x128xf32, #tpu.memory_space<vmem>>
    %dma_wait3A_53 = arith.constant 0 : i32
    %dma_wait3A_54 = tpu.memref_slice %arg7[%dma_wait3A_47, %dma_wait3A_53] : memref<80x128xi32, #tpu.memory_space<vmem>> -> memref<1x128xi32, #tpu.memory_space<vmem>>
    %dma_wait3A_55 = tpu.memref_squeeze %dma_wait3A_54 : memref<1x128xi32, #tpu.memory_space<vmem>> -> memref<128xi32, #tpu.memory_space<vmem>>
    %dma_wait3A_56 = arith.constant 0 : i32
    %dma_wait3A_57 = arith.constant 0 : i32
    %dma_wait3A_58 = tpu.memref_slice %arg2[%dma_wait3A_56, %dma_wait3A_57] : memref<10240x128xf32, #tpu.memory_space<hbm>> -> memref<10240x128xf32, #tpu.memory_space<hbm>>
    tpu.wait_indirect_dma semaphore(%arg11 : memref<!tpu.dma_semaphore, #tpu.memory_space<semaphore_mem>>) src(%dma_wait3A_58 : memref<10240x128xf32, #tpu.memory_space<hbm>>) dst(%dma_wait3A_52 : memref<128x128xf32, #tpu.memory_space<vmem>>)
    %dma_wait3A_59 = arith.constant 0 : i32
    %dma_wait3A_60 = arith.constant 0 : i32
    %dma_wait3A_61 = arith.constant 0 : i32
    %dma_wait3A_62 = tpu.memref_slice %arg8[%dma_wait3A_60, %dma_wait3A_61] : memref<2x128xi32, #tpu.memory_space<vmem>> -> memref<1x128xi32, #tpu.memory_space<vmem>>
    %dma_wait3A_63 = tpu.memref_squeeze %dma_wait3A_62 : memref<1x128xi32, #tpu.memory_space<vmem>> -> memref<128xi32, #tpu.memory_space<vmem>>
    %dma_wait3A_64 = arith.constant 0 : i32
    %dma_wait3A_65 = tpu.memref_slice %arg4[%add3A, %dma_wait3A_59, %dma_wait3A_64] : memref<32x80x128xi32, #tpu.memory_space<hbm>> -> memref<1x1x128xi32, #tpu.memory_space<hbm>>
    %dma_wait3A_66 = tpu.memref_squeeze %dma_wait3A_65 : memref<1x1x128xi32, #tpu.memory_space<hbm>> -> memref<128xi32, #tpu.memory_space<hbm>>
    %dma_wait3A_67 = arith.constant 0 : i32
    %dma_wait3A_68 = tpu.memref_slice %arg8[%dma_wait3A_60, %dma_wait3A_67] : memref<2x128xi32, #tpu.memory_space<vmem>> -> memref<1x128xi32, #tpu.memory_space<vmem>>
    %dma_wait3A_69 = tpu.memref_squeeze %dma_wait3A_68 : memref<1x128xi32, #tpu.memory_space<vmem>> -> memref<128xi32, #tpu.memory_space<vmem>>
    %dma_wait3A_70 = arith.constant 0 : i32
    %dma_wait3A_71 = tpu.memref_slice %arg4[%add3A, %dma_wait3A_59, %dma_wait3A_70] : memref<32x80x128xi32, #tpu.memory_space<hbm>> -> memref<1x1x128xi32, #tpu.memory_space<hbm>>
    %dma_wait3A_72 = tpu.memref_squeeze %dma_wait3A_71 : memref<1x1x128xi32, #tpu.memory_space<hbm>> -> memref<128xi32, #tpu.memory_space<hbm>>
    tpu.wait_dma2 semaphore(%arg13 : memref<!tpu.dma_semaphore, #tpu.memory_space<semaphore_mem>>) src(%dma_wait3A_72 : memref<128xi32, #tpu.memory_space<hbm>>) dst(%dma_wait3A_69 : memref<128xi32, #tpu.memory_space<vmem>>)
    %dma_start3A_73 = arith.constant 0 : i32
    %dma_start3A_74 = arith.constant 0 : i32
    %dma_start3A_75 = arith.constant 0 : i32
    %dma_start3A_76 = arith.constant 0 : i32
    %dma_start3A_77 = tpu.memref_slice %arg9[%dma_start3A_73, %dma_start3A_75, %dma_start3A_76] : memref<2x128x128xf32, #tpu.memory_space<vmem>> -> memref<1x128x128xf32, #tpu.memory_space<vmem>>
    %dma_start3A_78 = tpu.memref_squeeze %dma_start3A_77 : memref<1x128x128xf32, #tpu.memory_space<vmem>> -> memref<128x128xf32, #tpu.memory_space<vmem>>
    %dma_start3A_79 = arith.constant 0 : i32
    %dma_start3A_80 = tpu.memref_slice %arg8[%dma_start3A_74, %dma_start3A_79] : memref<2x128xi32, #tpu.memory_space<vmem>> -> memref<1x128xi32, #tpu.memory_space<vmem>>
    %dma_start3A_81 = tpu.memref_squeeze %dma_start3A_80 : memref<1x128xi32, #tpu.memory_space<vmem>> -> memref<128xi32, #tpu.memory_space<vmem>>
    %dma_start3A_82 = arith.constant 0 : i32
    %dma_start3A_83 = arith.constant 0 : i32
    %dma_start3A_84 = tpu.memref_slice %arg10[%dma_start3A_82, %dma_start3A_83] : memref<10240x128xf32, #tpu.memory_space<vmem_shared>> -> memref<10240x128xf32, #tpu.memory_space<vmem_shared>>
    tpu.enqueue_indirect_dma source(%dma_start3A_78 : memref<128x128xf32, #tpu.memory_space<vmem>>) target(%dma_start3A_84 : memref<10240x128xf32, #tpu.memory_space<vmem_shared>>) offsets(%dma_start3A_81 : memref<128xi32, #tpu.memory_space<vmem>>) semaphore(%arg15 : memref<!tpu.dma_semaphore, #tpu.memory_space<semaphore_mem>>) {add = true}
    %dma_start3A_85 = arith.constant 1 : i32
    %dma_start3A_86 = arith.constant 1 : i32
    %dma_start3A_87 = arith.constant 0 : i32
    %dma_start3A_88 = arith.constant 0 : i32
    %dma_start3A_89 = tpu.memref_slice %arg9[%dma_start3A_86, %dma_start3A_87, %dma_start3A_88] : memref<2x128x128xf32, #tpu.memory_space<vmem>> -> memref<1x128x128xf32, #tpu.memory_space<vmem>>
    %dma_start3A_90 = tpu.memref_squeeze %dma_start3A_89 : memref<1x128x128xf32, #tpu.memory_space<vmem>> -> memref<128x128xf32, #tpu.memory_space<vmem>>
    %dma_start3A_91 = arith.constant 0 : i32
    %dma_start3A_92 = tpu.memref_slice %arg7[%dma_start3A_85, %dma_start3A_91] : memref<80x128xi32, #tpu.memory_space<vmem>> -> memref<1x128xi32, #tpu.memory_space<vmem>>
    %dma_start3A_93 = tpu.memref_squeeze %dma_start3A_92 : memref<1x128xi32, #tpu.memory_space<vmem>> -> memref<128xi32, #tpu.memory_space<vmem>>
    %dma_start3A_94 = arith.constant 0 : i32
    %dma_start3A_95 = arith.constant 0 : i32
    %dma_start3A_96 = tpu.memref_slice %arg2[%dma_start3A_94, %dma_start3A_95] : memref<10240x128xf32, #tpu.memory_space<hbm>> -> memref<10240x128xf32, #tpu.memory_space<hbm>>
    tpu.enqueue_indirect_dma source(%dma_start3A_96 : memref<10240x128xf32, #tpu.memory_space<hbm>>) target(%dma_start3A_90 : memref<128x128xf32, #tpu.memory_space<vmem>>) offsets(%dma_start3A_93 : memref<128xi32, #tpu.memory_space<vmem>>) semaphore(%arg12 : memref<!tpu.dma_semaphore, #tpu.memory_space<semaphore_mem>>)
    %dma_start3A_97 = arith.constant 1 : i32
    %dma_start3A_98 = arith.constant 1 : i32
    %dma_start3A_99 = arith.constant 0 : i32
    %dma_start3A_100 = tpu.memref_slice %arg8[%dma_start3A_98, %dma_start3A_99] : memref<2x128xi32, #tpu.memory_space<vmem>> -> memref<1x128xi32, #tpu.memory_space<vmem>>
    %dma_start3A_101 = tpu.memref_squeeze %dma_start3A_100 : memref<1x128xi32, #tpu.memory_space<vmem>> -> memref<128xi32, #tpu.memory_space<vmem>>
    %dma_start3A_102 = arith.constant 0 : i32
    %dma_start3A_103 = tpu.memref_slice %arg4[%add3A, %dma_start3A_97, %dma_start3A_102] : memref<32x80x128xi32, #tpu.memory_space<hbm>> -> memref<1x1x128xi32, #tpu.memory_space<hbm>>
    %dma_start3A_104 = tpu.memref_squeeze %dma_start3A_103 : memref<1x1x128xi32, #tpu.memory_space<hbm>> -> memref<128xi32, #tpu.memory_space<hbm>>
    %dma_start3A_105 = arith.constant 0 : i32
    %dma_start3A_106 = tpu.memref_slice %arg8[%dma_start3A_98, %dma_start3A_105] : memref<2x128xi32, #tpu.memory_space<vmem>> -> memref<1x128xi32, #tpu.memory_space<vmem>>
    %dma_start3A_107 = tpu.memref_squeeze %dma_start3A_106 : memref<1x128xi32, #tpu.memory_space<vmem>> -> memref<128xi32, #tpu.memory_space<vmem>>
    %dma_start3A_108 = arith.constant 0 : i32
    %dma_start3A_109 = tpu.memref_slice %arg4[%add3A, %dma_start3A_97, %dma_start3A_108] : memref<32x80x128xi32, #tpu.memory_space<hbm>> -> memref<1x1x128xi32, #tpu.memory_space<hbm>>
    %dma_start3A_110 = tpu.memref_squeeze %dma_start3A_109 : memref<1x1x128xi32, #tpu.memory_space<hbm>> -> memref<128xi32, #tpu.memory_space<hbm>>
    tpu.enqueue_dma source(%dma_start3A_110 : memref<128xi32, #tpu.memory_space<hbm>>) target(%dma_start3A_107 : memref<128xi32, #tpu.memory_space<vmem>>) target_semaphore(%arg14 : memref<!tpu.dma_semaphore, #tpu.memory_space<semaphore_mem>>)
    %scan3A = arith.constant 0 : i32
    %scan3A_111 = arith.constant 0 : i32
    %scan3A_112 = arith.constant 39 : i32
    %scan3A_113 = arith.addi %scan3A_111, %scan3A_112 : i32
    %scan3A_114 = arith.constant 1 : i32
    scf.for %scan3A_183 = %scan3A_111 to %scan3A_113 step %scan3A_114  : i32 {
      %mul3A_184 = arith.constant 2 : i32
      %mul3A_185 = arith.muli %scan3A_183, %mul3A_184 : i32
      %add3A_186 = arith.constant 1 : i32
      %add3A_187 = arith.addi %mul3A_185, %add3A_186 : i32
      %sub3A = arith.constant 1 : i32
      %sub3A_188 = arith.subi %add3A_187, %sub3A : i32
      %dma_wait3A_189 = arith.constant 0 : i32
      %dma_wait3A_190 = arith.constant 0 : i32
      %dma_wait3A_191 = arith.constant 0 : i32
      %dma_wait3A_192 = arith.constant 0 : i32
      %dma_wait3A_193 = tpu.memref_slice %arg9[%dma_wait3A_189, %dma_wait3A_191, %dma_wait3A_192] : memref<2x128x128xf32, #tpu.memory_space<vmem>> -> memref<1x128x128xf32, #tpu.memory_space<vmem>>
      %dma_wait3A_194 = tpu.memref_squeeze %dma_wait3A_193 : memref<1x128x128xf32, #tpu.memory_space<vmem>> -> memref<128x128xf32, #tpu.memory_space<vmem>>
      %dma_wait3A_195 = arith.constant 0 : i32
      %dma_wait3A_196 = tpu.memref_slice %arg8[%dma_wait3A_190, %dma_wait3A_195] : memref<2x128xi32, #tpu.memory_space<vmem>> -> memref<1x128xi32, #tpu.memory_space<vmem>>
      %dma_wait3A_197 = tpu.memref_squeeze %dma_wait3A_196 : memref<1x128xi32, #tpu.memory_space<vmem>> -> memref<128xi32, #tpu.memory_space<vmem>>
      %dma_wait3A_198 = arith.constant 0 : i32
      %dma_wait3A_199 = arith.constant 0 : i32
      %dma_wait3A_200 = tpu.memref_slice %arg10[%dma_wait3A_198, %dma_wait3A_199] : memref<10240x128xf32, #tpu.memory_space<vmem_shared>> -> memref<10240x128xf32, #tpu.memory_space<vmem_shared>>
      tpu.wait_indirect_dma semaphore(%arg15 : memref<!tpu.dma_semaphore, #tpu.memory_space<semaphore_mem>>) src(%dma_wait3A_194 : memref<128x128xf32, #tpu.memory_space<vmem>>) dst(%dma_wait3A_200 : memref<10240x128xf32, #tpu.memory_space<vmem_shared>>)
      %add3A_201 = arith.constant 1 : i32
      %add3A_202 = arith.addi %add3A_187, %add3A_201 : i32
      %dma_start3A_203 = arith.constant 0 : i32
      %dma_start3A_204 = arith.constant 0 : i32
      %dma_start3A_205 = arith.constant 0 : i32
      %dma_start3A_206 = tpu.memref_slice %arg9[%dma_start3A_203, %dma_start3A_204, %dma_start3A_205] : memref<2x128x128xf32, #tpu.memory_space<vmem>> -> memref<1x128x128xf32, #tpu.memory_space<vmem>>
      %dma_start3A_207 = tpu.memref_squeeze %dma_start3A_206 : memref<1x128x128xf32, #tpu.memory_space<vmem>> -> memref<128x128xf32, #tpu.memory_space<vmem>>
      %dma_start3A_208 = arith.constant 0 : i32
      %dma_start3A_209 = tpu.memref_slice %arg7[%add3A_202, %dma_start3A_208] : memref<80x128xi32, #tpu.memory_space<vmem>> -> memref<1x128xi32, #tpu.memory_space<vmem>>
      %dma_start3A_210 = tpu.memref_squeeze %dma_start3A_209 : memref<1x128xi32, #tpu.memory_space<vmem>> -> memref<128xi32, #tpu.memory_space<vmem>>
      %dma_start3A_211 = arith.constant 0 : i32
      %dma_start3A_212 = arith.constant 0 : i32
      %dma_start3A_213 = tpu.memref_slice %arg2[%dma_start3A_211, %dma_start3A_212] : memref<10240x128xf32, #tpu.memory_space<hbm>> -> memref<10240x128xf32, #tpu.memory_space<hbm>>
      tpu.enqueue_indirect_dma source(%dma_start3A_213 : memref<10240x128xf32, #tpu.memory_space<hbm>>) target(%dma_start3A_207 : memref<128x128xf32, #tpu.memory_space<vmem>>) offsets(%dma_start3A_210 : memref<128xi32, #tpu.memory_space<vmem>>) semaphore(%arg11 : memref<!tpu.dma_semaphore, #tpu.memory_space<semaphore_mem>>)
      %add3A_214 = arith.constant 1 : i32
      %add3A_215 = arith.addi %add3A_187, %add3A_214 : i32
      %dma_start3A_216 = arith.constant 0 : i32
      %dma_start3A_217 = arith.constant 0 : i32
      %dma_start3A_218 = tpu.memref_slice %arg8[%dma_start3A_216, %dma_start3A_217] : memref<2x128xi32, #tpu.memory_space<vmem>> -> memref<1x128xi32, #tpu.memory_space<vmem>>
      %dma_start3A_219 = tpu.memref_squeeze %dma_start3A_218 : memref<1x128xi32, #tpu.memory_space<vmem>> -> memref<128xi32, #tpu.memory_space<vmem>>
      %dma_start3A_220 = arith.constant 0 : i32
      %dma_start3A_221 = tpu.memref_slice %arg4[%add3A, %add3A_215, %dma_start3A_220] : memref<32x80x128xi32, #tpu.memory_space<hbm>> -> memref<1x1x128xi32, #tpu.memory_space<hbm>>
      %dma_start3A_222 = tpu.memref_squeeze %dma_start3A_221 : memref<1x1x128xi32, #tpu.memory_space<hbm>> -> memref<128xi32, #tpu.memory_space<hbm>>
      %dma_start3A_223 = arith.constant 0 : i32
      %dma_start3A_224 = tpu.memref_slice %arg8[%dma_start3A_216, %dma_start3A_223] : memref<2x128xi32, #tpu.memory_space<vmem>> -> memref<1x128xi32, #tpu.memory_space<vmem>>
      %dma_start3A_225 = tpu.memref_squeeze %dma_start3A_224 : memref<1x128xi32, #tpu.memory_space<vmem>> -> memref<128xi32, #tpu.memory_space<vmem>>
      %dma_start3A_226 = arith.constant 0 : i32
      %dma_start3A_227 = tpu.memref_slice %arg4[%add3A, %add3A_215, %dma_start3A_226] : memref<32x80x128xi32, #tpu.memory_space<hbm>> -> memref<1x1x128xi32, #tpu.memory_space<hbm>>
      %dma_start3A_228 = tpu.memref_squeeze %dma_start3A_227 : memref<1x1x128xi32, #tpu.memory_space<hbm>> -> memref<128xi32, #tpu.memory_space<hbm>>
      tpu.enqueue_dma source(%dma_start3A_228 : memref<128xi32, #tpu.memory_space<hbm>>) target(%dma_start3A_225 : memref<128xi32, #tpu.memory_space<vmem>>) target_semaphore(%arg13 : memref<!tpu.dma_semaphore, #tpu.memory_space<semaphore_mem>>)
      %dma_wait3A_229 = arith.constant 1 : i32
      %dma_wait3A_230 = arith.constant 0 : i32
      %dma_wait3A_231 = arith.constant 0 : i32
      %dma_wait3A_232 = tpu.memref_slice %arg9[%dma_wait3A_229, %dma_wait3A_230, %dma_wait3A_231] : memref<2x128x128xf32, #tpu.memory_space<vmem>> -> memref<1x128x128xf32, #tpu.memory_space<vmem>>
      %dma_wait3A_233 = tpu.memref_squeeze %dma_wait3A_232 : memref<1x128x128xf32, #tpu.memory_space<vmem>> -> memref<128x128xf32, #tpu.memory_space<vmem>>
      %dma_wait3A_234 = arith.constant 0 : i32
      %dma_wait3A_235 = tpu.memref_slice %arg7[%add3A_187, %dma_wait3A_234] : memref<80x128xi32, #tpu.memory_space<vmem>> -> memref<1x128xi32, #tpu.memory_space<vmem>>
      %dma_wait3A_236 = tpu.memref_squeeze %dma_wait3A_235 : memref<1x128xi32, #tpu.memory_space<vmem>> -> memref<128xi32, #tpu.memory_space<vmem>>
      %dma_wait3A_237 = arith.constant 0 : i32
      %dma_wait3A_238 = arith.constant 0 : i32
      %dma_wait3A_239 = tpu.memref_slice %arg2[%dma_wait3A_237, %dma_wait3A_238] : memref<10240x128xf32, #tpu.memory_space<hbm>> -> memref<10240x128xf32, #tpu.memory_space<hbm>>
      tpu.wait_indirect_dma semaphore(%arg12 : memref<!tpu.dma_semaphore, #tpu.memory_space<semaphore_mem>>) src(%dma_wait3A_239 : memref<10240x128xf32, #tpu.memory_space<hbm>>) dst(%dma_wait3A_233 : memref<128x128xf32, #tpu.memory_space<vmem>>)
      %dma_wait3A_240 = arith.constant 1 : i32
      %dma_wait3A_241 = arith.constant 0 : i32
      %dma_wait3A_242 = tpu.memref_slice %arg8[%dma_wait3A_240, %dma_wait3A_241] : memref<2x128xi32, #tpu.memory_space<vmem>> -> memref<1x128xi32, #tpu.memory_space<vmem>>
      %dma_wait3A_243 = tpu.memref_squeeze %dma_wait3A_242 : memref<1x128xi32, #tpu.memory_space<vmem>> -> memref<128xi32, #tpu.memory_space<vmem>>
      %dma_wait3A_244 = arith.constant 0 : i32
      %dma_wait3A_245 = tpu.memref_slice %arg4[%add3A, %add3A_187, %dma_wait3A_244] : memref<32x80x128xi32, #tpu.memory_space<hbm>> -> memref<1x1x128xi32, #tpu.memory_space<hbm>>
      %dma_wait3A_246 = tpu.memref_squeeze %dma_wait3A_245 : memref<1x1x128xi32, #tpu.memory_space<hbm>> -> memref<128xi32, #tpu.memory_space<hbm>>
      %dma_wait3A_247 = arith.constant 0 : i32
      %dma_wait3A_248 = tpu.memref_slice %arg8[%dma_wait3A_240, %dma_wait3A_247] : memref<2x128xi32, #tpu.memory_space<vmem>> -> memref<1x128xi32, #tpu.memory_space<vmem>>
      %dma_wait3A_249 = tpu.memref_squeeze %dma_wait3A_248 : memref<1x128xi32, #tpu.memory_space<vmem>> -> memref<128xi32, #tpu.memory_space<vmem>>
      %dma_wait3A_250 = arith.constant 0 : i32
      %dma_wait3A_251 = tpu.memref_slice %arg4[%add3A, %add3A_187, %dma_wait3A_250] : memref<32x80x128xi32, #tpu.memory_space<hbm>> -> memref<1x1x128xi32, #tpu.memory_space<hbm>>
      %dma_wait3A_252 = tpu.memref_squeeze %dma_wait3A_251 : memref<1x1x128xi32, #tpu.memory_space<hbm>> -> memref<128xi32, #tpu.memory_space<hbm>>
      tpu.wait_dma2 semaphore(%arg14 : memref<!tpu.dma_semaphore, #tpu.memory_space<semaphore_mem>>) src(%dma_wait3A_252 : memref<128xi32, #tpu.memory_space<hbm>>) dst(%dma_wait3A_249 : memref<128xi32, #tpu.memory_space<vmem>>)
      %dma_start3A_253 = arith.constant 1 : i32
      %dma_start3A_254 = arith.constant 1 : i32
      %dma_start3A_255 = arith.constant 0 : i32
      %dma_start3A_256 = arith.constant 0 : i32
      %dma_start3A_257 = tpu.memref_slice %arg9[%dma_start3A_253, %dma_start3A_255, %dma_start3A_256] : memref<2x128x128xf32, #tpu.memory_space<vmem>> -> memref<1x128x128xf32, #tpu.memory_space<vmem>>
      %dma_start3A_258 = tpu.memref_squeeze %dma_start3A_257 : memref<1x128x128xf32, #tpu.memory_space<vmem>> -> memref<128x128xf32, #tpu.memory_space<vmem>>
      %dma_start3A_259 = arith.constant 0 : i32
      %dma_start3A_260 = tpu.memref_slice %arg8[%dma_start3A_254, %dma_start3A_259] : memref<2x128xi32, #tpu.memory_space<vmem>> -> memref<1x128xi32, #tpu.memory_space<vmem>>
      %dma_start3A_261 = tpu.memref_squeeze %dma_start3A_260 : memref<1x128xi32, #tpu.memory_space<vmem>> -> memref<128xi32, #tpu.memory_space<vmem>>
      %dma_start3A_262 = arith.constant 0 : i32
      %dma_start3A_263 = arith.constant 0 : i32
      %dma_start3A_264 = tpu.memref_slice %arg10[%dma_start3A_262, %dma_start3A_263] : memref<10240x128xf32, #tpu.memory_space<vmem_shared>> -> memref<10240x128xf32, #tpu.memory_space<vmem_shared>>
      tpu.enqueue_indirect_dma source(%dma_start3A_258 : memref<128x128xf32, #tpu.memory_space<vmem>>) target(%dma_start3A_264 : memref<10240x128xf32, #tpu.memory_space<vmem_shared>>) offsets(%dma_start3A_261 : memref<128xi32, #tpu.memory_space<vmem>>) semaphore(%arg16 : memref<!tpu.dma_semaphore, #tpu.memory_space<semaphore_mem>>) {add = true}
      %mul3A_265 = arith.constant 2 : i32
      %mul3A_266 = arith.muli %scan3A_183, %mul3A_265 : i32
      %add3A_267 = arith.constant 2 : i32
      %add3A_268 = arith.addi %mul3A_266, %add3A_267 : i32
      %sub3A_269 = arith.constant 1 : i32
      %sub3A_270 = arith.subi %add3A_268, %sub3A_269 : i32
      %dma_wait3A_271 = arith.constant 1 : i32
      %dma_wait3A_272 = arith.constant 1 : i32
      %dma_wait3A_273 = arith.constant 0 : i32
      %dma_wait3A_274 = arith.constant 0 : i32
      %dma_wait3A_275 = tpu.memref_slice %arg9[%dma_wait3A_271, %dma_wait3A_273, %dma_wait3A_274] : memref<2x128x128xf32, #tpu.memory_space<vmem>> -> memref<1x128x128xf32, #tpu.memory_space<vmem>>
      %dma_wait3A_276 = tpu.memref_squeeze %dma_wait3A_275 : memref<1x128x128xf32, #tpu.memory_space<vmem>> -> memref<128x128xf32, #tpu.memory_space<vmem>>
      %dma_wait3A_277 = arith.constant 0 : i32
      %dma_wait3A_278 = tpu.memref_slice %arg8[%dma_wait3A_272, %dma_wait3A_277] : memref<2x128xi32, #tpu.memory_space<vmem>> -> memref<1x128xi32, #tpu.memory_space<vmem>>
      %dma_wait3A_279 = tpu.memref_squeeze %dma_wait3A_278 : memref<1x128xi32, #tpu.memory_space<vmem>> -> memref<128xi32, #tpu.memory_space<vmem>>
      %dma_wait3A_280 = arith.constant 0 : i32
      %dma_wait3A_281 = arith.constant 0 : i32
      %dma_wait3A_282 = tpu.memref_slice %arg10[%dma_wait3A_280, %dma_wait3A_281] : memref<10240x128xf32, #tpu.memory_space<vmem_shared>> -> memref<10240x128xf32, #tpu.memory_space<vmem_shared>>
      tpu.wait_indirect_dma semaphore(%arg16 : memref<!tpu.dma_semaphore, #tpu.memory_space<semaphore_mem>>) src(%dma_wait3A_276 : memref<128x128xf32, #tpu.memory_space<vmem>>) dst(%dma_wait3A_282 : memref<10240x128xf32, #tpu.memory_space<vmem_shared>>)
      %add3A_283 = arith.constant 1 : i32
      %add3A_284 = arith.addi %add3A_268, %add3A_283 : i32
      %dma_start3A_285 = arith.constant 1 : i32
      %dma_start3A_286 = arith.constant 0 : i32
      %dma_start3A_287 = arith.constant 0 : i32
      %dma_start3A_288 = tpu.memref_slice %arg9[%dma_start3A_285, %dma_start3A_286, %dma_start3A_287] : memref<2x128x128xf32, #tpu.memory_space<vmem>> -> memref<1x128x128xf32, #tpu.memory_space<vmem>>
      %dma_start3A_289 = tpu.memref_squeeze %dma_start3A_288 : memref<1x128x128xf32, #tpu.memory_space<vmem>> -> memref<128x128xf32, #tpu.memory_space<vmem>>
      %dma_start3A_290 = arith.constant 0 : i32
      %dma_start3A_291 = tpu.memref_slice %arg7[%add3A_284, %dma_start3A_290] : memref<80x128xi32, #tpu.memory_space<vmem>> -> memref<1x128xi32, #tpu.memory_space<vmem>>
      %dma_start3A_292 = tpu.memref_squeeze %dma_start3A_291 : memref<1x128xi32, #tpu.memory_space<vmem>> -> memref<128xi32, #tpu.memory_space<vmem>>
      %dma_start3A_293 = arith.constant 0 : i32
      %dma_start3A_294 = arith.constant 0 : i32
      %dma_start3A_295 = tpu.memref_slice %arg2[%dma_start3A_293, %dma_start3A_294] : memref<10240x128xf32, #tpu.memory_space<hbm>> -> memref<10240x128xf32, #tpu.memory_space<hbm>>
      tpu.enqueue_indirect_dma source(%dma_start3A_295 : memref<10240x128xf32, #tpu.memory_space<hbm>>) target(%dma_start3A_289 : memref<128x128xf32, #tpu.memory_space<vmem>>) offsets(%dma_start3A_292 : memref<128xi32, #tpu.memory_space<vmem>>) semaphore(%arg12 : memref<!tpu.dma_semaphore, #tpu.memory_space<semaphore_mem>>)
      %add3A_296 = arith.constant 1 : i32
      %add3A_297 = arith.addi %add3A_268, %add3A_296 : i32
      %dma_start3A_298 = arith.constant 1 : i32
      %dma_start3A_299 = arith.constant 0 : i32
      %dma_start3A_300 = tpu.memref_slice %arg8[%dma_start3A_298, %dma_start3A_299] : memref<2x128xi32, #tpu.memory_space<vmem>> -> memref<1x128xi32, #tpu.memory_space<vmem>>
      %dma_start3A_301 = tpu.memref_squeeze %dma_start3A_300 : memref<1x128xi32, #tpu.memory_space<vmem>> -> memref<128xi32, #tpu.memory_space<vmem>>
      %dma_start3A_302 = arith.constant 0 : i32
      %dma_start3A_303 = tpu.memref_slice %arg4[%add3A, %add3A_297, %dma_start3A_302] : memref<32x80x128xi32, #tpu.memory_space<hbm>> -> memref<1x1x128xi32, #tpu.memory_space<hbm>>
      %dma_start3A_304 = tpu.memref_squeeze %dma_start3A_303 : memref<1x1x128xi32, #tpu.memory_space<hbm>> -> memref<128xi32, #tpu.memory_space<hbm>>
      %dma_start3A_305 = arith.constant 0 : i32
      %dma_start3A_306 = tpu.memref_slice %arg8[%dma_start3A_298, %dma_start3A_305] : memref<2x128xi32, #tpu.memory_space<vmem>> -> memref<1x128xi32, #tpu.memory_space<vmem>>
      %dma_start3A_307 = tpu.memref_squeeze %dma_start3A_306 : memref<1x128xi32, #tpu.memory_space<vmem>> -> memref<128xi32, #tpu.memory_space<vmem>>
      %dma_start3A_308 = arith.constant 0 : i32
      %dma_start3A_309 = tpu.memref_slice %arg4[%add3A, %add3A_297, %dma_start3A_308] : memref<32x80x128xi32, #tpu.memory_space<hbm>> -> memref<1x1x128xi32, #tpu.memory_space<hbm>>
      %dma_start3A_310 = tpu.memref_squeeze %dma_start3A_309 : memref<1x1x128xi32, #tpu.memory_space<hbm>> -> memref<128xi32, #tpu.memory_space<hbm>>
      tpu.enqueue_dma source(%dma_start3A_310 : memref<128xi32, #tpu.memory_space<hbm>>) target(%dma_start3A_307 : memref<128xi32, #tpu.memory_space<vmem>>) target_semaphore(%arg14 : memref<!tpu.dma_semaphore, #tpu.memory_space<semaphore_mem>>)
      %dma_wait3A_311 = arith.constant 0 : i32
      %dma_wait3A_312 = arith.constant 0 : i32
      %dma_wait3A_313 = arith.constant 0 : i32
      %dma_wait3A_314 = tpu.memref_slice %arg9[%dma_wait3A_311, %dma_wait3A_312, %dma_wait3A_313] : memref<2x128x128xf32, #tpu.memory_space<vmem>> -> memref<1x128x128xf32, #tpu.memory_space<vmem>>
      %dma_wait3A_315 = tpu.memref_squeeze %dma_wait3A_314 : memref<1x128x128xf32, #tpu.memory_space<vmem>> -> memref<128x128xf32, #tpu.memory_space<vmem>>
      %dma_wait3A_316 = arith.constant 0 : i32
      %dma_wait3A_317 = tpu.memref_slice %arg7[%add3A_268, %dma_wait3A_316] : memref<80x128xi32, #tpu.memory_space<vmem>> -> memref<1x128xi32, #tpu.memory_space<vmem>>
      %dma_wait3A_318 = tpu.memref_squeeze %dma_wait3A_317 : memref<1x128xi32, #tpu.memory_space<vmem>> -> memref<128xi32, #tpu.memory_space<vmem>>
      %dma_wait3A_319 = arith.constant 0 : i32
      %dma_wait3A_320 = arith.constant 0 : i32
      %dma_wait3A_321 = tpu.memref_slice %arg2[%dma_wait3A_319, %dma_wait3A_320] : memref<10240x128xf32, #tpu.memory_space<hbm>> -> memref<10240x128xf32, #tpu.memory_space<hbm>>
      tpu.wait_indirect_dma semaphore(%arg11 : memref<!tpu.dma_semaphore, #tpu.memory_space<semaphore_mem>>) src(%dma_wait3A_321 : memref<10240x128xf32, #tpu.memory_space<hbm>>) dst(%dma_wait3A_315 : memref<128x128xf32, #tpu.memory_space<vmem>>)
      %dma_wait3A_322 = arith.constant 0 : i32
      %dma_wait3A_323 = arith.constant 0 : i32
      %dma_wait3A_324 = tpu.memref_slice %arg8[%dma_wait3A_322, %dma_wait3A_323] : memref<2x128xi32, #tpu.memory_space<vmem>> -> memref<1x128xi32, #tpu.memory_space<vmem>>
      %dma_wait3A_325 = tpu.memref_squeeze %dma_wait3A_324 : memref<1x128xi32, #tpu.memory_space<vmem>> -> memref<128xi32, #tpu.memory_space<vmem>>
      %dma_wait3A_326 = arith.constant 0 : i32
      %dma_wait3A_327 = tpu.memref_slice %arg4[%add3A, %add3A_268, %dma_wait3A_326] : memref<32x80x128xi32, #tpu.memory_space<hbm>> -> memref<1x1x128xi32, #tpu.memory_space<hbm>>
      %dma_wait3A_328 = tpu.memref_squeeze %dma_wait3A_327 : memref<1x1x128xi32, #tpu.memory_space<hbm>> -> memref<128xi32, #tpu.memory_space<hbm>>
      %dma_wait3A_329 = arith.constant 0 : i32
      %dma_wait3A_330 = tpu.memref_slice %arg8[%dma_wait3A_322, %dma_wait3A_329] : memref<2x128xi32, #tpu.memory_space<vmem>> -> memref<1x128xi32, #tpu.memory_space<vmem>>
      %dma_wait3A_331 = tpu.memref_squeeze %dma_wait3A_330 : memref<1x128xi32, #tpu.memory_space<vmem>> -> memref<128xi32, #tpu.memory_space<vmem>>
      %dma_wait3A_332 = arith.constant 0 : i32
      %dma_wait3A_333 = tpu.memref_slice %arg4[%add3A, %add3A_268, %dma_wait3A_332] : memref<32x80x128xi32, #tpu.memory_space<hbm>> -> memref<1x1x128xi32, #tpu.memory_space<hbm>>
      %dma_wait3A_334 = tpu.memref_squeeze %dma_wait3A_333 : memref<1x1x128xi32, #tpu.memory_space<hbm>> -> memref<128xi32, #tpu.memory_space<hbm>>
      tpu.wait_dma2 semaphore(%arg13 : memref<!tpu.dma_semaphore, #tpu.memory_space<semaphore_mem>>) src(%dma_wait3A_334 : memref<128xi32, #tpu.memory_space<hbm>>) dst(%dma_wait3A_331 : memref<128xi32, #tpu.memory_space<vmem>>)
      %dma_start3A_335 = arith.constant 0 : i32
      %dma_start3A_336 = arith.constant 0 : i32
      %dma_start3A_337 = arith.constant 0 : i32
      %dma_start3A_338 = arith.constant 0 : i32
      %dma_start3A_339 = tpu.memref_slice %arg9[%dma_start3A_335, %dma_start3A_337, %dma_start3A_338] : memref<2x128x128xf32, #tpu.memory_space<vmem>> -> memref<1x128x128xf32, #tpu.memory_space<vmem>>
      %dma_start3A_340 = tpu.memref_squeeze %dma_start3A_339 : memref<1x128x128xf32, #tpu.memory_space<vmem>> -> memref<128x128xf32, #tpu.memory_space<vmem>>
      %dma_start3A_341 = arith.constant 0 : i32
      %dma_start3A_342 = tpu.memref_slice %arg8[%dma_start3A_336, %dma_start3A_341] : memref<2x128xi32, #tpu.memory_space<vmem>> -> memref<1x128xi32, #tpu.memory_space<vmem>>
      %dma_start3A_343 = tpu.memref_squeeze %dma_start3A_342 : memref<1x128xi32, #tpu.memory_space<vmem>> -> memref<128xi32, #tpu.memory_space<vmem>>
      %dma_start3A_344 = arith.constant 0 : i32
      %dma_start3A_345 = arith.constant 0 : i32
      %dma_start3A_346 = tpu.memref_slice %arg10[%dma_start3A_344, %dma_start3A_345] : memref<10240x128xf32, #tpu.memory_space<vmem_shared>> -> memref<10240x128xf32, #tpu.memory_space<vmem_shared>>
      tpu.enqueue_indirect_dma source(%dma_start3A_340 : memref<128x128xf32, #tpu.memory_space<vmem>>) target(%dma_start3A_346 : memref<10240x128xf32, #tpu.memory_space<vmem_shared>>) offsets(%dma_start3A_343 : memref<128xi32, #tpu.memory_space<vmem>>) semaphore(%arg15 : memref<!tpu.dma_semaphore, #tpu.memory_space<semaphore_mem>>) {add = true}
    }
    %scan3A_115 = arith.constant 39 : i32
    %dma_wait3A_116 = arith.constant 79 : i32
    %dma_wait3A_117 = arith.constant 1 : i32
    %dma_wait3A_118 = arith.constant 0 : i32
    %dma_wait3A_119 = arith.constant 0 : i32
    %dma_wait3A_120 = tpu.memref_slice %arg9[%dma_wait3A_117, %dma_wait3A_118, %dma_wait3A_119] : memref<2x128x128xf32, #tpu.memory_space<vmem>> -> memref<1x128x128xf32, #tpu.memory_space<vmem>>
    %dma_wait3A_121 = tpu.memref_squeeze %dma_wait3A_120 : memref<1x128x128xf32, #tpu.memory_space<vmem>> -> memref<128x128xf32, #tpu.memory_space<vmem>>
    %dma_wait3A_122 = arith.constant 0 : i32
    %dma_wait3A_123 = tpu.memref_slice %arg7[%dma_wait3A_116, %dma_wait3A_122] : memref<80x128xi32, #tpu.memory_space<vmem>> -> memref<1x128xi32, #tpu.memory_space<vmem>>
    %dma_wait3A_124 = tpu.memref_squeeze %dma_wait3A_123 : memref<1x128xi32, #tpu.memory_space<vmem>> -> memref<128xi32, #tpu.memory_space<vmem>>
    %dma_wait3A_125 = arith.constant 0 : i32
    %dma_wait3A_126 = arith.constant 0 : i32
    %dma_wait3A_127 = tpu.memref_slice %arg2[%dma_wait3A_125, %dma_wait3A_126] : memref<10240x128xf32, #tpu.memory_space<hbm>> -> memref<10240x128xf32, #tpu.memory_space<hbm>>
    tpu.wait_indirect_dma semaphore(%arg12 : memref<!tpu.dma_semaphore, #tpu.memory_space<semaphore_mem>>) src(%dma_wait3A_127 : memref<10240x128xf32, #tpu.memory_space<hbm>>) dst(%dma_wait3A_121 : memref<128x128xf32, #tpu.memory_space<vmem>>)
    %dma_wait3A_128 = arith.constant 79 : i32
    %dma_wait3A_129 = arith.constant 1 : i32
    %dma_wait3A_130 = arith.constant 0 : i32
    %dma_wait3A_131 = tpu.memref_slice %arg8[%dma_wait3A_129, %dma_wait3A_130] : memref<2x128xi32, #tpu.memory_space<vmem>> -> memref<1x128xi32, #tpu.memory_space<vmem>>
    %dma_wait3A_132 = tpu.memref_squeeze %dma_wait3A_131 : memref<1x128xi32, #tpu.memory_space<vmem>> -> memref<128xi32, #tpu.memory_space<vmem>>
    %dma_wait3A_133 = arith.constant 0 : i32
    %dma_wait3A_134 = tpu.memref_slice %arg4[%add3A, %dma_wait3A_128, %dma_wait3A_133] : memref<32x80x128xi32, #tpu.memory_space<hbm>> -> memref<1x1x128xi32, #tpu.memory_space<hbm>>
    %dma_wait3A_135 = tpu.memref_squeeze %dma_wait3A_134 : memref<1x1x128xi32, #tpu.memory_space<hbm>> -> memref<128xi32, #tpu.memory_space<hbm>>
    %dma_wait3A_136 = arith.constant 0 : i32
    %dma_wait3A_137 = tpu.memref_slice %arg8[%dma_wait3A_129, %dma_wait3A_136] : memref<2x128xi32, #tpu.memory_space<vmem>> -> memref<1x128xi32, #tpu.memory_space<vmem>>
    %dma_wait3A_138 = tpu.memref_squeeze %dma_wait3A_137 : memref<1x128xi32, #tpu.memory_space<vmem>> -> memref<128xi32, #tpu.memory_space<vmem>>
    %dma_wait3A_139 = arith.constant 0 : i32
    %dma_wait3A_140 = tpu.memref_slice %arg4[%add3A, %dma_wait3A_128, %dma_wait3A_139] : memref<32x80x128xi32, #tpu.memory_space<hbm>> -> memref<1x1x128xi32, #tpu.memory_space<hbm>>
    %dma_wait3A_141 = tpu.memref_squeeze %dma_wait3A_140 : memref<1x1x128xi32, #tpu.memory_space<hbm>> -> memref<128xi32, #tpu.memory_space<hbm>>
    tpu.wait_dma2 semaphore(%arg14 : memref<!tpu.dma_semaphore, #tpu.memory_space<semaphore_mem>>) src(%dma_wait3A_141 : memref<128xi32, #tpu.memory_space<hbm>>) dst(%dma_wait3A_138 : memref<128xi32, #tpu.memory_space<vmem>>)
    %dma_start3A_142 = arith.constant 1 : i32
    %dma_start3A_143 = arith.constant 1 : i32
    %dma_start3A_144 = arith.constant 0 : i32
    %dma_start3A_145 = arith.constant 0 : i32
    %dma_start3A_146 = tpu.memref_slice %arg9[%dma_start3A_142, %dma_start3A_144, %dma_start3A_145] : memref<2x128x128xf32, #tpu.memory_space<vmem>> -> memref<1x128x128xf32, #tpu.memory_space<vmem>>
    %dma_start3A_147 = tpu.memref_squeeze %dma_start3A_146 : memref<1x128x128xf32, #tpu.memory_space<vmem>> -> memref<128x128xf32, #tpu.memory_space<vmem>>
    %dma_start3A_148 = arith.constant 0 : i32
    %dma_start3A_149 = tpu.memref_slice %arg8[%dma_start3A_143, %dma_start3A_148] : memref<2x128xi32, #tpu.memory_space<vmem>> -> memref<1x128xi32, #tpu.memory_space<vmem>>
    %dma_start3A_150 = tpu.memref_squeeze %dma_start3A_149 : memref<1x128xi32, #tpu.memory_space<vmem>> -> memref<128xi32, #tpu.memory_space<vmem>>
    %dma_start3A_151 = arith.constant 0 : i32
    %dma_start3A_152 = arith.constant 0 : i32
    %dma_start3A_153 = tpu.memref_slice %arg10[%dma_start3A_151, %dma_start3A_152] : memref<10240x128xf32, #tpu.memory_space<vmem_shared>> -> memref<10240x128xf32, #tpu.memory_space<vmem_shared>>
    tpu.enqueue_indirect_dma source(%dma_start3A_147 : memref<128x128xf32, #tpu.memory_space<vmem>>) target(%dma_start3A_153 : memref<10240x128xf32, #tpu.memory_space<vmem_shared>>) offsets(%dma_start3A_150 : memref<128xi32, #tpu.memory_space<vmem>>) semaphore(%arg16 : memref<!tpu.dma_semaphore, #tpu.memory_space<semaphore_mem>>) {add = true}
    %dma_wait3A_154 = arith.constant 0 : i32
    %dma_wait3A_155 = arith.constant 0 : i32
    %dma_wait3A_156 = arith.constant 0 : i32
    %dma_wait3A_157 = arith.constant 0 : i32
    %dma_wait3A_158 = tpu.memref_slice %arg9[%dma_wait3A_154, %dma_wait3A_156, %dma_wait3A_157] : memref<2x128x128xf32, #tpu.memory_space<vmem>> -> memref<1x128x128xf32, #tpu.memory_space<vmem>>
    %dma_wait3A_159 = tpu.memref_squeeze %dma_wait3A_158 : memref<1x128x128xf32, #tpu.memory_space<vmem>> -> memref<128x128xf32, #tpu.memory_space<vmem>>
    %dma_wait3A_160 = arith.constant 0 : i32
    %dma_wait3A_161 = tpu.memref_slice %arg8[%dma_wait3A_155, %dma_wait3A_160] : memref<2x128xi32, #tpu.memory_space<vmem>> -> memref<1x128xi32, #tpu.memory_space<vmem>>
    %dma_wait3A_162 = tpu.memref_squeeze %dma_wait3A_161 : memref<1x128xi32, #tpu.memory_space<vmem>> -> memref<128xi32, #tpu.memory_space<vmem>>
    %dma_wait3A_163 = arith.constant 0 : i32
    %dma_wait3A_164 = arith.constant 0 : i32
    %dma_wait3A_165 = tpu.memref_slice %arg10[%dma_wait3A_163, %dma_wait3A_164] : memref<10240x128xf32, #tpu.memory_space<vmem_shared>> -> memref<10240x128xf32, #tpu.memory_space<vmem_shared>>
    tpu.wait_indirect_dma semaphore(%arg15 : memref<!tpu.dma_semaphore, #tpu.memory_space<semaphore_mem>>) src(%dma_wait3A_159 : memref<128x128xf32, #tpu.memory_space<vmem>>) dst(%dma_wait3A_165 : memref<10240x128xf32, #tpu.memory_space<vmem_shared>>)
    %dma_wait3A_166 = arith.constant 1 : i32
    %dma_wait3A_167 = arith.constant 1 : i32
    %dma_wait3A_168 = arith.constant 0 : i32
    %dma_wait3A_169 = arith.constant 0 : i32
    %dma_wait3A_170 = tpu.memref_slice %arg9[%dma_wait3A_166, %dma_wait3A_168, %dma_wait3A_169] : memref<2x128x128xf32, #tpu.memory_space<vmem>> -> memref<1x128x128xf32, #tpu.memory_space<vmem>>
    %dma_wait3A_171 = tpu.memref_squeeze %dma_wait3A_170 : memref<1x128x128xf32, #tpu.memory_space<vmem>> -> memref<128x128xf32, #tpu.memory_space<vmem>>
    %dma_wait3A_172 = arith.constant 0 : i32
    %dma_wait3A_173 = tpu.memref_slice %arg8[%dma_wait3A_167, %dma_wait3A_172] : memref<2x128xi32, #tpu.memory_space<vmem>> -> memref<1x128xi32, #tpu.memory_space<vmem>>
    %dma_wait3A_174 = tpu.memref_squeeze %dma_wait3A_173 : memref<1x128xi32, #tpu.memory_space<vmem>> -> memref<128xi32, #tpu.memory_space<vmem>>
    %dma_wait3A_175 = arith.constant 0 : i32
    %dma_wait3A_176 = arith.constant 0 : i32
    %dma_wait3A_177 = tpu.memref_slice %arg10[%dma_wait3A_175, %dma_wait3A_176] : memref<10240x128xf32, #tpu.memory_space<vmem_shared>> -> memref<10240x128xf32, #tpu.memory_space<vmem_shared>>
    tpu.wait_indirect_dma semaphore(%arg16 : memref<!tpu.dma_semaphore, #tpu.memory_space<semaphore_mem>>) src(%dma_wait3A_171 : memref<128x128xf32, #tpu.memory_space<vmem>>) dst(%dma_wait3A_177 : memref<10240x128xf32, #tpu.memory_space<vmem_shared>>)
    %barrier3A_178 = arith.constant 0 : index
    tpu.barrier barrier_id(%barrier3A_178)
    %mul3A_179 = arith.constant 640 : i32
    %mul3A_180 = arith.muli %arg1, %mul3A_179 : i32
    %mul3A_181 = arith.constant 640 : i32
    %mul3A_182 = arith.muli %arg1, %mul3A_181 : i32
    "tpu.region"() ({
      %run_scoped3A = tpu.sem_alloc : memref<!tpu.dma_semaphore, #tpu.memory_space<semaphore_mem>>
      %dma_start3A_183 = arith.constant 0 : i32
      %dma_start3A_184 = tpu.memref_slice %arg6[%arg0, %mul3A_182, %dma_start3A_183] : memref<2x10240x128xf32, #tpu.memory_space<hbm>> -> memref<1x640x128xf32, #tpu.memory_space<hbm>>
      %dma_start3A_185 = tpu.memref_squeeze %dma_start3A_184 : memref<1x640x128xf32, #tpu.memory_space<hbm>> -> memref<640x128xf32, #tpu.memory_space<hbm>>
      %dma_start3A_186 = arith.constant 0 : i32
      %dma_start3A_187 = tpu.memref_slice %arg10[%mul3A_180, %dma_start3A_186] : memref<10240x128xf32, #tpu.memory_space<vmem_shared>> -> memref<640x128xf32, #tpu.memory_space<vmem_shared>>
      tpu.enqueue_dma source(%dma_start3A_187 : memref<640x128xf32, #tpu.memory_space<vmem_shared>>) target(%dma_start3A_185 : memref<640x128xf32, #tpu.memory_space<hbm>>) target_semaphore(%run_scoped3A : memref<!tpu.dma_semaphore, #tpu.memory_space<semaphore_mem>>)
      %dma_wait3A_188 = arith.constant 0 : i32
      %dma_wait3A_189 = tpu.memref_slice %arg6[%arg0, %mul3A_182, %dma_wait3A_188] : memref<2x10240x128xf32, #tpu.memory_space<hbm>> -> memref<1x640x128xf32, #tpu.memory_space<hbm>>
      %dma_wait3A_190 = tpu.memref_squeeze %dma_wait3A_189 : memref<1x640x128xf32, #tpu.memory_space<hbm>> -> memref<640x128xf32, #tpu.memory_space<hbm>>
      %dma_wait3A_191 = arith.constant 0 : i32
      %dma_wait3A_192 = tpu.memref_slice %arg10[%mul3A_180, %dma_wait3A_191] : memref<10240x128xf32, #tpu.memory_space<vmem_shared>> -> memref<640x128xf32, #tpu.memory_space<vmem_shared>>
      tpu.wait_dma2 semaphore(%run_scoped3A : memref<!tpu.dma_semaphore, #tpu.memory_space<semaphore_mem>>) src(%dma_wait3A_192 : memref<640x128xf32, #tpu.memory_space<vmem_shared>>) dst(%dma_wait3A_190 : memref<640x128xf32, #tpu.memory_space<hbm>>)
      tpu.yield
    }) : () -> ()
    return
  }
}

#map = affine_map<(d0, d1) -> (0, 0)>
#map1 = affine_map<(d0, d1) -> (0, 0, 0)>
module attributes {stable_mosaic.version = 14 : i64} {
  func.func @sc_scatter_rows(%arg0: i32, %arg1: i32, %arg2: memref<10240x128xf32, #tpu.memory_space<hbm>>, %arg3: memref<32x80x128xi32, #tpu.memory_space<hbm>>, %arg4: memref<32x80x128xi32, #tpu.memory_space<hbm>>, %arg5: memref<640x128xf32, #tpu.memory_space<hbm>>, %arg6: memref<2x10240x128xf32, #tpu.memory_space<hbm>>, %arg7: memref<80x128xi32, #tpu.memory_space<vmem>>, %arg8: memref<2x128xi32, #tpu.memory_space<vmem>>, %arg9: memref<2x128x128xf32, #tpu.memory_space<vmem>>, %arg10: memref<10240x128xf32, #tpu.memory_space<vmem_shared>>, %arg11: memref<!tpu.dma_semaphore, #tpu.memory_space<semaphore_mem>>, %arg12: memref<!tpu.dma_semaphore, #tpu.memory_space<semaphore_mem>>, %arg13: memref<!tpu.dma_semaphore, #tpu.memory_space<semaphore_mem>>, %arg14: memref<!tpu.dma_semaphore, #tpu.memory_space<semaphore_mem>>, %arg15: memref<!tpu.dma_semaphore, #tpu.memory_space<semaphore_mem>>, %arg16: memref<!tpu.dma_semaphore, #tpu.memory_space<semaphore_mem>>) attributes {dimension_semantics = [#tpu.dimension_semantics<core_parallel>, #tpu.dimension_semantics<subcore_parallel>], iteration_bounds = array<i64: 2, 16>, scalar_prefetch = 0 : i64, scratch_operands = 10 : i64, tpu.core_type = #tpu.core_type<sc_vector_subcore>, window_params = [{transform_indices = #map}, {transform_indices = #map1}, {transform_indices = #map1}, {transform_indices = #map}, {transform_indices = #map1}]} {
    %mul3A = arith.constant 2 : i32
    %mul3A_0 = arith.muli %arg1, %mul3A : i32
    %add3A = arith.addi %mul3A_0, %arg0 : i32
    %mul3A_1 = arith.constant 640 : i32
    %mul3A_2 = arith.muli %arg1, %mul3A_1 : i32
    %dma_start3A = arith.constant 0 : i32
    %dma_start3A_3 = tpu.memref_slice %arg10[%mul3A_2, %dma_start3A] : memref<10240x128xf32, #tpu.memory_space<vmem_shared>> -> memref<640x128xf32, #tpu.memory_space<vmem_shared>>
    tpu.enqueue_dma source(%arg5 : memref<640x128xf32, #tpu.memory_space<hbm>>) target(%dma_start3A_3 : memref<640x128xf32, #tpu.memory_space<vmem_shared>>) target_semaphore(%arg11 : memref<!tpu.dma_semaphore, #tpu.memory_space<semaphore_mem>>)
    %dma_start3A_4 = arith.constant 0 : i32
    %dma_start3A_5 = arith.constant 0 : i32
    %dma_start3A_6 = tpu.memref_slice %arg3[%add3A, %dma_start3A_4, %dma_start3A_5] : memref<32x80x128xi32, #tpu.memory_space<hbm>> -> memref<1x80x128xi32, #tpu.memory_space<hbm>>
    %dma_start3A_7 = tpu.memref_squeeze %dma_start3A_6 : memref<1x80x128xi32, #tpu.memory_space<hbm>> -> memref<80x128xi32, #tpu.memory_space<hbm>>
    %dma_start3A_8 = arith.constant 0 : i32
    %dma_start3A_9 = arith.constant 0 : i32
    %dma_start3A_10 = tpu.memref_slice %arg3[%add3A, %dma_start3A_8, %dma_start3A_9] : memref<32x80x128xi32, #tpu.memory_space<hbm>> -> memref<1x80x128xi32, #tpu.memory_space<hbm>>
    %dma_start3A_11 = tpu.memref_squeeze %dma_start3A_10 : memref<1x80x128xi32, #tpu.memory_space<hbm>> -> memref<80x128xi32, #tpu.memory_space<hbm>>
    tpu.enqueue_dma source(%dma_start3A_11 : memref<80x128xi32, #tpu.memory_space<hbm>>) target(%arg7 : memref<80x128xi32, #tpu.memory_space<vmem>>) target_semaphore(%arg12 : memref<!tpu.dma_semaphore, #tpu.memory_space<semaphore_mem>>)
    %dma_wait3A = arith.constant 0 : i32
    %dma_wait3A_12 = tpu.memref_slice %arg10[%mul3A_2, %dma_wait3A] : memref<10240x128xf32, #tpu.memory_space<vmem_shared>> -> memref<640x128xf32, #tpu.memory_space<vmem_shared>>
    tpu.wait_dma2 semaphore(%arg11 : memref<!tpu.dma_semaphore, #tpu.memory_space<semaphore_mem>>) src(%arg5 : memref<640x128xf32, #tpu.memory_space<hbm>>) dst(%dma_wait3A_12 : memref<640x128xf32, #tpu.memory_space<vmem_shared>>)
    %dma_wait3A_13 = arith.constant 0 : i32
    %dma_wait3A_14 = arith.constant 0 : i32
    %dma_wait3A_15 = tpu.memref_slice %arg3[%add3A, %dma_wait3A_13, %dma_wait3A_14] : memref<32x80x128xi32, #tpu.memory_space<hbm>> -> memref<1x80x128xi32, #tpu.memory_space<hbm>>
    %dma_wait3A_16 = tpu.memref_squeeze %dma_wait3A_15 : memref<1x80x128xi32, #tpu.memory_space<hbm>> -> memref<80x128xi32, #tpu.memory_space<hbm>>
    %dma_wait3A_17 = arith.constant 0 : i32
    %dma_wait3A_18 = arith.constant 0 : i32
    %dma_wait3A_19 = tpu.memref_slice %arg3[%add3A, %dma_wait3A_17, %dma_wait3A_18] : memref<32x80x128xi32, #tpu.memory_space<hbm>> -> memref<1x80x128xi32, #tpu.memory_space<hbm>>
    %dma_wait3A_20 = tpu.memref_squeeze %dma_wait3A_19 : memref<1x80x128xi32, #tpu.memory_space<hbm>> -> memref<80x128xi32, #tpu.memory_space<hbm>>
    tpu.wait_dma2 semaphore(%arg12 : memref<!tpu.dma_semaphore, #tpu.memory_space<semaphore_mem>>) src(%dma_wait3A_20 : memref<80x128xi32, #tpu.memory_space<hbm>>) dst(%arg7 : memref<80x128xi32, #tpu.memory_space<vmem>>)
    %barrier3A = arith.constant 0 : index
    tpu.barrier barrier_id(%barrier3A)
    %dma_start3A_21 = arith.constant 0 : i32
    %dma_start3A_22 = arith.constant 0 : i32
    %dma_start3A_23 = arith.constant 0 : i32
    %dma_start3A_24 = tpu.memref_slice %arg8[%dma_start3A_22, %dma_start3A_23] : memref<2x128xi32, #tpu.memory_space<vmem>> -> memref<1x128xi32, #tpu.memory_space<vmem>>
    %dma_start3A_25 = tpu.memref_squeeze %dma_start3A_24 : memref<1x128xi32, #tpu.memory_space<vmem>> -> memref<128xi32, #tpu.memory_space<vmem>>
    %dma_start3A_26 = arith.constant 0 : i32
    %dma_start3A_27 = tpu.memref_slice %arg4[%add3A, %dma_start3A_21, %dma_start3A_26] : memref<32x80x128xi32, #tpu.memory_space<hbm>> -> memref<1x1x128xi32, #tpu.memory_space<hbm>>
    %dma_start3A_28 = tpu.memref_squeeze %dma_start3A_27 : memref<1x1x128xi32, #tpu.memory_space<hbm>> -> memref<128xi32, #tpu.memory_space<hbm>>
    %dma_start3A_29 = arith.constant 0 : i32
    %dma_start3A_30 = tpu.memref_slice %arg8[%dma_start3A_22, %dma_start3A_29] : memref<2x128xi32, #tpu.memory_space<vmem>> -> memref<1x128xi32, #tpu.memory_space<vmem>>
    %dma_start3A_31 = tpu.memref_squeeze %dma_start3A_30 : memref<1x128xi32, #tpu.memory_space<vmem>> -> memref<128xi32, #tpu.memory_space<vmem>>
    %dma_start3A_32 = arith.constant 0 : i32
    %dma_start3A_33 = tpu.memref_slice %arg4[%add3A, %dma_start3A_21, %dma_start3A_32] : memref<32x80x128xi32, #tpu.memory_space<hbm>> -> memref<1x1x128xi32, #tpu.memory_space<hbm>>
    %dma_start3A_34 = tpu.memref_squeeze %dma_start3A_33 : memref<1x1x128xi32, #tpu.memory_space<hbm>> -> memref<128xi32, #tpu.memory_space<hbm>>
    tpu.enqueue_dma source(%dma_start3A_34 : memref<128xi32, #tpu.memory_space<hbm>>) target(%dma_start3A_31 : memref<128xi32, #tpu.memory_space<vmem>>) target_semaphore(%arg13 : memref<!tpu.dma_semaphore, #tpu.memory_space<semaphore_mem>>)
    %dma_start3A_35 = arith.constant 0 : i32
    %dma_start3A_36 = arith.constant 0 : i32
    %dma_start3A_37 = arith.constant 0 : i32
    %dma_start3A_38 = arith.constant 0 : i32
    %dma_start3A_39 = tpu.memref_slice %arg9[%dma_start3A_36, %dma_start3A_37, %dma_start3A_38] : memref<2x128x128xf32, #tpu.memory_space<vmem>> -> memref<1x128x128xf32, #tpu.memory_space<vmem>>
    %dma_start3A_40 = tpu.memref_squeeze %dma_start3A_39 : memref<1x128x128xf32, #tpu.memory_space<vmem>> -> memref<128x128xf32, #tpu.memory_space<vmem>>
    %dma_start3A_41 = arith.constant 0 : i32
    %dma_start3A_42 = tpu.memref_slice %arg7[%dma_start3A_35, %dma_start3A_41] : memref<80x128xi32, #tpu.memory_space<vmem>> -> memref<1x128xi32, #tpu.memory_space<vmem>>
    %dma_start3A_43 = tpu.memref_squeeze %dma_start3A_42 : memref<1x128xi32, #tpu.memory_space<vmem>> -> memref<128xi32, #tpu.memory_space<vmem>>
    %dma_start3A_44 = arith.constant 0 : i32
    %dma_start3A_45 = arith.constant 0 : i32
    %dma_start3A_46 = tpu.memref_slice %arg2[%dma_start3A_44, %dma_start3A_45] : memref<10240x128xf32, #tpu.memory_space<hbm>> -> memref<10240x128xf32, #tpu.memory_space<hbm>>
    tpu.enqueue_indirect_dma source(%dma_start3A_46 : memref<10240x128xf32, #tpu.memory_space<hbm>>) target(%dma_start3A_40 : memref<128x128xf32, #tpu.memory_space<vmem>>) offsets(%dma_start3A_43 : memref<128xi32, #tpu.memory_space<vmem>>) semaphore(%arg11 : memref<!tpu.dma_semaphore, #tpu.memory_space<semaphore_mem>>)
    %dma_wait3A_47 = arith.constant 0 : i32
    %dma_wait3A_48 = arith.constant 0 : i32
    %dma_wait3A_49 = arith.constant 0 : i32
    %dma_wait3A_50 = arith.constant 0 : i32
    %dma_wait3A_51 = tpu.memref_slice %arg9[%dma_wait3A_48, %dma_wait3A_49, %dma_wait3A_50] : memref<2x128x128xf32, #tpu.memory_space<vmem>> -> memref<1x128x128xf32, #tpu.memory_space<vmem>>
    %dma_wait3A_52 = tpu.memref_squeeze %dma_wait3A_51 : memref<1x128x128xf32, #tpu.memory_space<vmem>> -> memref<128x128xf32, #tpu.memory_space<vmem>>
    %dma_wait3A_53 = arith.constant 0 : i32
    %dma_wait3A_54 = tpu.memref_slice %arg7[%dma_wait3A_47, %dma_wait3A_53] : memref<80x128xi32, #tpu.memory_space<vmem>> -> memref<1x128xi32, #tpu.memory_space<vmem>>
    %dma_wait3A_55 = tpu.memref_squeeze %dma_wait3A_54 : memref<1x128xi32, #tpu.memory_space<vmem>> -> memref<128xi32, #tpu.memory_space<vmem>>
    %dma_wait3A_56 = arith.constant 0 : i32
    %dma_wait3A_57 = arith.constant 0 : i32
    %dma_wait3A_58 = tpu.memref_slice %arg2[%dma_wait3A_56, %dma_wait3A_57] : memref<10240x128xf32, #tpu.memory_space<hbm>> -> memref<10240x128xf32, #tpu.memory_space<hbm>>
    tpu.wait_indirect_dma semaphore(%arg11 : memref<!tpu.dma_semaphore, #tpu.memory_space<semaphore_mem>>) src(%dma_wait3A_58 : memref<10240x128xf32, #tpu.memory_space<hbm>>) dst(%dma_wait3A_52 : memref<128x128xf32, #tpu.memory_space<vmem>>)
    %dma_wait3A_59 = arith.constant 0 : i32
    %dma_wait3A_60 = arith.constant 0 : i32
    %dma_wait3A_61 = arith.constant 0 : i32
    %dma_wait3A_62 = tpu.memref_slice %arg8[%dma_wait3A_60, %dma_wait3A_61] : memref<2x128xi32, #tpu.memory_space<vmem>> -> memref<1x128xi32, #tpu.memory_space<vmem>>
    %dma_wait3A_63 = tpu.memref_squeeze %dma_wait3A_62 : memref<1x128xi32, #tpu.memory_space<vmem>> -> memref<128xi32, #tpu.memory_space<vmem>>
    %dma_wait3A_64 = arith.constant 0 : i32
    %dma_wait3A_65 = tpu.memref_slice %arg4[%add3A, %dma_wait3A_59, %dma_wait3A_64] : memref<32x80x128xi32, #tpu.memory_space<hbm>> -> memref<1x1x128xi32, #tpu.memory_space<hbm>>
    %dma_wait3A_66 = tpu.memref_squeeze %dma_wait3A_65 : memref<1x1x128xi32, #tpu.memory_space<hbm>> -> memref<128xi32, #tpu.memory_space<hbm>>
    %dma_wait3A_67 = arith.constant 0 : i32
    %dma_wait3A_68 = tpu.memref_slice %arg8[%dma_wait3A_60, %dma_wait3A_67] : memref<2x128xi32, #tpu.memory_space<vmem>> -> memref<1x128xi32, #tpu.memory_space<vmem>>
    %dma_wait3A_69 = tpu.memref_squeeze %dma_wait3A_68 : memref<1x128xi32, #tpu.memory_space<vmem>> -> memref<128xi32, #tpu.memory_space<vmem>>
    %dma_wait3A_70 = arith.constant 0 : i32
    %dma_wait3A_71 = tpu.memref_slice %arg4[%add3A, %dma_wait3A_59, %dma_wait3A_70] : memref<32x80x128xi32, #tpu.memory_space<hbm>> -> memref<1x1x128xi32, #tpu.memory_space<hbm>>
    %dma_wait3A_72 = tpu.memref_squeeze %dma_wait3A_71 : memref<1x1x128xi32, #tpu.memory_space<hbm>> -> memref<128xi32, #tpu.memory_space<hbm>>
    tpu.wait_dma2 semaphore(%arg13 : memref<!tpu.dma_semaphore, #tpu.memory_space<semaphore_mem>>) src(%dma_wait3A_72 : memref<128xi32, #tpu.memory_space<hbm>>) dst(%dma_wait3A_69 : memref<128xi32, #tpu.memory_space<vmem>>)
    %dma_start3A_73 = arith.constant 0 : i32
    %dma_start3A_74 = arith.constant 0 : i32
    %dma_start3A_75 = arith.constant 0 : i32
    %dma_start3A_76 = arith.constant 0 : i32
    %dma_start3A_77 = tpu.memref_slice %arg9[%dma_start3A_73, %dma_start3A_75, %dma_start3A_76] : memref<2x128x128xf32, #tpu.memory_space<vmem>> -> memref<1x128x128xf32, #tpu.memory_space<vmem>>
    %dma_start3A_78 = tpu.memref_squeeze %dma_start3A_77 : memref<1x128x128xf32, #tpu.memory_space<vmem>> -> memref<128x128xf32, #tpu.memory_space<vmem>>
    %dma_start3A_79 = arith.constant 0 : i32
    %dma_start3A_80 = tpu.memref_slice %arg8[%dma_start3A_74, %dma_start3A_79] : memref<2x128xi32, #tpu.memory_space<vmem>> -> memref<1x128xi32, #tpu.memory_space<vmem>>
    %dma_start3A_81 = tpu.memref_squeeze %dma_start3A_80 : memref<1x128xi32, #tpu.memory_space<vmem>> -> memref<128xi32, #tpu.memory_space<vmem>>
    %dma_start3A_82 = arith.constant 0 : i32
    %dma_start3A_83 = arith.constant 0 : i32
    %dma_start3A_84 = tpu.memref_slice %arg10[%dma_start3A_82, %dma_start3A_83] : memref<10240x128xf32, #tpu.memory_space<vmem_shared>> -> memref<10240x128xf32, #tpu.memory_space<vmem_shared>>
    tpu.enqueue_indirect_dma source(%dma_start3A_78 : memref<128x128xf32, #tpu.memory_space<vmem>>) target(%dma_start3A_84 : memref<10240x128xf32, #tpu.memory_space<vmem_shared>>) offsets(%dma_start3A_81 : memref<128xi32, #tpu.memory_space<vmem>>) semaphore(%arg15 : memref<!tpu.dma_semaphore, #tpu.memory_space<semaphore_mem>>) {add = true}
    %dma_start3A_85 = arith.constant 1 : i32
    %dma_start3A_86 = arith.constant 1 : i32
    %dma_start3A_87 = arith.constant 0 : i32
    %dma_start3A_88 = arith.constant 0 : i32
    %dma_start3A_89 = tpu.memref_slice %arg9[%dma_start3A_86, %dma_start3A_87, %dma_start3A_88] : memref<2x128x128xf32, #tpu.memory_space<vmem>> -> memref<1x128x128xf32, #tpu.memory_space<vmem>>
    %dma_start3A_90 = tpu.memref_squeeze %dma_start3A_89 : memref<1x128x128xf32, #tpu.memory_space<vmem>> -> memref<128x128xf32, #tpu.memory_space<vmem>>
    %dma_start3A_91 = arith.constant 0 : i32
    %dma_start3A_92 = tpu.memref_slice %arg7[%dma_start3A_85, %dma_start3A_91] : memref<80x128xi32, #tpu.memory_space<vmem>> -> memref<1x128xi32, #tpu.memory_space<vmem>>
    %dma_start3A_93 = tpu.memref_squeeze %dma_start3A_92 : memref<1x128xi32, #tpu.memory_space<vmem>> -> memref<128xi32, #tpu.memory_space<vmem>>
    %dma_start3A_94 = arith.constant 0 : i32
    %dma_start3A_95 = arith.constant 0 : i32
    %dma_start3A_96 = tpu.memref_slice %arg2[%dma_start3A_94, %dma_start3A_95] : memref<10240x128xf32, #tpu.memory_space<hbm>> -> memref<10240x128xf32, #tpu.memory_space<hbm>>
    tpu.enqueue_indirect_dma source(%dma_start3A_96 : memref<10240x128xf32, #tpu.memory_space<hbm>>) target(%dma_start3A_90 : memref<128x128xf32, #tpu.memory_space<vmem>>) offsets(%dma_start3A_93 : memref<128xi32, #tpu.memory_space<vmem>>) semaphore(%arg12 : memref<!tpu.dma_semaphore, #tpu.memory_space<semaphore_mem>>)
    %dma_start3A_97 = arith.constant 1 : i32
    %dma_start3A_98 = arith.constant 1 : i32
    %dma_start3A_99 = arith.constant 0 : i32
    %dma_start3A_100 = tpu.memref_slice %arg8[%dma_start3A_98, %dma_start3A_99] : memref<2x128xi32, #tpu.memory_space<vmem>> -> memref<1x128xi32, #tpu.memory_space<vmem>>
    %dma_start3A_101 = tpu.memref_squeeze %dma_start3A_100 : memref<1x128xi32, #tpu.memory_space<vmem>> -> memref<128xi32, #tpu.memory_space<vmem>>
    %dma_start3A_102 = arith.constant 0 : i32
    %dma_start3A_103 = tpu.memref_slice %arg4[%add3A, %dma_start3A_97, %dma_start3A_102] : memref<32x80x128xi32, #tpu.memory_space<hbm>> -> memref<1x1x128xi32, #tpu.memory_space<hbm>>
    %dma_start3A_104 = tpu.memref_squeeze %dma_start3A_103 : memref<1x1x128xi32, #tpu.memory_space<hbm>> -> memref<128xi32, #tpu.memory_space<hbm>>
    %dma_start3A_105 = arith.constant 0 : i32
    %dma_start3A_106 = tpu.memref_slice %arg8[%dma_start3A_98, %dma_start3A_105] : memref<2x128xi32, #tpu.memory_space<vmem>> -> memref<1x128xi32, #tpu.memory_space<vmem>>
    %dma_start3A_107 = tpu.memref_squeeze %dma_start3A_106 : memref<1x128xi32, #tpu.memory_space<vmem>> -> memref<128xi32, #tpu.memory_space<vmem>>
    %dma_start3A_108 = arith.constant 0 : i32
    %dma_start3A_109 = tpu.memref_slice %arg4[%add3A, %dma_start3A_97, %dma_start3A_108] : memref<32x80x128xi32, #tpu.memory_space<hbm>> -> memref<1x1x128xi32, #tpu.memory_space<hbm>>
    %dma_start3A_110 = tpu.memref_squeeze %dma_start3A_109 : memref<1x1x128xi32, #tpu.memory_space<hbm>> -> memref<128xi32, #tpu.memory_space<hbm>>
    tpu.enqueue_dma source(%dma_start3A_110 : memref<128xi32, #tpu.memory_space<hbm>>) target(%dma_start3A_107 : memref<128xi32, #tpu.memory_space<vmem>>) target_semaphore(%arg14 : memref<!tpu.dma_semaphore, #tpu.memory_space<semaphore_mem>>)
    %scan3A = arith.constant 0 : i32
    %scan3A_111 = arith.constant 0 : i32
    %scan3A_112 = arith.constant 39 : i32
    %scan3A_113 = arith.addi %scan3A_111, %scan3A_112 : i32
    %scan3A_114 = arith.constant 1 : i32
    scf.for %scan3A_183 = %scan3A_111 to %scan3A_113 step %scan3A_114  : i32 {
      %mul3A_184 = arith.constant 2 : i32
      %mul3A_185 = arith.muli %scan3A_183, %mul3A_184 : i32
      %add3A_186 = arith.constant 1 : i32
      %add3A_187 = arith.addi %mul3A_185, %add3A_186 : i32
      %sub3A = arith.constant 1 : i32
      %sub3A_188 = arith.subi %add3A_187, %sub3A : i32
      %dma_wait3A_189 = arith.constant 0 : i32
      %dma_wait3A_190 = arith.constant 0 : i32
      %dma_wait3A_191 = arith.constant 0 : i32
      %dma_wait3A_192 = arith.constant 0 : i32
      %dma_wait3A_193 = tpu.memref_slice %arg9[%dma_wait3A_189, %dma_wait3A_191, %dma_wait3A_192] : memref<2x128x128xf32, #tpu.memory_space<vmem>> -> memref<1x128x128xf32, #tpu.memory_space<vmem>>
      %dma_wait3A_194 = tpu.memref_squeeze %dma_wait3A_193 : memref<1x128x128xf32, #tpu.memory_space<vmem>> -> memref<128x128xf32, #tpu.memory_space<vmem>>
      %dma_wait3A_195 = arith.constant 0 : i32
      %dma_wait3A_196 = tpu.memref_slice %arg8[%dma_wait3A_190, %dma_wait3A_195] : memref<2x128xi32, #tpu.memory_space<vmem>> -> memref<1x128xi32, #tpu.memory_space<vmem>>
      %dma_wait3A_197 = tpu.memref_squeeze %dma_wait3A_196 : memref<1x128xi32, #tpu.memory_space<vmem>> -> memref<128xi32, #tpu.memory_space<vmem>>
      %dma_wait3A_198 = arith.constant 0 : i32
      %dma_wait3A_199 = arith.constant 0 : i32
      %dma_wait3A_200 = tpu.memref_slice %arg10[%dma_wait3A_198, %dma_wait3A_199] : memref<10240x128xf32, #tpu.memory_space<vmem_shared>> -> memref<10240x128xf32, #tpu.memory_space<vmem_shared>>
      tpu.wait_indirect_dma semaphore(%arg15 : memref<!tpu.dma_semaphore, #tpu.memory_space<semaphore_mem>>) src(%dma_wait3A_194 : memref<128x128xf32, #tpu.memory_space<vmem>>) dst(%dma_wait3A_200 : memref<10240x128xf32, #tpu.memory_space<vmem_shared>>)
      %add3A_201 = arith.constant 1 : i32
      %add3A_202 = arith.addi %add3A_187, %add3A_201 : i32
      %dma_start3A_203 = arith.constant 0 : i32
      %dma_start3A_204 = arith.constant 0 : i32
      %dma_start3A_205 = arith.constant 0 : i32
      %dma_start3A_206 = tpu.memref_slice %arg9[%dma_start3A_203, %dma_start3A_204, %dma_start3A_205] : memref<2x128x128xf32, #tpu.memory_space<vmem>> -> memref<1x128x128xf32, #tpu.memory_space<vmem>>
      %dma_start3A_207 = tpu.memref_squeeze %dma_start3A_206 : memref<1x128x128xf32, #tpu.memory_space<vmem>> -> memref<128x128xf32, #tpu.memory_space<vmem>>
      %dma_start3A_208 = arith.constant 0 : i32
      %dma_start3A_209 = tpu.memref_slice %arg7[%add3A_202, %dma_start3A_208] : memref<80x128xi32, #tpu.memory_space<vmem>> -> memref<1x128xi32, #tpu.memory_space<vmem>>
      %dma_start3A_210 = tpu.memref_squeeze %dma_start3A_209 : memref<1x128xi32, #tpu.memory_space<vmem>> -> memref<128xi32, #tpu.memory_space<vmem>>
      %dma_start3A_211 = arith.constant 0 : i32
      %dma_start3A_212 = arith.constant 0 : i32
      %dma_start3A_213 = tpu.memref_slice %arg2[%dma_start3A_211, %dma_start3A_212] : memref<10240x128xf32, #tpu.memory_space<hbm>> -> memref<10240x128xf32, #tpu.memory_space<hbm>>
      tpu.enqueue_indirect_dma source(%dma_start3A_213 : memref<10240x128xf32, #tpu.memory_space<hbm>>) target(%dma_start3A_207 : memref<128x128xf32, #tpu.memory_space<vmem>>) offsets(%dma_start3A_210 : memref<128xi32, #tpu.memory_space<vmem>>) semaphore(%arg11 : memref<!tpu.dma_semaphore, #tpu.memory_space<semaphore_mem>>)
      %add3A_214 = arith.constant 1 : i32
      %add3A_215 = arith.addi %add3A_187, %add3A_214 : i32
      %dma_start3A_216 = arith.constant 0 : i32
      %dma_start3A_217 = arith.constant 0 : i32
      %dma_start3A_218 = tpu.memref_slice %arg8[%dma_start3A_216, %dma_start3A_217] : memref<2x128xi32, #tpu.memory_space<vmem>> -> memref<1x128xi32, #tpu.memory_space<vmem>>
      %dma_start3A_219 = tpu.memref_squeeze %dma_start3A_218 : memref<1x128xi32, #tpu.memory_space<vmem>> -> memref<128xi32, #tpu.memory_space<vmem>>
      %dma_start3A_220 = arith.constant 0 : i32
      %dma_start3A_221 = tpu.memref_slice %arg4[%add3A, %add3A_215, %dma_start3A_220] : memref<32x80x128xi32, #tpu.memory_space<hbm>> -> memref<1x1x128xi32, #tpu.memory_space<hbm>>
      %dma_start3A_222 = tpu.memref_squeeze %dma_start3A_221 : memref<1x1x128xi32, #tpu.memory_space<hbm>> -> memref<128xi32, #tpu.memory_space<hbm>>
      %dma_start3A_223 = arith.constant 0 : i32
      %dma_start3A_224 = tpu.memref_slice %arg8[%dma_start3A_216, %dma_start3A_223] : memref<2x128xi32, #tpu.memory_space<vmem>> -> memref<1x128xi32, #tpu.memory_space<vmem>>
      %dma_start3A_225 = tpu.memref_squeeze %dma_start3A_224 : memref<1x128xi32, #tpu.memory_space<vmem>> -> memref<128xi32, #tpu.memory_space<vmem>>
      %dma_start3A_226 = arith.constant 0 : i32
      %dma_start3A_227 = tpu.memref_slice %arg4[%add3A, %add3A_215, %dma_start3A_226] : memref<32x80x128xi32, #tpu.memory_space<hbm>> -> memref<1x1x128xi32, #tpu.memory_space<hbm>>
      %dma_start3A_228 = tpu.memref_squeeze %dma_start3A_227 : memref<1x1x128xi32, #tpu.memory_space<hbm>> -> memref<128xi32, #tpu.memory_space<hbm>>
      tpu.enqueue_dma source(%dma_start3A_228 : memref<128xi32, #tpu.memory_space<hbm>>) target(%dma_start3A_225 : memref<128xi32, #tpu.memory_space<vmem>>) target_semaphore(%arg13 : memref<!tpu.dma_semaphore, #tpu.memory_space<semaphore_mem>>)
      %dma_wait3A_229 = arith.constant 1 : i32
      %dma_wait3A_230 = arith.constant 0 : i32
      %dma_wait3A_231 = arith.constant 0 : i32
      %dma_wait3A_232 = tpu.memref_slice %arg9[%dma_wait3A_229, %dma_wait3A_230, %dma_wait3A_231] : memref<2x128x128xf32, #tpu.memory_space<vmem>> -> memref<1x128x128xf32, #tpu.memory_space<vmem>>
      %dma_wait3A_233 = tpu.memref_squeeze %dma_wait3A_232 : memref<1x128x128xf32, #tpu.memory_space<vmem>> -> memref<128x128xf32, #tpu.memory_space<vmem>>
      %dma_wait3A_234 = arith.constant 0 : i32
      %dma_wait3A_235 = tpu.memref_slice %arg7[%add3A_187, %dma_wait3A_234] : memref<80x128xi32, #tpu.memory_space<vmem>> -> memref<1x128xi32, #tpu.memory_space<vmem>>
      %dma_wait3A_236 = tpu.memref_squeeze %dma_wait3A_235 : memref<1x128xi32, #tpu.memory_space<vmem>> -> memref<128xi32, #tpu.memory_space<vmem>>
      %dma_wait3A_237 = arith.constant 0 : i32
      %dma_wait3A_238 = arith.constant 0 : i32
      %dma_wait3A_239 = tpu.memref_slice %arg2[%dma_wait3A_237, %dma_wait3A_238] : memref<10240x128xf32, #tpu.memory_space<hbm>> -> memref<10240x128xf32, #tpu.memory_space<hbm>>
      tpu.wait_indirect_dma semaphore(%arg12 : memref<!tpu.dma_semaphore, #tpu.memory_space<semaphore_mem>>) src(%dma_wait3A_239 : memref<10240x128xf32, #tpu.memory_space<hbm>>) dst(%dma_wait3A_233 : memref<128x128xf32, #tpu.memory_space<vmem>>)
      %dma_wait3A_240 = arith.constant 1 : i32
      %dma_wait3A_241 = arith.constant 0 : i32
      %dma_wait3A_242 = tpu.memref_slice %arg8[%dma_wait3A_240, %dma_wait3A_241] : memref<2x128xi32, #tpu.memory_space<vmem>> -> memref<1x128xi32, #tpu.memory_space<vmem>>
      %dma_wait3A_243 = tpu.memref_squeeze %dma_wait3A_242 : memref<1x128xi32, #tpu.memory_space<vmem>> -> memref<128xi32, #tpu.memory_space<vmem>>
      %dma_wait3A_244 = arith.constant 0 : i32
      %dma_wait3A_245 = tpu.memref_slice %arg4[%add3A, %add3A_187, %dma_wait3A_244] : memref<32x80x128xi32, #tpu.memory_space<hbm>> -> memref<1x1x128xi32, #tpu.memory_space<hbm>>
      %dma_wait3A_246 = tpu.memref_squeeze %dma_wait3A_245 : memref<1x1x128xi32, #tpu.memory_space<hbm>> -> memref<128xi32, #tpu.memory_space<hbm>>
      %dma_wait3A_247 = arith.constant 0 : i32
      %dma_wait3A_248 = tpu.memref_slice %arg8[%dma_wait3A_240, %dma_wait3A_247] : memref<2x128xi32, #tpu.memory_space<vmem>> -> memref<1x128xi32, #tpu.memory_space<vmem>>
      %dma_wait3A_249 = tpu.memref_squeeze %dma_wait3A_248 : memref<1x128xi32, #tpu.memory_space<vmem>> -> memref<128xi32, #tpu.memory_space<vmem>>
      %dma_wait3A_250 = arith.constant 0 : i32
      %dma_wait3A_251 = tpu.memref_slice %arg4[%add3A, %add3A_187, %dma_wait3A_250] : memref<32x80x128xi32, #tpu.memory_space<hbm>> -> memref<1x1x128xi32, #tpu.memory_space<hbm>>
      %dma_wait3A_252 = tpu.memref_squeeze %dma_wait3A_251 : memref<1x1x128xi32, #tpu.memory_space<hbm>> -> memref<128xi32, #tpu.memory_space<hbm>>
      tpu.wait_dma2 semaphore(%arg14 : memref<!tpu.dma_semaphore, #tpu.memory_space<semaphore_mem>>) src(%dma_wait3A_252 : memref<128xi32, #tpu.memory_space<hbm>>) dst(%dma_wait3A_249 : memref<128xi32, #tpu.memory_space<vmem>>)
      %dma_start3A_253 = arith.constant 1 : i32
      %dma_start3A_254 = arith.constant 1 : i32
      %dma_start3A_255 = arith.constant 0 : i32
      %dma_start3A_256 = arith.constant 0 : i32
      %dma_start3A_257 = tpu.memref_slice %arg9[%dma_start3A_253, %dma_start3A_255, %dma_start3A_256] : memref<2x128x128xf32, #tpu.memory_space<vmem>> -> memref<1x128x128xf32, #tpu.memory_space<vmem>>
      %dma_start3A_258 = tpu.memref_squeeze %dma_start3A_257 : memref<1x128x128xf32, #tpu.memory_space<vmem>> -> memref<128x128xf32, #tpu.memory_space<vmem>>
      %dma_start3A_259 = arith.constant 0 : i32
      %dma_start3A_260 = tpu.memref_slice %arg8[%dma_start3A_254, %dma_start3A_259] : memref<2x128xi32, #tpu.memory_space<vmem>> -> memref<1x128xi32, #tpu.memory_space<vmem>>
      %dma_start3A_261 = tpu.memref_squeeze %dma_start3A_260 : memref<1x128xi32, #tpu.memory_space<vmem>> -> memref<128xi32, #tpu.memory_space<vmem>>
      %dma_start3A_262 = arith.constant 0 : i32
      %dma_start3A_263 = arith.constant 0 : i32
      %dma_start3A_264 = tpu.memref_slice %arg10[%dma_start3A_262, %dma_start3A_263] : memref<10240x128xf32, #tpu.memory_space<vmem_shared>> -> memref<10240x128xf32, #tpu.memory_space<vmem_shared>>
      tpu.enqueue_indirect_dma source(%dma_start3A_258 : memref<128x128xf32, #tpu.memory_space<vmem>>) target(%dma_start3A_264 : memref<10240x128xf32, #tpu.memory_space<vmem_shared>>) offsets(%dma_start3A_261 : memref<128xi32, #tpu.memory_space<vmem>>) semaphore(%arg16 : memref<!tpu.dma_semaphore, #tpu.memory_space<semaphore_mem>>) {add = true}
      %mul3A_265 = arith.constant 2 : i32
      %mul3A_266 = arith.muli %scan3A_183, %mul3A_265 : i32
      %add3A_267 = arith.constant 2 : i32
      %add3A_268 = arith.addi %mul3A_266, %add3A_267 : i32
      %sub3A_269 = arith.constant 1 : i32
      %sub3A_270 = arith.subi %add3A_268, %sub3A_269 : i32
      %dma_wait3A_271 = arith.constant 1 : i32
      %dma_wait3A_272 = arith.constant 1 : i32
      %dma_wait3A_273 = arith.constant 0 : i32
      %dma_wait3A_274 = arith.constant 0 : i32
      %dma_wait3A_275 = tpu.memref_slice %arg9[%dma_wait3A_271, %dma_wait3A_273, %dma_wait3A_274] : memref<2x128x128xf32, #tpu.memory_space<vmem>> -> memref<1x128x128xf32, #tpu.memory_space<vmem>>
      %dma_wait3A_276 = tpu.memref_squeeze %dma_wait3A_275 : memref<1x128x128xf32, #tpu.memory_space<vmem>> -> memref<128x128xf32, #tpu.memory_space<vmem>>
      %dma_wait3A_277 = arith.constant 0 : i32
      %dma_wait3A_278 = tpu.memref_slice %arg8[%dma_wait3A_272, %dma_wait3A_277] : memref<2x128xi32, #tpu.memory_space<vmem>> -> memref<1x128xi32, #tpu.memory_space<vmem>>
      %dma_wait3A_279 = tpu.memref_squeeze %dma_wait3A_278 : memref<1x128xi32, #tpu.memory_space<vmem>> -> memref<128xi32, #tpu.memory_space<vmem>>
      %dma_wait3A_280 = arith.constant 0 : i32
      %dma_wait3A_281 = arith.constant 0 : i32
      %dma_wait3A_282 = tpu.memref_slice %arg10[%dma_wait3A_280, %dma_wait3A_281] : memref<10240x128xf32, #tpu.memory_space<vmem_shared>> -> memref<10240x128xf32, #tpu.memory_space<vmem_shared>>
      tpu.wait_indirect_dma semaphore(%arg16 : memref<!tpu.dma_semaphore, #tpu.memory_space<semaphore_mem>>) src(%dma_wait3A_276 : memref<128x128xf32, #tpu.memory_space<vmem>>) dst(%dma_wait3A_282 : memref<10240x128xf32, #tpu.memory_space<vmem_shared>>)
      %add3A_283 = arith.constant 1 : i32
      %add3A_284 = arith.addi %add3A_268, %add3A_283 : i32
      %dma_start3A_285 = arith.constant 1 : i32
      %dma_start3A_286 = arith.constant 0 : i32
      %dma_start3A_287 = arith.constant 0 : i32
      %dma_start3A_288 = tpu.memref_slice %arg9[%dma_start3A_285, %dma_start3A_286, %dma_start3A_287] : memref<2x128x128xf32, #tpu.memory_space<vmem>> -> memref<1x128x128xf32, #tpu.memory_space<vmem>>
      %dma_start3A_289 = tpu.memref_squeeze %dma_start3A_288 : memref<1x128x128xf32, #tpu.memory_space<vmem>> -> memref<128x128xf32, #tpu.memory_space<vmem>>
      %dma_start3A_290 = arith.constant 0 : i32
      %dma_start3A_291 = tpu.memref_slice %arg7[%add3A_284, %dma_start3A_290] : memref<80x128xi32, #tpu.memory_space<vmem>> -> memref<1x128xi32, #tpu.memory_space<vmem>>
      %dma_start3A_292 = tpu.memref_squeeze %dma_start3A_291 : memref<1x128xi32, #tpu.memory_space<vmem>> -> memref<128xi32, #tpu.memory_space<vmem>>
      %dma_start3A_293 = arith.constant 0 : i32
      %dma_start3A_294 = arith.constant 0 : i32
      %dma_start3A_295 = tpu.memref_slice %arg2[%dma_start3A_293, %dma_start3A_294] : memref<10240x128xf32, #tpu.memory_space<hbm>> -> memref<10240x128xf32, #tpu.memory_space<hbm>>
      tpu.enqueue_indirect_dma source(%dma_start3A_295 : memref<10240x128xf32, #tpu.memory_space<hbm>>) target(%dma_start3A_289 : memref<128x128xf32, #tpu.memory_space<vmem>>) offsets(%dma_start3A_292 : memref<128xi32, #tpu.memory_space<vmem>>) semaphore(%arg12 : memref<!tpu.dma_semaphore, #tpu.memory_space<semaphore_mem>>)
      %add3A_296 = arith.constant 1 : i32
      %add3A_297 = arith.addi %add3A_268, %add3A_296 : i32
      %dma_start3A_298 = arith.constant 1 : i32
      %dma_start3A_299 = arith.constant 0 : i32
      %dma_start3A_300 = tpu.memref_slice %arg8[%dma_start3A_298, %dma_start3A_299] : memref<2x128xi32, #tpu.memory_space<vmem>> -> memref<1x128xi32, #tpu.memory_space<vmem>>
      %dma_start3A_301 = tpu.memref_squeeze %dma_start3A_300 : memref<1x128xi32, #tpu.memory_space<vmem>> -> memref<128xi32, #tpu.memory_space<vmem>>
      %dma_start3A_302 = arith.constant 0 : i32
      %dma_start3A_303 = tpu.memref_slice %arg4[%add3A, %add3A_297, %dma_start3A_302] : memref<32x80x128xi32, #tpu.memory_space<hbm>> -> memref<1x1x128xi32, #tpu.memory_space<hbm>>
      %dma_start3A_304 = tpu.memref_squeeze %dma_start3A_303 : memref<1x1x128xi32, #tpu.memory_space<hbm>> -> memref<128xi32, #tpu.memory_space<hbm>>
      %dma_start3A_305 = arith.constant 0 : i32
      %dma_start3A_306 = tpu.memref_slice %arg8[%dma_start3A_298, %dma_start3A_305] : memref<2x128xi32, #tpu.memory_space<vmem>> -> memref<1x128xi32, #tpu.memory_space<vmem>>
      %dma_start3A_307 = tpu.memref_squeeze %dma_start3A_306 : memref<1x128xi32, #tpu.memory_space<vmem>> -> memref<128xi32, #tpu.memory_space<vmem>>
      %dma_start3A_308 = arith.constant 0 : i32
      %dma_start3A_309 = tpu.memref_slice %arg4[%add3A, %add3A_297, %dma_start3A_308] : memref<32x80x128xi32, #tpu.memory_space<hbm>> -> memref<1x1x128xi32, #tpu.memory_space<hbm>>
      %dma_start3A_310 = tpu.memref_squeeze %dma_start3A_309 : memref<1x1x128xi32, #tpu.memory_space<hbm>> -> memref<128xi32, #tpu.memory_space<hbm>>
      tpu.enqueue_dma source(%dma_start3A_310 : memref<128xi32, #tpu.memory_space<hbm>>) target(%dma_start3A_307 : memref<128xi32, #tpu.memory_space<vmem>>) target_semaphore(%arg14 : memref<!tpu.dma_semaphore, #tpu.memory_space<semaphore_mem>>)
      %dma_wait3A_311 = arith.constant 0 : i32
      %dma_wait3A_312 = arith.constant 0 : i32
      %dma_wait3A_313 = arith.constant 0 : i32
      %dma_wait3A_314 = tpu.memref_slice %arg9[%dma_wait3A_311, %dma_wait3A_312, %dma_wait3A_313] : memref<2x128x128xf32, #tpu.memory_space<vmem>> -> memref<1x128x128xf32, #tpu.memory_space<vmem>>
      %dma_wait3A_315 = tpu.memref_squeeze %dma_wait3A_314 : memref<1x128x128xf32, #tpu.memory_space<vmem>> -> memref<128x128xf32, #tpu.memory_space<vmem>>
      %dma_wait3A_316 = arith.constant 0 : i32
      %dma_wait3A_317 = tpu.memref_slice %arg7[%add3A_268, %dma_wait3A_316] : memref<80x128xi32, #tpu.memory_space<vmem>> -> memref<1x128xi32, #tpu.memory_space<vmem>>
      %dma_wait3A_318 = tpu.memref_squeeze %dma_wait3A_317 : memref<1x128xi32, #tpu.memory_space<vmem>> -> memref<128xi32, #tpu.memory_space<vmem>>
      %dma_wait3A_319 = arith.constant 0 : i32
      %dma_wait3A_320 = arith.constant 0 : i32
      %dma_wait3A_321 = tpu.memref_slice %arg2[%dma_wait3A_319, %dma_wait3A_320] : memref<10240x128xf32, #tpu.memory_space<hbm>> -> memref<10240x128xf32, #tpu.memory_space<hbm>>
      tpu.wait_indirect_dma semaphore(%arg11 : memref<!tpu.dma_semaphore, #tpu.memory_space<semaphore_mem>>) src(%dma_wait3A_321 : memref<10240x128xf32, #tpu.memory_space<hbm>>) dst(%dma_wait3A_315 : memref<128x128xf32, #tpu.memory_space<vmem>>)
      %dma_wait3A_322 = arith.constant 0 : i32
      %dma_wait3A_323 = arith.constant 0 : i32
      %dma_wait3A_324 = tpu.memref_slice %arg8[%dma_wait3A_322, %dma_wait3A_323] : memref<2x128xi32, #tpu.memory_space<vmem>> -> memref<1x128xi32, #tpu.memory_space<vmem>>
      %dma_wait3A_325 = tpu.memref_squeeze %dma_wait3A_324 : memref<1x128xi32, #tpu.memory_space<vmem>> -> memref<128xi32, #tpu.memory_space<vmem>>
      %dma_wait3A_326 = arith.constant 0 : i32
      %dma_wait3A_327 = tpu.memref_slice %arg4[%add3A, %add3A_268, %dma_wait3A_326] : memref<32x80x128xi32, #tpu.memory_space<hbm>> -> memref<1x1x128xi32, #tpu.memory_space<hbm>>
      %dma_wait3A_328 = tpu.memref_squeeze %dma_wait3A_327 : memref<1x1x128xi32, #tpu.memory_space<hbm>> -> memref<128xi32, #tpu.memory_space<hbm>>
      %dma_wait3A_329 = arith.constant 0 : i32
      %dma_wait3A_330 = tpu.memref_slice %arg8[%dma_wait3A_322, %dma_wait3A_329] : memref<2x128xi32, #tpu.memory_space<vmem>> -> memref<1x128xi32, #tpu.memory_space<vmem>>
      %dma_wait3A_331 = tpu.memref_squeeze %dma_wait3A_330 : memref<1x128xi32, #tpu.memory_space<vmem>> -> memref<128xi32, #tpu.memory_space<vmem>>
      %dma_wait3A_332 = arith.constant 0 : i32
      %dma_wait3A_333 = tpu.memref_slice %arg4[%add3A, %add3A_268, %dma_wait3A_332] : memref<32x80x128xi32, #tpu.memory_space<hbm>> -> memref<1x1x128xi32, #tpu.memory_space<hbm>>
      %dma_wait3A_334 = tpu.memref_squeeze %dma_wait3A_333 : memref<1x1x128xi32, #tpu.memory_space<hbm>> -> memref<128xi32, #tpu.memory_space<hbm>>
      tpu.wait_dma2 semaphore(%arg13 : memref<!tpu.dma_semaphore, #tpu.memory_space<semaphore_mem>>) src(%dma_wait3A_334 : memref<128xi32, #tpu.memory_space<hbm>>) dst(%dma_wait3A_331 : memref<128xi32, #tpu.memory_space<vmem>>)
      %dma_start3A_335 = arith.constant 0 : i32
      %dma_start3A_336 = arith.constant 0 : i32
      %dma_start3A_337 = arith.constant 0 : i32
      %dma_start3A_338 = arith.constant 0 : i32
      %dma_start3A_339 = tpu.memref_slice %arg9[%dma_start3A_335, %dma_start3A_337, %dma_start3A_338] : memref<2x128x128xf32, #tpu.memory_space<vmem>> -> memref<1x128x128xf32, #tpu.memory_space<vmem>>
      %dma_start3A_340 = tpu.memref_squeeze %dma_start3A_339 : memref<1x128x128xf32, #tpu.memory_space<vmem>> -> memref<128x128xf32, #tpu.memory_space<vmem>>
      %dma_start3A_341 = arith.constant 0 : i32
      %dma_start3A_342 = tpu.memref_slice %arg8[%dma_start3A_336, %dma_start3A_341] : memref<2x128xi32, #tpu.memory_space<vmem>> -> memref<1x128xi32, #tpu.memory_space<vmem>>
      %dma_start3A_343 = tpu.memref_squeeze %dma_start3A_342 : memref<1x128xi32, #tpu.memory_space<vmem>> -> memref<128xi32, #tpu.memory_space<vmem>>
      %dma_start3A_344 = arith.constant 0 : i32
      %dma_start3A_345 = arith.constant 0 : i32
      %dma_start3A_346 = tpu.memref_slice %arg10[%dma_start3A_344, %dma_start3A_345] : memref<10240x128xf32, #tpu.memory_space<vmem_shared>> -> memref<10240x128xf32, #tpu.memory_space<vmem_shared>>
      tpu.enqueue_indirect_dma source(%dma_start3A_340 : memref<128x128xf32, #tpu.memory_space<vmem>>) target(%dma_start3A_346 : memref<10240x128xf32, #tpu.memory_space<vmem_shared>>) offsets(%dma_start3A_343 : memref<128xi32, #tpu.memory_space<vmem>>) semaphore(%arg15 : memref<!tpu.dma_semaphore, #tpu.memory_space<semaphore_mem>>) {add = true}
    }
    %scan3A_115 = arith.constant 39 : i32
    %dma_wait3A_116 = arith.constant 79 : i32
    %dma_wait3A_117 = arith.constant 1 : i32
    %dma_wait3A_118 = arith.constant 0 : i32
    %dma_wait3A_119 = arith.constant 0 : i32
    %dma_wait3A_120 = tpu.memref_slice %arg9[%dma_wait3A_117, %dma_wait3A_118, %dma_wait3A_119] : memref<2x128x128xf32, #tpu.memory_space<vmem>> -> memref<1x128x128xf32, #tpu.memory_space<vmem>>
    %dma_wait3A_121 = tpu.memref_squeeze %dma_wait3A_120 : memref<1x128x128xf32, #tpu.memory_space<vmem>> -> memref<128x128xf32, #tpu.memory_space<vmem>>
    %dma_wait3A_122 = arith.constant 0 : i32
    %dma_wait3A_123 = tpu.memref_slice %arg7[%dma_wait3A_116, %dma_wait3A_122] : memref<80x128xi32, #tpu.memory_space<vmem>> -> memref<1x128xi32, #tpu.memory_space<vmem>>
    %dma_wait3A_124 = tpu.memref_squeeze %dma_wait3A_123 : memref<1x128xi32, #tpu.memory_space<vmem>> -> memref<128xi32, #tpu.memory_space<vmem>>
    %dma_wait3A_125 = arith.constant 0 : i32
    %dma_wait3A_126 = arith.constant 0 : i32
    %dma_wait3A_127 = tpu.memref_slice %arg2[%dma_wait3A_125, %dma_wait3A_126] : memref<10240x128xf32, #tpu.memory_space<hbm>> -> memref<10240x128xf32, #tpu.memory_space<hbm>>
    tpu.wait_indirect_dma semaphore(%arg12 : memref<!tpu.dma_semaphore, #tpu.memory_space<semaphore_mem>>) src(%dma_wait3A_127 : memref<10240x128xf32, #tpu.memory_space<hbm>>) dst(%dma_wait3A_121 : memref<128x128xf32, #tpu.memory_space<vmem>>)
    %dma_wait3A_128 = arith.constant 79 : i32
    %dma_wait3A_129 = arith.constant 1 : i32
    %dma_wait3A_130 = arith.constant 0 : i32
    %dma_wait3A_131 = tpu.memref_slice %arg8[%dma_wait3A_129, %dma_wait3A_130] : memref<2x128xi32, #tpu.memory_space<vmem>> -> memref<1x128xi32, #tpu.memory_space<vmem>>
    %dma_wait3A_132 = tpu.memref_squeeze %dma_wait3A_131 : memref<1x128xi32, #tpu.memory_space<vmem>> -> memref<128xi32, #tpu.memory_space<vmem>>
    %dma_wait3A_133 = arith.constant 0 : i32
    %dma_wait3A_134 = tpu.memref_slice %arg4[%add3A, %dma_wait3A_128, %dma_wait3A_133] : memref<32x80x128xi32, #tpu.memory_space<hbm>> -> memref<1x1x128xi32, #tpu.memory_space<hbm>>
    %dma_wait3A_135 = tpu.memref_squeeze %dma_wait3A_134 : memref<1x1x128xi32, #tpu.memory_space<hbm>> -> memref<128xi32, #tpu.memory_space<hbm>>
    %dma_wait3A_136 = arith.constant 0 : i32
    %dma_wait3A_137 = tpu.memref_slice %arg8[%dma_wait3A_129, %dma_wait3A_136] : memref<2x128xi32, #tpu.memory_space<vmem>> -> memref<1x128xi32, #tpu.memory_space<vmem>>
    %dma_wait3A_138 = tpu.memref_squeeze %dma_wait3A_137 : memref<1x128xi32, #tpu.memory_space<vmem>> -> memref<128xi32, #tpu.memory_space<vmem>>
    %dma_wait3A_139 = arith.constant 0 : i32
    %dma_wait3A_140 = tpu.memref_slice %arg4[%add3A, %dma_wait3A_128, %dma_wait3A_139] : memref<32x80x128xi32, #tpu.memory_space<hbm>> -> memref<1x1x128xi32, #tpu.memory_space<hbm>>
    %dma_wait3A_141 = tpu.memref_squeeze %dma_wait3A_140 : memref<1x1x128xi32, #tpu.memory_space<hbm>> -> memref<128xi32, #tpu.memory_space<hbm>>
    tpu.wait_dma2 semaphore(%arg14 : memref<!tpu.dma_semaphore, #tpu.memory_space<semaphore_mem>>) src(%dma_wait3A_141 : memref<128xi32, #tpu.memory_space<hbm>>) dst(%dma_wait3A_138 : memref<128xi32, #tpu.memory_space<vmem>>)
    %dma_start3A_142 = arith.constant 1 : i32
    %dma_start3A_143 = arith.constant 1 : i32
    %dma_start3A_144 = arith.constant 0 : i32
    %dma_start3A_145 = arith.constant 0 : i32
    %dma_start3A_146 = tpu.memref_slice %arg9[%dma_start3A_142, %dma_start3A_144, %dma_start3A_145] : memref<2x128x128xf32, #tpu.memory_space<vmem>> -> memref<1x128x128xf32, #tpu.memory_space<vmem>>
    %dma_start3A_147 = tpu.memref_squeeze %dma_start3A_146 : memref<1x128x128xf32, #tpu.memory_space<vmem>> -> memref<128x128xf32, #tpu.memory_space<vmem>>
    %dma_start3A_148 = arith.constant 0 : i32
    %dma_start3A_149 = tpu.memref_slice %arg8[%dma_start3A_143, %dma_start3A_148] : memref<2x128xi32, #tpu.memory_space<vmem>> -> memref<1x128xi32, #tpu.memory_space<vmem>>
    %dma_start3A_150 = tpu.memref_squeeze %dma_start3A_149 : memref<1x128xi32, #tpu.memory_space<vmem>> -> memref<128xi32, #tpu.memory_space<vmem>>
    %dma_start3A_151 = arith.constant 0 : i32
    %dma_start3A_152 = arith.constant 0 : i32
    %dma_start3A_153 = tpu.memref_slice %arg10[%dma_start3A_151, %dma_start3A_152] : memref<10240x128xf32, #tpu.memory_space<vmem_shared>> -> memref<10240x128xf32, #tpu.memory_space<vmem_shared>>
    tpu.enqueue_indirect_dma source(%dma_start3A_147 : memref<128x128xf32, #tpu.memory_space<vmem>>) target(%dma_start3A_153 : memref<10240x128xf32, #tpu.memory_space<vmem_shared>>) offsets(%dma_start3A_150 : memref<128xi32, #tpu.memory_space<vmem>>) semaphore(%arg16 : memref<!tpu.dma_semaphore, #tpu.memory_space<semaphore_mem>>) {add = true}
    %dma_wait3A_154 = arith.constant 0 : i32
    %dma_wait3A_155 = arith.constant 0 : i32
    %dma_wait3A_156 = arith.constant 0 : i32
    %dma_wait3A_157 = arith.constant 0 : i32
    %dma_wait3A_158 = tpu.memref_slice %arg9[%dma_wait3A_154, %dma_wait3A_156, %dma_wait3A_157] : memref<2x128x128xf32, #tpu.memory_space<vmem>> -> memref<1x128x128xf32, #tpu.memory_space<vmem>>
    %dma_wait3A_159 = tpu.memref_squeeze %dma_wait3A_158 : memref<1x128x128xf32, #tpu.memory_space<vmem>> -> memref<128x128xf32, #tpu.memory_space<vmem>>
    %dma_wait3A_160 = arith.constant 0 : i32
    %dma_wait3A_161 = tpu.memref_slice %arg8[%dma_wait3A_155, %dma_wait3A_160] : memref<2x128xi32, #tpu.memory_space<vmem>> -> memref<1x128xi32, #tpu.memory_space<vmem>>
    %dma_wait3A_162 = tpu.memref_squeeze %dma_wait3A_161 : memref<1x128xi32, #tpu.memory_space<vmem>> -> memref<128xi32, #tpu.memory_space<vmem>>
    %dma_wait3A_163 = arith.constant 0 : i32
    %dma_wait3A_164 = arith.constant 0 : i32
    %dma_wait3A_165 = tpu.memref_slice %arg10[%dma_wait3A_163, %dma_wait3A_164] : memref<10240x128xf32, #tpu.memory_space<vmem_shared>> -> memref<10240x128xf32, #tpu.memory_space<vmem_shared>>
    tpu.wait_indirect_dma semaphore(%arg15 : memref<!tpu.dma_semaphore, #tpu.memory_space<semaphore_mem>>) src(%dma_wait3A_159 : memref<128x128xf32, #tpu.memory_space<vmem>>) dst(%dma_wait3A_165 : memref<10240x128xf32, #tpu.memory_space<vmem_shared>>)
    %dma_wait3A_166 = arith.constant 1 : i32
    %dma_wait3A_167 = arith.constant 1 : i32
    %dma_wait3A_168 = arith.constant 0 : i32
    %dma_wait3A_169 = arith.constant 0 : i32
    %dma_wait3A_170 = tpu.memref_slice %arg9[%dma_wait3A_166, %dma_wait3A_168, %dma_wait3A_169] : memref<2x128x128xf32, #tpu.memory_space<vmem>> -> memref<1x128x128xf32, #tpu.memory_space<vmem>>
    %dma_wait3A_171 = tpu.memref_squeeze %dma_wait3A_170 : memref<1x128x128xf32, #tpu.memory_space<vmem>> -> memref<128x128xf32, #tpu.memory_space<vmem>>
    %dma_wait3A_172 = arith.constant 0 : i32
    %dma_wait3A_173 = tpu.memref_slice %arg8[%dma_wait3A_167, %dma_wait3A_172] : memref<2x128xi32, #tpu.memory_space<vmem>> -> memref<1x128xi32, #tpu.memory_space<vmem>>
    %dma_wait3A_174 = tpu.memref_squeeze %dma_wait3A_173 : memref<1x128xi32, #tpu.memory_space<vmem>> -> memref<128xi32, #tpu.memory_space<vmem>>
    %dma_wait3A_175 = arith.constant 0 : i32
    %dma_wait3A_176 = arith.constant 0 : i32
    %dma_wait3A_177 = tpu.memref_slice %arg10[%dma_wait3A_175, %dma_wait3A_176] : memref<10240x128xf32, #tpu.memory_space<vmem_shared>> -> memref<10240x128xf32, #tpu.memory_space<vmem_shared>>
    tpu.wait_indirect_dma semaphore(%arg16 : memref<!tpu.dma_semaphore, #tpu.memory_space<semaphore_mem>>) src(%dma_wait3A_171 : memref<128x128xf32, #tpu.memory_space<vmem>>) dst(%dma_wait3A_177 : memref<10240x128xf32, #tpu.memory_space<vmem_shared>>)
    %barrier3A_178 = arith.constant 0 : index
    tpu.barrier barrier_id(%barrier3A_178)
    %mul3A_179 = arith.constant 640 : i32
    %mul3A_180 = arith.muli %arg1, %mul3A_179 : i32
    %mul3A_181 = arith.constant 640 : i32
    %mul3A_182 = arith.muli %arg1, %mul3A_181 : i32
    "tpu.region"() ({
      %run_scoped3A = tpu.sem_alloc : memref<!tpu.dma_semaphore, #tpu.memory_space<semaphore_mem>>
      %dma_start3A_183 = arith.constant 0 : i32
      %dma_start3A_184 = tpu.memref_slice %arg6[%arg0, %mul3A_182, %dma_start3A_183] : memref<2x10240x128xf32, #tpu.memory_space<hbm>> -> memref<1x640x128xf32, #tpu.memory_space<hbm>>
      %dma_start3A_185 = tpu.memref_squeeze %dma_start3A_184 : memref<1x640x128xf32, #tpu.memory_space<hbm>> -> memref<640x128xf32, #tpu.memory_space<hbm>>
      %dma_start3A_186 = arith.constant 0 : i32
      %dma_start3A_187 = tpu.memref_slice %arg10[%mul3A_180, %dma_start3A_186] : memref<10240x128xf32, #tpu.memory_space<vmem_shared>> -> memref<640x128xf32, #tpu.memory_space<vmem_shared>>
      tpu.enqueue_dma source(%dma_start3A_187 : memref<640x128xf32, #tpu.memory_space<vmem_shared>>) target(%dma_start3A_185 : memref<640x128xf32, #tpu.memory_space<hbm>>) target_semaphore(%run_scoped3A : memref<!tpu.dma_semaphore, #tpu.memory_space<semaphore_mem>>)
      %dma_wait3A_188 = arith.constant 0 : i32
      %dma_wait3A_189 = tpu.memref_slice %arg6[%arg0, %mul3A_182, %dma_wait3A_188] : memref<2x10240x128xf32, #tpu.memory_space<hbm>> -> memref<1x640x128xf32, #tpu.memory_space<hbm>>
      %dma_wait3A_190 = tpu.memref_squeeze %dma_wait3A_189 : memref<1x640x128xf32, #tpu.memory_space<hbm>> -> memref<640x128xf32, #tpu.memory_space<hbm>>
      %dma_wait3A_191 = arith.constant 0 : i32
      %dma_wait3A_192 = tpu.memref_slice %arg10[%mul3A_180, %dma_wait3A_191] : memref<10240x128xf32, #tpu.memory_space<vmem_shared>> -> memref<640x128xf32, #tpu.memory_space<vmem_shared>>
      tpu.wait_dma2 semaphore(%run_scoped3A : memref<!tpu.dma_semaphore, #tpu.memory_space<semaphore_mem>>) src(%dma_wait3A_192 : memref<640x128xf32, #tpu.memory_space<vmem_shared>>) dst(%dma_wait3A_190 : memref<640x128xf32, #tpu.memory_space<hbm>>)
      tpu.yield
    }) : () -> ()
    return
  }
}

#map = affine_map<(d0, d1) -> (0, 0)>
#map1 = affine_map<(d0, d1) -> (0, 0, 0)>
module attributes {stable_mosaic.version = 14 : i64} {
  func.func @sc_scatter_rows(%arg0: i32, %arg1: i32, %arg2: memref<10240x128xf32, #tpu.memory_space<hbm>>, %arg3: memref<32x80x128xi32, #tpu.memory_space<hbm>>, %arg4: memref<32x80x128xi32, #tpu.memory_space<hbm>>, %arg5: memref<640x128xf32, #tpu.memory_space<hbm>>, %arg6: memref<2x10240x128xf32, #tpu.memory_space<hbm>>, %arg7: memref<80x128xi32, #tpu.memory_space<vmem>>, %arg8: memref<2x128xi32, #tpu.memory_space<vmem>>, %arg9: memref<2x128x128xf32, #tpu.memory_space<vmem>>, %arg10: memref<10240x128xf32, #tpu.memory_space<vmem_shared>>, %arg11: memref<!tpu.dma_semaphore, #tpu.memory_space<semaphore_mem>>, %arg12: memref<!tpu.dma_semaphore, #tpu.memory_space<semaphore_mem>>, %arg13: memref<!tpu.dma_semaphore, #tpu.memory_space<semaphore_mem>>, %arg14: memref<!tpu.dma_semaphore, #tpu.memory_space<semaphore_mem>>, %arg15: memref<!tpu.dma_semaphore, #tpu.memory_space<semaphore_mem>>, %arg16: memref<!tpu.dma_semaphore, #tpu.memory_space<semaphore_mem>>) attributes {dimension_semantics = [#tpu.dimension_semantics<core_parallel>, #tpu.dimension_semantics<subcore_parallel>], iteration_bounds = array<i64: 2, 16>, scalar_prefetch = 0 : i64, scratch_operands = 10 : i64, tpu.core_type = #tpu.core_type<sc_vector_subcore>, window_params = [{transform_indices = #map}, {transform_indices = #map1}, {transform_indices = #map1}, {transform_indices = #map}, {transform_indices = #map1}]} {
    %mul3A = arith.constant 2 : i32
    %mul3A_0 = arith.muli %arg1, %mul3A : i32
    %add3A = arith.addi %mul3A_0, %arg0 : i32
    %mul3A_1 = arith.constant 640 : i32
    %mul3A_2 = arith.muli %arg1, %mul3A_1 : i32
    %dma_start3A = arith.constant 0 : i32
    %dma_start3A_3 = tpu.memref_slice %arg10[%mul3A_2, %dma_start3A] : memref<10240x128xf32, #tpu.memory_space<vmem_shared>> -> memref<640x128xf32, #tpu.memory_space<vmem_shared>>
    tpu.enqueue_dma source(%arg5 : memref<640x128xf32, #tpu.memory_space<hbm>>) target(%dma_start3A_3 : memref<640x128xf32, #tpu.memory_space<vmem_shared>>) target_semaphore(%arg11 : memref<!tpu.dma_semaphore, #tpu.memory_space<semaphore_mem>>)
    %dma_start3A_4 = arith.constant 0 : i32
    %dma_start3A_5 = arith.constant 0 : i32
    %dma_start3A_6 = tpu.memref_slice %arg3[%add3A, %dma_start3A_4, %dma_start3A_5] : memref<32x80x128xi32, #tpu.memory_space<hbm>> -> memref<1x80x128xi32, #tpu.memory_space<hbm>>
    %dma_start3A_7 = tpu.memref_squeeze %dma_start3A_6 : memref<1x80x128xi32, #tpu.memory_space<hbm>> -> memref<80x128xi32, #tpu.memory_space<hbm>>
    %dma_start3A_8 = arith.constant 0 : i32
    %dma_start3A_9 = arith.constant 0 : i32
    %dma_start3A_10 = tpu.memref_slice %arg3[%add3A, %dma_start3A_8, %dma_start3A_9] : memref<32x80x128xi32, #tpu.memory_space<hbm>> -> memref<1x80x128xi32, #tpu.memory_space<hbm>>
    %dma_start3A_11 = tpu.memref_squeeze %dma_start3A_10 : memref<1x80x128xi32, #tpu.memory_space<hbm>> -> memref<80x128xi32, #tpu.memory_space<hbm>>
    tpu.enqueue_dma source(%dma_start3A_11 : memref<80x128xi32, #tpu.memory_space<hbm>>) target(%arg7 : memref<80x128xi32, #tpu.memory_space<vmem>>) target_semaphore(%arg12 : memref<!tpu.dma_semaphore, #tpu.memory_space<semaphore_mem>>)
    %dma_wait3A = arith.constant 0 : i32
    %dma_wait3A_12 = tpu.memref_slice %arg10[%mul3A_2, %dma_wait3A] : memref<10240x128xf32, #tpu.memory_space<vmem_shared>> -> memref<640x128xf32, #tpu.memory_space<vmem_shared>>
    tpu.wait_dma2 semaphore(%arg11 : memref<!tpu.dma_semaphore, #tpu.memory_space<semaphore_mem>>) src(%arg5 : memref<640x128xf32, #tpu.memory_space<hbm>>) dst(%dma_wait3A_12 : memref<640x128xf32, #tpu.memory_space<vmem_shared>>)
    %dma_wait3A_13 = arith.constant 0 : i32
    %dma_wait3A_14 = arith.constant 0 : i32
    %dma_wait3A_15 = tpu.memref_slice %arg3[%add3A, %dma_wait3A_13, %dma_wait3A_14] : memref<32x80x128xi32, #tpu.memory_space<hbm>> -> memref<1x80x128xi32, #tpu.memory_space<hbm>>
    %dma_wait3A_16 = tpu.memref_squeeze %dma_wait3A_15 : memref<1x80x128xi32, #tpu.memory_space<hbm>> -> memref<80x128xi32, #tpu.memory_space<hbm>>
    %dma_wait3A_17 = arith.constant 0 : i32
    %dma_wait3A_18 = arith.constant 0 : i32
    %dma_wait3A_19 = tpu.memref_slice %arg3[%add3A, %dma_wait3A_17, %dma_wait3A_18] : memref<32x80x128xi32, #tpu.memory_space<hbm>> -> memref<1x80x128xi32, #tpu.memory_space<hbm>>
    %dma_wait3A_20 = tpu.memref_squeeze %dma_wait3A_19 : memref<1x80x128xi32, #tpu.memory_space<hbm>> -> memref<80x128xi32, #tpu.memory_space<hbm>>
    tpu.wait_dma2 semaphore(%arg12 : memref<!tpu.dma_semaphore, #tpu.memory_space<semaphore_mem>>) src(%dma_wait3A_20 : memref<80x128xi32, #tpu.memory_space<hbm>>) dst(%arg7 : memref<80x128xi32, #tpu.memory_space<vmem>>)
    %barrier3A = arith.constant 0 : index
    tpu.barrier barrier_id(%barrier3A)
    %dma_start3A_21 = arith.constant 0 : i32
    %dma_start3A_22 = arith.constant 0 : i32
    %dma_start3A_23 = arith.constant 0 : i32
    %dma_start3A_24 = tpu.memref_slice %arg8[%dma_start3A_22, %dma_start3A_23] : memref<2x128xi32, #tpu.memory_space<vmem>> -> memref<1x128xi32, #tpu.memory_space<vmem>>
    %dma_start3A_25 = tpu.memref_squeeze %dma_start3A_24 : memref<1x128xi32, #tpu.memory_space<vmem>> -> memref<128xi32, #tpu.memory_space<vmem>>
    %dma_start3A_26 = arith.constant 0 : i32
    %dma_start3A_27 = tpu.memref_slice %arg4[%add3A, %dma_start3A_21, %dma_start3A_26] : memref<32x80x128xi32, #tpu.memory_space<hbm>> -> memref<1x1x128xi32, #tpu.memory_space<hbm>>
    %dma_start3A_28 = tpu.memref_squeeze %dma_start3A_27 : memref<1x1x128xi32, #tpu.memory_space<hbm>> -> memref<128xi32, #tpu.memory_space<hbm>>
    %dma_start3A_29 = arith.constant 0 : i32
    %dma_start3A_30 = tpu.memref_slice %arg8[%dma_start3A_22, %dma_start3A_29] : memref<2x128xi32, #tpu.memory_space<vmem>> -> memref<1x128xi32, #tpu.memory_space<vmem>>
    %dma_start3A_31 = tpu.memref_squeeze %dma_start3A_30 : memref<1x128xi32, #tpu.memory_space<vmem>> -> memref<128xi32, #tpu.memory_space<vmem>>
    %dma_start3A_32 = arith.constant 0 : i32
    %dma_start3A_33 = tpu.memref_slice %arg4[%add3A, %dma_start3A_21, %dma_start3A_32] : memref<32x80x128xi32, #tpu.memory_space<hbm>> -> memref<1x1x128xi32, #tpu.memory_space<hbm>>
    %dma_start3A_34 = tpu.memref_squeeze %dma_start3A_33 : memref<1x1x128xi32, #tpu.memory_space<hbm>> -> memref<128xi32, #tpu.memory_space<hbm>>
    tpu.enqueue_dma source(%dma_start3A_34 : memref<128xi32, #tpu.memory_space<hbm>>) target(%dma_start3A_31 : memref<128xi32, #tpu.memory_space<vmem>>) target_semaphore(%arg13 : memref<!tpu.dma_semaphore, #tpu.memory_space<semaphore_mem>>)
    %dma_start3A_35 = arith.constant 0 : i32
    %dma_start3A_36 = arith.constant 0 : i32
    %dma_start3A_37 = arith.constant 0 : i32
    %dma_start3A_38 = arith.constant 0 : i32
    %dma_start3A_39 = tpu.memref_slice %arg9[%dma_start3A_36, %dma_start3A_37, %dma_start3A_38] : memref<2x128x128xf32, #tpu.memory_space<vmem>> -> memref<1x128x128xf32, #tpu.memory_space<vmem>>
    %dma_start3A_40 = tpu.memref_squeeze %dma_start3A_39 : memref<1x128x128xf32, #tpu.memory_space<vmem>> -> memref<128x128xf32, #tpu.memory_space<vmem>>
    %dma_start3A_41 = arith.constant 0 : i32
    %dma_start3A_42 = tpu.memref_slice %arg7[%dma_start3A_35, %dma_start3A_41] : memref<80x128xi32, #tpu.memory_space<vmem>> -> memref<1x128xi32, #tpu.memory_space<vmem>>
    %dma_start3A_43 = tpu.memref_squeeze %dma_start3A_42 : memref<1x128xi32, #tpu.memory_space<vmem>> -> memref<128xi32, #tpu.memory_space<vmem>>
    %dma_start3A_44 = arith.constant 0 : i32
    %dma_start3A_45 = arith.constant 0 : i32
    %dma_start3A_46 = tpu.memref_slice %arg2[%dma_start3A_44, %dma_start3A_45] : memref<10240x128xf32, #tpu.memory_space<hbm>> -> memref<10240x128xf32, #tpu.memory_space<hbm>>
    tpu.enqueue_indirect_dma source(%dma_start3A_46 : memref<10240x128xf32, #tpu.memory_space<hbm>>) target(%dma_start3A_40 : memref<128x128xf32, #tpu.memory_space<vmem>>) offsets(%dma_start3A_43 : memref<128xi32, #tpu.memory_space<vmem>>) semaphore(%arg11 : memref<!tpu.dma_semaphore, #tpu.memory_space<semaphore_mem>>)
    %dma_wait3A_47 = arith.constant 0 : i32
    %dma_wait3A_48 = arith.constant 0 : i32
    %dma_wait3A_49 = arith.constant 0 : i32
    %dma_wait3A_50 = arith.constant 0 : i32
    %dma_wait3A_51 = tpu.memref_slice %arg9[%dma_wait3A_48, %dma_wait3A_49, %dma_wait3A_50] : memref<2x128x128xf32, #tpu.memory_space<vmem>> -> memref<1x128x128xf32, #tpu.memory_space<vmem>>
    %dma_wait3A_52 = tpu.memref_squeeze %dma_wait3A_51 : memref<1x128x128xf32, #tpu.memory_space<vmem>> -> memref<128x128xf32, #tpu.memory_space<vmem>>
    %dma_wait3A_53 = arith.constant 0 : i32
    %dma_wait3A_54 = tpu.memref_slice %arg7[%dma_wait3A_47, %dma_wait3A_53] : memref<80x128xi32, #tpu.memory_space<vmem>> -> memref<1x128xi32, #tpu.memory_space<vmem>>
    %dma_wait3A_55 = tpu.memref_squeeze %dma_wait3A_54 : memref<1x128xi32, #tpu.memory_space<vmem>> -> memref<128xi32, #tpu.memory_space<vmem>>
    %dma_wait3A_56 = arith.constant 0 : i32
    %dma_wait3A_57 = arith.constant 0 : i32
    %dma_wait3A_58 = tpu.memref_slice %arg2[%dma_wait3A_56, %dma_wait3A_57] : memref<10240x128xf32, #tpu.memory_space<hbm>> -> memref<10240x128xf32, #tpu.memory_space<hbm>>
    tpu.wait_indirect_dma semaphore(%arg11 : memref<!tpu.dma_semaphore, #tpu.memory_space<semaphore_mem>>) src(%dma_wait3A_58 : memref<10240x128xf32, #tpu.memory_space<hbm>>) dst(%dma_wait3A_52 : memref<128x128xf32, #tpu.memory_space<vmem>>)
    %dma_wait3A_59 = arith.constant 0 : i32
    %dma_wait3A_60 = arith.constant 0 : i32
    %dma_wait3A_61 = arith.constant 0 : i32
    %dma_wait3A_62 = tpu.memref_slice %arg8[%dma_wait3A_60, %dma_wait3A_61] : memref<2x128xi32, #tpu.memory_space<vmem>> -> memref<1x128xi32, #tpu.memory_space<vmem>>
    %dma_wait3A_63 = tpu.memref_squeeze %dma_wait3A_62 : memref<1x128xi32, #tpu.memory_space<vmem>> -> memref<128xi32, #tpu.memory_space<vmem>>
    %dma_wait3A_64 = arith.constant 0 : i32
    %dma_wait3A_65 = tpu.memref_slice %arg4[%add3A, %dma_wait3A_59, %dma_wait3A_64] : memref<32x80x128xi32, #tpu.memory_space<hbm>> -> memref<1x1x128xi32, #tpu.memory_space<hbm>>
    %dma_wait3A_66 = tpu.memref_squeeze %dma_wait3A_65 : memref<1x1x128xi32, #tpu.memory_space<hbm>> -> memref<128xi32, #tpu.memory_space<hbm>>
    %dma_wait3A_67 = arith.constant 0 : i32
    %dma_wait3A_68 = tpu.memref_slice %arg8[%dma_wait3A_60, %dma_wait3A_67] : memref<2x128xi32, #tpu.memory_space<vmem>> -> memref<1x128xi32, #tpu.memory_space<vmem>>
    %dma_wait3A_69 = tpu.memref_squeeze %dma_wait3A_68 : memref<1x128xi32, #tpu.memory_space<vmem>> -> memref<128xi32, #tpu.memory_space<vmem>>
    %dma_wait3A_70 = arith.constant 0 : i32
    %dma_wait3A_71 = tpu.memref_slice %arg4[%add3A, %dma_wait3A_59, %dma_wait3A_70] : memref<32x80x128xi32, #tpu.memory_space<hbm>> -> memref<1x1x128xi32, #tpu.memory_space<hbm>>
    %dma_wait3A_72 = tpu.memref_squeeze %dma_wait3A_71 : memref<1x1x128xi32, #tpu.memory_space<hbm>> -> memref<128xi32, #tpu.memory_space<hbm>>
    tpu.wait_dma2 semaphore(%arg13 : memref<!tpu.dma_semaphore, #tpu.memory_space<semaphore_mem>>) src(%dma_wait3A_72 : memref<128xi32, #tpu.memory_space<hbm>>) dst(%dma_wait3A_69 : memref<128xi32, #tpu.memory_space<vmem>>)
    %dma_start3A_73 = arith.constant 0 : i32
    %dma_start3A_74 = arith.constant 0 : i32
    %dma_start3A_75 = arith.constant 0 : i32
    %dma_start3A_76 = arith.constant 0 : i32
    %dma_start3A_77 = tpu.memref_slice %arg9[%dma_start3A_73, %dma_start3A_75, %dma_start3A_76] : memref<2x128x128xf32, #tpu.memory_space<vmem>> -> memref<1x128x128xf32, #tpu.memory_space<vmem>>
    %dma_start3A_78 = tpu.memref_squeeze %dma_start3A_77 : memref<1x128x128xf32, #tpu.memory_space<vmem>> -> memref<128x128xf32, #tpu.memory_space<vmem>>
    %dma_start3A_79 = arith.constant 0 : i32
    %dma_start3A_80 = tpu.memref_slice %arg8[%dma_start3A_74, %dma_start3A_79] : memref<2x128xi32, #tpu.memory_space<vmem>> -> memref<1x128xi32, #tpu.memory_space<vmem>>
    %dma_start3A_81 = tpu.memref_squeeze %dma_start3A_80 : memref<1x128xi32, #tpu.memory_space<vmem>> -> memref<128xi32, #tpu.memory_space<vmem>>
    %dma_start3A_82 = arith.constant 0 : i32
    %dma_start3A_83 = arith.constant 0 : i32
    %dma_start3A_84 = tpu.memref_slice %arg10[%dma_start3A_82, %dma_start3A_83] : memref<10240x128xf32, #tpu.memory_space<vmem_shared>> -> memref<10240x128xf32, #tpu.memory_space<vmem_shared>>
    tpu.enqueue_indirect_dma source(%dma_start3A_78 : memref<128x128xf32, #tpu.memory_space<vmem>>) target(%dma_start3A_84 : memref<10240x128xf32, #tpu.memory_space<vmem_shared>>) offsets(%dma_start3A_81 : memref<128xi32, #tpu.memory_space<vmem>>) semaphore(%arg15 : memref<!tpu.dma_semaphore, #tpu.memory_space<semaphore_mem>>) {add = true}
    %dma_start3A_85 = arith.constant 1 : i32
    %dma_start3A_86 = arith.constant 1 : i32
    %dma_start3A_87 = arith.constant 0 : i32
    %dma_start3A_88 = arith.constant 0 : i32
    %dma_start3A_89 = tpu.memref_slice %arg9[%dma_start3A_86, %dma_start3A_87, %dma_start3A_88] : memref<2x128x128xf32, #tpu.memory_space<vmem>> -> memref<1x128x128xf32, #tpu.memory_space<vmem>>
    %dma_start3A_90 = tpu.memref_squeeze %dma_start3A_89 : memref<1x128x128xf32, #tpu.memory_space<vmem>> -> memref<128x128xf32, #tpu.memory_space<vmem>>
    %dma_start3A_91 = arith.constant 0 : i32
    %dma_start3A_92 = tpu.memref_slice %arg7[%dma_start3A_85, %dma_start3A_91] : memref<80x128xi32, #tpu.memory_space<vmem>> -> memref<1x128xi32, #tpu.memory_space<vmem>>
    %dma_start3A_93 = tpu.memref_squeeze %dma_start3A_92 : memref<1x128xi32, #tpu.memory_space<vmem>> -> memref<128xi32, #tpu.memory_space<vmem>>
    %dma_start3A_94 = arith.constant 0 : i32
    %dma_start3A_95 = arith.constant 0 : i32
    %dma_start3A_96 = tpu.memref_slice %arg2[%dma_start3A_94, %dma_start3A_95] : memref<10240x128xf32, #tpu.memory_space<hbm>> -> memref<10240x128xf32, #tpu.memory_space<hbm>>
    tpu.enqueue_indirect_dma source(%dma_start3A_96 : memref<10240x128xf32, #tpu.memory_space<hbm>>) target(%dma_start3A_90 : memref<128x128xf32, #tpu.memory_space<vmem>>) offsets(%dma_start3A_93 : memref<128xi32, #tpu.memory_space<vmem>>) semaphore(%arg12 : memref<!tpu.dma_semaphore, #tpu.memory_space<semaphore_mem>>)
    %dma_start3A_97 = arith.constant 1 : i32
    %dma_start3A_98 = arith.constant 1 : i32
    %dma_start3A_99 = arith.constant 0 : i32
    %dma_start3A_100 = tpu.memref_slice %arg8[%dma_start3A_98, %dma_start3A_99] : memref<2x128xi32, #tpu.memory_space<vmem>> -> memref<1x128xi32, #tpu.memory_space<vmem>>
    %dma_start3A_101 = tpu.memref_squeeze %dma_start3A_100 : memref<1x128xi32, #tpu.memory_space<vmem>> -> memref<128xi32, #tpu.memory_space<vmem>>
    %dma_start3A_102 = arith.constant 0 : i32
    %dma_start3A_103 = tpu.memref_slice %arg4[%add3A, %dma_start3A_97, %dma_start3A_102] : memref<32x80x128xi32, #tpu.memory_space<hbm>> -> memref<1x1x128xi32, #tpu.memory_space<hbm>>
    %dma_start3A_104 = tpu.memref_squeeze %dma_start3A_103 : memref<1x1x128xi32, #tpu.memory_space<hbm>> -> memref<128xi32, #tpu.memory_space<hbm>>
    %dma_start3A_105 = arith.constant 0 : i32
    %dma_start3A_106 = tpu.memref_slice %arg8[%dma_start3A_98, %dma_start3A_105] : memref<2x128xi32, #tpu.memory_space<vmem>> -> memref<1x128xi32, #tpu.memory_space<vmem>>
    %dma_start3A_107 = tpu.memref_squeeze %dma_start3A_106 : memref<1x128xi32, #tpu.memory_space<vmem>> -> memref<128xi32, #tpu.memory_space<vmem>>
    %dma_start3A_108 = arith.constant 0 : i32
    %dma_start3A_109 = tpu.memref_slice %arg4[%add3A, %dma_start3A_97, %dma_start3A_108] : memref<32x80x128xi32, #tpu.memory_space<hbm>> -> memref<1x1x128xi32, #tpu.memory_space<hbm>>
    %dma_start3A_110 = tpu.memref_squeeze %dma_start3A_109 : memref<1x1x128xi32, #tpu.memory_space<hbm>> -> memref<128xi32, #tpu.memory_space<hbm>>
    tpu.enqueue_dma source(%dma_start3A_110 : memref<128xi32, #tpu.memory_space<hbm>>) target(%dma_start3A_107 : memref<128xi32, #tpu.memory_space<vmem>>) target_semaphore(%arg14 : memref<!tpu.dma_semaphore, #tpu.memory_space<semaphore_mem>>)
    %scan3A = arith.constant 0 : i32
    %scan3A_111 = arith.constant 0 : i32
    %scan3A_112 = arith.constant 39 : i32
    %scan3A_113 = arith.addi %scan3A_111, %scan3A_112 : i32
    %scan3A_114 = arith.constant 1 : i32
    scf.for %scan3A_183 = %scan3A_111 to %scan3A_113 step %scan3A_114  : i32 {
      %mul3A_184 = arith.constant 2 : i32
      %mul3A_185 = arith.muli %scan3A_183, %mul3A_184 : i32
      %add3A_186 = arith.constant 1 : i32
      %add3A_187 = arith.addi %mul3A_185, %add3A_186 : i32
      %sub3A = arith.constant 1 : i32
      %sub3A_188 = arith.subi %add3A_187, %sub3A : i32
      %dma_wait3A_189 = arith.constant 0 : i32
      %dma_wait3A_190 = arith.constant 0 : i32
      %dma_wait3A_191 = arith.constant 0 : i32
      %dma_wait3A_192 = arith.constant 0 : i32
      %dma_wait3A_193 = tpu.memref_slice %arg9[%dma_wait3A_189, %dma_wait3A_191, %dma_wait3A_192] : memref<2x128x128xf32, #tpu.memory_space<vmem>> -> memref<1x128x128xf32, #tpu.memory_space<vmem>>
      %dma_wait3A_194 = tpu.memref_squeeze %dma_wait3A_193 : memref<1x128x128xf32, #tpu.memory_space<vmem>> -> memref<128x128xf32, #tpu.memory_space<vmem>>
      %dma_wait3A_195 = arith.constant 0 : i32
      %dma_wait3A_196 = tpu.memref_slice %arg8[%dma_wait3A_190, %dma_wait3A_195] : memref<2x128xi32, #tpu.memory_space<vmem>> -> memref<1x128xi32, #tpu.memory_space<vmem>>
      %dma_wait3A_197 = tpu.memref_squeeze %dma_wait3A_196 : memref<1x128xi32, #tpu.memory_space<vmem>> -> memref<128xi32, #tpu.memory_space<vmem>>
      %dma_wait3A_198 = arith.constant 0 : i32
      %dma_wait3A_199 = arith.constant 0 : i32
      %dma_wait3A_200 = tpu.memref_slice %arg10[%dma_wait3A_198, %dma_wait3A_199] : memref<10240x128xf32, #tpu.memory_space<vmem_shared>> -> memref<10240x128xf32, #tpu.memory_space<vmem_shared>>
      tpu.wait_indirect_dma semaphore(%arg15 : memref<!tpu.dma_semaphore, #tpu.memory_space<semaphore_mem>>) src(%dma_wait3A_194 : memref<128x128xf32, #tpu.memory_space<vmem>>) dst(%dma_wait3A_200 : memref<10240x128xf32, #tpu.memory_space<vmem_shared>>)
      %add3A_201 = arith.constant 1 : i32
      %add3A_202 = arith.addi %add3A_187, %add3A_201 : i32
      %dma_start3A_203 = arith.constant 0 : i32
      %dma_start3A_204 = arith.constant 0 : i32
      %dma_start3A_205 = arith.constant 0 : i32
      %dma_start3A_206 = tpu.memref_slice %arg9[%dma_start3A_203, %dma_start3A_204, %dma_start3A_205] : memref<2x128x128xf32, #tpu.memory_space<vmem>> -> memref<1x128x128xf32, #tpu.memory_space<vmem>>
      %dma_start3A_207 = tpu.memref_squeeze %dma_start3A_206 : memref<1x128x128xf32, #tpu.memory_space<vmem>> -> memref<128x128xf32, #tpu.memory_space<vmem>>
      %dma_start3A_208 = arith.constant 0 : i32
      %dma_start3A_209 = tpu.memref_slice %arg7[%add3A_202, %dma_start3A_208] : memref<80x128xi32, #tpu.memory_space<vmem>> -> memref<1x128xi32, #tpu.memory_space<vmem>>
      %dma_start3A_210 = tpu.memref_squeeze %dma_start3A_209 : memref<1x128xi32, #tpu.memory_space<vmem>> -> memref<128xi32, #tpu.memory_space<vmem>>
      %dma_start3A_211 = arith.constant 0 : i32
      %dma_start3A_212 = arith.constant 0 : i32
      %dma_start3A_213 = tpu.memref_slice %arg2[%dma_start3A_211, %dma_start3A_212] : memref<10240x128xf32, #tpu.memory_space<hbm>> -> memref<10240x128xf32, #tpu.memory_space<hbm>>
      tpu.enqueue_indirect_dma source(%dma_start3A_213 : memref<10240x128xf32, #tpu.memory_space<hbm>>) target(%dma_start3A_207 : memref<128x128xf32, #tpu.memory_space<vmem>>) offsets(%dma_start3A_210 : memref<128xi32, #tpu.memory_space<vmem>>) semaphore(%arg11 : memref<!tpu.dma_semaphore, #tpu.memory_space<semaphore_mem>>)
      %add3A_214 = arith.constant 1 : i32
      %add3A_215 = arith.addi %add3A_187, %add3A_214 : i32
      %dma_start3A_216 = arith.constant 0 : i32
      %dma_start3A_217 = arith.constant 0 : i32
      %dma_start3A_218 = tpu.memref_slice %arg8[%dma_start3A_216, %dma_start3A_217] : memref<2x128xi32, #tpu.memory_space<vmem>> -> memref<1x128xi32, #tpu.memory_space<vmem>>
      %dma_start3A_219 = tpu.memref_squeeze %dma_start3A_218 : memref<1x128xi32, #tpu.memory_space<vmem>> -> memref<128xi32, #tpu.memory_space<vmem>>
      %dma_start3A_220 = arith.constant 0 : i32
      %dma_start3A_221 = tpu.memref_slice %arg4[%add3A, %add3A_215, %dma_start3A_220] : memref<32x80x128xi32, #tpu.memory_space<hbm>> -> memref<1x1x128xi32, #tpu.memory_space<hbm>>
      %dma_start3A_222 = tpu.memref_squeeze %dma_start3A_221 : memref<1x1x128xi32, #tpu.memory_space<hbm>> -> memref<128xi32, #tpu.memory_space<hbm>>
      %dma_start3A_223 = arith.constant 0 : i32
      %dma_start3A_224 = tpu.memref_slice %arg8[%dma_start3A_216, %dma_start3A_223] : memref<2x128xi32, #tpu.memory_space<vmem>> -> memref<1x128xi32, #tpu.memory_space<vmem>>
      %dma_start3A_225 = tpu.memref_squeeze %dma_start3A_224 : memref<1x128xi32, #tpu.memory_space<vmem>> -> memref<128xi32, #tpu.memory_space<vmem>>
      %dma_start3A_226 = arith.constant 0 : i32
      %dma_start3A_227 = tpu.memref_slice %arg4[%add3A, %add3A_215, %dma_start3A_226] : memref<32x80x128xi32, #tpu.memory_space<hbm>> -> memref<1x1x128xi32, #tpu.memory_space<hbm>>
      %dma_start3A_228 = tpu.memref_squeeze %dma_start3A_227 : memref<1x1x128xi32, #tpu.memory_space<hbm>> -> memref<128xi32, #tpu.memory_space<hbm>>
      tpu.enqueue_dma source(%dma_start3A_228 : memref<128xi32, #tpu.memory_space<hbm>>) target(%dma_start3A_225 : memref<128xi32, #tpu.memory_space<vmem>>) target_semaphore(%arg13 : memref<!tpu.dma_semaphore, #tpu.memory_space<semaphore_mem>>)
      %dma_wait3A_229 = arith.constant 1 : i32
      %dma_wait3A_230 = arith.constant 0 : i32
      %dma_wait3A_231 = arith.constant 0 : i32
      %dma_wait3A_232 = tpu.memref_slice %arg9[%dma_wait3A_229, %dma_wait3A_230, %dma_wait3A_231] : memref<2x128x128xf32, #tpu.memory_space<vmem>> -> memref<1x128x128xf32, #tpu.memory_space<vmem>>
      %dma_wait3A_233 = tpu.memref_squeeze %dma_wait3A_232 : memref<1x128x128xf32, #tpu.memory_space<vmem>> -> memref<128x128xf32, #tpu.memory_space<vmem>>
      %dma_wait3A_234 = arith.constant 0 : i32
      %dma_wait3A_235 = tpu.memref_slice %arg7[%add3A_187, %dma_wait3A_234] : memref<80x128xi32, #tpu.memory_space<vmem>> -> memref<1x128xi32, #tpu.memory_space<vmem>>
      %dma_wait3A_236 = tpu.memref_squeeze %dma_wait3A_235 : memref<1x128xi32, #tpu.memory_space<vmem>> -> memref<128xi32, #tpu.memory_space<vmem>>
      %dma_wait3A_237 = arith.constant 0 : i32
      %dma_wait3A_238 = arith.constant 0 : i32
      %dma_wait3A_239 = tpu.memref_slice %arg2[%dma_wait3A_237, %dma_wait3A_238] : memref<10240x128xf32, #tpu.memory_space<hbm>> -> memref<10240x128xf32, #tpu.memory_space<hbm>>
      tpu.wait_indirect_dma semaphore(%arg12 : memref<!tpu.dma_semaphore, #tpu.memory_space<semaphore_mem>>) src(%dma_wait3A_239 : memref<10240x128xf32, #tpu.memory_space<hbm>>) dst(%dma_wait3A_233 : memref<128x128xf32, #tpu.memory_space<vmem>>)
      %dma_wait3A_240 = arith.constant 1 : i32
      %dma_wait3A_241 = arith.constant 0 : i32
      %dma_wait3A_242 = tpu.memref_slice %arg8[%dma_wait3A_240, %dma_wait3A_241] : memref<2x128xi32, #tpu.memory_space<vmem>> -> memref<1x128xi32, #tpu.memory_space<vmem>>
      %dma_wait3A_243 = tpu.memref_squeeze %dma_wait3A_242 : memref<1x128xi32, #tpu.memory_space<vmem>> -> memref<128xi32, #tpu.memory_space<vmem>>
      %dma_wait3A_244 = arith.constant 0 : i32
      %dma_wait3A_245 = tpu.memref_slice %arg4[%add3A, %add3A_187, %dma_wait3A_244] : memref<32x80x128xi32, #tpu.memory_space<hbm>> -> memref<1x1x128xi32, #tpu.memory_space<hbm>>
      %dma_wait3A_246 = tpu.memref_squeeze %dma_wait3A_245 : memref<1x1x128xi32, #tpu.memory_space<hbm>> -> memref<128xi32, #tpu.memory_space<hbm>>
      %dma_wait3A_247 = arith.constant 0 : i32
      %dma_wait3A_248 = tpu.memref_slice %arg8[%dma_wait3A_240, %dma_wait3A_247] : memref<2x128xi32, #tpu.memory_space<vmem>> -> memref<1x128xi32, #tpu.memory_space<vmem>>
      %dma_wait3A_249 = tpu.memref_squeeze %dma_wait3A_248 : memref<1x128xi32, #tpu.memory_space<vmem>> -> memref<128xi32, #tpu.memory_space<vmem>>
      %dma_wait3A_250 = arith.constant 0 : i32
      %dma_wait3A_251 = tpu.memref_slice %arg4[%add3A, %add3A_187, %dma_wait3A_250] : memref<32x80x128xi32, #tpu.memory_space<hbm>> -> memref<1x1x128xi32, #tpu.memory_space<hbm>>
      %dma_wait3A_252 = tpu.memref_squeeze %dma_wait3A_251 : memref<1x1x128xi32, #tpu.memory_space<hbm>> -> memref<128xi32, #tpu.memory_space<hbm>>
      tpu.wait_dma2 semaphore(%arg14 : memref<!tpu.dma_semaphore, #tpu.memory_space<semaphore_mem>>) src(%dma_wait3A_252 : memref<128xi32, #tpu.memory_space<hbm>>) dst(%dma_wait3A_249 : memref<128xi32, #tpu.memory_space<vmem>>)
      %dma_start3A_253 = arith.constant 1 : i32
      %dma_start3A_254 = arith.constant 1 : i32
      %dma_start3A_255 = arith.constant 0 : i32
      %dma_start3A_256 = arith.constant 0 : i32
      %dma_start3A_257 = tpu.memref_slice %arg9[%dma_start3A_253, %dma_start3A_255, %dma_start3A_256] : memref<2x128x128xf32, #tpu.memory_space<vmem>> -> memref<1x128x128xf32, #tpu.memory_space<vmem>>
      %dma_start3A_258 = tpu.memref_squeeze %dma_start3A_257 : memref<1x128x128xf32, #tpu.memory_space<vmem>> -> memref<128x128xf32, #tpu.memory_space<vmem>>
      %dma_start3A_259 = arith.constant 0 : i32
      %dma_start3A_260 = tpu.memref_slice %arg8[%dma_start3A_254, %dma_start3A_259] : memref<2x128xi32, #tpu.memory_space<vmem>> -> memref<1x128xi32, #tpu.memory_space<vmem>>
      %dma_start3A_261 = tpu.memref_squeeze %dma_start3A_260 : memref<1x128xi32, #tpu.memory_space<vmem>> -> memref<128xi32, #tpu.memory_space<vmem>>
      %dma_start3A_262 = arith.constant 0 : i32
      %dma_start3A_263 = arith.constant 0 : i32
      %dma_start3A_264 = tpu.memref_slice %arg10[%dma_start3A_262, %dma_start3A_263] : memref<10240x128xf32, #tpu.memory_space<vmem_shared>> -> memref<10240x128xf32, #tpu.memory_space<vmem_shared>>
      tpu.enqueue_indirect_dma source(%dma_start3A_258 : memref<128x128xf32, #tpu.memory_space<vmem>>) target(%dma_start3A_264 : memref<10240x128xf32, #tpu.memory_space<vmem_shared>>) offsets(%dma_start3A_261 : memref<128xi32, #tpu.memory_space<vmem>>) semaphore(%arg16 : memref<!tpu.dma_semaphore, #tpu.memory_space<semaphore_mem>>) {add = true}
      %mul3A_265 = arith.constant 2 : i32
      %mul3A_266 = arith.muli %scan3A_183, %mul3A_265 : i32
      %add3A_267 = arith.constant 2 : i32
      %add3A_268 = arith.addi %mul3A_266, %add3A_267 : i32
      %sub3A_269 = arith.constant 1 : i32
      %sub3A_270 = arith.subi %add3A_268, %sub3A_269 : i32
      %dma_wait3A_271 = arith.constant 1 : i32
      %dma_wait3A_272 = arith.constant 1 : i32
      %dma_wait3A_273 = arith.constant 0 : i32
      %dma_wait3A_274 = arith.constant 0 : i32
      %dma_wait3A_275 = tpu.memref_slice %arg9[%dma_wait3A_271, %dma_wait3A_273, %dma_wait3A_274] : memref<2x128x128xf32, #tpu.memory_space<vmem>> -> memref<1x128x128xf32, #tpu.memory_space<vmem>>
      %dma_wait3A_276 = tpu.memref_squeeze %dma_wait3A_275 : memref<1x128x128xf32, #tpu.memory_space<vmem>> -> memref<128x128xf32, #tpu.memory_space<vmem>>
      %dma_wait3A_277 = arith.constant 0 : i32
      %dma_wait3A_278 = tpu.memref_slice %arg8[%dma_wait3A_272, %dma_wait3A_277] : memref<2x128xi32, #tpu.memory_space<vmem>> -> memref<1x128xi32, #tpu.memory_space<vmem>>
      %dma_wait3A_279 = tpu.memref_squeeze %dma_wait3A_278 : memref<1x128xi32, #tpu.memory_space<vmem>> -> memref<128xi32, #tpu.memory_space<vmem>>
      %dma_wait3A_280 = arith.constant 0 : i32
      %dma_wait3A_281 = arith.constant 0 : i32
      %dma_wait3A_282 = tpu.memref_slice %arg10[%dma_wait3A_280, %dma_wait3A_281] : memref<10240x128xf32, #tpu.memory_space<vmem_shared>> -> memref<10240x128xf32, #tpu.memory_space<vmem_shared>>
      tpu.wait_indirect_dma semaphore(%arg16 : memref<!tpu.dma_semaphore, #tpu.memory_space<semaphore_mem>>) src(%dma_wait3A_276 : memref<128x128xf32, #tpu.memory_space<vmem>>) dst(%dma_wait3A_282 : memref<10240x128xf32, #tpu.memory_space<vmem_shared>>)
      %add3A_283 = arith.constant 1 : i32
      %add3A_284 = arith.addi %add3A_268, %add3A_283 : i32
      %dma_start3A_285 = arith.constant 1 : i32
      %dma_start3A_286 = arith.constant 0 : i32
      %dma_start3A_287 = arith.constant 0 : i32
      %dma_start3A_288 = tpu.memref_slice %arg9[%dma_start3A_285, %dma_start3A_286, %dma_start3A_287] : memref<2x128x128xf32, #tpu.memory_space<vmem>> -> memref<1x128x128xf32, #tpu.memory_space<vmem>>
      %dma_start3A_289 = tpu.memref_squeeze %dma_start3A_288 : memref<1x128x128xf32, #tpu.memory_space<vmem>> -> memref<128x128xf32, #tpu.memory_space<vmem>>
      %dma_start3A_290 = arith.constant 0 : i32
      %dma_start3A_291 = tpu.memref_slice %arg7[%add3A_284, %dma_start3A_290] : memref<80x128xi32, #tpu.memory_space<vmem>> -> memref<1x128xi32, #tpu.memory_space<vmem>>
      %dma_start3A_292 = tpu.memref_squeeze %dma_start3A_291 : memref<1x128xi32, #tpu.memory_space<vmem>> -> memref<128xi32, #tpu.memory_space<vmem>>
      %dma_start3A_293 = arith.constant 0 : i32
      %dma_start3A_294 = arith.constant 0 : i32
      %dma_start3A_295 = tpu.memref_slice %arg2[%dma_start3A_293, %dma_start3A_294] : memref<10240x128xf32, #tpu.memory_space<hbm>> -> memref<10240x128xf32, #tpu.memory_space<hbm>>
      tpu.enqueue_indirect_dma source(%dma_start3A_295 : memref<10240x128xf32, #tpu.memory_space<hbm>>) target(%dma_start3A_289 : memref<128x128xf32, #tpu.memory_space<vmem>>) offsets(%dma_start3A_292 : memref<128xi32, #tpu.memory_space<vmem>>) semaphore(%arg12 : memref<!tpu.dma_semaphore, #tpu.memory_space<semaphore_mem>>)
      %add3A_296 = arith.constant 1 : i32
      %add3A_297 = arith.addi %add3A_268, %add3A_296 : i32
      %dma_start3A_298 = arith.constant 1 : i32
      %dma_start3A_299 = arith.constant 0 : i32
      %dma_start3A_300 = tpu.memref_slice %arg8[%dma_start3A_298, %dma_start3A_299] : memref<2x128xi32, #tpu.memory_space<vmem>> -> memref<1x128xi32, #tpu.memory_space<vmem>>
      %dma_start3A_301 = tpu.memref_squeeze %dma_start3A_300 : memref<1x128xi32, #tpu.memory_space<vmem>> -> memref<128xi32, #tpu.memory_space<vmem>>
      %dma_start3A_302 = arith.constant 0 : i32
      %dma_start3A_303 = tpu.memref_slice %arg4[%add3A, %add3A_297, %dma_start3A_302] : memref<32x80x128xi32, #tpu.memory_space<hbm>> -> memref<1x1x128xi32, #tpu.memory_space<hbm>>
      %dma_start3A_304 = tpu.memref_squeeze %dma_start3A_303 : memref<1x1x128xi32, #tpu.memory_space<hbm>> -> memref<128xi32, #tpu.memory_space<hbm>>
      %dma_start3A_305 = arith.constant 0 : i32
      %dma_start3A_306 = tpu.memref_slice %arg8[%dma_start3A_298, %dma_start3A_305] : memref<2x128xi32, #tpu.memory_space<vmem>> -> memref<1x128xi32, #tpu.memory_space<vmem>>
      %dma_start3A_307 = tpu.memref_squeeze %dma_start3A_306 : memref<1x128xi32, #tpu.memory_space<vmem>> -> memref<128xi32, #tpu.memory_space<vmem>>
      %dma_start3A_308 = arith.constant 0 : i32
      %dma_start3A_309 = tpu.memref_slice %arg4[%add3A, %add3A_297, %dma_start3A_308] : memref<32x80x128xi32, #tpu.memory_space<hbm>> -> memref<1x1x128xi32, #tpu.memory_space<hbm>>
      %dma_start3A_310 = tpu.memref_squeeze %dma_start3A_309 : memref<1x1x128xi32, #tpu.memory_space<hbm>> -> memref<128xi32, #tpu.memory_space<hbm>>
      tpu.enqueue_dma source(%dma_start3A_310 : memref<128xi32, #tpu.memory_space<hbm>>) target(%dma_start3A_307 : memref<128xi32, #tpu.memory_space<vmem>>) target_semaphore(%arg14 : memref<!tpu.dma_semaphore, #tpu.memory_space<semaphore_mem>>)
      %dma_wait3A_311 = arith.constant 0 : i32
      %dma_wait3A_312 = arith.constant 0 : i32
      %dma_wait3A_313 = arith.constant 0 : i32
      %dma_wait3A_314 = tpu.memref_slice %arg9[%dma_wait3A_311, %dma_wait3A_312, %dma_wait3A_313] : memref<2x128x128xf32, #tpu.memory_space<vmem>> -> memref<1x128x128xf32, #tpu.memory_space<vmem>>
      %dma_wait3A_315 = tpu.memref_squeeze %dma_wait3A_314 : memref<1x128x128xf32, #tpu.memory_space<vmem>> -> memref<128x128xf32, #tpu.memory_space<vmem>>
      %dma_wait3A_316 = arith.constant 0 : i32
      %dma_wait3A_317 = tpu.memref_slice %arg7[%add3A_268, %dma_wait3A_316] : memref<80x128xi32, #tpu.memory_space<vmem>> -> memref<1x128xi32, #tpu.memory_space<vmem>>
      %dma_wait3A_318 = tpu.memref_squeeze %dma_wait3A_317 : memref<1x128xi32, #tpu.memory_space<vmem>> -> memref<128xi32, #tpu.memory_space<vmem>>
      %dma_wait3A_319 = arith.constant 0 : i32
      %dma_wait3A_320 = arith.constant 0 : i32
      %dma_wait3A_321 = tpu.memref_slice %arg2[%dma_wait3A_319, %dma_wait3A_320] : memref<10240x128xf32, #tpu.memory_space<hbm>> -> memref<10240x128xf32, #tpu.memory_space<hbm>>
      tpu.wait_indirect_dma semaphore(%arg11 : memref<!tpu.dma_semaphore, #tpu.memory_space<semaphore_mem>>) src(%dma_wait3A_321 : memref<10240x128xf32, #tpu.memory_space<hbm>>) dst(%dma_wait3A_315 : memref<128x128xf32, #tpu.memory_space<vmem>>)
      %dma_wait3A_322 = arith.constant 0 : i32
      %dma_wait3A_323 = arith.constant 0 : i32
      %dma_wait3A_324 = tpu.memref_slice %arg8[%dma_wait3A_322, %dma_wait3A_323] : memref<2x128xi32, #tpu.memory_space<vmem>> -> memref<1x128xi32, #tpu.memory_space<vmem>>
      %dma_wait3A_325 = tpu.memref_squeeze %dma_wait3A_324 : memref<1x128xi32, #tpu.memory_space<vmem>> -> memref<128xi32, #tpu.memory_space<vmem>>
      %dma_wait3A_326 = arith.constant 0 : i32
      %dma_wait3A_327 = tpu.memref_slice %arg4[%add3A, %add3A_268, %dma_wait3A_326] : memref<32x80x128xi32, #tpu.memory_space<hbm>> -> memref<1x1x128xi32, #tpu.memory_space<hbm>>
      %dma_wait3A_328 = tpu.memref_squeeze %dma_wait3A_327 : memref<1x1x128xi32, #tpu.memory_space<hbm>> -> memref<128xi32, #tpu.memory_space<hbm>>
      %dma_wait3A_329 = arith.constant 0 : i32
      %dma_wait3A_330 = tpu.memref_slice %arg8[%dma_wait3A_322, %dma_wait3A_329] : memref<2x128xi32, #tpu.memory_space<vmem>> -> memref<1x128xi32, #tpu.memory_space<vmem>>
      %dma_wait3A_331 = tpu.memref_squeeze %dma_wait3A_330 : memref<1x128xi32, #tpu.memory_space<vmem>> -> memref<128xi32, #tpu.memory_space<vmem>>
      %dma_wait3A_332 = arith.constant 0 : i32
      %dma_wait3A_333 = tpu.memref_slice %arg4[%add3A, %add3A_268, %dma_wait3A_332] : memref<32x80x128xi32, #tpu.memory_space<hbm>> -> memref<1x1x128xi32, #tpu.memory_space<hbm>>
      %dma_wait3A_334 = tpu.memref_squeeze %dma_wait3A_333 : memref<1x1x128xi32, #tpu.memory_space<hbm>> -> memref<128xi32, #tpu.memory_space<hbm>>
      tpu.wait_dma2 semaphore(%arg13 : memref<!tpu.dma_semaphore, #tpu.memory_space<semaphore_mem>>) src(%dma_wait3A_334 : memref<128xi32, #tpu.memory_space<hbm>>) dst(%dma_wait3A_331 : memref<128xi32, #tpu.memory_space<vmem>>)
      %dma_start3A_335 = arith.constant 0 : i32
      %dma_start3A_336 = arith.constant 0 : i32
      %dma_start3A_337 = arith.constant 0 : i32
      %dma_start3A_338 = arith.constant 0 : i32
      %dma_start3A_339 = tpu.memref_slice %arg9[%dma_start3A_335, %dma_start3A_337, %dma_start3A_338] : memref<2x128x128xf32, #tpu.memory_space<vmem>> -> memref<1x128x128xf32, #tpu.memory_space<vmem>>
      %dma_start3A_340 = tpu.memref_squeeze %dma_start3A_339 : memref<1x128x128xf32, #tpu.memory_space<vmem>> -> memref<128x128xf32, #tpu.memory_space<vmem>>
      %dma_start3A_341 = arith.constant 0 : i32
      %dma_start3A_342 = tpu.memref_slice %arg8[%dma_start3A_336, %dma_start3A_341] : memref<2x128xi32, #tpu.memory_space<vmem>> -> memref<1x128xi32, #tpu.memory_space<vmem>>
      %dma_start3A_343 = tpu.memref_squeeze %dma_start3A_342 : memref<1x128xi32, #tpu.memory_space<vmem>> -> memref<128xi32, #tpu.memory_space<vmem>>
      %dma_start3A_344 = arith.constant 0 : i32
      %dma_start3A_345 = arith.constant 0 : i32
      %dma_start3A_346 = tpu.memref_slice %arg10[%dma_start3A_344, %dma_start3A_345] : memref<10240x128xf32, #tpu.memory_space<vmem_shared>> -> memref<10240x128xf32, #tpu.memory_space<vmem_shared>>
      tpu.enqueue_indirect_dma source(%dma_start3A_340 : memref<128x128xf32, #tpu.memory_space<vmem>>) target(%dma_start3A_346 : memref<10240x128xf32, #tpu.memory_space<vmem_shared>>) offsets(%dma_start3A_343 : memref<128xi32, #tpu.memory_space<vmem>>) semaphore(%arg15 : memref<!tpu.dma_semaphore, #tpu.memory_space<semaphore_mem>>) {add = true}
    }
    %scan3A_115 = arith.constant 39 : i32
    %dma_wait3A_116 = arith.constant 79 : i32
    %dma_wait3A_117 = arith.constant 1 : i32
    %dma_wait3A_118 = arith.constant 0 : i32
    %dma_wait3A_119 = arith.constant 0 : i32
    %dma_wait3A_120 = tpu.memref_slice %arg9[%dma_wait3A_117, %dma_wait3A_118, %dma_wait3A_119] : memref<2x128x128xf32, #tpu.memory_space<vmem>> -> memref<1x128x128xf32, #tpu.memory_space<vmem>>
    %dma_wait3A_121 = tpu.memref_squeeze %dma_wait3A_120 : memref<1x128x128xf32, #tpu.memory_space<vmem>> -> memref<128x128xf32, #tpu.memory_space<vmem>>
    %dma_wait3A_122 = arith.constant 0 : i32
    %dma_wait3A_123 = tpu.memref_slice %arg7[%dma_wait3A_116, %dma_wait3A_122] : memref<80x128xi32, #tpu.memory_space<vmem>> -> memref<1x128xi32, #tpu.memory_space<vmem>>
    %dma_wait3A_124 = tpu.memref_squeeze %dma_wait3A_123 : memref<1x128xi32, #tpu.memory_space<vmem>> -> memref<128xi32, #tpu.memory_space<vmem>>
    %dma_wait3A_125 = arith.constant 0 : i32
    %dma_wait3A_126 = arith.constant 0 : i32
    %dma_wait3A_127 = tpu.memref_slice %arg2[%dma_wait3A_125, %dma_wait3A_126] : memref<10240x128xf32, #tpu.memory_space<hbm>> -> memref<10240x128xf32, #tpu.memory_space<hbm>>
    tpu.wait_indirect_dma semaphore(%arg12 : memref<!tpu.dma_semaphore, #tpu.memory_space<semaphore_mem>>) src(%dma_wait3A_127 : memref<10240x128xf32, #tpu.memory_space<hbm>>) dst(%dma_wait3A_121 : memref<128x128xf32, #tpu.memory_space<vmem>>)
    %dma_wait3A_128 = arith.constant 79 : i32
    %dma_wait3A_129 = arith.constant 1 : i32
    %dma_wait3A_130 = arith.constant 0 : i32
    %dma_wait3A_131 = tpu.memref_slice %arg8[%dma_wait3A_129, %dma_wait3A_130] : memref<2x128xi32, #tpu.memory_space<vmem>> -> memref<1x128xi32, #tpu.memory_space<vmem>>
    %dma_wait3A_132 = tpu.memref_squeeze %dma_wait3A_131 : memref<1x128xi32, #tpu.memory_space<vmem>> -> memref<128xi32, #tpu.memory_space<vmem>>
    %dma_wait3A_133 = arith.constant 0 : i32
    %dma_wait3A_134 = tpu.memref_slice %arg4[%add3A, %dma_wait3A_128, %dma_wait3A_133] : memref<32x80x128xi32, #tpu.memory_space<hbm>> -> memref<1x1x128xi32, #tpu.memory_space<hbm>>
    %dma_wait3A_135 = tpu.memref_squeeze %dma_wait3A_134 : memref<1x1x128xi32, #tpu.memory_space<hbm>> -> memref<128xi32, #tpu.memory_space<hbm>>
    %dma_wait3A_136 = arith.constant 0 : i32
    %dma_wait3A_137 = tpu.memref_slice %arg8[%dma_wait3A_129, %dma_wait3A_136] : memref<2x128xi32, #tpu.memory_space<vmem>> -> memref<1x128xi32, #tpu.memory_space<vmem>>
    %dma_wait3A_138 = tpu.memref_squeeze %dma_wait3A_137 : memref<1x128xi32, #tpu.memory_space<vmem>> -> memref<128xi32, #tpu.memory_space<vmem>>
    %dma_wait3A_139 = arith.constant 0 : i32
    %dma_wait3A_140 = tpu.memref_slice %arg4[%add3A, %dma_wait3A_128, %dma_wait3A_139] : memref<32x80x128xi32, #tpu.memory_space<hbm>> -> memref<1x1x128xi32, #tpu.memory_space<hbm>>
    %dma_wait3A_141 = tpu.memref_squeeze %dma_wait3A_140 : memref<1x1x128xi32, #tpu.memory_space<hbm>> -> memref<128xi32, #tpu.memory_space<hbm>>
    tpu.wait_dma2 semaphore(%arg14 : memref<!tpu.dma_semaphore, #tpu.memory_space<semaphore_mem>>) src(%dma_wait3A_141 : memref<128xi32, #tpu.memory_space<hbm>>) dst(%dma_wait3A_138 : memref<128xi32, #tpu.memory_space<vmem>>)
    %dma_start3A_142 = arith.constant 1 : i32
    %dma_start3A_143 = arith.constant 1 : i32
    %dma_start3A_144 = arith.constant 0 : i32
    %dma_start3A_145 = arith.constant 0 : i32
    %dma_start3A_146 = tpu.memref_slice %arg9[%dma_start3A_142, %dma_start3A_144, %dma_start3A_145] : memref<2x128x128xf32, #tpu.memory_space<vmem>> -> memref<1x128x128xf32, #tpu.memory_space<vmem>>
    %dma_start3A_147 = tpu.memref_squeeze %dma_start3A_146 : memref<1x128x128xf32, #tpu.memory_space<vmem>> -> memref<128x128xf32, #tpu.memory_space<vmem>>
    %dma_start3A_148 = arith.constant 0 : i32
    %dma_start3A_149 = tpu.memref_slice %arg8[%dma_start3A_143, %dma_start3A_148] : memref<2x128xi32, #tpu.memory_space<vmem>> -> memref<1x128xi32, #tpu.memory_space<vmem>>
    %dma_start3A_150 = tpu.memref_squeeze %dma_start3A_149 : memref<1x128xi32, #tpu.memory_space<vmem>> -> memref<128xi32, #tpu.memory_space<vmem>>
    %dma_start3A_151 = arith.constant 0 : i32
    %dma_start3A_152 = arith.constant 0 : i32
    %dma_start3A_153 = tpu.memref_slice %arg10[%dma_start3A_151, %dma_start3A_152] : memref<10240x128xf32, #tpu.memory_space<vmem_shared>> -> memref<10240x128xf32, #tpu.memory_space<vmem_shared>>
    tpu.enqueue_indirect_dma source(%dma_start3A_147 : memref<128x128xf32, #tpu.memory_space<vmem>>) target(%dma_start3A_153 : memref<10240x128xf32, #tpu.memory_space<vmem_shared>>) offsets(%dma_start3A_150 : memref<128xi32, #tpu.memory_space<vmem>>) semaphore(%arg16 : memref<!tpu.dma_semaphore, #tpu.memory_space<semaphore_mem>>) {add = true}
    %dma_wait3A_154 = arith.constant 0 : i32
    %dma_wait3A_155 = arith.constant 0 : i32
    %dma_wait3A_156 = arith.constant 0 : i32
    %dma_wait3A_157 = arith.constant 0 : i32
    %dma_wait3A_158 = tpu.memref_slice %arg9[%dma_wait3A_154, %dma_wait3A_156, %dma_wait3A_157] : memref<2x128x128xf32, #tpu.memory_space<vmem>> -> memref<1x128x128xf32, #tpu.memory_space<vmem>>
    %dma_wait3A_159 = tpu.memref_squeeze %dma_wait3A_158 : memref<1x128x128xf32, #tpu.memory_space<vmem>> -> memref<128x128xf32, #tpu.memory_space<vmem>>
    %dma_wait3A_160 = arith.constant 0 : i32
    %dma_wait3A_161 = tpu.memref_slice %arg8[%dma_wait3A_155, %dma_wait3A_160] : memref<2x128xi32, #tpu.memory_space<vmem>> -> memref<1x128xi32, #tpu.memory_space<vmem>>
    %dma_wait3A_162 = tpu.memref_squeeze %dma_wait3A_161 : memref<1x128xi32, #tpu.memory_space<vmem>> -> memref<128xi32, #tpu.memory_space<vmem>>
    %dma_wait3A_163 = arith.constant 0 : i32
    %dma_wait3A_164 = arith.constant 0 : i32
    %dma_wait3A_165 = tpu.memref_slice %arg10[%dma_wait3A_163, %dma_wait3A_164] : memref<10240x128xf32, #tpu.memory_space<vmem_shared>> -> memref<10240x128xf32, #tpu.memory_space<vmem_shared>>
    tpu.wait_indirect_dma semaphore(%arg15 : memref<!tpu.dma_semaphore, #tpu.memory_space<semaphore_mem>>) src(%dma_wait3A_159 : memref<128x128xf32, #tpu.memory_space<vmem>>) dst(%dma_wait3A_165 : memref<10240x128xf32, #tpu.memory_space<vmem_shared>>)
    %dma_wait3A_166 = arith.constant 1 : i32
    %dma_wait3A_167 = arith.constant 1 : i32
    %dma_wait3A_168 = arith.constant 0 : i32
    %dma_wait3A_169 = arith.constant 0 : i32
    %dma_wait3A_170 = tpu.memref_slice %arg9[%dma_wait3A_166, %dma_wait3A_168, %dma_wait3A_169] : memref<2x128x128xf32, #tpu.memory_space<vmem>> -> memref<1x128x128xf32, #tpu.memory_space<vmem>>
    %dma_wait3A_171 = tpu.memref_squeeze %dma_wait3A_170 : memref<1x128x128xf32, #tpu.memory_space<vmem>> -> memref<128x128xf32, #tpu.memory_space<vmem>>
    %dma_wait3A_172 = arith.constant 0 : i32
    %dma_wait3A_173 = tpu.memref_slice %arg8[%dma_wait3A_167, %dma_wait3A_172] : memref<2x128xi32, #tpu.memory_space<vmem>> -> memref<1x128xi32, #tpu.memory_space<vmem>>
    %dma_wait3A_174 = tpu.memref_squeeze %dma_wait3A_173 : memref<1x128xi32, #tpu.memory_space<vmem>> -> memref<128xi32, #tpu.memory_space<vmem>>
    %dma_wait3A_175 = arith.constant 0 : i32
    %dma_wait3A_176 = arith.constant 0 : i32
    %dma_wait3A_177 = tpu.memref_slice %arg10[%dma_wait3A_175, %dma_wait3A_176] : memref<10240x128xf32, #tpu.memory_space<vmem_shared>> -> memref<10240x128xf32, #tpu.memory_space<vmem_shared>>
    tpu.wait_indirect_dma semaphore(%arg16 : memref<!tpu.dma_semaphore, #tpu.memory_space<semaphore_mem>>) src(%dma_wait3A_171 : memref<128x128xf32, #tpu.memory_space<vmem>>) dst(%dma_wait3A_177 : memref<10240x128xf32, #tpu.memory_space<vmem_shared>>)
    %barrier3A_178 = arith.constant 0 : index
    tpu.barrier barrier_id(%barrier3A_178)
    %mul3A_179 = arith.constant 640 : i32
    %mul3A_180 = arith.muli %arg1, %mul3A_179 : i32
    %mul3A_181 = arith.constant 640 : i32
    %mul3A_182 = arith.muli %arg1, %mul3A_181 : i32
    "tpu.region"() ({
      %run_scoped3A = tpu.sem_alloc : memref<!tpu.dma_semaphore, #tpu.memory_space<semaphore_mem>>
      %dma_start3A_183 = arith.constant 0 : i32
      %dma_start3A_184 = tpu.memref_slice %arg6[%arg0, %mul3A_182, %dma_start3A_183] : memref<2x10240x128xf32, #tpu.memory_space<hbm>> -> memref<1x640x128xf32, #tpu.memory_space<hbm>>
      %dma_start3A_185 = tpu.memref_squeeze %dma_start3A_184 : memref<1x640x128xf32, #tpu.memory_space<hbm>> -> memref<640x128xf32, #tpu.memory_space<hbm>>
      %dma_start3A_186 = arith.constant 0 : i32
      %dma_start3A_187 = tpu.memref_slice %arg10[%mul3A_180, %dma_start3A_186] : memref<10240x128xf32, #tpu.memory_space<vmem_shared>> -> memref<640x128xf32, #tpu.memory_space<vmem_shared>>
      tpu.enqueue_dma source(%dma_start3A_187 : memref<640x128xf32, #tpu.memory_space<vmem_shared>>) target(%dma_start3A_185 : memref<640x128xf32, #tpu.memory_space<hbm>>) target_semaphore(%run_scoped3A : memref<!tpu.dma_semaphore, #tpu.memory_space<semaphore_mem>>)
      %dma_wait3A_188 = arith.constant 0 : i32
      %dma_wait3A_189 = tpu.memref_slice %arg6[%arg0, %mul3A_182, %dma_wait3A_188] : memref<2x10240x128xf32, #tpu.memory_space<hbm>> -> memref<1x640x128xf32, #tpu.memory_space<hbm>>
      %dma_wait3A_190 = tpu.memref_squeeze %dma_wait3A_189 : memref<1x640x128xf32, #tpu.memory_space<hbm>> -> memref<640x128xf32, #tpu.memory_space<hbm>>
      %dma_wait3A_191 = arith.constant 0 : i32
      %dma_wait3A_192 = tpu.memref_slice %arg10[%mul3A_180, %dma_wait3A_191] : memref<10240x128xf32, #tpu.memory_space<vmem_shared>> -> memref<640x128xf32, #tpu.memory_space<vmem_shared>>
      tpu.wait_dma2 semaphore(%run_scoped3A : memref<!tpu.dma_semaphore, #tpu.memory_space<semaphore_mem>>) src(%dma_wait3A_192 : memref<640x128xf32, #tpu.memory_space<vmem_shared>>) dst(%dma_wait3A_190 : memref<640x128xf32, #tpu.memory_space<hbm>>)
      tpu.yield
    }) : () -> ()
    return
  }
}

#map = affine_map<(d0, d1) -> (0)>
#map1 = affine_map<(d0, d1) -> (0, 0)>
#map2 = affine_map<(d0, d1) -> (0, 0, 0)>
module attributes {stable_mosaic.version = 14 : i64} {
  func.func @sc_edge_scalar(%arg0: i32, %arg1: i32, %arg2: memref<10240xf32, #tpu.memory_space<hbm>>, %arg3: memref<32x10240xi32, #tpu.memory_space<hbm>>, %arg4: memref<32x10240xi32, #tpu.memory_space<hbm>>, %arg5: memref<10x32x1024xf32, #tpu.memory_space<hbm>>, %arg6: memref<10240xf32, #tpu.memory_space<vmem>>, %arg7: memref<10240xi32, #tpu.memory_space<vmem>>, %arg8: memref<10240xi32, #tpu.memory_space<vmem>>, %arg9: memref<10240xf32, #tpu.memory_space<vmem>>) attributes {dimension_semantics = [#tpu.dimension_semantics<core_parallel>, #tpu.dimension_semantics<subcore_parallel>], iteration_bounds = array<i64: 2, 16>, scalar_prefetch = 0 : i64, scratch_operands = 4 : i64, tpu.core_type = #tpu.core_type<sc_vector_subcore>, window_params = [{transform_indices = #map}, {transform_indices = #map1}, {transform_indices = #map1}, {transform_indices = #map2}]} {
    %mul3A = arith.constant 2 : i32
    %mul3A_0 = arith.muli %arg1, %mul3A : i32
    %add3A = arith.addi %mul3A_0, %arg0 : i32
    "tpu.region"() ({
      %run_scoped3A_22 = tpu.sem_alloc : memref<!tpu.dma_semaphore, #tpu.memory_space<semaphore_mem>>
      tpu.enqueue_dma source(%arg2 : memref<10240xf32, #tpu.memory_space<hbm>>) target(%arg6 : memref<10240xf32, #tpu.memory_space<vmem>>) target_semaphore(%run_scoped3A_22 : memref<!tpu.dma_semaphore, #tpu.memory_space<semaphore_mem>>)
      tpu.wait_dma2 semaphore(%run_scoped3A_22 : memref<!tpu.dma_semaphore, #tpu.memory_space<semaphore_mem>>) src(%arg2 : memref<10240xf32, #tpu.memory_space<hbm>>) dst(%arg6 : memref<10240xf32, #tpu.memory_space<vmem>>)
      tpu.yield
    }) : () -> ()
    "tpu.region"() ({
      %run_scoped3A_22 = tpu.sem_alloc : memref<!tpu.dma_semaphore, #tpu.memory_space<semaphore_mem>>
      %dma_start3A = arith.constant 0 : i32
      %dma_start3A_23 = tpu.memref_slice %arg3[%add3A, %dma_start3A] : memref<32x10240xi32, #tpu.memory_space<hbm>> -> memref<1x10240xi32, #tpu.memory_space<hbm>>
      %dma_start3A_24 = tpu.memref_squeeze %dma_start3A_23 : memref<1x10240xi32, #tpu.memory_space<hbm>> -> memref<10240xi32, #tpu.memory_space<hbm>>
      %dma_start3A_25 = arith.constant 0 : i32
      %dma_start3A_26 = tpu.memref_slice %arg3[%add3A, %dma_start3A_25] : memref<32x10240xi32, #tpu.memory_space<hbm>> -> memref<1x10240xi32, #tpu.memory_space<hbm>>
      %dma_start3A_27 = tpu.memref_squeeze %dma_start3A_26 : memref<1x10240xi32, #tpu.memory_space<hbm>> -> memref<10240xi32, #tpu.memory_space<hbm>>
      tpu.enqueue_dma source(%dma_start3A_27 : memref<10240xi32, #tpu.memory_space<hbm>>) target(%arg7 : memref<10240xi32, #tpu.memory_space<vmem>>) target_semaphore(%run_scoped3A_22 : memref<!tpu.dma_semaphore, #tpu.memory_space<semaphore_mem>>)
      %dma_wait3A = arith.constant 0 : i32
      %dma_wait3A_28 = tpu.memref_slice %arg3[%add3A, %dma_wait3A] : memref<32x10240xi32, #tpu.memory_space<hbm>> -> memref<1x10240xi32, #tpu.memory_space<hbm>>
      %dma_wait3A_29 = tpu.memref_squeeze %dma_wait3A_28 : memref<1x10240xi32, #tpu.memory_space<hbm>> -> memref<10240xi32, #tpu.memory_space<hbm>>
      %dma_wait3A_30 = arith.constant 0 : i32
      %dma_wait3A_31 = tpu.memref_slice %arg3[%add3A, %dma_wait3A_30] : memref<32x10240xi32, #tpu.memory_space<hbm>> -> memref<1x10240xi32, #tpu.memory_space<hbm>>
      %dma_wait3A_32 = tpu.memref_squeeze %dma_wait3A_31 : memref<1x10240xi32, #tpu.memory_space<hbm>> -> memref<10240xi32, #tpu.memory_space<hbm>>
      tpu.wait_dma2 semaphore(%run_scoped3A_22 : memref<!tpu.dma_semaphore, #tpu.memory_space<semaphore_mem>>) src(%dma_wait3A_32 : memref<10240xi32, #tpu.memory_space<hbm>>) dst(%arg7 : memref<10240xi32, #tpu.memory_space<vmem>>)
      tpu.yield
    }) : () -> ()
    "tpu.region"() ({
      %run_scoped3A_22 = tpu.sem_alloc : memref<!tpu.dma_semaphore, #tpu.memory_space<semaphore_mem>>
      %dma_start3A = arith.constant 0 : i32
      %dma_start3A_23 = tpu.memref_slice %arg4[%add3A, %dma_start3A] : memref<32x10240xi32, #tpu.memory_space<hbm>> -> memref<1x10240xi32, #tpu.memory_space<hbm>>
      %dma_start3A_24 = tpu.memref_squeeze %dma_start3A_23 : memref<1x10240xi32, #tpu.memory_space<hbm>> -> memref<10240xi32, #tpu.memory_space<hbm>>
      %dma_start3A_25 = arith.constant 0 : i32
      %dma_start3A_26 = tpu.memref_slice %arg4[%add3A, %dma_start3A_25] : memref<32x10240xi32, #tpu.memory_space<hbm>> -> memref<1x10240xi32, #tpu.memory_space<hbm>>
      %dma_start3A_27 = tpu.memref_squeeze %dma_start3A_26 : memref<1x10240xi32, #tpu.memory_space<hbm>> -> memref<10240xi32, #tpu.memory_space<hbm>>
      tpu.enqueue_dma source(%dma_start3A_27 : memref<10240xi32, #tpu.memory_space<hbm>>) target(%arg8 : memref<10240xi32, #tpu.memory_space<vmem>>) target_semaphore(%run_scoped3A_22 : memref<!tpu.dma_semaphore, #tpu.memory_space<semaphore_mem>>)
      %dma_wait3A = arith.constant 0 : i32
      %dma_wait3A_28 = tpu.memref_slice %arg4[%add3A, %dma_wait3A] : memref<32x10240xi32, #tpu.memory_space<hbm>> -> memref<1x10240xi32, #tpu.memory_space<hbm>>
      %dma_wait3A_29 = tpu.memref_squeeze %dma_wait3A_28 : memref<1x10240xi32, #tpu.memory_space<hbm>> -> memref<10240xi32, #tpu.memory_space<hbm>>
      %dma_wait3A_30 = arith.constant 0 : i32
      %dma_wait3A_31 = tpu.memref_slice %arg4[%add3A, %dma_wait3A_30] : memref<32x10240xi32, #tpu.memory_space<hbm>> -> memref<1x10240xi32, #tpu.memory_space<hbm>>
      %dma_wait3A_32 = tpu.memref_squeeze %dma_wait3A_31 : memref<1x10240xi32, #tpu.memory_space<hbm>> -> memref<10240xi32, #tpu.memory_space<hbm>>
      tpu.wait_dma2 semaphore(%run_scoped3A_22 : memref<!tpu.dma_semaphore, #tpu.memory_space<semaphore_mem>>) src(%dma_wait3A_32 : memref<10240xi32, #tpu.memory_space<hbm>>) dst(%arg8 : memref<10240xi32, #tpu.memory_space<vmem>>)
      tpu.yield
    }) : () -> ()
    %broadcast_in_dim3A = arith.constant 0.000000e+00 : f32
    %broadcast_in_dim3A_1 = vector.broadcast %broadcast_in_dim3A : f32 to vector<16xf32>
    %scan3A = arith.constant 0 : i32
    %scan3A_2 = arith.constant 0 : i32
    %scan3A_3 = arith.constant 640 : i32
    %scan3A_4 = arith.addi %scan3A_2, %scan3A_3 : i32
    %scan3A_5 = arith.constant 1 : i32
    scf.for %scan3A_22 = %scan3A_2 to %scan3A_4 step %scan3A_5  : i32 {
      %mul3A_23 = arith.constant 16 : i32
      %mul3A_24 = arith.muli %scan3A_22, %mul3A_23 : i32
      %swap3A = arith.index_cast %mul3A_24 : i32 to index
      %swap3A_25 = tpu.vector_load %arg9[%swap3A] {strides = array<i32>} : memref<10240xf32, #tpu.memory_space<vmem>>, vector<16xf32>,
      tpu.vector_store %arg9[%swap3A], %broadcast_in_dim3A_1 {strides = array<i32>} : memref<10240xf32, #tpu.memory_space<vmem>>, vector<16xf32>,
    }
    %scan3A_6 = arith.constant 640 : i32
    %scan3A_7 = arith.constant 0 : i32
    %scan3A_8 = arith.constant 0 : i32
    %scan3A_9 = arith.constant 640 : i32
    %scan3A_10 = arith.addi %scan3A_8, %scan3A_9 : i32
    %scan3A_11 = arith.constant 1 : i32
    scf.for %scan3A_22 = %scan3A_8 to %scan3A_10 step %scan3A_11  : i32 {
      %mul3A_23 = arith.constant 16 : i32
      %mul3A_24 = arith.muli %scan3A_22, %mul3A_23 : i32
      %get3A = arith.index_cast %mul3A_24 : i32 to index
      %get3A_25 = tpu.vector_load %arg7[%get3A] {strides = array<i32>} : memref<10240xi32, #tpu.memory_space<vmem>>, vector<16xi32>,
      %mul3A_26 = arith.constant 16 : i32
      %mul3A_27 = arith.muli %scan3A_22, %mul3A_26 : i32
      %get3A_28 = arith.index_cast %mul3A_27 : i32 to index
      %get3A_29 = tpu.vector_load %arg8[%get3A_28] {strides = array<i32>} : memref<10240xi32, #tpu.memory_space<vmem>>, vector<16xi32>,
      %gather3A = tpu.vector_load_idx %arg6[%get3A_25] : memref<10240xf32, #tpu.memory_space<vmem>>[vector<16xi32>], vector<16xf32>,
      tpu.vector_store_idx %arg9[%get3A_29], %gather3A {add = true} : memref<10240xf32, #tpu.memory_space<vmem>>[vector<16xi32>], vector<16xf32>,
    }
    %scan3A_12 = arith.constant 640 : i32
    %run_scoped3A = arith.constant 0 : i32
    "tpu.region"() ({
      %run_scoped3A_22 = tpu.sem_alloc : memref<!tpu.dma_semaphore, #tpu.memory_space<semaphore_mem>>
      %dma_start3A = arith.constant 0 : i32
      %dma_start3A_23 = tpu.memref_slice %arg9[%dma_start3A] : memref<10240xf32, #tpu.memory_space<vmem>> -> memref<1024xf32, #tpu.memory_space<vmem>>
      %dma_start3A_24 = arith.constant 0 : i32
      %dma_start3A_25 = tpu.memref_slice %arg5[%run_scoped3A, %add3A, %dma_start3A_24] : memref<10x32x1024xf32, #tpu.memory_space<hbm>> -> memref<1x1x1024xf32, #tpu.memory_space<hbm>>
      %dma_start3A_26 = tpu.memref_squeeze %dma_start3A_25 : memref<1x1x1024xf32, #tpu.memory_space<hbm>> -> memref<1024xf32, #tpu.memory_space<hbm>>
      %dma_start3A_27 = arith.constant 0 : i32
      %dma_start3A_28 = tpu.memref_slice %arg5[%run_scoped3A, %add3A, %dma_start3A_27] : memref<10x32x1024xf32, #tpu.memory_space<hbm>> -> memref<1x1x1024xf32, #tpu.memory_space<hbm>>
      %dma_start3A_29 = tpu.memref_squeeze %dma_start3A_28 : memref<1x1x1024xf32, #tpu.memory_space<hbm>> -> memref<1024xf32, #tpu.memory_space<hbm>>
      %dma_start3A_30 = arith.constant 0 : i32
      %dma_start3A_31 = tpu.memref_slice %arg9[%dma_start3A_30] : memref<10240xf32, #tpu.memory_space<vmem>> -> memref<1024xf32, #tpu.memory_space<vmem>>
      tpu.enqueue_dma source(%dma_start3A_31 : memref<1024xf32, #tpu.memory_space<vmem>>) target(%dma_start3A_29 : memref<1024xf32, #tpu.memory_space<hbm>>) target_semaphore(%run_scoped3A_22 : memref<!tpu.dma_semaphore, #tpu.memory_space<semaphore_mem>>)
      %dma_wait3A = arith.constant 0 : i32
      %dma_wait3A_32 = tpu.memref_slice %arg9[%dma_wait3A] : memref<10240xf32, #tpu.memory_space<vmem>> -> memref<1024xf32, #tpu.memory_space<vmem>>
      %dma_wait3A_33 = arith.constant 0 : i32
      %dma_wait3A_34 = tpu.memref_slice %arg5[%run_scoped3A, %add3A, %dma_wait3A_33] : memref<10x32x1024xf32, #tpu.memory_space<hbm>> -> memref<1x1x1024xf32, #tpu.memory_space<hbm>>
      %dma_wait3A_35 = tpu.memref_squeeze %dma_wait3A_34 : memref<1x1x1024xf32, #tpu.memory_space<hbm>> -> memref<1024xf32, #tpu.memory_space<hbm>>
      %dma_wait3A_36 = arith.constant 0 : i32
      %dma_wait3A_37 = tpu.memref_slice %arg5[%run_scoped3A, %add3A, %dma_wait3A_36] : memref<10x32x1024xf32, #tpu.memory_space<hbm>> -> memref<1x1x1024xf32, #tpu.memory_space<hbm>>
      %dma_wait3A_38 = tpu.memref_squeeze %dma_wait3A_37 : memref<1x1x1024xf32, #tpu.memory_space<hbm>> -> memref<1024xf32, #tpu.memory_space<hbm>>
      %dma_wait3A_39 = arith.constant 0 : i32
      %dma_wait3A_40 = tpu.memref_slice %arg9[%dma_wait3A_39] : memref<10240xf32, #tpu.memory_space<vmem>> -> memref<1024xf32, #tpu.memory_space<vmem>>
      tpu.wait_dma2 semaphore(%run_scoped3A_22 : memref<!tpu.dma_semaphore, #tpu.memory_space<semaphore_mem>>) src(%dma_wait3A_40 : memref<1024xf32, #tpu.memory_space<vmem>>) dst(%dma_wait3A_38 : memref<1024xf32, #tpu.memory_space<hbm>>)
      tpu.yield
    }) : () -> ()
    %run_scoped3A_13 = arith.constant 1 : i32
    "tpu.region"() ({
      %run_scoped3A_22 = tpu.sem_alloc : memref<!tpu.dma_semaphore, #tpu.memory_space<semaphore_mem>>
      %dma_start3A = arith.constant 1024 : i32
      %dma_start3A_23 = tpu.memref_slice %arg9[%dma_start3A] : memref<10240xf32, #tpu.memory_space<vmem>> -> memref<1024xf32, #tpu.memory_space<vmem>>
      %dma_start3A_24 = arith.constant 0 : i32
      %dma_start3A_25 = tpu.memref_slice %arg5[%run_scoped3A_13, %add3A, %dma_start3A_24] : memref<10x32x1024xf32, #tpu.memory_space<hbm>> -> memref<1x1x1024xf32, #tpu.memory_space<hbm>>
      %dma_start3A_26 = tpu.memref_squeeze %dma_start3A_25 : memref<1x1x1024xf32, #tpu.memory_space<hbm>> -> memref<1024xf32, #tpu.memory_space<hbm>>
      %dma_start3A_27 = arith.constant 0 : i32
      %dma_start3A_28 = tpu.memref_slice %arg5[%run_scoped3A_13, %add3A, %dma_start3A_27] : memref<10x32x1024xf32, #tpu.memory_space<hbm>> -> memref<1x1x1024xf32, #tpu.memory_space<hbm>>
      %dma_start3A_29 = tpu.memref_squeeze %dma_start3A_28 : memref<1x1x1024xf32, #tpu.memory_space<hbm>> -> memref<1024xf32, #tpu.memory_space<hbm>>
      %dma_start3A_30 = arith.constant 1024 : i32
      %dma_start3A_31 = tpu.memref_slice %arg9[%dma_start3A_30] : memref<10240xf32, #tpu.memory_space<vmem>> -> memref<1024xf32, #tpu.memory_space<vmem>>
      tpu.enqueue_dma source(%dma_start3A_31 : memref<1024xf32, #tpu.memory_space<vmem>>) target(%dma_start3A_29 : memref<1024xf32, #tpu.memory_space<hbm>>) target_semaphore(%run_scoped3A_22 : memref<!tpu.dma_semaphore, #tpu.memory_space<semaphore_mem>>)
      %dma_wait3A = arith.constant 1024 : i32
      %dma_wait3A_32 = tpu.memref_slice %arg9[%dma_wait3A] : memref<10240xf32, #tpu.memory_space<vmem>> -> memref<1024xf32, #tpu.memory_space<vmem>>
      %dma_wait3A_33 = arith.constant 0 : i32
      %dma_wait3A_34 = tpu.memref_slice %arg5[%run_scoped3A_13, %add3A, %dma_wait3A_33] : memref<10x32x1024xf32, #tpu.memory_space<hbm>> -> memref<1x1x1024xf32, #tpu.memory_space<hbm>>
      %dma_wait3A_35 = tpu.memref_squeeze %dma_wait3A_34 : memref<1x1x1024xf32, #tpu.memory_space<hbm>> -> memref<1024xf32, #tpu.memory_space<hbm>>
      %dma_wait3A_36 = arith.constant 0 : i32
      %dma_wait3A_37 = tpu.memref_slice %arg5[%run_scoped3A_13, %add3A, %dma_wait3A_36] : memref<10x32x1024xf32, #tpu.memory_space<hbm>> -> memref<1x1x1024xf32, #tpu.memory_space<hbm>>
      %dma_wait3A_38 = tpu.memref_squeeze %dma_wait3A_37 : memref<1x1x1024xf32, #tpu.memory_space<hbm>> -> memref<1024xf32, #tpu.memory_space<hbm>>
      %dma_wait3A_39 = arith.constant 1024 : i32
      %dma_wait3A_40 = tpu.memref_slice %arg9[%dma_wait3A_39] : memref<10240xf32, #tpu.memory_space<vmem>> -> memref<1024xf32, #tpu.memory_space<vmem>>
      tpu.wait_dma2 semaphore(%run_scoped3A_22 : memref<!tpu.dma_semaphore, #tpu.memory_space<semaphore_mem>>) src(%dma_wait3A_40 : memref<1024xf32, #tpu.memory_space<vmem>>) dst(%dma_wait3A_38 : memref<1024xf32, #tpu.memory_space<hbm>>)
      tpu.yield
    }) : () -> ()
    %run_scoped3A_14 = arith.constant 2 : i32
    "tpu.region"() ({
      %run_scoped3A_22 = tpu.sem_alloc : memref<!tpu.dma_semaphore, #tpu.memory_space<semaphore_mem>>
      %dma_start3A = arith.constant 2048 : i32
      %dma_start3A_23 = tpu.memref_slice %arg9[%dma_start3A] : memref<10240xf32, #tpu.memory_space<vmem>> -> memref<1024xf32, #tpu.memory_space<vmem>>
      %dma_start3A_24 = arith.constant 0 : i32
      %dma_start3A_25 = tpu.memref_slice %arg5[%run_scoped3A_14, %add3A, %dma_start3A_24] : memref<10x32x1024xf32, #tpu.memory_space<hbm>> -> memref<1x1x1024xf32, #tpu.memory_space<hbm>>
      %dma_start3A_26 = tpu.memref_squeeze %dma_start3A_25 : memref<1x1x1024xf32, #tpu.memory_space<hbm>> -> memref<1024xf32, #tpu.memory_space<hbm>>
      %dma_start3A_27 = arith.constant 0 : i32
      %dma_start3A_28 = tpu.memref_slice %arg5[%run_scoped3A_14, %add3A, %dma_start3A_27] : memref<10x32x1024xf32, #tpu.memory_space<hbm>> -> memref<1x1x1024xf32, #tpu.memory_space<hbm>>
      %dma_start3A_29 = tpu.memref_squeeze %dma_start3A_28 : memref<1x1x1024xf32, #tpu.memory_space<hbm>> -> memref<1024xf32, #tpu.memory_space<hbm>>
      %dma_start3A_30 = arith.constant 2048 : i32
      %dma_start3A_31 = tpu.memref_slice %arg9[%dma_start3A_30] : memref<10240xf32, #tpu.memory_space<vmem>> -> memref<1024xf32, #tpu.memory_space<vmem>>
      tpu.enqueue_dma source(%dma_start3A_31 : memref<1024xf32, #tpu.memory_space<vmem>>) target(%dma_start3A_29 : memref<1024xf32, #tpu.memory_space<hbm>>) target_semaphore(%run_scoped3A_22 : memref<!tpu.dma_semaphore, #tpu.memory_space<semaphore_mem>>)
      %dma_wait3A = arith.constant 2048 : i32
      %dma_wait3A_32 = tpu.memref_slice %arg9[%dma_wait3A] : memref<10240xf32, #tpu.memory_space<vmem>> -> memref<1024xf32, #tpu.memory_space<vmem>>
      %dma_wait3A_33 = arith.constant 0 : i32
      %dma_wait3A_34 = tpu.memref_slice %arg5[%run_scoped3A_14, %add3A, %dma_wait3A_33] : memref<10x32x1024xf32, #tpu.memory_space<hbm>> -> memref<1x1x1024xf32, #tpu.memory_space<hbm>>
      %dma_wait3A_35 = tpu.memref_squeeze %dma_wait3A_34 : memref<1x1x1024xf32, #tpu.memory_space<hbm>> -> memref<1024xf32, #tpu.memory_space<hbm>>
      %dma_wait3A_36 = arith.constant 0 : i32
      %dma_wait3A_37 = tpu.memref_slice %arg5[%run_scoped3A_14, %add3A, %dma_wait3A_36] : memref<10x32x1024xf32, #tpu.memory_space<hbm>> -> memref<1x1x1024xf32, #tpu.memory_space<hbm>>
      %dma_wait3A_38 = tpu.memref_squeeze %dma_wait3A_37 : memref<1x1x1024xf32, #tpu.memory_space<hbm>> -> memref<1024xf32, #tpu.memory_space<hbm>>
      %dma_wait3A_39 = arith.constant 2048 : i32
      %dma_wait3A_40 = tpu.memref_slice %arg9[%dma_wait3A_39] : memref<10240xf32, #tpu.memory_space<vmem>> -> memref<1024xf32, #tpu.memory_space<vmem>>
      tpu.wait_dma2 semaphore(%run_scoped3A_22 : memref<!tpu.dma_semaphore, #tpu.memory_space<semaphore_mem>>) src(%dma_wait3A_40 : memref<1024xf32, #tpu.memory_space<vmem>>) dst(%dma_wait3A_38 : memref<1024xf32, #tpu.memory_space<hbm>>)
      tpu.yield
    }) : () -> ()
    %run_scoped3A_15 = arith.constant 3 : i32
    "tpu.region"() ({
      %run_scoped3A_22 = tpu.sem_alloc : memref<!tpu.dma_semaphore, #tpu.memory_space<semaphore_mem>>
      %dma_start3A = arith.constant 3072 : i32
      %dma_start3A_23 = tpu.memref_slice %arg9[%dma_start3A] : memref<10240xf32, #tpu.memory_space<vmem>> -> memref<1024xf32, #tpu.memory_space<vmem>>
      %dma_start3A_24 = arith.constant 0 : i32
      %dma_start3A_25 = tpu.memref_slice %arg5[%run_scoped3A_15, %add3A, %dma_start3A_24] : memref<10x32x1024xf32, #tpu.memory_space<hbm>> -> memref<1x1x1024xf32, #tpu.memory_space<hbm>>
      %dma_start3A_26 = tpu.memref_squeeze %dma_start3A_25 : memref<1x1x1024xf32, #tpu.memory_space<hbm>> -> memref<1024xf32, #tpu.memory_space<hbm>>
      %dma_start3A_27 = arith.constant 0 : i32
      %dma_start3A_28 = tpu.memref_slice %arg5[%run_scoped3A_15, %add3A, %dma_start3A_27] : memref<10x32x1024xf32, #tpu.memory_space<hbm>> -> memref<1x1x1024xf32, #tpu.memory_space<hbm>>
      %dma_start3A_29 = tpu.memref_squeeze %dma_start3A_28 : memref<1x1x1024xf32, #tpu.memory_space<hbm>> -> memref<1024xf32, #tpu.memory_space<hbm>>
      %dma_start3A_30 = arith.constant 3072 : i32
      %dma_start3A_31 = tpu.memref_slice %arg9[%dma_start3A_30] : memref<10240xf32, #tpu.memory_space<vmem>> -> memref<1024xf32, #tpu.memory_space<vmem>>
      tpu.enqueue_dma source(%dma_start3A_31 : memref<1024xf32, #tpu.memory_space<vmem>>) target(%dma_start3A_29 : memref<1024xf32, #tpu.memory_space<hbm>>) target_semaphore(%run_scoped3A_22 : memref<!tpu.dma_semaphore, #tpu.memory_space<semaphore_mem>>)
      %dma_wait3A = arith.constant 3072 : i32
      %dma_wait3A_32 = tpu.memref_slice %arg9[%dma_wait3A] : memref<10240xf32, #tpu.memory_space<vmem>> -> memref<1024xf32, #tpu.memory_space<vmem>>
      %dma_wait3A_33 = arith.constant 0 : i32
      %dma_wait3A_34 = tpu.memref_slice %arg5[%run_scoped3A_15, %add3A, %dma_wait3A_33] : memref<10x32x1024xf32, #tpu.memory_space<hbm>> -> memref<1x1x1024xf32, #tpu.memory_space<hbm>>
      %dma_wait3A_35 = tpu.memref_squeeze %dma_wait3A_34 : memref<1x1x1024xf32, #tpu.memory_space<hbm>> -> memref<1024xf32, #tpu.memory_space<hbm>>
      %dma_wait3A_36 = arith.constant 0 : i32
      %dma_wait3A_37 = tpu.memref_slice %arg5[%run_scoped3A_15, %add3A, %dma_wait3A_36] : memref<10x32x1024xf32, #tpu.memory_space<hbm>> -> memref<1x1x1024xf32, #tpu.memory_space<hbm>>
      %dma_wait3A_38 = tpu.memref_squeeze %dma_wait3A_37 : memref<1x1x1024xf32, #tpu.memory_space<hbm>> -> memref<1024xf32, #tpu.memory_space<hbm>>
      %dma_wait3A_39 = arith.constant 3072 : i32
      %dma_wait3A_40 = tpu.memref_slice %arg9[%dma_wait3A_39] : memref<10240xf32, #tpu.memory_space<vmem>> -> memref<1024xf32, #tpu.memory_space<vmem>>
      tpu.wait_dma2 semaphore(%run_scoped3A_22 : memref<!tpu.dma_semaphore, #tpu.memory_space<semaphore_mem>>) src(%dma_wait3A_40 : memref<1024xf32, #tpu.memory_space<vmem>>) dst(%dma_wait3A_38 : memref<1024xf32, #tpu.memory_space<hbm>>)
      tpu.yield
    }) : () -> ()
    %run_scoped3A_16 = arith.constant 4 : i32
    "tpu.region"() ({
      %run_scoped3A_22 = tpu.sem_alloc : memref<!tpu.dma_semaphore, #tpu.memory_space<semaphore_mem>>
      %dma_start3A = arith.constant 4096 : i32
      %dma_start3A_23 = tpu.memref_slice %arg9[%dma_start3A] : memref<10240xf32, #tpu.memory_space<vmem>> -> memref<1024xf32, #tpu.memory_space<vmem>>
      %dma_start3A_24 = arith.constant 0 : i32
      %dma_start3A_25 = tpu.memref_slice %arg5[%run_scoped3A_16, %add3A, %dma_start3A_24] : memref<10x32x1024xf32, #tpu.memory_space<hbm>> -> memref<1x1x1024xf32, #tpu.memory_space<hbm>>
      %dma_start3A_26 = tpu.memref_squeeze %dma_start3A_25 : memref<1x1x1024xf32, #tpu.memory_space<hbm>> -> memref<1024xf32, #tpu.memory_space<hbm>>
      %dma_start3A_27 = arith.constant 0 : i32
      %dma_start3A_28 = tpu.memref_slice %arg5[%run_scoped3A_16, %add3A, %dma_start3A_27] : memref<10x32x1024xf32, #tpu.memory_space<hbm>> -> memref<1x1x1024xf32, #tpu.memory_space<hbm>>
      %dma_start3A_29 = tpu.memref_squeeze %dma_start3A_28 : memref<1x1x1024xf32, #tpu.memory_space<hbm>> -> memref<1024xf32, #tpu.memory_space<hbm>>
      %dma_start3A_30 = arith.constant 4096 : i32
      %dma_start3A_31 = tpu.memref_slice %arg9[%dma_start3A_30] : memref<10240xf32, #tpu.memory_space<vmem>> -> memref<1024xf32, #tpu.memory_space<vmem>>
      tpu.enqueue_dma source(%dma_start3A_31 : memref<1024xf32, #tpu.memory_space<vmem>>) target(%dma_start3A_29 : memref<1024xf32, #tpu.memory_space<hbm>>) target_semaphore(%run_scoped3A_22 : memref<!tpu.dma_semaphore, #tpu.memory_space<semaphore_mem>>)
      %dma_wait3A = arith.constant 4096 : i32
      %dma_wait3A_32 = tpu.memref_slice %arg9[%dma_wait3A] : memref<10240xf32, #tpu.memory_space<vmem>> -> memref<1024xf32, #tpu.memory_space<vmem>>
      %dma_wait3A_33 = arith.constant 0 : i32
      %dma_wait3A_34 = tpu.memref_slice %arg5[%run_scoped3A_16, %add3A, %dma_wait3A_33] : memref<10x32x1024xf32, #tpu.memory_space<hbm>> -> memref<1x1x1024xf32, #tpu.memory_space<hbm>>
      %dma_wait3A_35 = tpu.memref_squeeze %dma_wait3A_34 : memref<1x1x1024xf32, #tpu.memory_space<hbm>> -> memref<1024xf32, #tpu.memory_space<hbm>>
      %dma_wait3A_36 = arith.constant 0 : i32
      %dma_wait3A_37 = tpu.memref_slice %arg5[%run_scoped3A_16, %add3A, %dma_wait3A_36] : memref<10x32x1024xf32, #tpu.memory_space<hbm>> -> memref<1x1x1024xf32, #tpu.memory_space<hbm>>
      %dma_wait3A_38 = tpu.memref_squeeze %dma_wait3A_37 : memref<1x1x1024xf32, #tpu.memory_space<hbm>> -> memref<1024xf32, #tpu.memory_space<hbm>>
      %dma_wait3A_39 = arith.constant 4096 : i32
      %dma_wait3A_40 = tpu.memref_slice %arg9[%dma_wait3A_39] : memref<10240xf32, #tpu.memory_space<vmem>> -> memref<1024xf32, #tpu.memory_space<vmem>>
      tpu.wait_dma2 semaphore(%run_scoped3A_22 : memref<!tpu.dma_semaphore, #tpu.memory_space<semaphore_mem>>) src(%dma_wait3A_40 : memref<1024xf32, #tpu.memory_space<vmem>>) dst(%dma_wait3A_38 : memref<1024xf32, #tpu.memory_space<hbm>>)
      tpu.yield
    }) : () -> ()
    %run_scoped3A_17 = arith.constant 5 : i32
    "tpu.region"() ({
      %run_scoped3A_22 = tpu.sem_alloc : memref<!tpu.dma_semaphore, #tpu.memory_space<semaphore_mem>>
      %dma_start3A = arith.constant 5120 : i32
      %dma_start3A_23 = tpu.memref_slice %arg9[%dma_start3A] : memref<10240xf32, #tpu.memory_space<vmem>> -> memref<1024xf32, #tpu.memory_space<vmem>>
      %dma_start3A_24 = arith.constant 0 : i32
      %dma_start3A_25 = tpu.memref_slice %arg5[%run_scoped3A_17, %add3A, %dma_start3A_24] : memref<10x32x1024xf32, #tpu.memory_space<hbm>> -> memref<1x1x1024xf32, #tpu.memory_space<hbm>>
      %dma_start3A_26 = tpu.memref_squeeze %dma_start3A_25 : memref<1x1x1024xf32, #tpu.memory_space<hbm>> -> memref<1024xf32, #tpu.memory_space<hbm>>
      %dma_start3A_27 = arith.constant 0 : i32
      %dma_start3A_28 = tpu.memref_slice %arg5[%run_scoped3A_17, %add3A, %dma_start3A_27] : memref<10x32x1024xf32, #tpu.memory_space<hbm>> -> memref<1x1x1024xf32, #tpu.memory_space<hbm>>
      %dma_start3A_29 = tpu.memref_squeeze %dma_start3A_28 : memref<1x1x1024xf32, #tpu.memory_space<hbm>> -> memref<1024xf32, #tpu.memory_space<hbm>>
      %dma_start3A_30 = arith.constant 5120 : i32
      %dma_start3A_31 = tpu.memref_slice %arg9[%dma_start3A_30] : memref<10240xf32, #tpu.memory_space<vmem>> -> memref<1024xf32, #tpu.memory_space<vmem>>
      tpu.enqueue_dma source(%dma_start3A_31 : memref<1024xf32, #tpu.memory_space<vmem>>) target(%dma_start3A_29 : memref<1024xf32, #tpu.memory_space<hbm>>) target_semaphore(%run_scoped3A_22 : memref<!tpu.dma_semaphore, #tpu.memory_space<semaphore_mem>>)
      %dma_wait3A = arith.constant 5120 : i32
      %dma_wait3A_32 = tpu.memref_slice %arg9[%dma_wait3A] : memref<10240xf32, #tpu.memory_space<vmem>> -> memref<1024xf32, #tpu.memory_space<vmem>>
      %dma_wait3A_33 = arith.constant 0 : i32
      %dma_wait3A_34 = tpu.memref_slice %arg5[%run_scoped3A_17, %add3A, %dma_wait3A_33] : memref<10x32x1024xf32, #tpu.memory_space<hbm>> -> memref<1x1x1024xf32, #tpu.memory_space<hbm>>
      %dma_wait3A_35 = tpu.memref_squeeze %dma_wait3A_34 : memref<1x1x1024xf32, #tpu.memory_space<hbm>> -> memref<1024xf32, #tpu.memory_space<hbm>>
      %dma_wait3A_36 = arith.constant 0 : i32
      %dma_wait3A_37 = tpu.memref_slice %arg5[%run_scoped3A_17, %add3A, %dma_wait3A_36] : memref<10x32x1024xf32, #tpu.memory_space<hbm>> -> memref<1x1x1024xf32, #tpu.memory_space<hbm>>
      %dma_wait3A_38 = tpu.memref_squeeze %dma_wait3A_37 : memref<1x1x1024xf32, #tpu.memory_space<hbm>> -> memref<1024xf32, #tpu.memory_space<hbm>>
      %dma_wait3A_39 = arith.constant 5120 : i32
      %dma_wait3A_40 = tpu.memref_slice %arg9[%dma_wait3A_39] : memref<10240xf32, #tpu.memory_space<vmem>> -> memref<1024xf32, #tpu.memory_space<vmem>>
      tpu.wait_dma2 semaphore(%run_scoped3A_22 : memref<!tpu.dma_semaphore, #tpu.memory_space<semaphore_mem>>) src(%dma_wait3A_40 : memref<1024xf32, #tpu.memory_space<vmem>>) dst(%dma_wait3A_38 : memref<1024xf32, #tpu.memory_space<hbm>>)
      tpu.yield
    }) : () -> ()
    %run_scoped3A_18 = arith.constant 6 : i32
    "tpu.region"() ({
      %run_scoped3A_22 = tpu.sem_alloc : memref<!tpu.dma_semaphore, #tpu.memory_space<semaphore_mem>>
      %dma_start3A = arith.constant 6144 : i32
      %dma_start3A_23 = tpu.memref_slice %arg9[%dma_start3A] : memref<10240xf32, #tpu.memory_space<vmem>> -> memref<1024xf32, #tpu.memory_space<vmem>>
      %dma_start3A_24 = arith.constant 0 : i32
      %dma_start3A_25 = tpu.memref_slice %arg5[%run_scoped3A_18, %add3A, %dma_start3A_24] : memref<10x32x1024xf32, #tpu.memory_space<hbm>> -> memref<1x1x1024xf32, #tpu.memory_space<hbm>>
      %dma_start3A_26 = tpu.memref_squeeze %dma_start3A_25 : memref<1x1x1024xf32, #tpu.memory_space<hbm>> -> memref<1024xf32, #tpu.memory_space<hbm>>
      %dma_start3A_27 = arith.constant 0 : i32
      %dma_start3A_28 = tpu.memref_slice %arg5[%run_scoped3A_18, %add3A, %dma_start3A_27] : memref<10x32x1024xf32, #tpu.memory_space<hbm>> -> memref<1x1x1024xf32, #tpu.memory_space<hbm>>
      %dma_start3A_29 = tpu.memref_squeeze %dma_start3A_28 : memref<1x1x1024xf32, #tpu.memory_space<hbm>> -> memref<1024xf32, #tpu.memory_space<hbm>>
      %dma_start3A_30 = arith.constant 6144 : i32
      %dma_start3A_31 = tpu.memref_slice %arg9[%dma_start3A_30] : memref<10240xf32, #tpu.memory_space<vmem>> -> memref<1024xf32, #tpu.memory_space<vmem>>
      tpu.enqueue_dma source(%dma_start3A_31 : memref<1024xf32, #tpu.memory_space<vmem>>) target(%dma_start3A_29 : memref<1024xf32, #tpu.memory_space<hbm>>) target_semaphore(%run_scoped3A_22 : memref<!tpu.dma_semaphore, #tpu.memory_space<semaphore_mem>>)
      %dma_wait3A = arith.constant 6144 : i32
      %dma_wait3A_32 = tpu.memref_slice %arg9[%dma_wait3A] : memref<10240xf32, #tpu.memory_space<vmem>> -> memref<1024xf32, #tpu.memory_space<vmem>>
      %dma_wait3A_33 = arith.constant 0 : i32
      %dma_wait3A_34 = tpu.memref_slice %arg5[%run_scoped3A_18, %add3A, %dma_wait3A_33] : memref<10x32x1024xf32, #tpu.memory_space<hbm>> -> memref<1x1x1024xf32, #tpu.memory_space<hbm>>
      %dma_wait3A_35 = tpu.memref_squeeze %dma_wait3A_34 : memref<1x1x1024xf32, #tpu.memory_space<hbm>> -> memref<1024xf32, #tpu.memory_space<hbm>>
      %dma_wait3A_36 = arith.constant 0 : i32
      %dma_wait3A_37 = tpu.memref_slice %arg5[%run_scoped3A_18, %add3A, %dma_wait3A_36] : memref<10x32x1024xf32, #tpu.memory_space<hbm>> -> memref<1x1x1024xf32, #tpu.memory_space<hbm>>
      %dma_wait3A_38 = tpu.memref_squeeze %dma_wait3A_37 : memref<1x1x1024xf32, #tpu.memory_space<hbm>> -> memref<1024xf32, #tpu.memory_space<hbm>>
      %dma_wait3A_39 = arith.constant 6144 : i32
      %dma_wait3A_40 = tpu.memref_slice %arg9[%dma_wait3A_39] : memref<10240xf32, #tpu.memory_space<vmem>> -> memref<1024xf32, #tpu.memory_space<vmem>>
      tpu.wait_dma2 semaphore(%run_scoped3A_22 : memref<!tpu.dma_semaphore, #tpu.memory_space<semaphore_mem>>) src(%dma_wait3A_40 : memref<1024xf32, #tpu.memory_space<vmem>>) dst(%dma_wait3A_38 : memref<1024xf32, #tpu.memory_space<hbm>>)
      tpu.yield
    }) : () -> ()
    %run_scoped3A_19 = arith.constant 7 : i32
    "tpu.region"() ({
      %run_scoped3A_22 = tpu.sem_alloc : memref<!tpu.dma_semaphore, #tpu.memory_space<semaphore_mem>>
      %dma_start3A = arith.constant 7168 : i32
      %dma_start3A_23 = tpu.memref_slice %arg9[%dma_start3A] : memref<10240xf32, #tpu.memory_space<vmem>> -> memref<1024xf32, #tpu.memory_space<vmem>>
      %dma_start3A_24 = arith.constant 0 : i32
      %dma_start3A_25 = tpu.memref_slice %arg5[%run_scoped3A_19, %add3A, %dma_start3A_24] : memref<10x32x1024xf32, #tpu.memory_space<hbm>> -> memref<1x1x1024xf32, #tpu.memory_space<hbm>>
      %dma_start3A_26 = tpu.memref_squeeze %dma_start3A_25 : memref<1x1x1024xf32, #tpu.memory_space<hbm>> -> memref<1024xf32, #tpu.memory_space<hbm>>
      %dma_start3A_27 = arith.constant 0 : i32
      %dma_start3A_28 = tpu.memref_slice %arg5[%run_scoped3A_19, %add3A, %dma_start3A_27] : memref<10x32x1024xf32, #tpu.memory_space<hbm>> -> memref<1x1x1024xf32, #tpu.memory_space<hbm>>
      %dma_start3A_29 = tpu.memref_squeeze %dma_start3A_28 : memref<1x1x1024xf32, #tpu.memory_space<hbm>> -> memref<1024xf32, #tpu.memory_space<hbm>>
      %dma_start3A_30 = arith.constant 7168 : i32
      %dma_start3A_31 = tpu.memref_slice %arg9[%dma_start3A_30] : memref<10240xf32, #tpu.memory_space<vmem>> -> memref<1024xf32, #tpu.memory_space<vmem>>
      tpu.enqueue_dma source(%dma_start3A_31 : memref<1024xf32, #tpu.memory_space<vmem>>) target(%dma_start3A_29 : memref<1024xf32, #tpu.memory_space<hbm>>) target_semaphore(%run_scoped3A_22 : memref<!tpu.dma_semaphore, #tpu.memory_space<semaphore_mem>>)
      %dma_wait3A = arith.constant 7168 : i32
      %dma_wait3A_32 = tpu.memref_slice %arg9[%dma_wait3A] : memref<10240xf32, #tpu.memory_space<vmem>> -> memref<1024xf32, #tpu.memory_space<vmem>>
      %dma_wait3A_33 = arith.constant 0 : i32
      %dma_wait3A_34 = tpu.memref_slice %arg5[%run_scoped3A_19, %add3A, %dma_wait3A_33] : memref<10x32x1024xf32, #tpu.memory_space<hbm>> -> memref<1x1x1024xf32, #tpu.memory_space<hbm>>
      %dma_wait3A_35 = tpu.memref_squeeze %dma_wait3A_34 : memref<1x1x1024xf32, #tpu.memory_space<hbm>> -> memref<1024xf32, #tpu.memory_space<hbm>>
      %dma_wait3A_36 = arith.constant 0 : i32
      %dma_wait3A_37 = tpu.memref_slice %arg5[%run_scoped3A_19, %add3A, %dma_wait3A_36] : memref<10x32x1024xf32, #tpu.memory_space<hbm>> -> memref<1x1x1024xf32, #tpu.memory_space<hbm>>
      %dma_wait3A_38 = tpu.memref_squeeze %dma_wait3A_37 : memref<1x1x1024xf32, #tpu.memory_space<hbm>> -> memref<1024xf32, #tpu.memory_space<hbm>>
      %dma_wait3A_39 = arith.constant 7168 : i32
      %dma_wait3A_40 = tpu.memref_slice %arg9[%dma_wait3A_39] : memref<10240xf32, #tpu.memory_space<vmem>> -> memref<1024xf32, #tpu.memory_space<vmem>>
      tpu.wait_dma2 semaphore(%run_scoped3A_22 : memref<!tpu.dma_semaphore, #tpu.memory_space<semaphore_mem>>) src(%dma_wait3A_40 : memref<1024xf32, #tpu.memory_space<vmem>>) dst(%dma_wait3A_38 : memref<1024xf32, #tpu.memory_space<hbm>>)
      tpu.yield
    }) : () -> ()
    %run_scoped3A_20 = arith.constant 8 : i32
    "tpu.region"() ({
      %run_scoped3A_22 = tpu.sem_alloc : memref<!tpu.dma_semaphore, #tpu.memory_space<semaphore_mem>>
      %dma_start3A = arith.constant 8192 : i32
      %dma_start3A_23 = tpu.memref_slice %arg9[%dma_start3A] : memref<10240xf32, #tpu.memory_space<vmem>> -> memref<1024xf32, #tpu.memory_space<vmem>>
      %dma_start3A_24 = arith.constant 0 : i32
      %dma_start3A_25 = tpu.memref_slice %arg5[%run_scoped3A_20, %add3A, %dma_start3A_24] : memref<10x32x1024xf32, #tpu.memory_space<hbm>> -> memref<1x1x1024xf32, #tpu.memory_space<hbm>>
      %dma_start3A_26 = tpu.memref_squeeze %dma_start3A_25 : memref<1x1x1024xf32, #tpu.memory_space<hbm>> -> memref<1024xf32, #tpu.memory_space<hbm>>
      %dma_start3A_27 = arith.constant 0 : i32
      %dma_start3A_28 = tpu.memref_slice %arg5[%run_scoped3A_20, %add3A, %dma_start3A_27] : memref<10x32x1024xf32, #tpu.memory_space<hbm>> -> memref<1x1x1024xf32, #tpu.memory_space<hbm>>
      %dma_start3A_29 = tpu.memref_squeeze %dma_start3A_28 : memref<1x1x1024xf32, #tpu.memory_space<hbm>> -> memref<1024xf32, #tpu.memory_space<hbm>>
      %dma_start3A_30 = arith.constant 8192 : i32
      %dma_start3A_31 = tpu.memref_slice %arg9[%dma_start3A_30] : memref<10240xf32, #tpu.memory_space<vmem>> -> memref<1024xf32, #tpu.memory_space<vmem>>
      tpu.enqueue_dma source(%dma_start3A_31 : memref<1024xf32, #tpu.memory_space<vmem>>) target(%dma_start3A_29 : memref<1024xf32, #tpu.memory_space<hbm>>) target_semaphore(%run_scoped3A_22 : memref<!tpu.dma_semaphore, #tpu.memory_space<semaphore_mem>>)
      %dma_wait3A = arith.constant 8192 : i32
      %dma_wait3A_32 = tpu.memref_slice %arg9[%dma_wait3A] : memref<10240xf32, #tpu.memory_space<vmem>> -> memref<1024xf32, #tpu.memory_space<vmem>>
      %dma_wait3A_33 = arith.constant 0 : i32
      %dma_wait3A_34 = tpu.memref_slice %arg5[%run_scoped3A_20, %add3A, %dma_wait3A_33] : memref<10x32x1024xf32, #tpu.memory_space<hbm>> -> memref<1x1x1024xf32, #tpu.memory_space<hbm>>
      %dma_wait3A_35 = tpu.memref_squeeze %dma_wait3A_34 : memref<1x1x1024xf32, #tpu.memory_space<hbm>> -> memref<1024xf32, #tpu.memory_space<hbm>>
      %dma_wait3A_36 = arith.constant 0 : i32
      %dma_wait3A_37 = tpu.memref_slice %arg5[%run_scoped3A_20, %add3A, %dma_wait3A_36] : memref<10x32x1024xf32, #tpu.memory_space<hbm>> -> memref<1x1x1024xf32, #tpu.memory_space<hbm>>
      %dma_wait3A_38 = tpu.memref_squeeze %dma_wait3A_37 : memref<1x1x1024xf32, #tpu.memory_space<hbm>> -> memref<1024xf32, #tpu.memory_space<hbm>>
      %dma_wait3A_39 = arith.constant 8192 : i32
      %dma_wait3A_40 = tpu.memref_slice %arg9[%dma_wait3A_39] : memref<10240xf32, #tpu.memory_space<vmem>> -> memref<1024xf32, #tpu.memory_space<vmem>>
      tpu.wait_dma2 semaphore(%run_scoped3A_22 : memref<!tpu.dma_semaphore, #tpu.memory_space<semaphore_mem>>) src(%dma_wait3A_40 : memref<1024xf32, #tpu.memory_space<vmem>>) dst(%dma_wait3A_38 : memref<1024xf32, #tpu.memory_space<hbm>>)
      tpu.yield
    }) : () -> ()
    %run_scoped3A_21 = arith.constant 9 : i32
    "tpu.region"() ({
      %run_scoped3A_22 = tpu.sem_alloc : memref<!tpu.dma_semaphore, #tpu.memory_space<semaphore_mem>>
      %dma_start3A = arith.constant 9216 : i32
      %dma_start3A_23 = tpu.memref_slice %arg9[%dma_start3A] : memref<10240xf32, #tpu.memory_space<vmem>> -> memref<1024xf32, #tpu.memory_space<vmem>>
      %dma_start3A_24 = arith.constant 0 : i32
      %dma_start3A_25 = tpu.memref_slice %arg5[%run_scoped3A_21, %add3A, %dma_start3A_24] : memref<10x32x1024xf32, #tpu.memory_space<hbm>> -> memref<1x1x1024xf32, #tpu.memory_space<hbm>>
      %dma_start3A_26 = tpu.memref_squeeze %dma_start3A_25 : memref<1x1x1024xf32, #tpu.memory_space<hbm>> -> memref<1024xf32, #tpu.memory_space<hbm>>
      %dma_start3A_27 = arith.constant 0 : i32
      %dma_start3A_28 = tpu.memref_slice %arg5[%run_scoped3A_21, %add3A, %dma_start3A_27] : memref<10x32x1024xf32, #tpu.memory_space<hbm>> -> memref<1x1x1024xf32, #tpu.memory_space<hbm>>
      %dma_start3A_29 = tpu.memref_squeeze %dma_start3A_28 : memref<1x1x1024xf32, #tpu.memory_space<hbm>> -> memref<1024xf32, #tpu.memory_space<hbm>>
      %dma_start3A_30 = arith.constant 9216 : i32
      %dma_start3A_31 = tpu.memref_slice %arg9[%dma_start3A_30] : memref<10240xf32, #tpu.memory_space<vmem>> -> memref<1024xf32, #tpu.memory_space<vmem>>
      tpu.enqueue_dma source(%dma_start3A_31 : memref<1024xf32, #tpu.memory_space<vmem>>) target(%dma_start3A_29 : memref<1024xf32, #tpu.memory_space<hbm>>) target_semaphore(%run_scoped3A_22 : memref<!tpu.dma_semaphore, #tpu.memory_space<semaphore_mem>>)
      %dma_wait3A = arith.constant 9216 : i32
      %dma_wait3A_32 = tpu.memref_slice %arg9[%dma_wait3A] : memref<10240xf32, #tpu.memory_space<vmem>> -> memref<1024xf32, #tpu.memory_space<vmem>>
      %dma_wait3A_33 = arith.constant 0 : i32
      %dma_wait3A_34 = tpu.memref_slice %arg5[%run_scoped3A_21, %add3A, %dma_wait3A_33] : memref<10x32x1024xf32, #tpu.memory_space<hbm>> -> memref<1x1x1024xf32, #tpu.memory_space<hbm>>
      %dma_wait3A_35 = tpu.memref_squeeze %dma_wait3A_34 : memref<1x1x1024xf32, #tpu.memory_space<hbm>> -> memref<1024xf32, #tpu.memory_space<hbm>>
      %dma_wait3A_36 = arith.constant 0 : i32
      %dma_wait3A_37 = tpu.memref_slice %arg5[%run_scoped3A_21, %add3A, %dma_wait3A_36] : memref<10x32x1024xf32, #tpu.memory_space<hbm>> -> memref<1x1x1024xf32, #tpu.memory_space<hbm>>
      %dma_wait3A_38 = tpu.memref_squeeze %dma_wait3A_37 : memref<1x1x1024xf32, #tpu.memory_space<hbm>> -> memref<1024xf32, #tpu.memory_space<hbm>>
      %dma_wait3A_39 = arith.constant 9216 : i32
      %dma_wait3A_40 = tpu.memref_slice %arg9[%dma_wait3A_39] : memref<10240xf32, #tpu.memory_space<vmem>> -> memref<1024xf32, #tpu.memory_space<vmem>>
      tpu.wait_dma2 semaphore(%run_scoped3A_22 : memref<!tpu.dma_semaphore, #tpu.memory_space<semaphore_mem>>) src(%dma_wait3A_40 : memref<1024xf32, #tpu.memory_space<vmem>>) dst(%dma_wait3A_38 : memref<1024xf32, #tpu.memory_space<hbm>>)
      tpu.yield
    }) : () -> ()
    return
  }
}

module attributes {stable_mosaic.version = 14 : i64} {
  func.func @body(%arg0: i32, %arg1: memref<2x1024x128xf32, #tpu.memory_space<vmem>>, %arg2: memref<1024x128xf32, #tpu.memory_space<vmem>>, %arg3: memref<1x1x1024xi32, #tpu.memory_space<vmem>>, %arg4: memref<128x128xf32, #tpu.memory_space<vmem>>, %arg5: memref<1x128xf32, #tpu.memory_space<vmem>>, %arg6: memref<128x128xf32, #tpu.memory_space<vmem>>, %arg7: memref<1x32x1024xf32, #tpu.memory_space<vmem>>, %arg8: memref<1024x128xf32, #tpu.memory_space<vmem>>, %arg9: memref<1x1x1024xf32, #tpu.memory_space<vmem>>) attributes {dimension_semantics = [#tpu.dimension_semantics<arbitrary>], iteration_bounds = array<i64: 10>, scalar_prefetch = 0 : i64, scratch_operands = 0 : i64, tpu.core_type = #tpu.core_type<tc>, window_params = [{transform_indices = @transform_0, window_bounds = array<i64: 2, 1024, 128>}, {transform_indices = @transform_1, window_bounds = array<i64: 1024, 128>}, {transform_indices = @transform_2, window_bounds = array<i64: 1, 1, 1024>}, {pipeline_mode = #tpu.pipeline_mode<synchronous>, transform_indices = @transform_3, window_bounds = array<i64: 128, 128>}, {pipeline_mode = #tpu.pipeline_mode<synchronous>, transform_indices = @transform_4, window_bounds = array<i64: 1, 128>}, {pipeline_mode = #tpu.pipeline_mode<synchronous>, transform_indices = @transform_5, window_bounds = array<i64: 128, 128>}, {transform_indices = @transform_6, window_bounds = array<i64: 1, 32, 1024>}, {transform_indices = @transform_7, window_bounds = array<i64: 1024, 128>}, {transform_indices = @transform_8, window_bounds = array<i64: 1, 1, 1024>}]} {
    %get3A = arith.constant 0 : index
    %get3A_0 = arith.constant 0 : index
    %get3A_1 = arith.constant 0 : index
    %get3A_2 = vector.load %arg1[%get3A, %get3A_0, %get3A_1] : memref<2x1024x128xf32, #tpu.memory_space<vmem>>, vector<1x1024x128xf32>
    %get3A_3 = vector.shape_cast %get3A_2 : vector<1x1024x128xf32> to vector<1024x128xf32>
    %get3A_4 = arith.constant 1 : index
    %get3A_5 = arith.constant 0 : index
    %get3A_6 = arith.constant 0 : index
    %get3A_7 = vector.load %arg1[%get3A_4, %get3A_5, %get3A_6] : memref<2x1024x128xf32, #tpu.memory_space<vmem>>, vector<1x1024x128xf32>
    %get3A_8 = vector.shape_cast %get3A_7 : vector<1x1024x128xf32> to vector<1024x128xf32>
    %add3A = arith.addf %get3A_3, %get3A_8 : vector<1024x128xf32>
    %get3A_9 = arith.constant 0 : index
    %get3A_10 = arith.constant 0 : index
    %get3A_11 = arith.constant 0 : index
    %get3A_12 = vector.load %arg7[%get3A_9, %get3A_10, %get3A_11] : memref<1x32x1024xf32, #tpu.memory_space<vmem>>, vector<1x32x1024xf32>
    %get3A_13 = vector.shape_cast %get3A_12 : vector<1x32x1024xf32> to vector<32x1024xf32>
    %reduce_sum3A = arith.constant dense<0.000000e+00> : vector<1024xf32>
    %reduce_sum3A_14 = vector.multi_reduction <add>, %get3A_13, %reduce_sum3A [0] : vector<32x1024xf32> to vector<1024xf32>
    %swap3A = arith.constant 0 : index
    %swap3A_15 = arith.constant 0 : index
    %swap3A_16 = arith.constant 0 : index
    %swap3A_17 = vector.load %arg9[%swap3A, %swap3A_15, %swap3A_16] : memref<1x1x1024xf32, #tpu.memory_space<vmem>>, vector<1x1x1024xf32>
    %swap3A_18 = vector.shape_cast %swap3A_17 : vector<1x1x1024xf32> to vector<1024xf32>
    %swap3A_19 = vector.shape_cast %reduce_sum3A_14 : vector<1024xf32> to vector<1x1x1024xf32>
    tpu.vector_store %arg9[%swap3A, %swap3A_15, %swap3A_16], %swap3A_19 {strides = array<i32>} : memref<1x1x1024xf32, #tpu.memory_space<vmem>>, vector<1x1x1024xf32>,
    %max3A = arith.constant 1.000000e+00 : f32
    %max3A_20 = vector.broadcast %max3A : f32 to vector<1024xf32>
    %max3A_21 = arith.maximumf %reduce_sum3A_14, %max3A_20 : vector<1024xf32>
    %broadcast_in_dim3A = vector.shape_cast %max3A_21 : vector<1024xf32> to vector<1024x1xf32>
    %div3A = vector.broadcast %broadcast_in_dim3A : vector<1024x1xf32> to vector<1024x128xf32>
    %div3A_22 = arith.divf %add3A, %div3A : vector<1024x128xf32>
    %get3A_23 = arith.constant 0 : index
    %get3A_24 = arith.constant 0 : index
    %get3A_25 = vector.load %arg4[%get3A_23, %get3A_24] : memref<128x128xf32, #tpu.memory_space<vmem>>, vector<128x128xf32>
    %dot_general3A = arith.constant dense<0.000000e+00> : vector<1024x128xf32>
    %dot_general3A_26 = tpu.matmul %div3A_22, %get3A_25, %dot_general3A {dimension_numbers = #tpu.dot_dimension_numbers<[1], [0], [0], [1], [0, 0, 1, 1], [], []>, transpose_lhs_hint = false} : vector<1024x128xf32>, vector<128x128xf32>, vector<1024x128xf32> -> vector<1024x128xf32>
    %get3A_27 = arith.constant 0 : index
    %get3A_28 = arith.constant 0 : index
    %get3A_29 = vector.load %arg5[%get3A_27, %get3A_28] : memref<1x128xf32, #tpu.memory_space<vmem>>, vector<1x128xf32>
    %add3A_30 = vector.broadcast %get3A_29 : vector<1x128xf32> to vector<1024x128xf32>
    %add3A_31 = arith.addf %dot_general3A_26, %add3A_30 : vector<1024x128xf32>
    %get3A_32 = arith.constant 0 : index
    %get3A_33 = arith.constant 0 : index
    %get3A_34 = vector.load %arg2[%get3A_32, %get3A_33] : memref<1024x128xf32, #tpu.memory_space<vmem>>, vector<1024x128xf32>
    %get3A_35 = arith.constant 0 : index
    %get3A_36 = arith.constant 0 : index
    %get3A_37 = vector.load %arg6[%get3A_35, %get3A_36] : memref<128x128xf32, #tpu.memory_space<vmem>>, vector<128x128xf32>
    %dot_general3A_38 = arith.constant dense<0.000000e+00> : vector<1024x128xf32>
    %dot_general3A_39 = tpu.matmul %get3A_34, %get3A_37, %dot_general3A_38 {dimension_numbers = #tpu.dot_dimension_numbers<[1], [0], [0], [1], [0, 0, 1, 1], [], []>, transpose_lhs_hint = false} : vector<1024x128xf32>, vector<128x128xf32>, vector<1024x128xf32> -> vector<1024x128xf32>
    %add3A_40 = arith.addf %add3A_31, %dot_general3A_39 : vector<1024x128xf32>
    %swap3A_41 = arith.constant 0 : index
    %swap3A_42 = arith.constant 0 : index
    %swap3A_43 = vector.load %arg8[%swap3A_41, %swap3A_42] : memref<1024x128xf32, #tpu.memory_space<vmem>>, vector<1024x128xf32>
    tpu.vector_store %arg8[%swap3A_41, %swap3A_42], %add3A_40 {strides = array<i32>} : memref<1024x128xf32, #tpu.memory_space<vmem>>, vector<1024x128xf32>,
    return
  }
  func.func @transform_0(%arg0: i32) -> (i32, i32, i32) {
    %c0_i32 = arith.constant 0 : i32
    %c0_i32_0 = arith.constant 0 : i32
    %c0_i32_1 = arith.constant 0 : i32
    return %c0_i32, %arg0, %c0_i32_0 : i32, i32, i32
  }
  func.func @transform_1(%arg0: i32) -> (i32, i32) {
    %c0_i32 = arith.constant 0 : i32
    %c0_i32_0 = arith.constant 0 : i32
    return %arg0, %c0_i32 : i32, i32
  }
  func.func @transform_2(%arg0: i32) -> (i32, i32, i32) {
    %c0_i32 = arith.constant 0 : i32
    %c0_i32_0 = arith.constant 0 : i32
    %c0_i32_1 = arith.constant 0 : i32
    return %arg0, %c0_i32, %c0_i32_0 : i32, i32, i32
  }
  func.func @transform_3(%arg0: i32) -> (i32, i32) {
    %c0_i32 = arith.constant 0 : i32
    %c0_i32_0 = arith.constant 0 : i32
    %c0_i32_1 = arith.constant 0 : i32
    return %c0_i32, %c0_i32_0 : i32, i32
  }
  func.func @transform_4(%arg0: i32) -> (i32, i32) {
    %c0_i32 = arith.constant 0 : i32
    %c0_i32_0 = arith.constant 0 : i32
    %c0_i32_1 = arith.constant 0 : i32
    return %c0_i32, %c0_i32_0 : i32, i32
  }
  func.func @transform_5(%arg0: i32) -> (i32, i32) {
    %c0_i32 = arith.constant 0 : i32
    %c0_i32_0 = arith.constant 0 : i32
    %c0_i32_1 = arith.constant 0 : i32
    return %c0_i32, %c0_i32_0 : i32, i32
  }
  func.func @transform_6(%arg0: i32) -> (i32, i32, i32) {
    %c0_i32 = arith.constant 0 : i32
    %c0_i32_0 = arith.constant 0 : i32
    %c0_i32_1 = arith.constant 0 : i32
    return %arg0, %c0_i32, %c0_i32_0 : i32, i32, i32
  }
  func.func @transform_7(%arg0: i32) -> (i32, i32) {
    %c0_i32 = arith.constant 0 : i32
    %c0_i32_0 = arith.constant 0 : i32
    return %arg0, %c0_i32 : i32, i32
  }
  func.func @transform_8(%arg0: i32) -> (i32, i32, i32) {
    %c0_i32 = arith.constant 0 : i32
    %c0_i32_0 = arith.constant 0 : i32
    %c0_i32_1 = arith.constant 0 : i32
    return %arg0, %c0_i32, %c0_i32_0 : i32, i32, i32
  }
}

module attributes {stable_mosaic.version = 14 : i64} {
  func.func @_gmax_body(%arg0: i32, %arg1: memref<1024x128xf32, #tpu.memory_space<vmem>>, %arg2: memref<1x1x1024xi32, #tpu.memory_space<vmem>>, %arg3: memref<16x128xf32, #tpu.memory_space<vmem>>) attributes {dimension_semantics = [#tpu.dimension_semantics<arbitrary>], iteration_bounds = array<i64: 10>, scalar_prefetch = 0 : i64, scratch_operands = 0 : i64, tpu.core_type = #tpu.core_type<tc>, window_params = [{transform_indices = @transform_0, window_bounds = array<i64: 1024, 128>}, {transform_indices = @transform_1, window_bounds = array<i64: 1, 1, 1024>}, {pipeline_mode = #tpu.pipeline_mode<synchronous>, transform_indices = @transform_2, window_bounds = array<i64: 16, 128>}]} {
    %get3A = arith.constant 0 : index
    %get3A_0 = arith.constant 0 : index
    %get3A_1 = vector.load %arg1[%get3A, %get3A_0] : memref<1024x128xf32, #tpu.memory_space<vmem>>, vector<1024x128xf32>
    %get3A_2 = arith.constant 0 : index
    %get3A_3 = arith.constant 0 : index
    %get3A_4 = arith.constant 0 : index
    %get3A_5 = vector.load %arg2[%get3A_2, %get3A_3, %get3A_4] : memref<1x1x1024xi32, #tpu.memory_space<vmem>>, vector<1x1x1024xi32>
    %get3A_6 = vector.shape_cast %get3A_5 : vector<1x1x1024xi32> to vector<1024xi32>
    %eq3A = arith.constant 0 : i32
    %eq3A_7 = arith.cmpi eq, %arg0, %eq3A : i32
    %broadcast_in_dim3A = arith.constant 0xFF800000 : f32
    %broadcast_in_dim3A_8 = vector.broadcast %broadcast_in_dim3A : f32 to vector<16x128xf32>
    %get3A_9 = arith.constant 0 : index
    %get3A_10 = arith.constant 0 : index
    %get3A_11 = vector.load %arg3[%get3A_9, %get3A_10] : memref<16x128xf32, #tpu.memory_space<vmem>>, vector<16x128xf32>
    %select_n3A = arith.select %eq3A_7, %broadcast_in_dim3A_8, %get3A_11 : vector<16x128xf32>
    %broadcast_in_dim3A_12 = vector.shape_cast %get3A_6 : vector<1024xi32> to vector<1024x1xi32>
    %eq3A_13 = arith.constant 0 : i32
    %eq3A_14 = vector.broadcast %eq3A_13 : i32 to vector<1024x1xi32>
    %eq3A_15 = arith.cmpi eq, %broadcast_in_dim3A_12, %eq3A_14 : vector<1024x1xi32>
    %jit3A = arith.constant 0xFF800000 : f32
    %broadcast_in_dim3A_16 = vector.shape_cast %eq3A_15 : vector<1024x1xi1> to vector<1024x1xi1>
    %broadcast_in_dim3A_17 = vector.broadcast %broadcast_in_dim3A_16 : vector<1024x1xi1> to vector<1024x128xi1>
    %broadcast_in_dim3A_18 = vector.broadcast %jit3A : f32 to vector<1024x128xf32>
    %select_n3A_19 = arith.select %broadcast_in_dim3A_17, %get3A_1, %broadcast_in_dim3A_18 : vector<1024x128xi1>, vector<1024x128xf32>
    %reduce_max3A = arith.constant dense<0xFF800000> : vector<128xf32>
    %reduce_max3A_20 = vector.multi_reduction <maximumf>, %select_n3A_19, %reduce_max3A [0] : vector<1024x128xf32> to vector<128xf32>
    %eq3A_21 = arith.constant 1 : i32
    %eq3A_22 = vector.broadcast %eq3A_21 : i32 to vector<1024x1xi32>
    %eq3A_23 = arith.cmpi eq, %broadcast_in_dim3A_12, %eq3A_22 : vector<1024x1xi32>
    %jit3A_24 = arith.constant 0xFF800000 : f32
    %broadcast_in_dim3A_25 = vector.shape_cast %eq3A_23 : vector<1024x1xi1> to vector<1024x1xi1>
    %broadcast_in_dim3A_26 = vector.broadcast %broadcast_in_dim3A_25 : vector<1024x1xi1> to vector<1024x128xi1>
    %broadcast_in_dim3A_27 = vector.broadcast %jit3A_24 : f32 to vector<1024x128xf32>
    %select_n3A_28 = arith.select %broadcast_in_dim3A_26, %get3A_1, %broadcast_in_dim3A_27 : vector<1024x128xi1>, vector<1024x128xf32>
    %reduce_max3A_29 = arith.constant dense<0xFF800000> : vector<128xf32>
    %reduce_max3A_30 = vector.multi_reduction <maximumf>, %select_n3A_28, %reduce_max3A_29 [0] : vector<1024x128xf32> to vector<128xf32>
    %eq3A_31 = arith.constant 2 : i32
    %eq3A_32 = vector.broadcast %eq3A_31 : i32 to vector<1024x1xi32>
    %eq3A_33 = arith.cmpi eq, %broadcast_in_dim3A_12, %eq3A_32 : vector<1024x1xi32>
    %jit3A_34 = arith.constant 0xFF800000 : f32
    %broadcast_in_dim3A_35 = vector.shape_cast %eq3A_33 : vector<1024x1xi1> to vector<1024x1xi1>
    %broadcast_in_dim3A_36 = vector.broadcast %broadcast_in_dim3A_35 : vector<1024x1xi1> to vector<1024x128xi1>
    %broadcast_in_dim3A_37 = vector.broadcast %jit3A_34 : f32 to vector<1024x128xf32>
    %select_n3A_38 = arith.select %broadcast_in_dim3A_36, %get3A_1, %broadcast_in_dim3A_37 : vector<1024x128xi1>, vector<1024x128xf32>
    %reduce_max3A_39 = arith.constant dense<0xFF800000> : vector<128xf32>
    %reduce_max3A_40 = vector.multi_reduction <maximumf>, %select_n3A_38, %reduce_max3A_39 [0] : vector<1024x128xf32> to vector<128xf32>
    %eq3A_41 = arith.constant 3 : i32
    %eq3A_42 = vector.broadcast %eq3A_41 : i32 to vector<1024x1xi32>
    %eq3A_43 = arith.cmpi eq, %broadcast_in_dim3A_12, %eq3A_42 : vector<1024x1xi32>
    %jit3A_44 = arith.constant 0xFF800000 : f32
    %broadcast_in_dim3A_45 = vector.shape_cast %eq3A_43 : vector<1024x1xi1> to vector<1024x1xi1>
    %broadcast_in_dim3A_46 = vector.broadcast %broadcast_in_dim3A_45 : vector<1024x1xi1> to vector<1024x128xi1>
    %broadcast_in_dim3A_47 = vector.broadcast %jit3A_44 : f32 to vector<1024x128xf32>
    %select_n3A_48 = arith.select %broadcast_in_dim3A_46, %get3A_1, %broadcast_in_dim3A_47 : vector<1024x128xi1>, vector<1024x128xf32>
    %reduce_max3A_49 = arith.constant dense<0xFF800000> : vector<128xf32>
    %reduce_max3A_50 = vector.multi_reduction <maximumf>, %select_n3A_48, %reduce_max3A_49 [0] : vector<1024x128xf32> to vector<128xf32>
    %eq3A_51 = arith.constant 4 : i32
    %eq3A_52 = vector.broadcast %eq3A_51 : i32 to vector<1024x1xi32>
    %eq3A_53 = arith.cmpi eq, %broadcast_in_dim3A_12, %eq3A_52 : vector<1024x1xi32>
    %jit3A_54 = arith.constant 0xFF800000 : f32
    %broadcast_in_dim3A_55 = vector.shape_cast %eq3A_53 : vector<1024x1xi1> to vector<1024x1xi1>
    %broadcast_in_dim3A_56 = vector.broadcast %broadcast_in_dim3A_55 : vector<1024x1xi1> to vector<1024x128xi1>
    %broadcast_in_dim3A_57 = vector.broadcast %jit3A_54 : f32 to vector<1024x128xf32>
    %select_n3A_58 = arith.select %broadcast_in_dim3A_56, %get3A_1, %broadcast_in_dim3A_57 : vector<1024x128xi1>, vector<1024x128xf32>
    %reduce_max3A_59 = arith.constant dense<0xFF800000> : vector<128xf32>
    %reduce_max3A_60 = vector.multi_reduction <maximumf>, %select_n3A_58, %reduce_max3A_59 [0] : vector<1024x128xf32> to vector<128xf32>
    %eq3A_61 = arith.constant 5 : i32
    %eq3A_62 = vector.broadcast %eq3A_61 : i32 to vector<1024x1xi32>
    %eq3A_63 = arith.cmpi eq, %broadcast_in_dim3A_12, %eq3A_62 : vector<1024x1xi32>
    %jit3A_64 = arith.constant 0xFF800000 : f32
    %broadcast_in_dim3A_65 = vector.shape_cast %eq3A_63 : vector<1024x1xi1> to vector<1024x1xi1>
    %broadcast_in_dim3A_66 = vector.broadcast %broadcast_in_dim3A_65 : vector<1024x1xi1> to vector<1024x128xi1>
    %broadcast_in_dim3A_67 = vector.broadcast %jit3A_64 : f32 to vector<1024x128xf32>
    %select_n3A_68 = arith.select %broadcast_in_dim3A_66, %get3A_1, %broadcast_in_dim3A_67 : vector<1024x128xi1>, vector<1024x128xf32>
    %reduce_max3A_69 = arith.constant dense<0xFF800000> : vector<128xf32>
    %reduce_max3A_70 = vector.multi_reduction <maximumf>, %select_n3A_68, %reduce_max3A_69 [0] : vector<1024x128xf32> to vector<128xf32>
    %eq3A_71 = arith.constant 6 : i32
    %eq3A_72 = vector.broadcast %eq3A_71 : i32 to vector<1024x1xi32>
    %eq3A_73 = arith.cmpi eq, %broadcast_in_dim3A_12, %eq3A_72 : vector<1024x1xi32>
    %jit3A_74 = arith.constant 0xFF800000 : f32
    %broadcast_in_dim3A_75 = vector.shape_cast %eq3A_73 : vector<1024x1xi1> to vector<1024x1xi1>
    %broadcast_in_dim3A_76 = vector.broadcast %broadcast_in_dim3A_75 : vector<1024x1xi1> to vector<1024x128xi1>
    %broadcast_in_dim3A_77 = vector.broadcast %jit3A_74 : f32 to vector<1024x128xf32>
    %select_n3A_78 = arith.select %broadcast_in_dim3A_76, %get3A_1, %broadcast_in_dim3A_77 : vector<1024x128xi1>, vector<1024x128xf32>
    %reduce_max3A_79 = arith.constant dense<0xFF800000> : vector<128xf32>
    %reduce_max3A_80 = vector.multi_reduction <maximumf>, %select_n3A_78, %reduce_max3A_79 [0] : vector<1024x128xf32> to vector<128xf32>
    %eq3A_81 = arith.constant 7 : i32
    %eq3A_82 = vector.broadcast %eq3A_81 : i32 to vector<1024x1xi32>
    %eq3A_83 = arith.cmpi eq, %broadcast_in_dim3A_12, %eq3A_82 : vector<1024x1xi32>
    %jit3A_84 = arith.constant 0xFF800000 : f32
    %broadcast_in_dim3A_85 = vector.shape_cast %eq3A_83 : vector<1024x1xi1> to vector<1024x1xi1>
    %broadcast_in_dim3A_86 = vector.broadcast %broadcast_in_dim3A_85 : vector<1024x1xi1> to vector<1024x128xi1>
    %broadcast_in_dim3A_87 = vector.broadcast %jit3A_84 : f32 to vector<1024x128xf32>
    %select_n3A_88 = arith.select %broadcast_in_dim3A_86, %get3A_1, %broadcast_in_dim3A_87 : vector<1024x128xi1>, vector<1024x128xf32>
    %reduce_max3A_89 = arith.constant dense<0xFF800000> : vector<128xf32>
    %reduce_max3A_90 = vector.multi_reduction <maximumf>, %select_n3A_88, %reduce_max3A_89 [0] : vector<1024x128xf32> to vector<128xf32>
    %eq3A_91 = arith.constant 8 : i32
    %eq3A_92 = vector.broadcast %eq3A_91 : i32 to vector<1024x1xi32>
    %eq3A_93 = arith.cmpi eq, %broadcast_in_dim3A_12, %eq3A_92 : vector<1024x1xi32>
    %jit3A_94 = arith.constant 0xFF800000 : f32
    %broadcast_in_dim3A_95 = vector.shape_cast %eq3A_93 : vector<1024x1xi1> to vector<1024x1xi1>
    %broadcast_in_dim3A_96 = vector.broadcast %broadcast_in_dim3A_95 : vector<1024x1xi1> to vector<1024x128xi1>
    %broadcast_in_dim3A_97 = vector.broadcast %jit3A_94 : f32 to vector<1024x128xf32>
    %select_n3A_98 = arith.select %broadcast_in_dim3A_96, %get3A_1, %broadcast_in_dim3A_97 : vector<1024x128xi1>, vector<1024x128xf32>
    %reduce_max3A_99 = arith.constant dense<0xFF800000> : vector<128xf32>
    %reduce_max3A_100 = vector.multi_reduction <maximumf>, %select_n3A_98, %reduce_max3A_99 [0] : vector<1024x128xf32> to vector<128xf32>
    %eq3A_101 = arith.constant 9 : i32
    %eq3A_102 = vector.broadcast %eq3A_101 : i32 to vector<1024x1xi32>
    %eq3A_103 = arith.cmpi eq, %broadcast_in_dim3A_12, %eq3A_102 : vector<1024x1xi32>
    %jit3A_104 = arith.constant 0xFF800000 : f32
    %broadcast_in_dim3A_105 = vector.shape_cast %eq3A_103 : vector<1024x1xi1> to vector<1024x1xi1>
    %broadcast_in_dim3A_106 = vector.broadcast %broadcast_in_dim3A_105 : vector<1024x1xi1> to vector<1024x128xi1>
    %broadcast_in_dim3A_107 = vector.broadcast %jit3A_104 : f32 to vector<1024x128xf32>
    %select_n3A_108 = arith.select %broadcast_in_dim3A_106, %get3A_1, %broadcast_in_dim3A_107 : vector<1024x128xi1>, vector<1024x128xf32>
    %reduce_max3A_109 = arith.constant dense<0xFF800000> : vector<128xf32>
    %reduce_max3A_110 = vector.multi_reduction <maximumf>, %select_n3A_108, %reduce_max3A_109 [0] : vector<1024x128xf32> to vector<128xf32>
    %eq3A_111 = arith.constant 10 : i32
    %eq3A_112 = vector.broadcast %eq3A_111 : i32 to vector<1024x1xi32>
    %eq3A_113 = arith.cmpi eq, %broadcast_in_dim3A_12, %eq3A_112 : vector<1024x1xi32>
    %jit3A_114 = arith.constant 0xFF800000 : f32
    %broadcast_in_dim3A_115 = vector.shape_cast %eq3A_113 : vector<1024x1xi1> to vector<1024x1xi1>
    %broadcast_in_dim3A_116 = vector.broadcast %broadcast_in_dim3A_115 : vector<1024x1xi1> to vector<1024x128xi1>
    %broadcast_in_dim3A_117 = vector.broadcast %jit3A_114 : f32 to vector<1024x128xf32>
    %select_n3A_118 = arith.select %broadcast_in_dim3A_116, %get3A_1, %broadcast_in_dim3A_117 : vector<1024x128xi1>, vector<1024x128xf32>
    %reduce_max3A_119 = arith.constant dense<0xFF800000> : vector<128xf32>
    %reduce_max3A_120 = vector.multi_reduction <maximumf>, %select_n3A_118, %reduce_max3A_119 [0] : vector<1024x128xf32> to vector<128xf32>
    %eq3A_121 = arith.constant 11 : i32
    %eq3A_122 = vector.broadcast %eq3A_121 : i32 to vector<1024x1xi32>
    %eq3A_123 = arith.cmpi eq, %broadcast_in_dim3A_12, %eq3A_122 : vector<1024x1xi32>
    %jit3A_124 = arith.constant 0xFF800000 : f32
    %broadcast_in_dim3A_125 = vector.shape_cast %eq3A_123 : vector<1024x1xi1> to vector<1024x1xi1>
    %broadcast_in_dim3A_126 = vector.broadcast %broadcast_in_dim3A_125 : vector<1024x1xi1> to vector<1024x128xi1>
    %broadcast_in_dim3A_127 = vector.broadcast %jit3A_124 : f32 to vector<1024x128xf32>
    %select_n3A_128 = arith.select %broadcast_in_dim3A_126, %get3A_1, %broadcast_in_dim3A_127 : vector<1024x128xi1>, vector<1024x128xf32>
    %reduce_max3A_129 = arith.constant dense<0xFF800000> : vector<128xf32>
    %reduce_max3A_130 = vector.multi_reduction <maximumf>, %select_n3A_128, %reduce_max3A_129 [0] : vector<1024x128xf32> to vector<128xf32>
    %eq3A_131 = arith.constant 12 : i32
    %eq3A_132 = vector.broadcast %eq3A_131 : i32 to vector<1024x1xi32>
    %eq3A_133 = arith.cmpi eq, %broadcast_in_dim3A_12, %eq3A_132 : vector<1024x1xi32>
    %jit3A_134 = arith.constant 0xFF800000 : f32
    %broadcast_in_dim3A_135 = vector.shape_cast %eq3A_133 : vector<1024x1xi1> to vector<1024x1xi1>
    %broadcast_in_dim3A_136 = vector.broadcast %broadcast_in_dim3A_135 : vector<1024x1xi1> to vector<1024x128xi1>
    %broadcast_in_dim3A_137 = vector.broadcast %jit3A_134 : f32 to vector<1024x128xf32>
    %select_n3A_138 = arith.select %broadcast_in_dim3A_136, %get3A_1, %broadcast_in_dim3A_137 : vector<1024x128xi1>, vector<1024x128xf32>
    %reduce_max3A_139 = arith.constant dense<0xFF800000> : vector<128xf32>
    %reduce_max3A_140 = vector.multi_reduction <maximumf>, %select_n3A_138, %reduce_max3A_139 [0] : vector<1024x128xf32> to vector<128xf32>
    %eq3A_141 = arith.constant 13 : i32
    %eq3A_142 = vector.broadcast %eq3A_141 : i32 to vector<1024x1xi32>
    %eq3A_143 = arith.cmpi eq, %broadcast_in_dim3A_12, %eq3A_142 : vector<1024x1xi32>
    %jit3A_144 = arith.constant 0xFF800000 : f32
    %broadcast_in_dim3A_145 = vector.shape_cast %eq3A_143 : vector<1024x1xi1> to vector<1024x1xi1>
    %broadcast_in_dim3A_146 = vector.broadcast %broadcast_in_dim3A_145 : vector<1024x1xi1> to vector<1024x128xi1>
    %broadcast_in_dim3A_147 = vector.broadcast %jit3A_144 : f32 to vector<1024x128xf32>
    %select_n3A_148 = arith.select %broadcast_in_dim3A_146, %get3A_1, %broadcast_in_dim3A_147 : vector<1024x128xi1>, vector<1024x128xf32>
    %reduce_max3A_149 = arith.constant dense<0xFF800000> : vector<128xf32>
    %reduce_max3A_150 = vector.multi_reduction <maximumf>, %select_n3A_148, %reduce_max3A_149 [0] : vector<1024x128xf32> to vector<128xf32>
    %eq3A_151 = arith.constant 14 : i32
    %eq3A_152 = vector.broadcast %eq3A_151 : i32 to vector<1024x1xi32>
    %eq3A_153 = arith.cmpi eq, %broadcast_in_dim3A_12, %eq3A_152 : vector<1024x1xi32>
    %jit3A_154 = arith.constant 0xFF800000 : f32
    %broadcast_in_dim3A_155 = vector.shape_cast %eq3A_153 : vector<1024x1xi1> to vector<1024x1xi1>
    %broadcast_in_dim3A_156 = vector.broadcast %broadcast_in_dim3A_155 : vector<1024x1xi1> to vector<1024x128xi1>
    %broadcast_in_dim3A_157 = vector.broadcast %jit3A_154 : f32 to vector<1024x128xf32>
    %select_n3A_158 = arith.select %broadcast_in_dim3A_156, %get3A_1, %broadcast_in_dim3A_157 : vector<1024x128xi1>, vector<1024x128xf32>
    %reduce_max3A_159 = arith.constant dense<0xFF800000> : vector<128xf32>
    %reduce_max3A_160 = vector.multi_reduction <maximumf>, %select_n3A_158, %reduce_max3A_159 [0] : vector<1024x128xf32> to vector<128xf32>
    %eq3A_161 = arith.constant 15 : i32
    %eq3A_162 = vector.broadcast %eq3A_161 : i32 to vector<1024x1xi32>
    %eq3A_163 = arith.cmpi eq, %broadcast_in_dim3A_12, %eq3A_162 : vector<1024x1xi32>
    %jit3A_164 = arith.constant 0xFF800000 : f32
    %broadcast_in_dim3A_165 = vector.shape_cast %eq3A_163 : vector<1024x1xi1> to vector<1024x1xi1>
    %broadcast_in_dim3A_166 = vector.broadcast %broadcast_in_dim3A_165 : vector<1024x1xi1> to vector<1024x128xi1>
    %broadcast_in_dim3A_167 = vector.broadcast %jit3A_164 : f32 to vector<1024x128xf32>
    %select_n3A_168 = arith.select %broadcast_in_dim3A_166, %get3A_1, %broadcast_in_dim3A_167 : vector<1024x128xi1>, vector<1024x128xf32>
    %reduce_max3A_169 = arith.constant dense<0xFF800000> : vector<128xf32>
    %reduce_max3A_170 = vector.multi_reduction <maximumf>, %select_n3A_168, %reduce_max3A_169 [0] : vector<1024x128xf32> to vector<128xf32>
    %stack3A = vector.shape_cast %reduce_max3A_20 : vector<128xf32> to vector<1x128xf32>
    %stack3A_171 = vector.shape_cast %reduce_max3A_30 : vector<128xf32> to vector<1x128xf32>
    %stack3A_172 = vector.shape_cast %reduce_max3A_40 : vector<128xf32> to vector<1x128xf32>
    %stack3A_173 = vector.shape_cast %reduce_max3A_50 : vector<128xf32> to vector<1x128xf32>
    %stack3A_174 = vector.shape_cast %reduce_max3A_60 : vector<128xf32> to vector<1x128xf32>
    %stack3A_175 = vector.shape_cast %reduce_max3A_70 : vector<128xf32> to vector<1x128xf32>
    %stack3A_176 = vector.shape_cast %reduce_max3A_80 : vector<128xf32> to vector<1x128xf32>
    %stack3A_177 = vector.shape_cast %reduce_max3A_90 : vector<128xf32> to vector<1x128xf32>
    %stack3A_178 = vector.shape_cast %reduce_max3A_100 : vector<128xf32> to vector<1x128xf32>
    %stack3A_179 = vector.shape_cast %reduce_max3A_110 : vector<128xf32> to vector<1x128xf32>
    %stack3A_180 = vector.shape_cast %reduce_max3A_120 : vector<128xf32> to vector<1x128xf32>
    %stack3A_181 = vector.shape_cast %reduce_max3A_130 : vector<128xf32> to vector<1x128xf32>
    %stack3A_182 = vector.shape_cast %reduce_max3A_140 : vector<128xf32> to vector<1x128xf32>
    %stack3A_183 = vector.shape_cast %reduce_max3A_150 : vector<128xf32> to vector<1x128xf32>
    %stack3A_184 = vector.shape_cast %reduce_max3A_160 : vector<128xf32> to vector<1x128xf32>
    %stack3A_185 = vector.shape_cast %reduce_max3A_170 : vector<128xf32> to vector<1x128xf32>
    %stack3A_186 = tpu.concatenate %stack3A, %stack3A_171, %stack3A_172, %stack3A_173, %stack3A_174, %stack3A_175, %stack3A_176, %stack3A_177, %stack3A_178, %stack3A_179, %stack3A_180, %stack3A_181, %stack3A_182, %stack3A_183, %stack3A_184, %stack3A_185 in 0 : vector<1x128xf32>, vector<1x128xf32>, vector<1x128xf32>, vector<1x128xf32>, vector<1x128xf32>, vector<1x128xf32>, vector<1x128xf32>, vector<1x128xf32>, vector<1x128xf32>, vector<1x128xf32>, vector<1x128xf32>, vector<1x128xf32>, vector<1x128xf32>, vector<1x128xf32>, vector<1x128xf32>, vector<1x128xf32> -> vector<16x128xf32>
    %max3A = arith.maximumf %select_n3A, %stack3A_186 : vector<16x128xf32>
    %swap3A = arith.constant 0 : index
    %swap3A_187 = arith.constant 0 : index
    %swap3A_188 = vector.load %arg3[%swap3A, %swap3A_187] : memref<16x128xf32, #tpu.memory_space<vmem>>, vector<16x128xf32>
    tpu.vector_store %arg3[%swap3A, %swap3A_187], %max3A {strides = array<i32>} : memref<16x128xf32, #tpu.memory_space<vmem>>, vector<16x128xf32>,
    return
  }
  func.func @transform_0(%arg0: i32) -> (i32, i32) {
    %c0_i32 = arith.constant 0 : i32
    %c0_i32_0 = arith.constant 0 : i32
    return %arg0, %c0_i32 : i32, i32
  }
  func.func @transform_1(%arg0: i32) -> (i32, i32, i32) {
    %c0_i32 = arith.constant 0 : i32
    %c0_i32_0 = arith.constant 0 : i32
    %c0_i32_1 = arith.constant 0 : i32
    return %arg0, %c0_i32, %c0_i32_0 : i32, i32, i32
  }
  func.func @transform_2(%arg0: i32) -> (i32, i32) {
    %c0_i32 = arith.constant 0 : i32
    %c0_i32_0 = arith.constant 0 : i32
    %c0_i32_1 = arith.constant 0 : i32
    return %c0_i32, %c0_i32_0 : i32, i32
  }
}

module attributes {stable_mosaic.version = 14 : i64} {
  func.func @body(%arg0: i32, %arg1: memref<2x1024x128xf32, #tpu.memory_space<vmem>>, %arg2: memref<1024x128xf32, #tpu.memory_space<vmem>>, %arg3: memref<1x1x1024xi32, #tpu.memory_space<vmem>>, %arg4: memref<128x128xf32, #tpu.memory_space<vmem>>, %arg5: memref<1x128xf32, #tpu.memory_space<vmem>>, %arg6: memref<128x128xf32, #tpu.memory_space<vmem>>, %arg7: memref<1x1x1024xf32, #tpu.memory_space<vmem>>, %arg8: memref<1024x128xf32, #tpu.memory_space<vmem>>) attributes {dimension_semantics = [#tpu.dimension_semantics<arbitrary>], iteration_bounds = array<i64: 10>, scalar_prefetch = 0 : i64, scratch_operands = 0 : i64, tpu.core_type = #tpu.core_type<tc>, window_params = [{transform_indices = @transform_0, window_bounds = array<i64: 2, 1024, 128>}, {transform_indices = @transform_1, window_bounds = array<i64: 1024, 128>}, {transform_indices = @transform_2, window_bounds = array<i64: 1, 1, 1024>}, {pipeline_mode = #tpu.pipeline_mode<synchronous>, transform_indices = @transform_3, window_bounds = array<i64: 128, 128>}, {pipeline_mode = #tpu.pipeline_mode<synchronous>, transform_indices = @transform_4, window_bounds = array<i64: 1, 128>}, {pipeline_mode = #tpu.pipeline_mode<synchronous>, transform_indices = @transform_5, window_bounds = array<i64: 128, 128>}, {transform_indices = @transform_6, window_bounds = array<i64: 1, 1, 1024>}, {transform_indices = @transform_7, window_bounds = array<i64: 1024, 128>}]} {
    %get3A = arith.constant 0 : index
    %get3A_0 = arith.constant 0 : index
    %get3A_1 = arith.constant 0 : index
    %get3A_2 = vector.load %arg1[%get3A, %get3A_0, %get3A_1] : memref<2x1024x128xf32, #tpu.memory_space<vmem>>, vector<1x1024x128xf32>
    %get3A_3 = vector.shape_cast %get3A_2 : vector<1x1024x128xf32> to vector<1024x128xf32>
    %get3A_4 = arith.constant 1 : index
    %get3A_5 = arith.constant 0 : index
    %get3A_6 = arith.constant 0 : index
    %get3A_7 = vector.load %arg1[%get3A_4, %get3A_5, %get3A_6] : memref<2x1024x128xf32, #tpu.memory_space<vmem>>, vector<1x1024x128xf32>
    %get3A_8 = vector.shape_cast %get3A_7 : vector<1x1024x128xf32> to vector<1024x128xf32>
    %add3A = arith.addf %get3A_3, %get3A_8 : vector<1024x128xf32>
    %get3A_9 = arith.constant 0 : index
    %get3A_10 = arith.constant 0 : index
    %get3A_11 = arith.constant 0 : index
    %get3A_12 = vector.load %arg7[%get3A_9, %get3A_10, %get3A_11] : memref<1x1x1024xf32, #tpu.memory_space<vmem>>, vector<1x1x1024xf32>
    %get3A_13 = vector.shape_cast %get3A_12 : vector<1x1x1024xf32> to vector<1024xf32>
    %max3A = arith.constant 1.000000e+00 : f32
    %max3A_14 = vector.broadcast %max3A : f32 to vector<1024xf32>
    %max3A_15 = arith.maximumf %get3A_13, %max3A_14 : vector<1024xf32>
    %broadcast_in_dim3A = vector.shape_cast %max3A_15 : vector<1024xf32> to vector<1024x1xf32>
    %div3A = vector.broadcast %broadcast_in_dim3A : vector<1024x1xf32> to vector<1024x128xf32>
    %div3A_16 = arith.divf %add3A, %div3A : vector<1024x128xf32>
    %get3A_17 = arith.constant 0 : index
    %get3A_18 = arith.constant 0 : index
    %get3A_19 = vector.load %arg4[%get3A_17, %get3A_18] : memref<128x128xf32, #tpu.memory_space<vmem>>, vector<128x128xf32>
    %dot_general3A = arith.constant dense<0.000000e+00> : vector<1024x128xf32>
    %dot_general3A_20 = tpu.matmul %div3A_16, %get3A_19, %dot_general3A {dimension_numbers = #tpu.dot_dimension_numbers<[1], [0], [0], [1], [0, 0, 1, 1], [], []>, transpose_lhs_hint = false} : vector<1024x128xf32>, vector<128x128xf32>, vector<1024x128xf32> -> vector<1024x128xf32>
    %get3A_21 = arith.constant 0 : index
    %get3A_22 = arith.constant 0 : index
    %get3A_23 = vector.load %arg5[%get3A_21, %get3A_22] : memref<1x128xf32, #tpu.memory_space<vmem>>, vector<1x128xf32>
    %add3A_24 = vector.broadcast %get3A_23 : vector<1x128xf32> to vector<1024x128xf32>
    %add3A_25 = arith.addf %dot_general3A_20, %add3A_24 : vector<1024x128xf32>
    %get3A_26 = arith.constant 0 : index
    %get3A_27 = arith.constant 0 : index
    %get3A_28 = vector.load %arg2[%get3A_26, %get3A_27] : memref<1024x128xf32, #tpu.memory_space<vmem>>, vector<1024x128xf32>
    %get3A_29 = arith.constant 0 : index
    %get3A_30 = arith.constant 0 : index
    %get3A_31 = vector.load %arg6[%get3A_29, %get3A_30] : memref<128x128xf32, #tpu.memory_space<vmem>>, vector<128x128xf32>
    %dot_general3A_32 = arith.constant dense<0.000000e+00> : vector<1024x128xf32>
    %dot_general3A_33 = tpu.matmul %get3A_28, %get3A_31, %dot_general3A_32 {dimension_numbers = #tpu.dot_dimension_numbers<[1], [0], [0], [1], [0, 0, 1, 1], [], []>, transpose_lhs_hint = false} : vector<1024x128xf32>, vector<128x128xf32>, vector<1024x128xf32> -> vector<1024x128xf32>
    %add3A_34 = arith.addf %add3A_25, %dot_general3A_33 : vector<1024x128xf32>
    %swap3A = arith.constant 0 : index
    %swap3A_35 = arith.constant 0 : index
    %swap3A_36 = vector.load %arg8[%swap3A, %swap3A_35] : memref<1024x128xf32, #tpu.memory_space<vmem>>, vector<1024x128xf32>
    tpu.vector_store %arg8[%swap3A, %swap3A_35], %add3A_34 {strides = array<i32>} : memref<1024x128xf32, #tpu.memory_space<vmem>>, vector<1024x128xf32>,
    return
  }
  func.func @transform_0(%arg0: i32) -> (i32, i32, i32) {
    %c0_i32 = arith.constant 0 : i32
    %c0_i32_0 = arith.constant 0 : i32
    %c0_i32_1 = arith.constant 0 : i32
    return %c0_i32, %arg0, %c0_i32_0 : i32, i32, i32
  }
  func.func @transform_1(%arg0: i32) -> (i32, i32) {
    %c0_i32 = arith.constant 0 : i32
    %c0_i32_0 = arith.constant 0 : i32
    return %arg0, %c0_i32 : i32, i32
  }
  func.func @transform_2(%arg0: i32) -> (i32, i32, i32) {
    %c0_i32 = arith.constant 0 : i32
    %c0_i32_0 = arith.constant 0 : i32
    %c0_i32_1 = arith.constant 0 : i32
    return %arg0, %c0_i32, %c0_i32_0 : i32, i32, i32
  }
  func.func @transform_3(%arg0: i32) -> (i32, i32) {
    %c0_i32 = arith.constant 0 : i32
    %c0_i32_0 = arith.constant 0 : i32
    %c0_i32_1 = arith.constant 0 : i32
    return %c0_i32, %c0_i32_0 : i32, i32
  }
  func.func @transform_4(%arg0: i32) -> (i32, i32) {
    %c0_i32 = arith.constant 0 : i32
    %c0_i32_0 = arith.constant 0 : i32
    %c0_i32_1 = arith.constant 0 : i32
    return %c0_i32, %c0_i32_0 : i32, i32
  }
  func.func @transform_5(%arg0: i32) -> (i32, i32) {
    %c0_i32 = arith.constant 0 : i32
    %c0_i32_0 = arith.constant 0 : i32
    %c0_i32_1 = arith.constant 0 : i32
    return %c0_i32, %c0_i32_0 : i32, i32
  }
  func.func @transform_6(%arg0: i32) -> (i32, i32, i32) {
    %c0_i32 = arith.constant 0 : i32
    %c0_i32_0 = arith.constant 0 : i32
    %c0_i32_1 = arith.constant 0 : i32
    return %arg0, %c0_i32, %c0_i32_0 : i32, i32, i32
  }
  func.func @transform_7(%arg0: i32) -> (i32, i32) {
    %c0_i32 = arith.constant 0 : i32
    %c0_i32_0 = arith.constant 0 : i32
    return %arg0, %c0_i32 : i32, i32
  }
}

module attributes {stable_mosaic.version = 14 : i64} {
  func.func @body(%arg0: i32, %arg1: memref<2x1024x128xf32, #tpu.memory_space<vmem>>, %arg2: memref<1024x128xf32, #tpu.memory_space<vmem>>, %arg3: memref<1x1x1024xi32, #tpu.memory_space<vmem>>, %arg4: memref<128x128xf32, #tpu.memory_space<vmem>>, %arg5: memref<1x128xf32, #tpu.memory_space<vmem>>, %arg6: memref<128x128xf32, #tpu.memory_space<vmem>>, %arg7: memref<1x1x1024xf32, #tpu.memory_space<vmem>>, %arg8: memref<128x1xf32, #tpu.memory_space<vmem>>, %arg9: memref<1024x128xf32, #tpu.memory_space<vmem>>, %arg10: memref<1x1x1024xf32, #tpu.memory_space<vmem>>) attributes {dimension_semantics = [#tpu.dimension_semantics<arbitrary>], iteration_bounds = array<i64: 10>, scalar_prefetch = 0 : i64, scratch_operands = 0 : i64, tpu.core_type = #tpu.core_type<tc>, window_params = [{transform_indices = @transform_0, window_bounds = array<i64: 2, 1024, 128>}, {transform_indices = @transform_1, window_bounds = array<i64: 1024, 128>}, {transform_indices = @transform_2, window_bounds = array<i64: 1, 1, 1024>}, {pipeline_mode = #tpu.pipeline_mode<synchronous>, transform_indices = @transform_3, window_bounds = array<i64: 128, 128>}, {pipeline_mode = #tpu.pipeline_mode<synchronous>, transform_indices = @transform_4, window_bounds = array<i64: 1, 128>}, {pipeline_mode = #tpu.pipeline_mode<synchronous>, transform_indices = @transform_5, window_bounds = array<i64: 128, 128>}, {transform_indices = @transform_6, window_bounds = array<i64: 1, 1, 1024>}, {pipeline_mode = #tpu.pipeline_mode<synchronous>, transform_indices = @transform_7, window_bounds = array<i64: 128, 1>}, {transform_indices = @transform_8, window_bounds = array<i64: 1024, 128>}, {transform_indices = @transform_9, window_bounds = array<i64: 1, 1, 1024>}]} {
    %get3A = arith.constant 0 : index
    %get3A_0 = arith.constant 0 : index
    %get3A_1 = arith.constant 0 : index
    %get3A_2 = vector.load %arg1[%get3A, %get3A_0, %get3A_1] : memref<2x1024x128xf32, #tpu.memory_space<vmem>>, vector<1x1024x128xf32>
    %get3A_3 = vector.shape_cast %get3A_2 : vector<1x1024x128xf32> to vector<1024x128xf32>
    %get3A_4 = arith.constant 1 : index
    %get3A_5 = arith.constant 0 : index
    %get3A_6 = arith.constant 0 : index
    %get3A_7 = vector.load %arg1[%get3A_4, %get3A_5, %get3A_6] : memref<2x1024x128xf32, #tpu.memory_space<vmem>>, vector<1x1024x128xf32>
    %get3A_8 = vector.shape_cast %get3A_7 : vector<1x1024x128xf32> to vector<1024x128xf32>
    %add3A = arith.addf %get3A_3, %get3A_8 : vector<1024x128xf32>
    %get3A_9 = arith.constant 0 : index
    %get3A_10 = arith.constant 0 : index
    %get3A_11 = arith.constant 0 : index
    %get3A_12 = vector.load %arg7[%get3A_9, %get3A_10, %get3A_11] : memref<1x1x1024xf32, #tpu.memory_space<vmem>>, vector<1x1x1024xf32>
    %get3A_13 = vector.shape_cast %get3A_12 : vector<1x1x1024xf32> to vector<1024xf32>
    %max3A = arith.constant 1.000000e+00 : f32
    %max3A_14 = vector.broadcast %max3A : f32 to vector<1024xf32>
    %max3A_15 = arith.maximumf %get3A_13, %max3A_14 : vector<1024xf32>
    %broadcast_in_dim3A = vector.shape_cast %max3A_15 : vector<1024xf32> to vector<1024x1xf32>
    %div3A = vector.broadcast %broadcast_in_dim3A : vector<1024x1xf32> to vector<1024x128xf32>
    %div3A_16 = arith.divf %add3A, %div3A : vector<1024x128xf32>
    %get3A_17 = arith.constant 0 : index
    %get3A_18 = arith.constant 0 : index
    %get3A_19 = vector.load %arg4[%get3A_17, %get3A_18] : memref<128x128xf32, #tpu.memory_space<vmem>>, vector<128x128xf32>
    %dot_general3A = arith.constant dense<0.000000e+00> : vector<1024x128xf32>
    %dot_general3A_20 = tpu.matmul %div3A_16, %get3A_19, %dot_general3A {dimension_numbers = #tpu.dot_dimension_numbers<[1], [0], [0], [1], [0, 0, 1, 1], [], []>, transpose_lhs_hint = false} : vector<1024x128xf32>, vector<128x128xf32>, vector<1024x128xf32> -> vector<1024x128xf32>
    %get3A_21 = arith.constant 0 : index
    %get3A_22 = arith.constant 0 : index
    %get3A_23 = vector.load %arg5[%get3A_21, %get3A_22] : memref<1x128xf32, #tpu.memory_space<vmem>>, vector<1x128xf32>
    %add3A_24 = vector.broadcast %get3A_23 : vector<1x128xf32> to vector<1024x128xf32>
    %add3A_25 = arith.addf %dot_general3A_20, %add3A_24 : vector<1024x128xf32>
    %get3A_26 = arith.constant 0 : index
    %get3A_27 = arith.constant 0 : index
    %get3A_28 = vector.load %arg2[%get3A_26, %get3A_27] : memref<1024x128xf32, #tpu.memory_space<vmem>>, vector<1024x128xf32>
    %get3A_29 = arith.constant 0 : index
    %get3A_30 = arith.constant 0 : index
    %get3A_31 = vector.load %arg6[%get3A_29, %get3A_30] : memref<128x128xf32, #tpu.memory_space<vmem>>, vector<128x128xf32>
    %dot_general3A_32 = arith.constant dense<0.000000e+00> : vector<1024x128xf32>
    %dot_general3A_33 = tpu.matmul %get3A_28, %get3A_31, %dot_general3A_32 {dimension_numbers = #tpu.dot_dimension_numbers<[1], [0], [0], [1], [0, 0, 1, 1], [], []>, transpose_lhs_hint = false} : vector<1024x128xf32>, vector<128x128xf32>, vector<1024x128xf32> -> vector<1024x128xf32>
    %add3A_34 = arith.addf %add3A_25, %dot_general3A_33 : vector<1024x128xf32>
    %swap3A = arith.constant 0 : index
    %swap3A_35 = arith.constant 0 : index
    %swap3A_36 = vector.load %arg9[%swap3A, %swap3A_35] : memref<1024x128xf32, #tpu.memory_space<vmem>>, vector<1024x128xf32>
    tpu.vector_store %arg9[%swap3A, %swap3A_35], %add3A_34 {strides = array<i32>} : memref<1024x128xf32, #tpu.memory_space<vmem>>, vector<1024x128xf32>,
    %get3A_37 = arith.constant 0 : index
    %get3A_38 = arith.constant 0 : index
    %get3A_39 = vector.load %arg8[%get3A_37, %get3A_38] : memref<128x1xf32, #tpu.memory_space<vmem>>, vector<128x1xf32>
    %dot_general3A_40 = arith.constant dense<0.000000e+00> : vector<1024x1xf32>
    %dot_general3A_41 = tpu.matmul %add3A_34, %get3A_39, %dot_general3A_40 {dimension_numbers = #tpu.dot_dimension_numbers<[1], [0], [0], [1], [0, 0, 1, 1], [], []>, transpose_lhs_hint = false} : vector<1024x128xf32>, vector<128x1xf32>, vector<1024x1xf32> -> vector<1024x1xf32>
    %add3A_42 = arith.constant 1.000000e+00 : f32
    %add3A_43 = vector.broadcast %add3A_42 : f32 to vector<1024xf32>
    %add3A_44 = arith.addf %get3A_13, %add3A_43 : vector<1024xf32>
    %rsqrt3A = math.rsqrt %add3A_44 : vector<1024xf32>
    %squeeze3A = vector.shape_cast %dot_general3A_41 : vector<1024x1xf32> to vector<1024xf32>
    %mul3A = arith.mulf %squeeze3A, %rsqrt3A : vector<1024xf32>
    %swap3A_45 = arith.constant 0 : index
    %swap3A_46 = arith.constant 0 : index
    %swap3A_47 = arith.constant 0 : index
    %swap3A_48 = vector.load %arg10[%swap3A_45, %swap3A_46, %swap3A_47] : memref<1x1x1024xf32, #tpu.memory_space<vmem>>, vector<1x1x1024xf32>
    %swap3A_49 = vector.shape_cast %swap3A_48 : vector<1x1x1024xf32> to vector<1024xf32>
    %swap3A_50 = vector.shape_cast %mul3A : vector<1024xf32> to vector<1x1x1024xf32>
    tpu.vector_store %arg10[%swap3A_45, %swap3A_46, %swap3A_47], %swap3A_50 {strides = array<i32>} : memref<1x1x1024xf32, #tpu.memory_space<vmem>>, vector<1x1x1024xf32>,
    return
  }
  func.func @transform_0(%arg0: i32) -> (i32, i32, i32) {
    %c0_i32 = arith.constant 0 : i32
    %c0_i32_0 = arith.constant 0 : i32
    %c0_i32_1 = arith.constant 0 : i32
    return %c0_i32, %arg0, %c0_i32_0 : i32, i32, i32
  }
  func.func @transform_1(%arg0: i32) -> (i32, i32) {
    %c0_i32 = arith.constant 0 : i32
    %c0_i32_0 = arith.constant 0 : i32
    return %arg0, %c0_i32 : i32, i32
  }
  func.func @transform_2(%arg0: i32) -> (i32, i32, i32) {
    %c0_i32 = arith.constant 0 : i32
    %c0_i32_0 = arith.constant 0 : i32
    %c0_i32_1 = arith.constant 0 : i32
    return %arg0, %c0_i32, %c0_i32_0 : i32, i32, i32
  }
  func.func @transform_3(%arg0: i32) -> (i32, i32) {
    %c0_i32 = arith.constant 0 : i32
    %c0_i32_0 = arith.constant 0 : i32
    %c0_i32_1 = arith.constant 0 : i32
    return %c0_i32, %c0_i32_0 : i32, i32
  }
  func.func @transform_4(%arg0: i32) -> (i32, i32) {
    %c0_i32 = arith.constant 0 : i32
    %c0_i32_0 = arith.constant 0 : i32
    %c0_i32_1 = arith.constant 0 : i32
    return %c0_i32, %c0_i32_0 : i32, i32
  }
  func.func @transform_5(%arg0: i32) -> (i32, i32) {
    %c0_i32 = arith.constant 0 : i32
    %c0_i32_0 = arith.constant 0 : i32
    %c0_i32_1 = arith.constant 0 : i32
    return %c0_i32, %c0_i32_0 : i32, i32
  }
  func.func @transform_6(%arg0: i32) -> (i32, i32, i32) {
    %c0_i32 = arith.constant 0 : i32
    %c0_i32_0 = arith.constant 0 : i32
    %c0_i32_1 = arith.constant 0 : i32
    return %arg0, %c0_i32, %c0_i32_0 : i32, i32, i32
  }
  func.func @transform_7(%arg0: i32) -> (i32, i32) {
    %c0_i32 = arith.constant 0 : i32
    %c0_i32_0 = arith.constant 0 : i32
    %c0_i32_1 = arith.constant 0 : i32
    return %c0_i32, %c0_i32_0 : i32, i32
  }
  func.func @transform_8(%arg0: i32) -> (i32, i32) {
    %c0_i32 = arith.constant 0 : i32
    %c0_i32_0 = arith.constant 0 : i32
    return %arg0, %c0_i32 : i32, i32
  }
  func.func @transform_9(%arg0: i32) -> (i32, i32, i32) {
    %c0_i32 = arith.constant 0 : i32
    %c0_i32_0 = arith.constant 0 : i32
    %c0_i32_1 = arith.constant 0 : i32
    return %arg0, %c0_i32, %c0_i32_0 : i32, i32, i32
  }
}

module attributes {stable_mosaic.version = 14 : i64} {
  func.func @_score_body(%arg0: memref<10x32x1024xf32, #tpu.memory_space<vmem>>, %arg1: memref<10x1x1024xf32, #tpu.memory_space<vmem>>, %arg2: memref<10x1x1024xf32, #tpu.memory_space<vmem>>, %arg3: memref<10x1x1024xi32, #tpu.memory_space<vmem>>, %arg4: memref<1x1xf32, #tpu.memory_space<vmem>>, %arg5: memref<10x1x1024xf32, #tpu.memory_space<vmem>>, %arg6: memref<10x1x1024xf32, #tpu.memory_space<vmem>>) attributes {dimension_semantics = [], scalar_prefetch = 0 : i64, scratch_operands = 0 : i64, tpu.core_type = #tpu.core_type<tc>} {
    %get3A = arith.constant 0 : index
    %get3A_0 = arith.constant 0 : index
    %get3A_1 = arith.constant 0 : index
    %get3A_2 = vector.load %arg0[%get3A, %get3A_0, %get3A_1] : memref<10x32x1024xf32, #tpu.memory_space<vmem>>, vector<10x32x1024xf32>
    %reduce_sum3A = arith.constant dense<0.000000e+00> : vector<10x1024xf32>
    %reduce_sum3A_3 = vector.multi_reduction <add>, %get3A_2, %reduce_sum3A [1] : vector<10x32x1024xf32> to vector<10x1024xf32>
    %get3A_4 = arith.constant 0 : index
    %get3A_5 = arith.constant 0 : index
    %get3A_6 = arith.constant 0 : index
    %get3A_7 = vector.load %arg1[%get3A_4, %get3A_5, %get3A_6] : memref<10x1x1024xf32, #tpu.memory_space<vmem>>, vector<10x1x1024xf32>
    %squeeze3A = vector.shape_cast %get3A_7 : vector<10x1x1024xf32> to vector<10x1024xf32>
    %get3A_8 = arith.constant 0 : index
    %get3A_9 = arith.constant 0 : index
    %get3A_10 = arith.constant 0 : index
    %get3A_11 = vector.load %arg2[%get3A_8, %get3A_9, %get3A_10] : memref<10x1x1024xf32, #tpu.memory_space<vmem>>, vector<10x1x1024xf32>
    %squeeze3A_12 = vector.shape_cast %get3A_11 : vector<10x1x1024xf32> to vector<10x1024xf32>
    %get3A_13 = arith.constant 0 : index
    %get3A_14 = arith.constant 0 : index
    %get3A_15 = arith.constant 0 : index
    %get3A_16 = vector.load %arg3[%get3A_13, %get3A_14, %get3A_15] : memref<10x1x1024xi32, #tpu.memory_space<vmem>>, vector<10x1x1024xi32>
    %squeeze3A_17 = vector.shape_cast %get3A_16 : vector<10x1x1024xi32> to vector<10x1024xi32>
    %add3A = arith.constant 1.000000e+00 : f32
    %add3A_18 = vector.broadcast %add3A : f32 to vector<10x1024xf32>
    %add3A_19 = arith.addf %squeeze3A, %add3A_18 : vector<10x1024xf32>
    %rsqrt3A = math.rsqrt %add3A_19 : vector<10x1024xf32>
    %add3A_20 = arith.addf %reduce_sum3A_3, %squeeze3A_12 : vector<10x1024xf32>
    %mul3A = arith.mulf %rsqrt3A, %add3A_20 : vector<10x1024xf32>
    %get3A_21 = arith.constant 0 : index
    %get3A_22 = arith.constant 0 : index
    %get3A_23 = vector.load %arg4[%get3A_21, %get3A_22] : memref<1x1xf32, #tpu.memory_space<vmem>>, vector<1x1xf32>
    %get3A_24 = vector.extract %get3A_23[0, 0] : f32 from vector<1x1xf32>
    %add3A_25 = vector.broadcast %get3A_24 : f32 to vector<10x1024xf32>
    %add3A_26 = arith.addf %mul3A, %add3A_25 : vector<10x1024xf32>
    %eq3A = arith.constant 0 : i32
    %eq3A_27 = vector.broadcast %eq3A : i32 to vector<10x1024xi32>
    %eq3A_28 = arith.cmpi eq, %squeeze3A_17, %eq3A_27 : vector<10x1024xi32>
    %eq3A_29 = arith.constant 1 : i32
    %eq3A_30 = vector.broadcast %eq3A_29 : i32 to vector<10x1024xi32>
    %eq3A_31 = arith.cmpi eq, %squeeze3A_17, %eq3A_30 : vector<10x1024xi32>
    %eq3A_32 = arith.constant 2 : i32
    %eq3A_33 = vector.broadcast %eq3A_32 : i32 to vector<10x1024xi32>
    %eq3A_34 = arith.cmpi eq, %squeeze3A_17, %eq3A_33 : vector<10x1024xi32>
    %eq3A_35 = arith.constant 3 : i32
    %eq3A_36 = vector.broadcast %eq3A_35 : i32 to vector<10x1024xi32>
    %eq3A_37 = arith.cmpi eq, %squeeze3A_17, %eq3A_36 : vector<10x1024xi32>
    %eq3A_38 = arith.constant 4 : i32
    %eq3A_39 = vector.broadcast %eq3A_38 : i32 to vector<10x1024xi32>
    %eq3A_40 = arith.cmpi eq, %squeeze3A_17, %eq3A_39 : vector<10x1024xi32>
    %eq3A_41 = arith.constant 5 : i32
    %eq3A_42 = vector.broadcast %eq3A_41 : i32 to vector<10x1024xi32>
    %eq3A_43 = arith.cmpi eq, %squeeze3A_17, %eq3A_42 : vector<10x1024xi32>
    %eq3A_44 = arith.constant 6 : i32
    %eq3A_45 = vector.broadcast %eq3A_44 : i32 to vector<10x1024xi32>
    %eq3A_46 = arith.cmpi eq, %squeeze3A_17, %eq3A_45 : vector<10x1024xi32>
    %eq3A_47 = arith.constant 7 : i32
    %eq3A_48 = vector.broadcast %eq3A_47 : i32 to vector<10x1024xi32>
    %eq3A_49 = arith.cmpi eq, %squeeze3A_17, %eq3A_48 : vector<10x1024xi32>
    %eq3A_50 = arith.constant 8 : i32
    %eq3A_51 = vector.broadcast %eq3A_50 : i32 to vector<10x1024xi32>
    %eq3A_52 = arith.cmpi eq, %squeeze3A_17, %eq3A_51 : vector<10x1024xi32>
    %eq3A_53 = arith.constant 9 : i32
    %eq3A_54 = vector.broadcast %eq3A_53 : i32 to vector<10x1024xi32>
    %eq3A_55 = arith.cmpi eq, %squeeze3A_17, %eq3A_54 : vector<10x1024xi32>
    %eq3A_56 = arith.constant 10 : i32
    %eq3A_57 = vector.broadcast %eq3A_56 : i32 to vector<10x1024xi32>
    %eq3A_58 = arith.cmpi eq, %squeeze3A_17, %eq3A_57 : vector<10x1024xi32>
    %eq3A_59 = arith.constant 11 : i32
    %eq3A_60 = vector.broadcast %eq3A_59 : i32 to vector<10x1024xi32>
    %eq3A_61 = arith.cmpi eq, %squeeze3A_17, %eq3A_60 : vector<10x1024xi32>
    %eq3A_62 = arith.constant 12 : i32
    %eq3A_63 = vector.broadcast %eq3A_62 : i32 to vector<10x1024xi32>
    %eq3A_64 = arith.cmpi eq, %squeeze3A_17, %eq3A_63 : vector<10x1024xi32>
    %eq3A_65 = arith.constant 13 : i32
    %eq3A_66 = vector.broadcast %eq3A_65 : i32 to vector<10x1024xi32>
    %eq3A_67 = arith.cmpi eq, %squeeze3A_17, %eq3A_66 : vector<10x1024xi32>
    %eq3A_68 = arith.constant 14 : i32
    %eq3A_69 = vector.broadcast %eq3A_68 : i32 to vector<10x1024xi32>
    %eq3A_70 = arith.cmpi eq, %squeeze3A_17, %eq3A_69 : vector<10x1024xi32>
    %eq3A_71 = arith.constant 15 : i32
    %eq3A_72 = vector.broadcast %eq3A_71 : i32 to vector<10x1024xi32>
    %eq3A_73 = arith.cmpi eq, %squeeze3A_17, %eq3A_72 : vector<10x1024xi32>
    %broadcast_in_dim3A = arith.constant 0.000000e+00 : f32
    %broadcast_in_dim3A_74 = vector.broadcast %broadcast_in_dim3A : f32 to vector<10x1024xf32>
    %jit3A = arith.constant 0xFF800000 : f32
    %broadcast_in_dim3A_75 = vector.broadcast %jit3A : f32 to vector<10x1024xf32>
    %select_n3A = arith.select %eq3A_28, %add3A_26, %broadcast_in_dim3A_75 : vector<10x1024xi1>, vector<10x1024xf32>
    %reduce_max3A = vector.shape_cast %select_n3A : vector<10x1024xf32> to vector<1x10x1024xf32>
    %reduce_max3A_76 = arith.constant dense<0xFF800000> : vector<1xf32>
    %reduce_max3A_77 = vector.multi_reduction <maximumf>, %reduce_max3A, %reduce_max3A_76 [1, 2] : vector<1x10x1024xf32> to vector<1xf32>
    %reduce_max3A_78 = vector.shape_cast %reduce_max3A_77 : vector<1xf32> to vector<1x1x1xf32>
    %reduce_max3A_79 = vector.extract %reduce_max3A_78[0, 0, 0] : f32 from vector<1x1x1xf32>
    %jit3A_80 = arith.constant 0.000000e+00 : f32
    %broadcast_in_dim3A_81 = vector.broadcast %reduce_max3A_79 : f32 to vector<10x1024xf32>
    %broadcast_in_dim3A_82 = vector.broadcast %jit3A_80 : f32 to vector<10x1024xf32>
    %select_n3A_83 = arith.select %eq3A_28, %broadcast_in_dim3A_81, %broadcast_in_dim3A_82 : vector<10x1024xi1>, vector<10x1024xf32>
    %add3A_84 = arith.addf %broadcast_in_dim3A_74, %select_n3A_83 : vector<10x1024xf32>
    %jit3A_85 = arith.constant 0xFF800000 : f32
    %broadcast_in_dim3A_86 = vector.broadcast %jit3A_85 : f32 to vector<10x1024xf32>
    %select_n3A_87 = arith.select %eq3A_31, %add3A_26, %broadcast_in_dim3A_86 : vector<10x1024xi1>, vector<10x1024xf32>
    %reduce_max3A_88 = vector.shape_cast %select_n3A_87 : vector<10x1024xf32> to vector<1x10x1024xf32>
    %reduce_max3A_89 = arith.constant dense<0xFF800000> : vector<1xf32>
    %reduce_max3A_90 = vector.multi_reduction <maximumf>, %reduce_max3A_88, %reduce_max3A_89 [1, 2] : vector<1x10x1024xf32> to vector<1xf32>
    %reduce_max3A_91 = vector.shape_cast %reduce_max3A_90 : vector<1xf32> to vector<1x1x1xf32>
    %reduce_max3A_92 = vector.extract %reduce_max3A_91[0, 0, 0] : f32 from vector<1x1x1xf32>
    %jit3A_93 = arith.constant 0.000000e+00 : f32
    %broadcast_in_dim3A_94 = vector.broadcast %reduce_max3A_92 : f32 to vector<10x1024xf32>
    %broadcast_in_dim3A_95 = vector.broadcast %jit3A_93 : f32 to vector<10x1024xf32>
    %select_n3A_96 = arith.select %eq3A_31, %broadcast_in_dim3A_94, %broadcast_in_dim3A_95 : vector<10x1024xi1>, vector<10x1024xf32>
    %add3A_97 = arith.addf %add3A_84, %select_n3A_96 : vector<10x1024xf32>
    %jit3A_98 = arith.constant 0xFF800000 : f32
    %broadcast_in_dim3A_99 = vector.broadcast %jit3A_98 : f32 to vector<10x1024xf32>
    %select_n3A_100 = arith.select %eq3A_34, %add3A_26, %broadcast_in_dim3A_99 : vector<10x1024xi1>, vector<10x1024xf32>
    %reduce_max3A_101 = vector.shape_cast %select_n3A_100 : vector<10x1024xf32> to vector<1x10x1024xf32>
    %reduce_max3A_102 = arith.constant dense<0xFF800000> : vector<1xf32>
    %reduce_max3A_103 = vector.multi_reduction <maximumf>, %reduce_max3A_101, %reduce_max3A_102 [1, 2] : vector<1x10x1024xf32> to vector<1xf32>
    %reduce_max3A_104 = vector.shape_cast %reduce_max3A_103 : vector<1xf32> to vector<1x1x1xf32>
    %reduce_max3A_105 = vector.extract %reduce_max3A_104[0, 0, 0] : f32 from vector<1x1x1xf32>
    %jit3A_106 = arith.constant 0.000000e+00 : f32
    %broadcast_in_dim3A_107 = vector.broadcast %reduce_max3A_105 : f32 to vector<10x1024xf32>
    %broadcast_in_dim3A_108 = vector.broadcast %jit3A_106 : f32 to vector<10x1024xf32>
    %select_n3A_109 = arith.select %eq3A_34, %broadcast_in_dim3A_107, %broadcast_in_dim3A_108 : vector<10x1024xi1>, vector<10x1024xf32>
    %add3A_110 = arith.addf %add3A_97, %select_n3A_109 : vector<10x1024xf32>
    %jit3A_111 = arith.constant 0xFF800000 : f32
    %broadcast_in_dim3A_112 = vector.broadcast %jit3A_111 : f32 to vector<10x1024xf32>
    %select_n3A_113 = arith.select %eq3A_37, %add3A_26, %broadcast_in_dim3A_112 : vector<10x1024xi1>, vector<10x1024xf32>
    %reduce_max3A_114 = vector.shape_cast %select_n3A_113 : vector<10x1024xf32> to vector<1x10x1024xf32>
    %reduce_max3A_115 = arith.constant dense<0xFF800000> : vector<1xf32>
    %reduce_max3A_116 = vector.multi_reduction <maximumf>, %reduce_max3A_114, %reduce_max3A_115 [1, 2] : vector<1x10x1024xf32> to vector<1xf32>
    %reduce_max3A_117 = vector.shape_cast %reduce_max3A_116 : vector<1xf32> to vector<1x1x1xf32>
    %reduce_max3A_118 = vector.extract %reduce_max3A_117[0, 0, 0] : f32 from vector<1x1x1xf32>
    %jit3A_119 = arith.constant 0.000000e+00 : f32
    %broadcast_in_dim3A_120 = vector.broadcast %reduce_max3A_118 : f32 to vector<10x1024xf32>
    %broadcast_in_dim3A_121 = vector.broadcast %jit3A_119 : f32 to vector<10x1024xf32>
    %select_n3A_122 = arith.select %eq3A_37, %broadcast_in_dim3A_120, %broadcast_in_dim3A_121 : vector<10x1024xi1>, vector<10x1024xf32>
    %add3A_123 = arith.addf %add3A_110, %select_n3A_122 : vector<10x1024xf32>
    %jit3A_124 = arith.constant 0xFF800000 : f32
    %broadcast_in_dim3A_125 = vector.broadcast %jit3A_124 : f32 to vector<10x1024xf32>
    %select_n3A_126 = arith.select %eq3A_40, %add3A_26, %broadcast_in_dim3A_125 : vector<10x1024xi1>, vector<10x1024xf32>
    %reduce_max3A_127 = vector.shape_cast %select_n3A_126 : vector<10x1024xf32> to vector<1x10x1024xf32>
    %reduce_max3A_128 = arith.constant dense<0xFF800000> : vector<1xf32>
    %reduce_max3A_129 = vector.multi_reduction <maximumf>, %reduce_max3A_127, %reduce_max3A_128 [1, 2] : vector<1x10x1024xf32> to vector<1xf32>
    %reduce_max3A_130 = vector.shape_cast %reduce_max3A_129 : vector<1xf32> to vector<1x1x1xf32>
    %reduce_max3A_131 = vector.extract %reduce_max3A_130[0, 0, 0] : f32 from vector<1x1x1xf32>
    %jit3A_132 = arith.constant 0.000000e+00 : f32
    %broadcast_in_dim3A_133 = vector.broadcast %reduce_max3A_131 : f32 to vector<10x1024xf32>
    %broadcast_in_dim3A_134 = vector.broadcast %jit3A_132 : f32 to vector<10x1024xf32>
    %select_n3A_135 = arith.select %eq3A_40, %broadcast_in_dim3A_133, %broadcast_in_dim3A_134 : vector<10x1024xi1>, vector<10x1024xf32>
    %add3A_136 = arith.addf %add3A_123, %select_n3A_135 : vector<10x1024xf32>
    %jit3A_137 = arith.constant 0xFF800000 : f32
    %broadcast_in_dim3A_138 = vector.broadcast %jit3A_137 : f32 to vector<10x1024xf32>
    %select_n3A_139 = arith.select %eq3A_43, %add3A_26, %broadcast_in_dim3A_138 : vector<10x1024xi1>, vector<10x1024xf32>
    %reduce_max3A_140 = vector.shape_cast %select_n3A_139 : vector<10x1024xf32> to vector<1x10x1024xf32>
    %reduce_max3A_141 = arith.constant dense<0xFF800000> : vector<1xf32>
    %reduce_max3A_142 = vector.multi_reduction <maximumf>, %reduce_max3A_140, %reduce_max3A_141 [1, 2] : vector<1x10x1024xf32> to vector<1xf32>
    %reduce_max3A_143 = vector.shape_cast %reduce_max3A_142 : vector<1xf32> to vector<1x1x1xf32>
    %reduce_max3A_144 = vector.extract %reduce_max3A_143[0, 0, 0] : f32 from vector<1x1x1xf32>
    %jit3A_145 = arith.constant 0.000000e+00 : f32
    %broadcast_in_dim3A_146 = vector.broadcast %reduce_max3A_144 : f32 to vector<10x1024xf32>
    %broadcast_in_dim3A_147 = vector.broadcast %jit3A_145 : f32 to vector<10x1024xf32>
    %select_n3A_148 = arith.select %eq3A_43, %broadcast_in_dim3A_146, %broadcast_in_dim3A_147 : vector<10x1024xi1>, vector<10x1024xf32>
    %add3A_149 = arith.addf %add3A_136, %select_n3A_148 : vector<10x1024xf32>
    %jit3A_150 = arith.constant 0xFF800000 : f32
    %broadcast_in_dim3A_151 = vector.broadcast %jit3A_150 : f32 to vector<10x1024xf32>
    %select_n3A_152 = arith.select %eq3A_46, %add3A_26, %broadcast_in_dim3A_151 : vector<10x1024xi1>, vector<10x1024xf32>
    %reduce_max3A_153 = vector.shape_cast %select_n3A_152 : vector<10x1024xf32> to vector<1x10x1024xf32>
    %reduce_max3A_154 = arith.constant dense<0xFF800000> : vector<1xf32>
    %reduce_max3A_155 = vector.multi_reduction <maximumf>, %reduce_max3A_153, %reduce_max3A_154 [1, 2] : vector<1x10x1024xf32> to vector<1xf32>
    %reduce_max3A_156 = vector.shape_cast %reduce_max3A_155 : vector<1xf32> to vector<1x1x1xf32>
    %reduce_max3A_157 = vector.extract %reduce_max3A_156[0, 0, 0] : f32 from vector<1x1x1xf32>
    %jit3A_158 = arith.constant 0.000000e+00 : f32
    %broadcast_in_dim3A_159 = vector.broadcast %reduce_max3A_157 : f32 to vector<10x1024xf32>
    %broadcast_in_dim3A_160 = vector.broadcast %jit3A_158 : f32 to vector<10x1024xf32>
    %select_n3A_161 = arith.select %eq3A_46, %broadcast_in_dim3A_159, %broadcast_in_dim3A_160 : vector<10x1024xi1>, vector<10x1024xf32>
    %add3A_162 = arith.addf %add3A_149, %select_n3A_161 : vector<10x1024xf32>
    %jit3A_163 = arith.constant 0xFF800000 : f32
    %broadcast_in_dim3A_164 = vector.broadcast %jit3A_163 : f32 to vector<10x1024xf32>
    %select_n3A_165 = arith.select %eq3A_49, %add3A_26, %broadcast_in_dim3A_164 : vector<10x1024xi1>, vector<10x1024xf32>
    %reduce_max3A_166 = vector.shape_cast %select_n3A_165 : vector<10x1024xf32> to vector<1x10x1024xf32>
    %reduce_max3A_167 = arith.constant dense<0xFF800000> : vector<1xf32>
    %reduce_max3A_168 = vector.multi_reduction <maximumf>, %reduce_max3A_166, %reduce_max3A_167 [1, 2] : vector<1x10x1024xf32> to vector<1xf32>
    %reduce_max3A_169 = vector.shape_cast %reduce_max3A_168 : vector<1xf32> to vector<1x1x1xf32>
    %reduce_max3A_170 = vector.extract %reduce_max3A_169[0, 0, 0] : f32 from vector<1x1x1xf32>
    %jit3A_171 = arith.constant 0.000000e+00 : f32
    %broadcast_in_dim3A_172 = vector.broadcast %reduce_max3A_170 : f32 to vector<10x1024xf32>
    %broadcast_in_dim3A_173 = vector.broadcast %jit3A_171 : f32 to vector<10x1024xf32>
    %select_n3A_174 = arith.select %eq3A_49, %broadcast_in_dim3A_172, %broadcast_in_dim3A_173 : vector<10x1024xi1>, vector<10x1024xf32>
    %add3A_175 = arith.addf %add3A_162, %select_n3A_174 : vector<10x1024xf32>
    %jit3A_176 = arith.constant 0xFF800000 : f32
    %broadcast_in_dim3A_177 = vector.broadcast %jit3A_176 : f32 to vector<10x1024xf32>
    %select_n3A_178 = arith.select %eq3A_52, %add3A_26, %broadcast_in_dim3A_177 : vector<10x1024xi1>, vector<10x1024xf32>
    %reduce_max3A_179 = vector.shape_cast %select_n3A_178 : vector<10x1024xf32> to vector<1x10x1024xf32>
    %reduce_max3A_180 = arith.constant dense<0xFF800000> : vector<1xf32>
    %reduce_max3A_181 = vector.multi_reduction <maximumf>, %reduce_max3A_179, %reduce_max3A_180 [1, 2] : vector<1x10x1024xf32> to vector<1xf32>
    %reduce_max3A_182 = vector.shape_cast %reduce_max3A_181 : vector<1xf32> to vector<1x1x1xf32>
    %reduce_max3A_183 = vector.extract %reduce_max3A_182[0, 0, 0] : f32 from vector<1x1x1xf32>
    %jit3A_184 = arith.constant 0.000000e+00 : f32
    %broadcast_in_dim3A_185 = vector.broadcast %reduce_max3A_183 : f32 to vector<10x1024xf32>
    %broadcast_in_dim3A_186 = vector.broadcast %jit3A_184 : f32 to vector<10x1024xf32>
    %select_n3A_187 = arith.select %eq3A_52, %broadcast_in_dim3A_185, %broadcast_in_dim3A_186 : vector<10x1024xi1>, vector<10x1024xf32>
    %add3A_188 = arith.addf %add3A_175, %select_n3A_187 : vector<10x1024xf32>
    %jit3A_189 = arith.constant 0xFF800000 : f32
    %broadcast_in_dim3A_190 = vector.broadcast %jit3A_189 : f32 to vector<10x1024xf32>
    %select_n3A_191 = arith.select %eq3A_55, %add3A_26, %broadcast_in_dim3A_190 : vector<10x1024xi1>, vector<10x1024xf32>
    %reduce_max3A_192 = vector.shape_cast %select_n3A_191 : vector<10x1024xf32> to vector<1x10x1024xf32>
    %reduce_max3A_193 = arith.constant dense<0xFF800000> : vector<1xf32>
    %reduce_max3A_194 = vector.multi_reduction <maximumf>, %reduce_max3A_192, %reduce_max3A_193 [1, 2] : vector<1x10x1024xf32> to vector<1xf32>
    %reduce_max3A_195 = vector.shape_cast %reduce_max3A_194 : vector<1xf32> to vector<1x1x1xf32>
    %reduce_max3A_196 = vector.extract %reduce_max3A_195[0, 0, 0] : f32 from vector<1x1x1xf32>
    %jit3A_197 = arith.constant 0.000000e+00 : f32
    %broadcast_in_dim3A_198 = vector.broadcast %reduce_max3A_196 : f32 to vector<10x1024xf32>
    %broadcast_in_dim3A_199 = vector.broadcast %jit3A_197 : f32 to vector<10x1024xf32>
    %select_n3A_200 = arith.select %eq3A_55, %broadcast_in_dim3A_198, %broadcast_in_dim3A_199 : vector<10x1024xi1>, vector<10x1024xf32>
    %add3A_201 = arith.addf %add3A_188, %select_n3A_200 : vector<10x1024xf32>
    %jit3A_202 = arith.constant 0xFF800000 : f32
    %broadcast_in_dim3A_203 = vector.broadcast %jit3A_202 : f32 to vector<10x1024xf32>
    %select_n3A_204 = arith.select %eq3A_58, %add3A_26, %broadcast_in_dim3A_203 : vector<10x1024xi1>, vector<10x1024xf32>
    %reduce_max3A_205 = vector.shape_cast %select_n3A_204 : vector<10x1024xf32> to vector<1x10x1024xf32>
    %reduce_max3A_206 = arith.constant dense<0xFF800000> : vector<1xf32>
    %reduce_max3A_207 = vector.multi_reduction <maximumf>, %reduce_max3A_205, %reduce_max3A_206 [1, 2] : vector<1x10x1024xf32> to vector<1xf32>
    %reduce_max3A_208 = vector.shape_cast %reduce_max3A_207 : vector<1xf32> to vector<1x1x1xf32>
    %reduce_max3A_209 = vector.extract %reduce_max3A_208[0, 0, 0] : f32 from vector<1x1x1xf32>
    %jit3A_210 = arith.constant 0.000000e+00 : f32
    %broadcast_in_dim3A_211 = vector.broadcast %reduce_max3A_209 : f32 to vector<10x1024xf32>
    %broadcast_in_dim3A_212 = vector.broadcast %jit3A_210 : f32 to vector<10x1024xf32>
    %select_n3A_213 = arith.select %eq3A_58, %broadcast_in_dim3A_211, %broadcast_in_dim3A_212 : vector<10x1024xi1>, vector<10x1024xf32>
    %add3A_214 = arith.addf %add3A_201, %select_n3A_213 : vector<10x1024xf32>
    %jit3A_215 = arith.constant 0xFF800000 : f32
    %broadcast_in_dim3A_216 = vector.broadcast %jit3A_215 : f32 to vector<10x1024xf32>
    %select_n3A_217 = arith.select %eq3A_61, %add3A_26, %broadcast_in_dim3A_216 : vector<10x1024xi1>, vector<10x1024xf32>
    %reduce_max3A_218 = vector.shape_cast %select_n3A_217 : vector<10x1024xf32> to vector<1x10x1024xf32>
    %reduce_max3A_219 = arith.constant dense<0xFF800000> : vector<1xf32>
    %reduce_max3A_220 = vector.multi_reduction <maximumf>, %reduce_max3A_218, %reduce_max3A_219 [1, 2] : vector<1x10x1024xf32> to vector<1xf32>
    %reduce_max3A_221 = vector.shape_cast %reduce_max3A_220 : vector<1xf32> to vector<1x1x1xf32>
    %reduce_max3A_222 = vector.extract %reduce_max3A_221[0, 0, 0] : f32 from vector<1x1x1xf32>
    %jit3A_223 = arith.constant 0.000000e+00 : f32
    %broadcast_in_dim3A_224 = vector.broadcast %reduce_max3A_222 : f32 to vector<10x1024xf32>
    %broadcast_in_dim3A_225 = vector.broadcast %jit3A_223 : f32 to vector<10x1024xf32>
    %select_n3A_226 = arith.select %eq3A_61, %broadcast_in_dim3A_224, %broadcast_in_dim3A_225 : vector<10x1024xi1>, vector<10x1024xf32>
    %add3A_227 = arith.addf %add3A_214, %select_n3A_226 : vector<10x1024xf32>
    %jit3A_228 = arith.constant 0xFF800000 : f32
    %broadcast_in_dim3A_229 = vector.broadcast %jit3A_228 : f32 to vector<10x1024xf32>
    %select_n3A_230 = arith.select %eq3A_64, %add3A_26, %broadcast_in_dim3A_229 : vector<10x1024xi1>, vector<10x1024xf32>
    %reduce_max3A_231 = vector.shape_cast %select_n3A_230 : vector<10x1024xf32> to vector<1x10x1024xf32>
    %reduce_max3A_232 = arith.constant dense<0xFF800000> : vector<1xf32>
    %reduce_max3A_233 = vector.multi_reduction <maximumf>, %reduce_max3A_231, %reduce_max3A_232 [1, 2] : vector<1x10x1024xf32> to vector<1xf32>
    %reduce_max3A_234 = vector.shape_cast %reduce_max3A_233 : vector<1xf32> to vector<1x1x1xf32>
    %reduce_max3A_235 = vector.extract %reduce_max3A_234[0, 0, 0] : f32 from vector<1x1x1xf32>
    %jit3A_236 = arith.constant 0.000000e+00 : f32
    %broadcast_in_dim3A_237 = vector.broadcast %reduce_max3A_235 : f32 to vector<10x1024xf32>
    %broadcast_in_dim3A_238 = vector.broadcast %jit3A_236 : f32 to vector<10x1024xf32>
    %select_n3A_239 = arith.select %eq3A_64, %broadcast_in_dim3A_237, %broadcast_in_dim3A_238 : vector<10x1024xi1>, vector<10x1024xf32>
    %add3A_240 = arith.addf %add3A_227, %select_n3A_239 : vector<10x1024xf32>
    %jit3A_241 = arith.constant 0xFF800000 : f32
    %broadcast_in_dim3A_242 = vector.broadcast %jit3A_241 : f32 to vector<10x1024xf32>
    %select_n3A_243 = arith.select %eq3A_67, %add3A_26, %broadcast_in_dim3A_242 : vector<10x1024xi1>, vector<10x1024xf32>
    %reduce_max3A_244 = vector.shape_cast %select_n3A_243 : vector<10x1024xf32> to vector<1x10x1024xf32>
    %reduce_max3A_245 = arith.constant dense<0xFF800000> : vector<1xf32>
    %reduce_max3A_246 = vector.multi_reduction <maximumf>, %reduce_max3A_244, %reduce_max3A_245 [1, 2] : vector<1x10x1024xf32> to vector<1xf32>
    %reduce_max3A_247 = vector.shape_cast %reduce_max3A_246 : vector<1xf32> to vector<1x1x1xf32>
    %reduce_max3A_248 = vector.extract %reduce_max3A_247[0, 0, 0] : f32 from vector<1x1x1xf32>
    %jit3A_249 = arith.constant 0.000000e+00 : f32
    %broadcast_in_dim3A_250 = vector.broadcast %reduce_max3A_248 : f32 to vector<10x1024xf32>
    %broadcast_in_dim3A_251 = vector.broadcast %jit3A_249 : f32 to vector<10x1024xf32>
    %select_n3A_252 = arith.select %eq3A_67, %broadcast_in_dim3A_250, %broadcast_in_dim3A_251 : vector<10x1024xi1>, vector<10x1024xf32>
    %add3A_253 = arith.addf %add3A_240, %select_n3A_252 : vector<10x1024xf32>
    %jit3A_254 = arith.constant 0xFF800000 : f32
    %broadcast_in_dim3A_255 = vector.broadcast %jit3A_254 : f32 to vector<10x1024xf32>
    %select_n3A_256 = arith.select %eq3A_70, %add3A_26, %broadcast_in_dim3A_255 : vector<10x1024xi1>, vector<10x1024xf32>
    %reduce_max3A_257 = vector.shape_cast %select_n3A_256 : vector<10x1024xf32> to vector<1x10x1024xf32>
    %reduce_max3A_258 = arith.constant dense<0xFF800000> : vector<1xf32>
    %reduce_max3A_259 = vector.multi_reduction <maximumf>, %reduce_max3A_257, %reduce_max3A_258 [1, 2] : vector<1x10x1024xf32> to vector<1xf32>
    %reduce_max3A_260 = vector.shape_cast %reduce_max3A_259 : vector<1xf32> to vector<1x1x1xf32>
    %reduce_max3A_261 = vector.extract %reduce_max3A_260[0, 0, 0] : f32 from vector<1x1x1xf32>
    %jit3A_262 = arith.constant 0.000000e+00 : f32
    %broadcast_in_dim3A_263 = vector.broadcast %reduce_max3A_261 : f32 to vector<10x1024xf32>
    %broadcast_in_dim3A_264 = vector.broadcast %jit3A_262 : f32 to vector<10x1024xf32>
    %select_n3A_265 = arith.select %eq3A_70, %broadcast_in_dim3A_263, %broadcast_in_dim3A_264 : vector<10x1024xi1>, vector<10x1024xf32>
    %add3A_266 = arith.addf %add3A_253, %select_n3A_265 : vector<10x1024xf32>
    %jit3A_267 = arith.constant 0xFF800000 : f32
    %broadcast_in_dim3A_268 = vector.broadcast %jit3A_267 : f32 to vector<10x1024xf32>
    %select_n3A_269 = arith.select %eq3A_73, %add3A_26, %broadcast_in_dim3A_268 : vector<10x1024xi1>, vector<10x1024xf32>
    %reduce_max3A_270 = vector.shape_cast %select_n3A_269 : vector<10x1024xf32> to vector<1x10x1024xf32>
    %reduce_max3A_271 = arith.constant dense<0xFF800000> : vector<1xf32>
    %reduce_max3A_272 = vector.multi_reduction <maximumf>, %reduce_max3A_270, %reduce_max3A_271 [1, 2] : vector<1x10x1024xf32> to vector<1xf32>
    %reduce_max3A_273 = vector.shape_cast %reduce_max3A_272 : vector<1xf32> to vector<1x1x1xf32>
    %reduce_max3A_274 = vector.extract %reduce_max3A_273[0, 0, 0] : f32 from vector<1x1x1xf32>
    %jit3A_275 = arith.constant 0.000000e+00 : f32
    %broadcast_in_dim3A_276 = vector.broadcast %reduce_max3A_274 : f32 to vector<10x1024xf32>
    %broadcast_in_dim3A_277 = vector.broadcast %jit3A_275 : f32 to vector<10x1024xf32>
    %select_n3A_278 = arith.select %eq3A_73, %broadcast_in_dim3A_276, %broadcast_in_dim3A_277 : vector<10x1024xi1>, vector<10x1024xf32>
    %add3A_279 = arith.addf %add3A_266, %select_n3A_278 : vector<10x1024xf32>
    %sub3A = arith.subf %add3A_26, %add3A_279 : vector<10x1024xf32>
    %exp3A = math.exp %sub3A : vector<10x1024xf32>
    %broadcast_in_dim3A_280 = arith.constant 0.000000e+00 : f32
    %broadcast_in_dim3A_281 = vector.broadcast %broadcast_in_dim3A_280 : f32 to vector<10x1024xf32>
    %jit3A_282 = arith.constant 0.000000e+00 : f32
    %broadcast_in_dim3A_283 = vector.broadcast %jit3A_282 : f32 to vector<10x1024xf32>
    %select_n3A_284 = arith.select %eq3A_28, %exp3A, %broadcast_in_dim3A_283 : vector<10x1024xi1>, vector<10x1024xf32>
    %reduce_sum3A_285 = vector.shape_cast %select_n3A_284 : vector<10x1024xf32> to vector<1x10x1024xf32>
    %reduce_sum3A_286 = arith.constant dense<0.000000e+00> : vector<1xf32>
    %reduce_sum3A_287 = vector.multi_reduction <add>, %reduce_sum3A_285, %reduce_sum3A_286 [1, 2] : vector<1x10x1024xf32> to vector<1xf32>
    %reduce_sum3A_288 = vector.shape_cast %reduce_sum3A_287 : vector<1xf32> to vector<1x1x1xf32>
    %reduce_sum3A_289 = vector.extract %reduce_sum3A_288[0, 0, 0] : f32 from vector<1x1x1xf32>
    %jit3A_290 = arith.constant 0.000000e+00 : f32
    %broadcast_in_dim3A_291 = vector.broadcast %reduce_sum3A_289 : f32 to vector<10x1024xf32>
    %broadcast_in_dim3A_292 = vector.broadcast %jit3A_290 : f32 to vector<10x1024xf32>
    %select_n3A_293 = arith.select %eq3A_28, %broadcast_in_dim3A_291, %broadcast_in_dim3A_292 : vector<10x1024xi1>, vector<10x1024xf32>
    %add3A_294 = arith.addf %broadcast_in_dim3A_281, %select_n3A_293 : vector<10x1024xf32>
    %jit3A_295 = arith.constant 0.000000e+00 : f32
    %broadcast_in_dim3A_296 = vector.broadcast %jit3A_295 : f32 to vector<10x1024xf32>
    %select_n3A_297 = arith.select %eq3A_31, %exp3A, %broadcast_in_dim3A_296 : vector<10x1024xi1>, vector<10x1024xf32>
    %reduce_sum3A_298 = vector.shape_cast %select_n3A_297 : vector<10x1024xf32> to vector<1x10x1024xf32>
    %reduce_sum3A_299 = arith.constant dense<0.000000e+00> : vector<1xf32>
    %reduce_sum3A_300 = vector.multi_reduction <add>, %reduce_sum3A_298, %reduce_sum3A_299 [1, 2] : vector<1x10x1024xf32> to vector<1xf32>
    %reduce_sum3A_301 = vector.shape_cast %reduce_sum3A_300 : vector<1xf32> to vector<1x1x1xf32>
    %reduce_sum3A_302 = vector.extract %reduce_sum3A_301[0, 0, 0] : f32 from vector<1x1x1xf32>
    %jit3A_303 = arith.constant 0.000000e+00 : f32
    %broadcast_in_dim3A_304 = vector.broadcast %reduce_sum3A_302 : f32 to vector<10x1024xf32>
    %broadcast_in_dim3A_305 = vector.broadcast %jit3A_303 : f32 to vector<10x1024xf32>
    %select_n3A_306 = arith.select %eq3A_31, %broadcast_in_dim3A_304, %broadcast_in_dim3A_305 : vector<10x1024xi1>, vector<10x1024xf32>
    %add3A_307 = arith.addf %add3A_294, %select_n3A_306 : vector<10x1024xf32>
    %jit3A_308 = arith.constant 0.000000e+00 : f32
    %broadcast_in_dim3A_309 = vector.broadcast %jit3A_308 : f32 to vector<10x1024xf32>
    %select_n3A_310 = arith.select %eq3A_34, %exp3A, %broadcast_in_dim3A_309 : vector<10x1024xi1>, vector<10x1024xf32>
    %reduce_sum3A_311 = vector.shape_cast %select_n3A_310 : vector<10x1024xf32> to vector<1x10x1024xf32>
    %reduce_sum3A_312 = arith.constant dense<0.000000e+00> : vector<1xf32>
    %reduce_sum3A_313 = vector.multi_reduction <add>, %reduce_sum3A_311, %reduce_sum3A_312 [1, 2] : vector<1x10x1024xf32> to vector<1xf32>
    %reduce_sum3A_314 = vector.shape_cast %reduce_sum3A_313 : vector<1xf32> to vector<1x1x1xf32>
    %reduce_sum3A_315 = vector.extract %reduce_sum3A_314[0, 0, 0] : f32 from vector<1x1x1xf32>
    %jit3A_316 = arith.constant 0.000000e+00 : f32
    %broadcast_in_dim3A_317 = vector.broadcast %reduce_sum3A_315 : f32 to vector<10x1024xf32>
    %broadcast_in_dim3A_318 = vector.broadcast %jit3A_316 : f32 to vector<10x1024xf32>
    %select_n3A_319 = arith.select %eq3A_34, %broadcast_in_dim3A_317, %broadcast_in_dim3A_318 : vector<10x1024xi1>, vector<10x1024xf32>
    %add3A_320 = arith.addf %add3A_307, %select_n3A_319 : vector<10x1024xf32>
    %jit3A_321 = arith.constant 0.000000e+00 : f32
    %broadcast_in_dim3A_322 = vector.broadcast %jit3A_321 : f32 to vector<10x1024xf32>
    %select_n3A_323 = arith.select %eq3A_37, %exp3A, %broadcast_in_dim3A_322 : vector<10x1024xi1>, vector<10x1024xf32>
    %reduce_sum3A_324 = vector.shape_cast %select_n3A_323 : vector<10x1024xf32> to vector<1x10x1024xf32>
    %reduce_sum3A_325 = arith.constant dense<0.000000e+00> : vector<1xf32>
    %reduce_sum3A_326 = vector.multi_reduction <add>, %reduce_sum3A_324, %reduce_sum3A_325 [1, 2] : vector<1x10x1024xf32> to vector<1xf32>
    %reduce_sum3A_327 = vector.shape_cast %reduce_sum3A_326 : vector<1xf32> to vector<1x1x1xf32>
    %reduce_sum3A_328 = vector.extract %reduce_sum3A_327[0, 0, 0] : f32 from vector<1x1x1xf32>
    %jit3A_329 = arith.constant 0.000000e+00 : f32
    %broadcast_in_dim3A_330 = vector.broadcast %reduce_sum3A_328 : f32 to vector<10x1024xf32>
    %broadcast_in_dim3A_331 = vector.broadcast %jit3A_329 : f32 to vector<10x1024xf32>
    %select_n3A_332 = arith.select %eq3A_37, %broadcast_in_dim3A_330, %broadcast_in_dim3A_331 : vector<10x1024xi1>, vector<10x1024xf32>
    %add3A_333 = arith.addf %add3A_320, %select_n3A_332 : vector<10x1024xf32>
    %jit3A_334 = arith.constant 0.000000e+00 : f32
    %broadcast_in_dim3A_335 = vector.broadcast %jit3A_334 : f32 to vector<10x1024xf32>
    %select_n3A_336 = arith.select %eq3A_40, %exp3A, %broadcast_in_dim3A_335 : vector<10x1024xi1>, vector<10x1024xf32>
    %reduce_sum3A_337 = vector.shape_cast %select_n3A_336 : vector<10x1024xf32> to vector<1x10x1024xf32>
    %reduce_sum3A_338 = arith.constant dense<0.000000e+00> : vector<1xf32>
    %reduce_sum3A_339 = vector.multi_reduction <add>, %reduce_sum3A_337, %reduce_sum3A_338 [1, 2] : vector<1x10x1024xf32> to vector<1xf32>
    %reduce_sum3A_340 = vector.shape_cast %reduce_sum3A_339 : vector<1xf32> to vector<1x1x1xf32>
    %reduce_sum3A_341 = vector.extract %reduce_sum3A_340[0, 0, 0] : f32 from vector<1x1x1xf32>
    %jit3A_342 = arith.constant 0.000000e+00 : f32
    %broadcast_in_dim3A_343 = vector.broadcast %reduce_sum3A_341 : f32 to vector<10x1024xf32>
    %broadcast_in_dim3A_344 = vector.broadcast %jit3A_342 : f32 to vector<10x1024xf32>
    %select_n3A_345 = arith.select %eq3A_40, %broadcast_in_dim3A_343, %broadcast_in_dim3A_344 : vector<10x1024xi1>, vector<10x1024xf32>
    %add3A_346 = arith.addf %add3A_333, %select_n3A_345 : vector<10x1024xf32>
    %jit3A_347 = arith.constant 0.000000e+00 : f32
    %broadcast_in_dim3A_348 = vector.broadcast %jit3A_347 : f32 to vector<10x1024xf32>
    %select_n3A_349 = arith.select %eq3A_43, %exp3A, %broadcast_in_dim3A_348 : vector<10x1024xi1>, vector<10x1024xf32>
    %reduce_sum3A_350 = vector.shape_cast %select_n3A_349 : vector<10x1024xf32> to vector<1x10x1024xf32>
    %reduce_sum3A_351 = arith.constant dense<0.000000e+00> : vector<1xf32>
    %reduce_sum3A_352 = vector.multi_reduction <add>, %reduce_sum3A_350, %reduce_sum3A_351 [1, 2] : vector<1x10x1024xf32> to vector<1xf32>
    %reduce_sum3A_353 = vector.shape_cast %reduce_sum3A_352 : vector<1xf32> to vector<1x1x1xf32>
    %reduce_sum3A_354 = vector.extract %reduce_sum3A_353[0, 0, 0] : f32 from vector<1x1x1xf32>
    %jit3A_355 = arith.constant 0.000000e+00 : f32
    %broadcast_in_dim3A_356 = vector.broadcast %reduce_sum3A_354 : f32 to vector<10x1024xf32>
    %broadcast_in_dim3A_357 = vector.broadcast %jit3A_355 : f32 to vector<10x1024xf32>
    %select_n3A_358 = arith.select %eq3A_43, %broadcast_in_dim3A_356, %broadcast_in_dim3A_357 : vector<10x1024xi1>, vector<10x1024xf32>
    %add3A_359 = arith.addf %add3A_346, %select_n3A_358 : vector<10x1024xf32>
    %jit3A_360 = arith.constant 0.000000e+00 : f32
    %broadcast_in_dim3A_361 = vector.broadcast %jit3A_360 : f32 to vector<10x1024xf32>
    %select_n3A_362 = arith.select %eq3A_46, %exp3A, %broadcast_in_dim3A_361 : vector<10x1024xi1>, vector<10x1024xf32>
    %reduce_sum3A_363 = vector.shape_cast %select_n3A_362 : vector<10x1024xf32> to vector<1x10x1024xf32>
    %reduce_sum3A_364 = arith.constant dense<0.000000e+00> : vector<1xf32>
    %reduce_sum3A_365 = vector.multi_reduction <add>, %reduce_sum3A_363, %reduce_sum3A_364 [1, 2] : vector<1x10x1024xf32> to vector<1xf32>
    %reduce_sum3A_366 = vector.shape_cast %reduce_sum3A_365 : vector<1xf32> to vector<1x1x1xf32>
    %reduce_sum3A_367 = vector.extract %reduce_sum3A_366[0, 0, 0] : f32 from vector<1x1x1xf32>
    %jit3A_368 = arith.constant 0.000000e+00 : f32
    %broadcast_in_dim3A_369 = vector.broadcast %reduce_sum3A_367 : f32 to vector<10x1024xf32>
    %broadcast_in_dim3A_370 = vector.broadcast %jit3A_368 : f32 to vector<10x1024xf32>
    %select_n3A_371 = arith.select %eq3A_46, %broadcast_in_dim3A_369, %broadcast_in_dim3A_370 : vector<10x1024xi1>, vector<10x1024xf32>
    %add3A_372 = arith.addf %add3A_359, %select_n3A_371 : vector<10x1024xf32>
    %jit3A_373 = arith.constant 0.000000e+00 : f32
    %broadcast_in_dim3A_374 = vector.broadcast %jit3A_373 : f32 to vector<10x1024xf32>
    %select_n3A_375 = arith.select %eq3A_49, %exp3A, %broadcast_in_dim3A_374 : vector<10x1024xi1>, vector<10x1024xf32>
    %reduce_sum3A_376 = vector.shape_cast %select_n3A_375 : vector<10x1024xf32> to vector<1x10x1024xf32>
    %reduce_sum3A_377 = arith.constant dense<0.000000e+00> : vector<1xf32>
    %reduce_sum3A_378 = vector.multi_reduction <add>, %reduce_sum3A_376, %reduce_sum3A_377 [1, 2] : vector<1x10x1024xf32> to vector<1xf32>
    %reduce_sum3A_379 = vector.shape_cast %reduce_sum3A_378 : vector<1xf32> to vector<1x1x1xf32>
    %reduce_sum3A_380 = vector.extract %reduce_sum3A_379[0, 0, 0] : f32 from vector<1x1x1xf32>
    %jit3A_381 = arith.constant 0.000000e+00 : f32
    %broadcast_in_dim3A_382 = vector.broadcast %reduce_sum3A_380 : f32 to vector<10x1024xf32>
    %broadcast_in_dim3A_383 = vector.broadcast %jit3A_381 : f32 to vector<10x1024xf32>
    %select_n3A_384 = arith.select %eq3A_49, %broadcast_in_dim3A_382, %broadcast_in_dim3A_383 : vector<10x1024xi1>, vector<10x1024xf32>
    %add3A_385 = arith.addf %add3A_372, %select_n3A_384 : vector<10x1024xf32>
    %jit3A_386 = arith.constant 0.000000e+00 : f32
    %broadcast_in_dim3A_387 = vector.broadcast %jit3A_386 : f32 to vector<10x1024xf32>
    %select_n3A_388 = arith.select %eq3A_52, %exp3A, %broadcast_in_dim3A_387 : vector<10x1024xi1>, vector<10x1024xf32>
    %reduce_sum3A_389 = vector.shape_cast %select_n3A_388 : vector<10x1024xf32> to vector<1x10x1024xf32>
    %reduce_sum3A_390 = arith.constant dense<0.000000e+00> : vector<1xf32>
    %reduce_sum3A_391 = vector.multi_reduction <add>, %reduce_sum3A_389, %reduce_sum3A_390 [1, 2] : vector<1x10x1024xf32> to vector<1xf32>
    %reduce_sum3A_392 = vector.shape_cast %reduce_sum3A_391 : vector<1xf32> to vector<1x1x1xf32>
    %reduce_sum3A_393 = vector.extract %reduce_sum3A_392[0, 0, 0] : f32 from vector<1x1x1xf32>
    %jit3A_394 = arith.constant 0.000000e+00 : f32
    %broadcast_in_dim3A_395 = vector.broadcast %reduce_sum3A_393 : f32 to vector<10x1024xf32>
    %broadcast_in_dim3A_396 = vector.broadcast %jit3A_394 : f32 to vector<10x1024xf32>
    %select_n3A_397 = arith.select %eq3A_52, %broadcast_in_dim3A_395, %broadcast_in_dim3A_396 : vector<10x1024xi1>, vector<10x1024xf32>
    %add3A_398 = arith.addf %add3A_385, %select_n3A_397 : vector<10x1024xf32>
    %jit3A_399 = arith.constant 0.000000e+00 : f32
    %broadcast_in_dim3A_400 = vector.broadcast %jit3A_399 : f32 to vector<10x1024xf32>
    %select_n3A_401 = arith.select %eq3A_55, %exp3A, %broadcast_in_dim3A_400 : vector<10x1024xi1>, vector<10x1024xf32>
    %reduce_sum3A_402 = vector.shape_cast %select_n3A_401 : vector<10x1024xf32> to vector<1x10x1024xf32>
    %reduce_sum3A_403 = arith.constant dense<0.000000e+00> : vector<1xf32>
    %reduce_sum3A_404 = vector.multi_reduction <add>, %reduce_sum3A_402, %reduce_sum3A_403 [1, 2] : vector<1x10x1024xf32> to vector<1xf32>
    %reduce_sum3A_405 = vector.shape_cast %reduce_sum3A_404 : vector<1xf32> to vector<1x1x1xf32>
    %reduce_sum3A_406 = vector.extract %reduce_sum3A_405[0, 0, 0] : f32 from vector<1x1x1xf32>
    %jit3A_407 = arith.constant 0.000000e+00 : f32
    %broadcast_in_dim3A_408 = vector.broadcast %reduce_sum3A_406 : f32 to vector<10x1024xf32>
    %broadcast_in_dim3A_409 = vector.broadcast %jit3A_407 : f32 to vector<10x1024xf32>
    %select_n3A_410 = arith.select %eq3A_55, %broadcast_in_dim3A_408, %broadcast_in_dim3A_409 : vector<10x1024xi1>, vector<10x1024xf32>
    %add3A_411 = arith.addf %add3A_398, %select_n3A_410 : vector<10x1024xf32>
    %jit3A_412 = arith.constant 0.000000e+00 : f32
    %broadcast_in_dim3A_413 = vector.broadcast %jit3A_412 : f32 to vector<10x1024xf32>
    %select_n3A_414 = arith.select %eq3A_58, %exp3A, %broadcast_in_dim3A_413 : vector<10x1024xi1>, vector<10x1024xf32>
    %reduce_sum3A_415 = vector.shape_cast %select_n3A_414 : vector<10x1024xf32> to vector<1x10x1024xf32>
    %reduce_sum3A_416 = arith.constant dense<0.000000e+00> : vector<1xf32>
    %reduce_sum3A_417 = vector.multi_reduction <add>, %reduce_sum3A_415, %reduce_sum3A_416 [1, 2] : vector<1x10x1024xf32> to vector<1xf32>
    %reduce_sum3A_418 = vector.shape_cast %reduce_sum3A_417 : vector<1xf32> to vector<1x1x1xf32>
    %reduce_sum3A_419 = vector.extract %reduce_sum3A_418[0, 0, 0] : f32 from vector<1x1x1xf32>
    %jit3A_420 = arith.constant 0.000000e+00 : f32
    %broadcast_in_dim3A_421 = vector.broadcast %reduce_sum3A_419 : f32 to vector<10x1024xf32>
    %broadcast_in_dim3A_422 = vector.broadcast %jit3A_420 : f32 to vector<10x1024xf32>
    %select_n3A_423 = arith.select %eq3A_58, %broadcast_in_dim3A_421, %broadcast_in_dim3A_422 : vector<10x1024xi1>, vector<10x1024xf32>
    %add3A_424 = arith.addf %add3A_411, %select_n3A_423 : vector<10x1024xf32>
    %jit3A_425 = arith.constant 0.000000e+00 : f32
    %broadcast_in_dim3A_426 = vector.broadcast %jit3A_425 : f32 to vector<10x1024xf32>
    %select_n3A_427 = arith.select %eq3A_61, %exp3A, %broadcast_in_dim3A_426 : vector<10x1024xi1>, vector<10x1024xf32>
    %reduce_sum3A_428 = vector.shape_cast %select_n3A_427 : vector<10x1024xf32> to vector<1x10x1024xf32>
    %reduce_sum3A_429 = arith.constant dense<0.000000e+00> : vector<1xf32>
    %reduce_sum3A_430 = vector.multi_reduction <add>, %reduce_sum3A_428, %reduce_sum3A_429 [1, 2] : vector<1x10x1024xf32> to vector<1xf32>
    %reduce_sum3A_431 = vector.shape_cast %reduce_sum3A_430 : vector<1xf32> to vector<1x1x1xf32>
    %reduce_sum3A_432 = vector.extract %reduce_sum3A_431[0, 0, 0] : f32 from vector<1x1x1xf32>
    %jit3A_433 = arith.constant 0.000000e+00 : f32
    %broadcast_in_dim3A_434 = vector.broadcast %reduce_sum3A_432 : f32 to vector<10x1024xf32>
    %broadcast_in_dim3A_435 = vector.broadcast %jit3A_433 : f32 to vector<10x1024xf32>
    %select_n3A_436 = arith.select %eq3A_61, %broadcast_in_dim3A_434, %broadcast_in_dim3A_435 : vector<10x1024xi1>, vector<10x1024xf32>
    %add3A_437 = arith.addf %add3A_424, %select_n3A_436 : vector<10x1024xf32>
    %jit3A_438 = arith.constant 0.000000e+00 : f32
    %broadcast_in_dim3A_439 = vector.broadcast %jit3A_438 : f32 to vector<10x1024xf32>
    %select_n3A_440 = arith.select %eq3A_64, %exp3A, %broadcast_in_dim3A_439 : vector<10x1024xi1>, vector<10x1024xf32>
    %reduce_sum3A_441 = vector.shape_cast %select_n3A_440 : vector<10x1024xf32> to vector<1x10x1024xf32>
    %reduce_sum3A_442 = arith.constant dense<0.000000e+00> : vector<1xf32>
    %reduce_sum3A_443 = vector.multi_reduction <add>, %reduce_sum3A_441, %reduce_sum3A_442 [1, 2] : vector<1x10x1024xf32> to vector<1xf32>
    %reduce_sum3A_444 = vector.shape_cast %reduce_sum3A_443 : vector<1xf32> to vector<1x1x1xf32>
    %reduce_sum3A_445 = vector.extract %reduce_sum3A_444[0, 0, 0] : f32 from vector<1x1x1xf32>
    %jit3A_446 = arith.constant 0.000000e+00 : f32
    %broadcast_in_dim3A_447 = vector.broadcast %reduce_sum3A_445 : f32 to vector<10x1024xf32>
    %broadcast_in_dim3A_448 = vector.broadcast %jit3A_446 : f32 to vector<10x1024xf32>
    %select_n3A_449 = arith.select %eq3A_64, %broadcast_in_dim3A_447, %broadcast_in_dim3A_448 : vector<10x1024xi1>, vector<10x1024xf32>
    %add3A_450 = arith.addf %add3A_437, %select_n3A_449 : vector<10x1024xf32>
    %jit3A_451 = arith.constant 0.000000e+00 : f32
    %broadcast_in_dim3A_452 = vector.broadcast %jit3A_451 : f32 to vector<10x1024xf32>
    %select_n3A_453 = arith.select %eq3A_67, %exp3A, %broadcast_in_dim3A_452 : vector<10x1024xi1>, vector<10x1024xf32>
    %reduce_sum3A_454 = vector.shape_cast %select_n3A_453 : vector<10x1024xf32> to vector<1x10x1024xf32>
    %reduce_sum3A_455 = arith.constant dense<0.000000e+00> : vector<1xf32>
    %reduce_sum3A_456 = vector.multi_reduction <add>, %reduce_sum3A_454, %reduce_sum3A_455 [1, 2] : vector<1x10x1024xf32> to vector<1xf32>
    %reduce_sum3A_457 = vector.shape_cast %reduce_sum3A_456 : vector<1xf32> to vector<1x1x1xf32>
    %reduce_sum3A_458 = vector.extract %reduce_sum3A_457[0, 0, 0] : f32 from vector<1x1x1xf32>
    %jit3A_459 = arith.constant 0.000000e+00 : f32
    %broadcast_in_dim3A_460 = vector.broadcast %reduce_sum3A_458 : f32 to vector<10x1024xf32>
    %broadcast_in_dim3A_461 = vector.broadcast %jit3A_459 : f32 to vector<10x1024xf32>
    %select_n3A_462 = arith.select %eq3A_67, %broadcast_in_dim3A_460, %broadcast_in_dim3A_461 : vector<10x1024xi1>, vector<10x1024xf32>
    %add3A_463 = arith.addf %add3A_450, %select_n3A_462 : vector<10x1024xf32>
    %jit3A_464 = arith.constant 0.000000e+00 : f32
    %broadcast_in_dim3A_465 = vector.broadcast %jit3A_464 : f32 to vector<10x1024xf32>
    %select_n3A_466 = arith.select %eq3A_70, %exp3A, %broadcast_in_dim3A_465 : vector<10x1024xi1>, vector<10x1024xf32>
    %reduce_sum3A_467 = vector.shape_cast %select_n3A_466 : vector<10x1024xf32> to vector<1x10x1024xf32>
    %reduce_sum3A_468 = arith.constant dense<0.000000e+00> : vector<1xf32>
    %reduce_sum3A_469 = vector.multi_reduction <add>, %reduce_sum3A_467, %reduce_sum3A_468 [1, 2] : vector<1x10x1024xf32> to vector<1xf32>
    %reduce_sum3A_470 = vector.shape_cast %reduce_sum3A_469 : vector<1xf32> to vector<1x1x1xf32>
    %reduce_sum3A_471 = vector.extract %reduce_sum3A_470[0, 0, 0] : f32 from vector<1x1x1xf32>
    %jit3A_472 = arith.constant 0.000000e+00 : f32
    %broadcast_in_dim3A_473 = vector.broadcast %reduce_sum3A_471 : f32 to vector<10x1024xf32>
    %broadcast_in_dim3A_474 = vector.broadcast %jit3A_472 : f32 to vector<10x1024xf32>
    %select_n3A_475 = arith.select %eq3A_70, %broadcast_in_dim3A_473, %broadcast_in_dim3A_474 : vector<10x1024xi1>, vector<10x1024xf32>
    %add3A_476 = arith.addf %add3A_463, %select_n3A_475 : vector<10x1024xf32>
    %jit3A_477 = arith.constant 0.000000e+00 : f32
    %broadcast_in_dim3A_478 = vector.broadcast %jit3A_477 : f32 to vector<10x1024xf32>
    %select_n3A_479 = arith.select %eq3A_73, %exp3A, %broadcast_in_dim3A_478 : vector<10x1024xi1>, vector<10x1024xf32>
    %reduce_sum3A_480 = vector.shape_cast %select_n3A_479 : vector<10x1024xf32> to vector<1x10x1024xf32>
    %reduce_sum3A_481 = arith.constant dense<0.000000e+00> : vector<1xf32>
    %reduce_sum3A_482 = vector.multi_reduction <add>, %reduce_sum3A_480, %reduce_sum3A_481 [1, 2] : vector<1x10x1024xf32> to vector<1xf32>
    %reduce_sum3A_483 = vector.shape_cast %reduce_sum3A_482 : vector<1xf32> to vector<1x1x1xf32>
    %reduce_sum3A_484 = vector.extract %reduce_sum3A_483[0, 0, 0] : f32 from vector<1x1x1xf32>
    %jit3A_485 = arith.constant 0.000000e+00 : f32
    %broadcast_in_dim3A_486 = vector.broadcast %reduce_sum3A_484 : f32 to vector<10x1024xf32>
    %broadcast_in_dim3A_487 = vector.broadcast %jit3A_485 : f32 to vector<10x1024xf32>
    %select_n3A_488 = arith.select %eq3A_73, %broadcast_in_dim3A_486, %broadcast_in_dim3A_487 : vector<10x1024xi1>, vector<10x1024xf32>
    %add3A_489 = arith.addf %add3A_476, %select_n3A_488 : vector<10x1024xf32>
    %div3A = arith.divf %exp3A, %add3A_489 : vector<10x1024xf32>
    %broadcast_in_dim3A_490 = arith.constant 0.000000e+00 : f32
    %broadcast_in_dim3A_491 = vector.broadcast %broadcast_in_dim3A_490 : f32 to vector<10x1024xf32>
    %jit3A_492 = arith.constant 0xFF800000 : f32
    %broadcast_in_dim3A_493 = vector.broadcast %jit3A_492 : f32 to vector<10x1024xf32>
    %select_n3A_494 = arith.select %eq3A_28, %div3A, %broadcast_in_dim3A_493 : vector<10x1024xi1>, vector<10x1024xf32>
    %reduce_max3A_495 = vector.shape_cast %select_n3A_494 : vector<10x1024xf32> to vector<1x10x1024xf32>
    %reduce_max3A_496 = arith.constant dense<0xFF800000> : vector<1xf32>
    %reduce_max3A_497 = vector.multi_reduction <maximumf>, %reduce_max3A_495, %reduce_max3A_496 [1, 2] : vector<1x10x1024xf32> to vector<1xf32>
    %reduce_max3A_498 = vector.shape_cast %reduce_max3A_497 : vector<1xf32> to vector<1x1x1xf32>
    %reduce_max3A_499 = vector.extract %reduce_max3A_498[0, 0, 0] : f32 from vector<1x1x1xf32>
    %jit3A_500 = arith.constant 0.000000e+00 : f32
    %broadcast_in_dim3A_501 = vector.broadcast %reduce_max3A_499 : f32 to vector<10x1024xf32>
    %broadcast_in_dim3A_502 = vector.broadcast %jit3A_500 : f32 to vector<10x1024xf32>
    %select_n3A_503 = arith.select %eq3A_28, %broadcast_in_dim3A_501, %broadcast_in_dim3A_502 : vector<10x1024xi1>, vector<10x1024xf32>
    %add3A_504 = arith.addf %broadcast_in_dim3A_491, %select_n3A_503 : vector<10x1024xf32>
    %jit3A_505 = arith.constant 0xFF800000 : f32
    %broadcast_in_dim3A_506 = vector.broadcast %jit3A_505 : f32 to vector<10x1024xf32>
    %select_n3A_507 = arith.select %eq3A_31, %div3A, %broadcast_in_dim3A_506 : vector<10x1024xi1>, vector<10x1024xf32>
    %reduce_max3A_508 = vector.shape_cast %select_n3A_507 : vector<10x1024xf32> to vector<1x10x1024xf32>
    %reduce_max3A_509 = arith.constant dense<0xFF800000> : vector<1xf32>
    %reduce_max3A_510 = vector.multi_reduction <maximumf>, %reduce_max3A_508, %reduce_max3A_509 [1, 2] : vector<1x10x1024xf32> to vector<1xf32>
    %reduce_max3A_511 = vector.shape_cast %reduce_max3A_510 : vector<1xf32> to vector<1x1x1xf32>
    %reduce_max3A_512 = vector.extract %reduce_max3A_511[0, 0, 0] : f32 from vector<1x1x1xf32>
    %jit3A_513 = arith.constant 0.000000e+00 : f32
    %broadcast_in_dim3A_514 = vector.broadcast %reduce_max3A_512 : f32 to vector<10x1024xf32>
    %broadcast_in_dim3A_515 = vector.broadcast %jit3A_513 : f32 to vector<10x1024xf32>
    %select_n3A_516 = arith.select %eq3A_31, %broadcast_in_dim3A_514, %broadcast_in_dim3A_515 : vector<10x1024xi1>, vector<10x1024xf32>
    %add3A_517 = arith.addf %add3A_504, %select_n3A_516 : vector<10x1024xf32>
    %jit3A_518 = arith.constant 0xFF800000 : f32
    %broadcast_in_dim3A_519 = vector.broadcast %jit3A_518 : f32 to vector<10x1024xf32>
    %select_n3A_520 = arith.select %eq3A_34, %div3A, %broadcast_in_dim3A_519 : vector<10x1024xi1>, vector<10x1024xf32>
    %reduce_max3A_521 = vector.shape_cast %select_n3A_520 : vector<10x1024xf32> to vector<1x10x1024xf32>
    %reduce_max3A_522 = arith.constant dense<0xFF800000> : vector<1xf32>
    %reduce_max3A_523 = vector.multi_reduction <maximumf>, %reduce_max3A_521, %reduce_max3A_522 [1, 2] : vector<1x10x1024xf32> to vector<1xf32>
    %reduce_max3A_524 = vector.shape_cast %reduce_max3A_523 : vector<1xf32> to vector<1x1x1xf32>
    %reduce_max3A_525 = vector.extract %reduce_max3A_524[0, 0, 0] : f32 from vector<1x1x1xf32>
    %jit3A_526 = arith.constant 0.000000e+00 : f32
    %broadcast_in_dim3A_527 = vector.broadcast %reduce_max3A_525 : f32 to vector<10x1024xf32>
    %broadcast_in_dim3A_528 = vector.broadcast %jit3A_526 : f32 to vector<10x1024xf32>
    %select_n3A_529 = arith.select %eq3A_34, %broadcast_in_dim3A_527, %broadcast_in_dim3A_528 : vector<10x1024xi1>, vector<10x1024xf32>
    %add3A_530 = arith.addf %add3A_517, %select_n3A_529 : vector<10x1024xf32>
    %jit3A_531 = arith.constant 0xFF800000 : f32
    %broadcast_in_dim3A_532 = vector.broadcast %jit3A_531 : f32 to vector<10x1024xf32>
    %select_n3A_533 = arith.select %eq3A_37, %div3A, %broadcast_in_dim3A_532 : vector<10x1024xi1>, vector<10x1024xf32>
    %reduce_max3A_534 = vector.shape_cast %select_n3A_533 : vector<10x1024xf32> to vector<1x10x1024xf32>
    %reduce_max3A_535 = arith.constant dense<0xFF800000> : vector<1xf32>
    %reduce_max3A_536 = vector.multi_reduction <maximumf>, %reduce_max3A_534, %reduce_max3A_535 [1, 2] : vector<1x10x1024xf32> to vector<1xf32>
    %reduce_max3A_537 = vector.shape_cast %reduce_max3A_536 : vector<1xf32> to vector<1x1x1xf32>
    %reduce_max3A_538 = vector.extract %reduce_max3A_537[0, 0, 0] : f32 from vector<1x1x1xf32>
    %jit3A_539 = arith.constant 0.000000e+00 : f32
    %broadcast_in_dim3A_540 = vector.broadcast %reduce_max3A_538 : f32 to vector<10x1024xf32>
    %broadcast_in_dim3A_541 = vector.broadcast %jit3A_539 : f32 to vector<10x1024xf32>
    %select_n3A_542 = arith.select %eq3A_37, %broadcast_in_dim3A_540, %broadcast_in_dim3A_541 : vector<10x1024xi1>, vector<10x1024xf32>
    %add3A_543 = arith.addf %add3A_530, %select_n3A_542 : vector<10x1024xf32>
    %jit3A_544 = arith.constant 0xFF800000 : f32
    %broadcast_in_dim3A_545 = vector.broadcast %jit3A_544 : f32 to vector<10x1024xf32>
    %select_n3A_546 = arith.select %eq3A_40, %div3A, %broadcast_in_dim3A_545 : vector<10x1024xi1>, vector<10x1024xf32>
    %reduce_max3A_547 = vector.shape_cast %select_n3A_546 : vector<10x1024xf32> to vector<1x10x1024xf32>
    %reduce_max3A_548 = arith.constant dense<0xFF800000> : vector<1xf32>
    %reduce_max3A_549 = vector.multi_reduction <maximumf>, %reduce_max3A_547, %reduce_max3A_548 [1, 2] : vector<1x10x1024xf32> to vector<1xf32>
    %reduce_max3A_550 = vector.shape_cast %reduce_max3A_549 : vector<1xf32> to vector<1x1x1xf32>
    %reduce_max3A_551 = vector.extract %reduce_max3A_550[0, 0, 0] : f32 from vector<1x1x1xf32>
    %jit3A_552 = arith.constant 0.000000e+00 : f32
    %broadcast_in_dim3A_553 = vector.broadcast %reduce_max3A_551 : f32 to vector<10x1024xf32>
    %broadcast_in_dim3A_554 = vector.broadcast %jit3A_552 : f32 to vector<10x1024xf32>
    %select_n3A_555 = arith.select %eq3A_40, %broadcast_in_dim3A_553, %broadcast_in_dim3A_554 : vector<10x1024xi1>, vector<10x1024xf32>
    %add3A_556 = arith.addf %add3A_543, %select_n3A_555 : vector<10x1024xf32>
    %jit3A_557 = arith.constant 0xFF800000 : f32
    %broadcast_in_dim3A_558 = vector.broadcast %jit3A_557 : f32 to vector<10x1024xf32>
    %select_n3A_559 = arith.select %eq3A_43, %div3A, %broadcast_in_dim3A_558 : vector<10x1024xi1>, vector<10x1024xf32>
    %reduce_max3A_560 = vector.shape_cast %select_n3A_559 : vector<10x1024xf32> to vector<1x10x1024xf32>
    %reduce_max3A_561 = arith.constant dense<0xFF800000> : vector<1xf32>
    %reduce_max3A_562 = vector.multi_reduction <maximumf>, %reduce_max3A_560, %reduce_max3A_561 [1, 2] : vector<1x10x1024xf32> to vector<1xf32>
    %reduce_max3A_563 = vector.shape_cast %reduce_max3A_562 : vector<1xf32> to vector<1x1x1xf32>
    %reduce_max3A_564 = vector.extract %reduce_max3A_563[0, 0, 0] : f32 from vector<1x1x1xf32>
    %jit3A_565 = arith.constant 0.000000e+00 : f32
    %broadcast_in_dim3A_566 = vector.broadcast %reduce_max3A_564 : f32 to vector<10x1024xf32>
    %broadcast_in_dim3A_567 = vector.broadcast %jit3A_565 : f32 to vector<10x1024xf32>
    %select_n3A_568 = arith.select %eq3A_43, %broadcast_in_dim3A_566, %broadcast_in_dim3A_567 : vector<10x1024xi1>, vector<10x1024xf32>
    %add3A_569 = arith.addf %add3A_556, %select_n3A_568 : vector<10x1024xf32>
    %jit3A_570 = arith.constant 0xFF800000 : f32
    %broadcast_in_dim3A_571 = vector.broadcast %jit3A_570 : f32 to vector<10x1024xf32>
    %select_n3A_572 = arith.select %eq3A_46, %div3A, %broadcast_in_dim3A_571 : vector<10x1024xi1>, vector<10x1024xf32>
    %reduce_max3A_573 = vector.shape_cast %select_n3A_572 : vector<10x1024xf32> to vector<1x10x1024xf32>
    %reduce_max3A_574 = arith.constant dense<0xFF800000> : vector<1xf32>
    %reduce_max3A_575 = vector.multi_reduction <maximumf>, %reduce_max3A_573, %reduce_max3A_574 [1, 2] : vector<1x10x1024xf32> to vector<1xf32>
    %reduce_max3A_576 = vector.shape_cast %reduce_max3A_575 : vector<1xf32> to vector<1x1x1xf32>
    %reduce_max3A_577 = vector.extract %reduce_max3A_576[0, 0, 0] : f32 from vector<1x1x1xf32>
    %jit3A_578 = arith.constant 0.000000e+00 : f32
    %broadcast_in_dim3A_579 = vector.broadcast %reduce_max3A_577 : f32 to vector<10x1024xf32>
    %broadcast_in_dim3A_580 = vector.broadcast %jit3A_578 : f32 to vector<10x1024xf32>
    %select_n3A_581 = arith.select %eq3A_46, %broadcast_in_dim3A_579, %broadcast_in_dim3A_580 : vector<10x1024xi1>, vector<10x1024xf32>
    %add3A_582 = arith.addf %add3A_569, %select_n3A_581 : vector<10x1024xf32>
    %jit3A_583 = arith.constant 0xFF800000 : f32
    %broadcast_in_dim3A_584 = vector.broadcast %jit3A_583 : f32 to vector<10x1024xf32>
    %select_n3A_585 = arith.select %eq3A_49, %div3A, %broadcast_in_dim3A_584 : vector<10x1024xi1>, vector<10x1024xf32>
    %reduce_max3A_586 = vector.shape_cast %select_n3A_585 : vector<10x1024xf32> to vector<1x10x1024xf32>
    %reduce_max3A_587 = arith.constant dense<0xFF800000> : vector<1xf32>
    %reduce_max3A_588 = vector.multi_reduction <maximumf>, %reduce_max3A_586, %reduce_max3A_587 [1, 2] : vector<1x10x1024xf32> to vector<1xf32>
    %reduce_max3A_589 = vector.shape_cast %reduce_max3A_588 : vector<1xf32> to vector<1x1x1xf32>
    %reduce_max3A_590 = vector.extract %reduce_max3A_589[0, 0, 0] : f32 from vector<1x1x1xf32>
    %jit3A_591 = arith.constant 0.000000e+00 : f32
    %broadcast_in_dim3A_592 = vector.broadcast %reduce_max3A_590 : f32 to vector<10x1024xf32>
    %broadcast_in_dim3A_593 = vector.broadcast %jit3A_591 : f32 to vector<10x1024xf32>
    %select_n3A_594 = arith.select %eq3A_49, %broadcast_in_dim3A_592, %broadcast_in_dim3A_593 : vector<10x1024xi1>, vector<10x1024xf32>
    %add3A_595 = arith.addf %add3A_582, %select_n3A_594 : vector<10x1024xf32>
    %jit3A_596 = arith.constant 0xFF800000 : f32
    %broadcast_in_dim3A_597 = vector.broadcast %jit3A_596 : f32 to vector<10x1024xf32>
    %select_n3A_598 = arith.select %eq3A_52, %div3A, %broadcast_in_dim3A_597 : vector<10x1024xi1>, vector<10x1024xf32>
    %reduce_max3A_599 = vector.shape_cast %select_n3A_598 : vector<10x1024xf32> to vector<1x10x1024xf32>
    %reduce_max3A_600 = arith.constant dense<0xFF800000> : vector<1xf32>
    %reduce_max3A_601 = vector.multi_reduction <maximumf>, %reduce_max3A_599, %reduce_max3A_600 [1, 2] : vector<1x10x1024xf32> to vector<1xf32>
    %reduce_max3A_602 = vector.shape_cast %reduce_max3A_601 : vector<1xf32> to vector<1x1x1xf32>
    %reduce_max3A_603 = vector.extract %reduce_max3A_602[0, 0, 0] : f32 from vector<1x1x1xf32>
    %jit3A_604 = arith.constant 0.000000e+00 : f32
    %broadcast_in_dim3A_605 = vector.broadcast %reduce_max3A_603 : f32 to vector<10x1024xf32>
    %broadcast_in_dim3A_606 = vector.broadcast %jit3A_604 : f32 to vector<10x1024xf32>
    %select_n3A_607 = arith.select %eq3A_52, %broadcast_in_dim3A_605, %broadcast_in_dim3A_606 : vector<10x1024xi1>, vector<10x1024xf32>
    %add3A_608 = arith.addf %add3A_595, %select_n3A_607 : vector<10x1024xf32>
    %jit3A_609 = arith.constant 0xFF800000 : f32
    %broadcast_in_dim3A_610 = vector.broadcast %jit3A_609 : f32 to vector<10x1024xf32>
    %select_n3A_611 = arith.select %eq3A_55, %div3A, %broadcast_in_dim3A_610 : vector<10x1024xi1>, vector<10x1024xf32>
    %reduce_max3A_612 = vector.shape_cast %select_n3A_611 : vector<10x1024xf32> to vector<1x10x1024xf32>
    %reduce_max3A_613 = arith.constant dense<0xFF800000> : vector<1xf32>
    %reduce_max3A_614 = vector.multi_reduction <maximumf>, %reduce_max3A_612, %reduce_max3A_613 [1, 2] : vector<1x10x1024xf32> to vector<1xf32>
    %reduce_max3A_615 = vector.shape_cast %reduce_max3A_614 : vector<1xf32> to vector<1x1x1xf32>
    %reduce_max3A_616 = vector.extract %reduce_max3A_615[0, 0, 0] : f32 from vector<1x1x1xf32>
    %jit3A_617 = arith.constant 0.000000e+00 : f32
    %broadcast_in_dim3A_618 = vector.broadcast %reduce_max3A_616 : f32 to vector<10x1024xf32>
    %broadcast_in_dim3A_619 = vector.broadcast %jit3A_617 : f32 to vector<10x1024xf32>
    %select_n3A_620 = arith.select %eq3A_55, %broadcast_in_dim3A_618, %broadcast_in_dim3A_619 : vector<10x1024xi1>, vector<10x1024xf32>
    %add3A_621 = arith.addf %add3A_608, %select_n3A_620 : vector<10x1024xf32>
    %jit3A_622 = arith.constant 0xFF800000 : f32
    %broadcast_in_dim3A_623 = vector.broadcast %jit3A_622 : f32 to vector<10x1024xf32>
    %select_n3A_624 = arith.select %eq3A_58, %div3A, %broadcast_in_dim3A_623 : vector<10x1024xi1>, vector<10x1024xf32>
    %reduce_max3A_625 = vector.shape_cast %select_n3A_624 : vector<10x1024xf32> to vector<1x10x1024xf32>
    %reduce_max3A_626 = arith.constant dense<0xFF800000> : vector<1xf32>
    %reduce_max3A_627 = vector.multi_reduction <maximumf>, %reduce_max3A_625, %reduce_max3A_626 [1, 2] : vector<1x10x1024xf32> to vector<1xf32>
    %reduce_max3A_628 = vector.shape_cast %reduce_max3A_627 : vector<1xf32> to vector<1x1x1xf32>
    %reduce_max3A_629 = vector.extract %reduce_max3A_628[0, 0, 0] : f32 from vector<1x1x1xf32>
    %jit3A_630 = arith.constant 0.000000e+00 : f32
    %broadcast_in_dim3A_631 = vector.broadcast %reduce_max3A_629 : f32 to vector<10x1024xf32>
    %broadcast_in_dim3A_632 = vector.broadcast %jit3A_630 : f32 to vector<10x1024xf32>
    %select_n3A_633 = arith.select %eq3A_58, %broadcast_in_dim3A_631, %broadcast_in_dim3A_632 : vector<10x1024xi1>, vector<10x1024xf32>
    %add3A_634 = arith.addf %add3A_621, %select_n3A_633 : vector<10x1024xf32>
    %jit3A_635 = arith.constant 0xFF800000 : f32
    %broadcast_in_dim3A_636 = vector.broadcast %jit3A_635 : f32 to vector<10x1024xf32>
    %select_n3A_637 = arith.select %eq3A_61, %div3A, %broadcast_in_dim3A_636 : vector<10x1024xi1>, vector<10x1024xf32>
    %reduce_max3A_638 = vector.shape_cast %select_n3A_637 : vector<10x1024xf32> to vector<1x10x1024xf32>
    %reduce_max3A_639 = arith.constant dense<0xFF800000> : vector<1xf32>
    %reduce_max3A_640 = vector.multi_reduction <maximumf>, %reduce_max3A_638, %reduce_max3A_639 [1, 2] : vector<1x10x1024xf32> to vector<1xf32>
    %reduce_max3A_641 = vector.shape_cast %reduce_max3A_640 : vector<1xf32> to vector<1x1x1xf32>
    %reduce_max3A_642 = vector.extract %reduce_max3A_641[0, 0, 0] : f32 from vector<1x1x1xf32>
    %jit3A_643 = arith.constant 0.000000e+00 : f32
    %broadcast_in_dim3A_644 = vector.broadcast %reduce_max3A_642 : f32 to vector<10x1024xf32>
    %broadcast_in_dim3A_645 = vector.broadcast %jit3A_643 : f32 to vector<10x1024xf32>
    %select_n3A_646 = arith.select %eq3A_61, %broadcast_in_dim3A_644, %broadcast_in_dim3A_645 : vector<10x1024xi1>, vector<10x1024xf32>
    %add3A_647 = arith.addf %add3A_634, %select_n3A_646 : vector<10x1024xf32>
    %jit3A_648 = arith.constant 0xFF800000 : f32
    %broadcast_in_dim3A_649 = vector.broadcast %jit3A_648 : f32 to vector<10x1024xf32>
    %select_n3A_650 = arith.select %eq3A_64, %div3A, %broadcast_in_dim3A_649 : vector<10x1024xi1>, vector<10x1024xf32>
    %reduce_max3A_651 = vector.shape_cast %select_n3A_650 : vector<10x1024xf32> to vector<1x10x1024xf32>
    %reduce_max3A_652 = arith.constant dense<0xFF800000> : vector<1xf32>
    %reduce_max3A_653 = vector.multi_reduction <maximumf>, %reduce_max3A_651, %reduce_max3A_652 [1, 2] : vector<1x10x1024xf32> to vector<1xf32>
    %reduce_max3A_654 = vector.shape_cast %reduce_max3A_653 : vector<1xf32> to vector<1x1x1xf32>
    %reduce_max3A_655 = vector.extract %reduce_max3A_654[0, 0, 0] : f32 from vector<1x1x1xf32>
    %jit3A_656 = arith.constant 0.000000e+00 : f32
    %broadcast_in_dim3A_657 = vector.broadcast %reduce_max3A_655 : f32 to vector<10x1024xf32>
    %broadcast_in_dim3A_658 = vector.broadcast %jit3A_656 : f32 to vector<10x1024xf32>
    %select_n3A_659 = arith.select %eq3A_64, %broadcast_in_dim3A_657, %broadcast_in_dim3A_658 : vector<10x1024xi1>, vector<10x1024xf32>
    %add3A_660 = arith.addf %add3A_647, %select_n3A_659 : vector<10x1024xf32>
    %jit3A_661 = arith.constant 0xFF800000 : f32
    %broadcast_in_dim3A_662 = vector.broadcast %jit3A_661 : f32 to vector<10x1024xf32>
    %select_n3A_663 = arith.select %eq3A_67, %div3A, %broadcast_in_dim3A_662 : vector<10x1024xi1>, vector<10x1024xf32>
    %reduce_max3A_664 = vector.shape_cast %select_n3A_663 : vector<10x1024xf32> to vector<1x10x1024xf32>
    %reduce_max3A_665 = arith.constant dense<0xFF800000> : vector<1xf32>
    %reduce_max3A_666 = vector.multi_reduction <maximumf>, %reduce_max3A_664, %reduce_max3A_665 [1, 2] : vector<1x10x1024xf32> to vector<1xf32>
    %reduce_max3A_667 = vector.shape_cast %reduce_max3A_666 : vector<1xf32> to vector<1x1x1xf32>
    %reduce_max3A_668 = vector.extract %reduce_max3A_667[0, 0, 0] : f32 from vector<1x1x1xf32>
    %jit3A_669 = arith.constant 0.000000e+00 : f32
    %broadcast_in_dim3A_670 = vector.broadcast %reduce_max3A_668 : f32 to vector<10x1024xf32>
    %broadcast_in_dim3A_671 = vector.broadcast %jit3A_669 : f32 to vector<10x1024xf32>
    %select_n3A_672 = arith.select %eq3A_67, %broadcast_in_dim3A_670, %broadcast_in_dim3A_671 : vector<10x1024xi1>, vector<10x1024xf32>
    %add3A_673 = arith.addf %add3A_660, %select_n3A_672 : vector<10x1024xf32>
    %jit3A_674 = arith.constant 0xFF800000 : f32
    %broadcast_in_dim3A_675 = vector.broadcast %jit3A_674 : f32 to vector<10x1024xf32>
    %select_n3A_676 = arith.select %eq3A_70, %div3A, %broadcast_in_dim3A_675 : vector<10x1024xi1>, vector<10x1024xf32>
    %reduce_max3A_677 = vector.shape_cast %select_n3A_676 : vector<10x1024xf32> to vector<1x10x1024xf32>
    %reduce_max3A_678 = arith.constant dense<0xFF800000> : vector<1xf32>
    %reduce_max3A_679 = vector.multi_reduction <maximumf>, %reduce_max3A_677, %reduce_max3A_678 [1, 2] : vector<1x10x1024xf32> to vector<1xf32>
    %reduce_max3A_680 = vector.shape_cast %reduce_max3A_679 : vector<1xf32> to vector<1x1x1xf32>
    %reduce_max3A_681 = vector.extract %reduce_max3A_680[0, 0, 0] : f32 from vector<1x1x1xf32>
    %jit3A_682 = arith.constant 0.000000e+00 : f32
    %broadcast_in_dim3A_683 = vector.broadcast %reduce_max3A_681 : f32 to vector<10x1024xf32>
    %broadcast_in_dim3A_684 = vector.broadcast %jit3A_682 : f32 to vector<10x1024xf32>
    %select_n3A_685 = arith.select %eq3A_70, %broadcast_in_dim3A_683, %broadcast_in_dim3A_684 : vector<10x1024xi1>, vector<10x1024xf32>
    %add3A_686 = arith.addf %add3A_673, %select_n3A_685 : vector<10x1024xf32>
    %jit3A_687 = arith.constant 0xFF800000 : f32
    %broadcast_in_dim3A_688 = vector.broadcast %jit3A_687 : f32 to vector<10x1024xf32>
    %select_n3A_689 = arith.select %eq3A_73, %div3A, %broadcast_in_dim3A_688 : vector<10x1024xi1>, vector<10x1024xf32>
    %reduce_max3A_690 = vector.shape_cast %select_n3A_689 : vector<10x1024xf32> to vector<1x10x1024xf32>
    %reduce_max3A_691 = arith.constant dense<0xFF800000> : vector<1xf32>
    %reduce_max3A_692 = vector.multi_reduction <maximumf>, %reduce_max3A_690, %reduce_max3A_691 [1, 2] : vector<1x10x1024xf32> to vector<1xf32>
    %reduce_max3A_693 = vector.shape_cast %reduce_max3A_692 : vector<1xf32> to vector<1x1x1xf32>
    %reduce_max3A_694 = vector.extract %reduce_max3A_693[0, 0, 0] : f32 from vector<1x1x1xf32>
    %jit3A_695 = arith.constant 0.000000e+00 : f32
    %broadcast_in_dim3A_696 = vector.broadcast %reduce_max3A_694 : f32 to vector<10x1024xf32>
    %broadcast_in_dim3A_697 = vector.broadcast %jit3A_695 : f32 to vector<10x1024xf32>
    %select_n3A_698 = arith.select %eq3A_73, %broadcast_in_dim3A_696, %broadcast_in_dim3A_697 : vector<10x1024xi1>, vector<10x1024xf32>
    %add3A_699 = arith.addf %add3A_686, %select_n3A_698 : vector<10x1024xf32>
    %sub3A_700 = arith.constant 1.000000e-07 : f32
    %sub3A_701 = vector.broadcast %sub3A_700 : f32 to vector<10x1024xf32>
    %sub3A_702 = arith.subf %add3A_699, %sub3A_701 : vector<10x1024xf32>
    %min3A = arith.constant 1.000000e-03 : f32
    %min3A_703 = vector.broadcast %min3A : f32 to vector<10x1024xf32>
    %min3A_704 = arith.minimumf %sub3A_702, %min3A_703 : vector<10x1024xf32>
    %broadcast_in_dim3A_705 = vector.shape_cast %div3A : vector<10x1024xf32> to vector<10x1x1024xf32>
    %swap3A = arith.constant 0 : index
    %swap3A_706 = arith.constant 0 : index
    %swap3A_707 = arith.constant 0 : index
    %swap3A_708 = vector.load %arg5[%swap3A, %swap3A_706, %swap3A_707] : memref<10x1x1024xf32, #tpu.memory_space<vmem>>, vector<10x1x1024xf32>
    tpu.vector_store %arg5[%swap3A, %swap3A_706, %swap3A_707], %broadcast_in_dim3A_705 {strides = array<i32>} : memref<10x1x1024xf32, #tpu.memory_space<vmem>>, vector<10x1x1024xf32>,
    %gt3A = arith.cmpf ogt, %div3A, %min3A_704 : vector<10x1024xf32>
    %jit3A_709 = arith.constant 1.000000e+00 : f32
    %jit3A_710 = arith.constant 0.000000e+00 : f32
    %broadcast_in_dim3A_711 = vector.broadcast %jit3A_709 : f32 to vector<10x1024xf32>
    %broadcast_in_dim3A_712 = vector.broadcast %jit3A_710 : f32 to vector<10x1024xf32>
    %select_n3A_713 = arith.select %gt3A, %broadcast_in_dim3A_711, %broadcast_in_dim3A_712 : vector<10x1024xi1>, vector<10x1024xf32>
    %broadcast_in_dim3A_714 = vector.shape_cast %select_n3A_713 : vector<10x1024xf32> to vector<10x1x1024xf32>
    %swap3A_715 = arith.constant 0 : index
    %swap3A_716 = arith.constant 0 : index
    %swap3A_717 = arith.constant 0 : index
    %swap3A_718 = vector.load %arg6[%swap3A_715, %swap3A_716, %swap3A_717] : memref<10x1x1024xf32, #tpu.memory_space<vmem>>, vector<10x1x1024xf32>
    tpu.vector_store %arg6[%swap3A_715, %swap3A_716, %swap3A_717], %broadcast_in_dim3A_714 {strides = array<i32>} : memref<10x1x1024xf32, #tpu.memory_space<vmem>>, vector<10x1x1024xf32>,
    return
  }
}

module attributes {stable_mosaic.version = 14 : i64} {
  func.func @_pool4_body(%arg0: i32, %arg1: memref<1024x128xf32, #tpu.memory_space<vmem>>, %arg2: memref<1x1x1024xf32, #tpu.memory_space<vmem>>, %arg3: memref<1x1x1024xf32, #tpu.memory_space<vmem>>, %arg4: memref<1x1x1024xi32, #tpu.memory_space<vmem>>, %arg5: memref<16x128xf32, #tpu.memory_space<vmem>>) attributes {dimension_semantics = [#tpu.dimension_semantics<arbitrary>], iteration_bounds = array<i64: 10>, scalar_prefetch = 0 : i64, scratch_operands = 0 : i64, tpu.core_type = #tpu.core_type<tc>, window_params = [{transform_indices = @transform_0, window_bounds = array<i64: 1024, 128>}, {transform_indices = @transform_1, window_bounds = array<i64: 1, 1, 1024>}, {transform_indices = @transform_2, window_bounds = array<i64: 1, 1, 1024>}, {transform_indices = @transform_3, window_bounds = array<i64: 1, 1, 1024>}, {pipeline_mode = #tpu.pipeline_mode<synchronous>, transform_indices = @transform_4, window_bounds = array<i64: 16, 128>}]} {
    %get3A = arith.constant 0 : index
    %get3A_0 = arith.constant 0 : index
    %get3A_1 = arith.constant 0 : index
    %get3A_2 = vector.load %arg2[%get3A, %get3A_0, %get3A_1] : memref<1x1x1024xf32, #tpu.memory_space<vmem>>, vector<1x1x1024xf32>
    %get3A_3 = vector.shape_cast %get3A_2 : vector<1x1x1024xf32> to vector<1024xf32>
    %broadcast_in_dim3A = vector.shape_cast %get3A_3 : vector<1024xf32> to vector<1024x1xf32>
    %get3A_4 = arith.constant 0 : index
    %get3A_5 = arith.constant 0 : index
    %get3A_6 = arith.constant 0 : index
    %get3A_7 = vector.load %arg3[%get3A_4, %get3A_5, %get3A_6] : memref<1x1x1024xf32, #tpu.memory_space<vmem>>, vector<1x1x1024xf32>
    %get3A_8 = vector.shape_cast %get3A_7 : vector<1x1x1024xf32> to vector<1024xf32>
    %broadcast_in_dim3A_9 = vector.shape_cast %get3A_8 : vector<1024xf32> to vector<1024x1xf32>
    %get3A_10 = arith.constant 0 : index
    %get3A_11 = arith.constant 0 : index
    %get3A_12 = arith.constant 0 : index
    %get3A_13 = vector.load %arg4[%get3A_10, %get3A_11, %get3A_12] : memref<1x1x1024xi32, #tpu.memory_space<vmem>>, vector<1x1x1024xi32>
    %get3A_14 = vector.shape_cast %get3A_13 : vector<1x1x1024xi32> to vector<1024xi32>
    %broadcast_in_dim3A_15 = vector.shape_cast %get3A_14 : vector<1024xi32> to vector<1024x1xi32>
    %gt3A = arith.constant 0.000000e+00 : f32
    %gt3A_16 = vector.broadcast %gt3A : f32 to vector<1024x1xf32>
    %gt3A_17 = arith.cmpf ogt, %broadcast_in_dim3A_9, %gt3A_16 : vector<1024x1xf32>
    %get3A_18 = arith.constant 0 : index
    %get3A_19 = arith.constant 0 : index
    %get3A_20 = vector.load %arg1[%get3A_18, %get3A_19] : memref<1024x128xf32, #tpu.memory_space<vmem>>, vector<1024x128xf32>
    %mul3A = vector.broadcast %broadcast_in_dim3A : vector<1024x1xf32> to vector<1024x128xf32>
    %mul3A_21 = arith.mulf %get3A_20, %mul3A : vector<1024x128xf32>
    %jit3A = arith.constant 0xFF800000 : f32
    %broadcast_in_dim3A_22 = vector.shape_cast %gt3A_17 : vector<1024x1xi1> to vector<1024x1xi1>
    %broadcast_in_dim3A_23 = vector.broadcast %broadcast_in_dim3A_22 : vector<1024x1xi1> to vector<1024x128xi1>
    %broadcast_in_dim3A_24 = vector.broadcast %jit3A : f32 to vector<1024x128xf32>
    %select_n3A = arith.select %broadcast_in_dim3A_23, %mul3A_21, %broadcast_in_dim3A_24 : vector<1024x128xi1>, vector<1024x128xf32>
    %eq3A = arith.constant 0 : i32
    %eq3A_25 = arith.cmpi eq, %arg0, %eq3A : i32
    %broadcast_in_dim3A_26 = arith.constant 0xFF800000 : f32
    %broadcast_in_dim3A_27 = vector.broadcast %broadcast_in_dim3A_26 : f32 to vector<16x128xf32>
    %get3A_28 = arith.constant 0 : index
    %get3A_29 = arith.constant 0 : index
    %get3A_30 = vector.load %arg5[%get3A_28, %get3A_29] : memref<16x128xf32, #tpu.memory_space<vmem>>, vector<16x128xf32>
    %select_n3A_31 = arith.select %eq3A_25, %broadcast_in_dim3A_27, %get3A_30 : vector<16x128xf32>
    %eq3A_32 = arith.constant 0 : i32
    %eq3A_33 = vector.broadcast %eq3A_32 : i32 to vector<1024x1xi32>
    %eq3A_34 = arith.cmpi eq, %broadcast_in_dim3A_15, %eq3A_33 : vector<1024x1xi32>
    %jit3A_35 = arith.constant 0xFF800000 : f32
    %broadcast_in_dim3A_36 = vector.shape_cast %eq3A_34 : vector<1024x1xi1> to vector<1024x1xi1>
    %broadcast_in_dim3A_37 = vector.broadcast %broadcast_in_dim3A_36 : vector<1024x1xi1> to vector<1024x128xi1>
    %broadcast_in_dim3A_38 = vector.broadcast %jit3A_35 : f32 to vector<1024x128xf32>
    %select_n3A_39 = arith.select %broadcast_in_dim3A_37, %select_n3A, %broadcast_in_dim3A_38 : vector<1024x128xi1>, vector<1024x128xf32>
    %reduce_max3A = arith.constant dense<0xFF800000> : vector<128xf32>
    %reduce_max3A_40 = vector.multi_reduction <maximumf>, %select_n3A_39, %reduce_max3A [0] : vector<1024x128xf32> to vector<128xf32>
    %eq3A_41 = arith.constant 1 : i32
    %eq3A_42 = vector.broadcast %eq3A_41 : i32 to vector<1024x1xi32>
    %eq3A_43 = arith.cmpi eq, %broadcast_in_dim3A_15, %eq3A_42 : vector<1024x1xi32>
    %jit3A_44 = arith.constant 0xFF800000 : f32
    %broadcast_in_dim3A_45 = vector.shape_cast %eq3A_43 : vector<1024x1xi1> to vector<1024x1xi1>
    %broadcast_in_dim3A_46 = vector.broadcast %broadcast_in_dim3A_45 : vector<1024x1xi1> to vector<1024x128xi1>
    %broadcast_in_dim3A_47 = vector.broadcast %jit3A_44 : f32 to vector<1024x128xf32>
    %select_n3A_48 = arith.select %broadcast_in_dim3A_46, %select_n3A, %broadcast_in_dim3A_47 : vector<1024x128xi1>, vector<1024x128xf32>
    %reduce_max3A_49 = arith.constant dense<0xFF800000> : vector<128xf32>
    %reduce_max3A_50 = vector.multi_reduction <maximumf>, %select_n3A_48, %reduce_max3A_49 [0] : vector<1024x128xf32> to vector<128xf32>
    %eq3A_51 = arith.constant 2 : i32
    %eq3A_52 = vector.broadcast %eq3A_51 : i32 to vector<1024x1xi32>
    %eq3A_53 = arith.cmpi eq, %broadcast_in_dim3A_15, %eq3A_52 : vector<1024x1xi32>
    %jit3A_54 = arith.constant 0xFF800000 : f32
    %broadcast_in_dim3A_55 = vector.shape_cast %eq3A_53 : vector<1024x1xi1> to vector<1024x1xi1>
    %broadcast_in_dim3A_56 = vector.broadcast %broadcast_in_dim3A_55 : vector<1024x1xi1> to vector<1024x128xi1>
    %broadcast_in_dim3A_57 = vector.broadcast %jit3A_54 : f32 to vector<1024x128xf32>
    %select_n3A_58 = arith.select %broadcast_in_dim3A_56, %select_n3A, %broadcast_in_dim3A_57 : vector<1024x128xi1>, vector<1024x128xf32>
    %reduce_max3A_59 = arith.constant dense<0xFF800000> : vector<128xf32>
    %reduce_max3A_60 = vector.multi_reduction <maximumf>, %select_n3A_58, %reduce_max3A_59 [0] : vector<1024x128xf32> to vector<128xf32>
    %eq3A_61 = arith.constant 3 : i32
    %eq3A_62 = vector.broadcast %eq3A_61 : i32 to vector<1024x1xi32>
    %eq3A_63 = arith.cmpi eq, %broadcast_in_dim3A_15, %eq3A_62 : vector<1024x1xi32>
    %jit3A_64 = arith.constant 0xFF800000 : f32
    %broadcast_in_dim3A_65 = vector.shape_cast %eq3A_63 : vector<1024x1xi1> to vector<1024x1xi1>
    %broadcast_in_dim3A_66 = vector.broadcast %broadcast_in_dim3A_65 : vector<1024x1xi1> to vector<1024x128xi1>
    %broadcast_in_dim3A_67 = vector.broadcast %jit3A_64 : f32 to vector<1024x128xf32>
    %select_n3A_68 = arith.select %broadcast_in_dim3A_66, %select_n3A, %broadcast_in_dim3A_67 : vector<1024x128xi1>, vector<1024x128xf32>
    %reduce_max3A_69 = arith.constant dense<0xFF800000> : vector<128xf32>
    %reduce_max3A_70 = vector.multi_reduction <maximumf>, %select_n3A_68, %reduce_max3A_69 [0] : vector<1024x128xf32> to vector<128xf32>
    %eq3A_71 = arith.constant 4 : i32
    %eq3A_72 = vector.broadcast %eq3A_71 : i32 to vector<1024x1xi32>
    %eq3A_73 = arith.cmpi eq, %broadcast_in_dim3A_15, %eq3A_72 : vector<1024x1xi32>
    %jit3A_74 = arith.constant 0xFF800000 : f32
    %broadcast_in_dim3A_75 = vector.shape_cast %eq3A_73 : vector<1024x1xi1> to vector<1024x1xi1>
    %broadcast_in_dim3A_76 = vector.broadcast %broadcast_in_dim3A_75 : vector<1024x1xi1> to vector<1024x128xi1>
    %broadcast_in_dim3A_77 = vector.broadcast %jit3A_74 : f32 to vector<1024x128xf32>
    %select_n3A_78 = arith.select %broadcast_in_dim3A_76, %select_n3A, %broadcast_in_dim3A_77 : vector<1024x128xi1>, vector<1024x128xf32>
    %reduce_max3A_79 = arith.constant dense<0xFF800000> : vector<128xf32>
    %reduce_max3A_80 = vector.multi_reduction <maximumf>, %select_n3A_78, %reduce_max3A_79 [0] : vector<1024x128xf32> to vector<128xf32>
    %eq3A_81 = arith.constant 5 : i32
    %eq3A_82 = vector.broadcast %eq3A_81 : i32 to vector<1024x1xi32>
    %eq3A_83 = arith.cmpi eq, %broadcast_in_dim3A_15, %eq3A_82 : vector<1024x1xi32>
    %jit3A_84 = arith.constant 0xFF800000 : f32
    %broadcast_in_dim3A_85 = vector.shape_cast %eq3A_83 : vector<1024x1xi1> to vector<1024x1xi1>
    %broadcast_in_dim3A_86 = vector.broadcast %broadcast_in_dim3A_85 : vector<1024x1xi1> to vector<1024x128xi1>
    %broadcast_in_dim3A_87 = vector.broadcast %jit3A_84 : f32 to vector<1024x128xf32>
    %select_n3A_88 = arith.select %broadcast_in_dim3A_86, %select_n3A, %broadcast_in_dim3A_87 : vector<1024x128xi1>, vector<1024x128xf32>
    %reduce_max3A_89 = arith.constant dense<0xFF800000> : vector<128xf32>
    %reduce_max3A_90 = vector.multi_reduction <maximumf>, %select_n3A_88, %reduce_max3A_89 [0] : vector<1024x128xf32> to vector<128xf32>
    %eq3A_91 = arith.constant 6 : i32
    %eq3A_92 = vector.broadcast %eq3A_91 : i32 to vector<1024x1xi32>
    %eq3A_93 = arith.cmpi eq, %broadcast_in_dim3A_15, %eq3A_92 : vector<1024x1xi32>
    %jit3A_94 = arith.constant 0xFF800000 : f32
    %broadcast_in_dim3A_95 = vector.shape_cast %eq3A_93 : vector<1024x1xi1> to vector<1024x1xi1>
    %broadcast_in_dim3A_96 = vector.broadcast %broadcast_in_dim3A_95 : vector<1024x1xi1> to vector<1024x128xi1>
    %broadcast_in_dim3A_97 = vector.broadcast %jit3A_94 : f32 to vector<1024x128xf32>
    %select_n3A_98 = arith.select %broadcast_in_dim3A_96, %select_n3A, %broadcast_in_dim3A_97 : vector<1024x128xi1>, vector<1024x128xf32>
    %reduce_max3A_99 = arith.constant dense<0xFF800000> : vector<128xf32>
    %reduce_max3A_100 = vector.multi_reduction <maximumf>, %select_n3A_98, %reduce_max3A_99 [0] : vector<1024x128xf32> to vector<128xf32>
    %eq3A_101 = arith.constant 7 : i32
    %eq3A_102 = vector.broadcast %eq3A_101 : i32 to vector<1024x1xi32>
    %eq3A_103 = arith.cmpi eq, %broadcast_in_dim3A_15, %eq3A_102 : vector<1024x1xi32>
    %jit3A_104 = arith.constant 0xFF800000 : f32
    %broadcast_in_dim3A_105 = vector.shape_cast %eq3A_103 : vector<1024x1xi1> to vector<1024x1xi1>
    %broadcast_in_dim3A_106 = vector.broadcast %broadcast_in_dim3A_105 : vector<1024x1xi1> to vector<1024x128xi1>
    %broadcast_in_dim3A_107 = vector.broadcast %jit3A_104 : f32 to vector<1024x128xf32>
    %select_n3A_108 = arith.select %broadcast_in_dim3A_106, %select_n3A, %broadcast_in_dim3A_107 : vector<1024x128xi1>, vector<1024x128xf32>
    %reduce_max3A_109 = arith.constant dense<0xFF800000> : vector<128xf32>
    %reduce_max3A_110 = vector.multi_reduction <maximumf>, %select_n3A_108, %reduce_max3A_109 [0] : vector<1024x128xf32> to vector<128xf32>
    %eq3A_111 = arith.constant 8 : i32
    %eq3A_112 = vector.broadcast %eq3A_111 : i32 to vector<1024x1xi32>
    %eq3A_113 = arith.cmpi eq, %broadcast_in_dim3A_15, %eq3A_112 : vector<1024x1xi32>
    %jit3A_114 = arith.constant 0xFF800000 : f32
    %broadcast_in_dim3A_115 = vector.shape_cast %eq3A_113 : vector<1024x1xi1> to vector<1024x1xi1>
    %broadcast_in_dim3A_116 = vector.broadcast %broadcast_in_dim3A_115 : vector<1024x1xi1> to vector<1024x128xi1>
    %broadcast_in_dim3A_117 = vector.broadcast %jit3A_114 : f32 to vector<1024x128xf32>
    %select_n3A_118 = arith.select %broadcast_in_dim3A_116, %select_n3A, %broadcast_in_dim3A_117 : vector<1024x128xi1>, vector<1024x128xf32>
    %reduce_max3A_119 = arith.constant dense<0xFF800000> : vector<128xf32>
    %reduce_max3A_120 = vector.multi_reduction <maximumf>, %select_n3A_118, %reduce_max3A_119 [0] : vector<1024x128xf32> to vector<128xf32>
    %eq3A_121 = arith.constant 9 : i32
    %eq3A_122 = vector.broadcast %eq3A_121 : i32 to vector<1024x1xi32>
    %eq3A_123 = arith.cmpi eq, %broadcast_in_dim3A_15, %eq3A_122 : vector<1024x1xi32>
    %jit3A_124 = arith.constant 0xFF800000 : f32
    %broadcast_in_dim3A_125 = vector.shape_cast %eq3A_123 : vector<1024x1xi1> to vector<1024x1xi1>
    %broadcast_in_dim3A_126 = vector.broadcast %broadcast_in_dim3A_125 : vector<1024x1xi1> to vector<1024x128xi1>
    %broadcast_in_dim3A_127 = vector.broadcast %jit3A_124 : f32 to vector<1024x128xf32>
    %select_n3A_128 = arith.select %broadcast_in_dim3A_126, %select_n3A, %broadcast_in_dim3A_127 : vector<1024x128xi1>, vector<1024x128xf32>
    %reduce_max3A_129 = arith.constant dense<0xFF800000> : vector<128xf32>
    %reduce_max3A_130 = vector.multi_reduction <maximumf>, %select_n3A_128, %reduce_max3A_129 [0] : vector<1024x128xf32> to vector<128xf32>
    %eq3A_131 = arith.constant 10 : i32
    %eq3A_132 = vector.broadcast %eq3A_131 : i32 to vector<1024x1xi32>
    %eq3A_133 = arith.cmpi eq, %broadcast_in_dim3A_15, %eq3A_132 : vector<1024x1xi32>
    %jit3A_134 = arith.constant 0xFF800000 : f32
    %broadcast_in_dim3A_135 = vector.shape_cast %eq3A_133 : vector<1024x1xi1> to vector<1024x1xi1>
    %broadcast_in_dim3A_136 = vector.broadcast %broadcast_in_dim3A_135 : vector<1024x1xi1> to vector<1024x128xi1>
    %broadcast_in_dim3A_137 = vector.broadcast %jit3A_134 : f32 to vector<1024x128xf32>
    %select_n3A_138 = arith.select %broadcast_in_dim3A_136, %select_n3A, %broadcast_in_dim3A_137 : vector<1024x128xi1>, vector<1024x128xf32>
    %reduce_max3A_139 = arith.constant dense<0xFF800000> : vector<128xf32>
    %reduce_max3A_140 = vector.multi_reduction <maximumf>, %select_n3A_138, %reduce_max3A_139 [0] : vector<1024x128xf32> to vector<128xf32>
    %eq3A_141 = arith.constant 11 : i32
    %eq3A_142 = vector.broadcast %eq3A_141 : i32 to vector<1024x1xi32>
    %eq3A_143 = arith.cmpi eq, %broadcast_in_dim3A_15, %eq3A_142 : vector<1024x1xi32>
    %jit3A_144 = arith.constant 0xFF800000 : f32
    %broadcast_in_dim3A_145 = vector.shape_cast %eq3A_143 : vector<1024x1xi1> to vector<1024x1xi1>
    %broadcast_in_dim3A_146 = vector.broadcast %broadcast_in_dim3A_145 : vector<1024x1xi1> to vector<1024x128xi1>
    %broadcast_in_dim3A_147 = vector.broadcast %jit3A_144 : f32 to vector<1024x128xf32>
    %select_n3A_148 = arith.select %broadcast_in_dim3A_146, %select_n3A, %broadcast_in_dim3A_147 : vector<1024x128xi1>, vector<1024x128xf32>
    %reduce_max3A_149 = arith.constant dense<0xFF800000> : vector<128xf32>
    %reduce_max3A_150 = vector.multi_reduction <maximumf>, %select_n3A_148, %reduce_max3A_149 [0] : vector<1024x128xf32> to vector<128xf32>
    %eq3A_151 = arith.constant 12 : i32
    %eq3A_152 = vector.broadcast %eq3A_151 : i32 to vector<1024x1xi32>
    %eq3A_153 = arith.cmpi eq, %broadcast_in_dim3A_15, %eq3A_152 : vector<1024x1xi32>
    %jit3A_154 = arith.constant 0xFF800000 : f32
    %broadcast_in_dim3A_155 = vector.shape_cast %eq3A_153 : vector<1024x1xi1> to vector<1024x1xi1>
    %broadcast_in_dim3A_156 = vector.broadcast %broadcast_in_dim3A_155 : vector<1024x1xi1> to vector<1024x128xi1>
    %broadcast_in_dim3A_157 = vector.broadcast %jit3A_154 : f32 to vector<1024x128xf32>
    %select_n3A_158 = arith.select %broadcast_in_dim3A_156, %select_n3A, %broadcast_in_dim3A_157 : vector<1024x128xi1>, vector<1024x128xf32>
    %reduce_max3A_159 = arith.constant dense<0xFF800000> : vector<128xf32>
    %reduce_max3A_160 = vector.multi_reduction <maximumf>, %select_n3A_158, %reduce_max3A_159 [0] : vector<1024x128xf32> to vector<128xf32>
    %eq3A_161 = arith.constant 13 : i32
    %eq3A_162 = vector.broadcast %eq3A_161 : i32 to vector<1024x1xi32>
    %eq3A_163 = arith.cmpi eq, %broadcast_in_dim3A_15, %eq3A_162 : vector<1024x1xi32>
    %jit3A_164 = arith.constant 0xFF800000 : f32
    %broadcast_in_dim3A_165 = vector.shape_cast %eq3A_163 : vector<1024x1xi1> to vector<1024x1xi1>
    %broadcast_in_dim3A_166 = vector.broadcast %broadcast_in_dim3A_165 : vector<1024x1xi1> to vector<1024x128xi1>
    %broadcast_in_dim3A_167 = vector.broadcast %jit3A_164 : f32 to vector<1024x128xf32>
    %select_n3A_168 = arith.select %broadcast_in_dim3A_166, %select_n3A, %broadcast_in_dim3A_167 : vector<1024x128xi1>, vector<1024x128xf32>
    %reduce_max3A_169 = arith.constant dense<0xFF800000> : vector<128xf32>
    %reduce_max3A_170 = vector.multi_reduction <maximumf>, %select_n3A_168, %reduce_max3A_169 [0] : vector<1024x128xf32> to vector<128xf32>
    %eq3A_171 = arith.constant 14 : i32
    %eq3A_172 = vector.broadcast %eq3A_171 : i32 to vector<1024x1xi32>
    %eq3A_173 = arith.cmpi eq, %broadcast_in_dim3A_15, %eq3A_172 : vector<1024x1xi32>
    %jit3A_174 = arith.constant 0xFF800000 : f32
    %broadcast_in_dim3A_175 = vector.shape_cast %eq3A_173 : vector<1024x1xi1> to vector<1024x1xi1>
    %broadcast_in_dim3A_176 = vector.broadcast %broadcast_in_dim3A_175 : vector<1024x1xi1> to vector<1024x128xi1>
    %broadcast_in_dim3A_177 = vector.broadcast %jit3A_174 : f32 to vector<1024x128xf32>
    %select_n3A_178 = arith.select %broadcast_in_dim3A_176, %select_n3A, %broadcast_in_dim3A_177 : vector<1024x128xi1>, vector<1024x128xf32>
    %reduce_max3A_179 = arith.constant dense<0xFF800000> : vector<128xf32>
    %reduce_max3A_180 = vector.multi_reduction <maximumf>, %select_n3A_178, %reduce_max3A_179 [0] : vector<1024x128xf32> to vector<128xf32>
    %eq3A_181 = arith.constant 15 : i32
    %eq3A_182 = vector.broadcast %eq3A_181 : i32 to vector<1024x1xi32>
    %eq3A_183 = arith.cmpi eq, %broadcast_in_dim3A_15, %eq3A_182 : vector<1024x1xi32>
    %jit3A_184 = arith.constant 0xFF800000 : f32
    %broadcast_in_dim3A_185 = vector.shape_cast %eq3A_183 : vector<1024x1xi1> to vector<1024x1xi1>
    %broadcast_in_dim3A_186 = vector.broadcast %broadcast_in_dim3A_185 : vector<1024x1xi1> to vector<1024x128xi1>
    %broadcast_in_dim3A_187 = vector.broadcast %jit3A_184 : f32 to vector<1024x128xf32>
    %select_n3A_188 = arith.select %broadcast_in_dim3A_186, %select_n3A, %broadcast_in_dim3A_187 : vector<1024x128xi1>, vector<1024x128xf32>
    %reduce_max3A_189 = arith.constant dense<0xFF800000> : vector<128xf32>
    %reduce_max3A_190 = vector.multi_reduction <maximumf>, %select_n3A_188, %reduce_max3A_189 [0] : vector<1024x128xf32> to vector<128xf32>
    %stack3A = vector.shape_cast %reduce_max3A_40 : vector<128xf32> to vector<1x128xf32>
    %stack3A_191 = vector.shape_cast %reduce_max3A_50 : vector<128xf32> to vector<1x128xf32>
    %stack3A_192 = vector.shape_cast %reduce_max3A_60 : vector<128xf32> to vector<1x128xf32>
    %stack3A_193 = vector.shape_cast %reduce_max3A_70 : vector<128xf32> to vector<1x128xf32>
    %stack3A_194 = vector.shape_cast %reduce_max3A_80 : vector<128xf32> to vector<1x128xf32>
    %stack3A_195 = vector.shape_cast %reduce_max3A_90 : vector<128xf32> to vector<1x128xf32>
    %stack3A_196 = vector.shape_cast %reduce_max3A_100 : vector<128xf32> to vector<1x128xf32>
    %stack3A_197 = vector.shape_cast %reduce_max3A_110 : vector<128xf32> to vector<1x128xf32>
    %stack3A_198 = vector.shape_cast %reduce_max3A_120 : vector<128xf32> to vector<1x128xf32>
    %stack3A_199 = vector.shape_cast %reduce_max3A_130 : vector<128xf32> to vector<1x128xf32>
    %stack3A_200 = vector.shape_cast %reduce_max3A_140 : vector<128xf32> to vector<1x128xf32>
    %stack3A_201 = vector.shape_cast %reduce_max3A_150 : vector<128xf32> to vector<1x128xf32>
    %stack3A_202 = vector.shape_cast %reduce_max3A_160 : vector<128xf32> to vector<1x128xf32>
    %stack3A_203 = vector.shape_cast %reduce_max3A_170 : vector<128xf32> to vector<1x128xf32>
    %stack3A_204 = vector.shape_cast %reduce_max3A_180 : vector<128xf32> to vector<1x128xf32>
    %stack3A_205 = vector.shape_cast %reduce_max3A_190 : vector<128xf32> to vector<1x128xf32>
    %stack3A_206 = tpu.concatenate %stack3A, %stack3A_191, %stack3A_192, %stack3A_193, %stack3A_194, %stack3A_195, %stack3A_196, %stack3A_197, %stack3A_198, %stack3A_199, %stack3A_200, %stack3A_201, %stack3A_202, %stack3A_203, %stack3A_204, %stack3A_205 in 0 : vector<1x128xf32>, vector<1x128xf32>, vector<1x128xf32>, vector<1x128xf32>, vector<1x128xf32>, vector<1x128xf32>, vector<1x128xf32>, vector<1x128xf32>, vector<1x128xf32>, vector<1x128xf32>, vector<1x128xf32>, vector<1x128xf32>, vector<1x128xf32>, vector<1x128xf32>, vector<1x128xf32>, vector<1x128xf32> -> vector<16x128xf32>
    %max3A = arith.maximumf %select_n3A_31, %stack3A_206 : vector<16x128xf32>
    %swap3A = arith.constant 0 : index
    %swap3A_207 = arith.constant 0 : index
    %swap3A_208 = vector.load %arg5[%swap3A, %swap3A_207] : memref<16x128xf32, #tpu.memory_space<vmem>>, vector<16x128xf32>
    tpu.vector_store %arg5[%swap3A, %swap3A_207], %max3A {strides = array<i32>} : memref<16x128xf32, #tpu.memory_space<vmem>>, vector<16x128xf32>,
    return
  }
  func.func @transform_0(%arg0: i32) -> (i32, i32) {
    %c0_i32 = arith.constant 0 : i32
    %c0_i32_0 = arith.constant 0 : i32
    return %arg0, %c0_i32 : i32, i32
  }
  func.func @transform_1(%arg0: i32) -> (i32, i32, i32) {
    %c0_i32 = arith.constant 0 : i32
    %c0_i32_0 = arith.constant 0 : i32
    %c0_i32_1 = arith.constant 0 : i32
    return %arg0, %c0_i32, %c0_i32_0 : i32, i32, i32
  }
  func.func @transform_2(%arg0: i32) -> (i32, i32, i32) {
    %c0_i32 = arith.constant 0 : i32
    %c0_i32_0 = arith.constant 0 : i32
    %c0_i32_1 = arith.constant 0 : i32
    return %arg0, %c0_i32, %c0_i32_0 : i32, i32, i32
  }
  func.func @transform_3(%arg0: i32) -> (i32, i32, i32) {
    %c0_i32 = arith.constant 0 : i32
    %c0_i32_0 = arith.constant 0 : i32
    %c0_i32_1 = arith.constant 0 : i32
    return %arg0, %c0_i32, %c0_i32_0 : i32, i32, i32
  }
  func.func @transform_4(%arg0: i32) -> (i32, i32) {
    %c0_i32 = arith.constant 0 : i32
    %c0_i32_0 = arith.constant 0 : i32
    %c0_i32_1 = arith.constant 0 : i32
    return %c0_i32, %c0_i32_0 : i32, i32
  }
}

module attributes {stable_mosaic.version = 14 : i64} {
  func.func @_head_body(%arg0: memref<16x128xf32, #tpu.memory_space<vmem>>, %arg1: memref<16x128xf32, #tpu.memory_space<vmem>>, %arg2: memref<16x128xf32, #tpu.memory_space<vmem>>, %arg3: memref<16x128xf32, #tpu.memory_space<vmem>>, %arg4: memref<512x512xf32, #tpu.memory_space<vmem>>, %arg5: memref<1x512xf32, #tpu.memory_space<vmem>>, %arg6: memref<1x512xf32, #tpu.memory_space<vmem>>, %arg7: memref<1x512xf32, #tpu.memory_space<vmem>>, %arg8: memref<512x2xf32, #tpu.memory_space<vmem>>, %arg9: memref<1x2xf32, #tpu.memory_space<vmem>>, %arg10: memref<16x1xi32, #tpu.memory_space<vmem>>, %arg11: memref<16x2xf32, #tpu.memory_space<vmem>>, %arg12: memref<1x1xf32, #tpu.memory_space<vmem>>) attributes {dimension_semantics = [], scalar_prefetch = 0 : i64, scratch_operands = 0 : i64, tpu.core_type = #tpu.core_type<tc>} {
    %get3A = arith.constant 0 : index
    %get3A_0 = arith.constant 0 : index
    %get3A_1 = vector.load %arg0[%get3A, %get3A_0] : memref<16x128xf32, #tpu.memory_space<vmem>>, vector<16x128xf32>
    %get3A_2 = arith.constant 0 : index
    %get3A_3 = arith.constant 0 : index
    %get3A_4 = vector.load %arg1[%get3A_2, %get3A_3] : memref<16x128xf32, #tpu.memory_space<vmem>>, vector<16x128xf32>
    %get3A_5 = arith.constant 0 : index
    %get3A_6 = arith.constant 0 : index
    %get3A_7 = vector.load %arg2[%get3A_5, %get3A_6] : memref<16x128xf32, #tpu.memory_space<vmem>>, vector<16x128xf32>
    %get3A_8 = arith.constant 0 : index
    %get3A_9 = arith.constant 0 : index
    %get3A_10 = vector.load %arg3[%get3A_8, %get3A_9] : memref<16x128xf32, #tpu.memory_space<vmem>>, vector<16x128xf32>
    %concatenate3A = tpu.concatenate %get3A_1, %get3A_4, %get3A_7, %get3A_10 in 1 : vector<16x128xf32>, vector<16x128xf32>, vector<16x128xf32>, vector<16x128xf32> -> vector<16x512xf32>
    %get3A_11 = arith.constant 0 : index
    %get3A_12 = arith.constant 0 : index
    %get3A_13 = vector.load %arg4[%get3A_11, %get3A_12] : memref<512x512xf32, #tpu.memory_space<vmem>>, vector<512x512xf32>
    %dot_general3A = arith.constant dense<0.000000e+00> : vector<16x512xf32>
    %dot_general3A_14 = tpu.matmul %concatenate3A, %get3A_13, %dot_general3A {dimension_numbers = #tpu.dot_dimension_numbers<[1], [0], [0], [1], [0, 0, 1, 1], [], []>, transpose_lhs_hint = false} : vector<16x512xf32>, vector<512x512xf32>, vector<16x512xf32> -> vector<16x512xf32>
    %get3A_15 = arith.constant 0 : index
    %get3A_16 = arith.constant 0 : index
    %get3A_17 = vector.load %arg5[%get3A_15, %get3A_16] : memref<1x512xf32, #tpu.memory_space<vmem>>, vector<1x512xf32>
    %add3A = vector.broadcast %get3A_17 : vector<1x512xf32> to vector<16x512xf32>
    %add3A_18 = arith.addf %dot_general3A_14, %add3A : vector<16x512xf32>
    %reduce_sum3A = arith.constant dense<0.000000e+00> : vector<512xf32>
    %reduce_sum3A_19 = vector.multi_reduction <add>, %add3A_18, %reduce_sum3A [0] : vector<16x512xf32> to vector<512xf32>
    %broadcast_in_dim3A = vector.shape_cast %reduce_sum3A_19 : vector<512xf32> to vector<1x512xf32>
    %div3A = arith.constant 1.600000e+01 : f32
    %div3A_20 = vector.broadcast %div3A : f32 to vector<1x512xf32>
    %div3A_21 = arith.divf %broadcast_in_dim3A, %div3A_20 : vector<1x512xf32>
    %sub3A = vector.broadcast %div3A_21 : vector<1x512xf32> to vector<16x512xf32>
    %sub3A_22 = arith.subf %add3A_18, %sub3A : vector<16x512xf32>
    %integer_pow3A = arith.mulf %sub3A_22, %sub3A_22 : vector<16x512xf32>
    %reduce_sum3A_23 = arith.constant dense<0.000000e+00> : vector<512xf32>
    %reduce_sum3A_24 = vector.multi_reduction <add>, %integer_pow3A, %reduce_sum3A_23 [0] : vector<16x512xf32> to vector<512xf32>
    %broadcast_in_dim3A_25 = vector.shape_cast %reduce_sum3A_24 : vector<512xf32> to vector<1x512xf32>
    %div3A_26 = arith.constant 1.600000e+01 : f32
    %div3A_27 = vector.broadcast %div3A_26 : f32 to vector<1x512xf32>
    %div3A_28 = arith.divf %broadcast_in_dim3A_25, %div3A_27 : vector<1x512xf32>
    %sub3A_29 = vector.broadcast %div3A_21 : vector<1x512xf32> to vector<16x512xf32>
    %sub3A_30 = arith.subf %add3A_18, %sub3A_29 : vector<16x512xf32>
    %add3A_31 = arith.constant 9.99999974E-6 : f32
    %add3A_32 = vector.broadcast %add3A_31 : f32 to vector<1x512xf32>
    %add3A_33 = arith.addf %div3A_28, %add3A_32 : vector<1x512xf32>
    %sqrt3A = math.sqrt %add3A_33 : vector<1x512xf32>
    %div3A_34 = vector.broadcast %sqrt3A : vector<1x512xf32> to vector<16x512xf32>
    %div3A_35 = arith.divf %sub3A_30, %div3A_34 : vector<16x512xf32>
    %get3A_36 = arith.constant 0 : index
    %get3A_37 = arith.constant 0 : index
    %get3A_38 = vector.load %arg6[%get3A_36, %get3A_37] : memref<1x512xf32, #tpu.memory_space<vmem>>, vector<1x512xf32>
    %mul3A = vector.broadcast %get3A_38 : vector<1x512xf32> to vector<16x512xf32>
    %mul3A_39 = arith.mulf %div3A_35, %mul3A : vector<16x512xf32>
    %get3A_40 = arith.constant 0 : index
    %get3A_41 = arith.constant 0 : index
    %get3A_42 = vector.load %arg7[%get3A_40, %get3A_41] : memref<1x512xf32, #tpu.memory_space<vmem>>, vector<1x512xf32>
    %add3A_43 = vector.broadcast %get3A_42 : vector<1x512xf32> to vector<16x512xf32>
    %add3A_44 = arith.addf %mul3A_39, %add3A_43 : vector<16x512xf32>
    %max3A = arith.constant 0.000000e+00 : f32
    %max3A_45 = vector.broadcast %max3A : f32 to vector<16x512xf32>
    %max3A_46 = arith.maximumf %add3A_44, %max3A_45 : vector<16x512xf32>
    %get3A_47 = arith.constant 0 : index
    %get3A_48 = arith.constant 0 : index
    %get3A_49 = vector.load %arg8[%get3A_47, %get3A_48] : memref<512x2xf32, #tpu.memory_space<vmem>>, vector<512x2xf32>
    %dot_general3A_50 = arith.constant dense<0.000000e+00> : vector<16x2xf32>
    %dot_general3A_51 = tpu.matmul %max3A_46, %get3A_49, %dot_general3A_50 {dimension_numbers = #tpu.dot_dimension_numbers<[1], [0], [0], [1], [0, 0, 1, 1], [], []>, transpose_lhs_hint = false} : vector<16x512xf32>, vector<512x2xf32>, vector<16x2xf32> -> vector<16x2xf32>
    %get3A_52 = arith.constant 0 : index
    %get3A_53 = arith.constant 0 : index
    %get3A_54 = vector.load %arg9[%get3A_52, %get3A_53] : memref<1x2xf32, #tpu.memory_space<vmem>>, vector<1x2xf32>
    %add3A_55 = vector.broadcast %get3A_54 : vector<1x2xf32> to vector<16x2xf32>
    %add3A_56 = arith.addf %dot_general3A_51, %add3A_55 : vector<16x2xf32>
    %reduce_max3A = arith.constant dense<0xFF800000> : vector<16xf32>
    %reduce_max3A_57 = vector.multi_reduction <maximumf>, %add3A_56, %reduce_max3A [1] : vector<16x2xf32> to vector<16xf32>
    %broadcast_in_dim3A_58 = vector.shape_cast %reduce_max3A_57 : vector<16xf32> to vector<16x1xf32>
    %sub3A_59 = vector.broadcast %broadcast_in_dim3A_58 : vector<16x1xf32> to vector<16x2xf32>
    %sub3A_60 = arith.subf %add3A_56, %sub3A_59 : vector<16x2xf32>
    %exp3A = math.exp %sub3A_60 : vector<16x2xf32>
    %reduce_sum3A_61 = arith.constant dense<0.000000e+00> : vector<16xf32>
    %reduce_sum3A_62 = vector.multi_reduction <add>, %exp3A, %reduce_sum3A_61 [1] : vector<16x2xf32> to vector<16xf32>
    %broadcast_in_dim3A_63 = vector.shape_cast %reduce_sum3A_62 : vector<16xf32> to vector<16x1xf32>
    %log3A = math.log %broadcast_in_dim3A_63 : vector<16x1xf32>
    %add3A_64 = arith.addf %broadcast_in_dim3A_58, %log3A : vector<16x1xf32>
    %sub3A_65 = vector.broadcast %add3A_64 : vector<16x1xf32> to vector<16x2xf32>
    %sub3A_66 = arith.subf %add3A_56, %sub3A_65 : vector<16x2xf32>
    %get3A_67 = arith.constant 0 : index
    %get3A_68 = arith.constant 0 : index
    %get3A_69 = vector.load %arg10[%get3A_67, %get3A_68] : memref<16x1xi32, #tpu.memory_space<vmem>>, vector<16x1xi32>
    %iota3A = tpu.iota {dimensions = array<i32: 1>} : vector<1x2xi32>
    %eq3A = vector.broadcast %get3A_69 : vector<16x1xi32> to vector<16x2xi32>
    %eq3A_70 = vector.broadcast %iota3A : vector<1x2xi32> to vector<16x2xi32>
    %eq3A_71 = arith.cmpi eq, %eq3A, %eq3A_70 : vector<16x2xi32>
    %convert_element_type3A = arith.extui %eq3A_71 : vector<16x2xi1> to vector<16x2xi32>
    %convert_element_type3A_72 = arith.sitofp %convert_element_type3A : vector<16x2xi32> to vector<16x2xf32>
    %mul3A_73 = arith.mulf %sub3A_66, %convert_element_type3A_72 : vector<16x2xf32>
    %reduce_sum3A_74 = arith.constant dense<0.000000e+00> : vector<16xf32>
    %reduce_sum3A_75 = vector.multi_reduction <add>, %mul3A_73, %reduce_sum3A_74 [1] : vector<16x2xf32> to vector<16xf32>
    %reduce_sum3A_76 = vector.shape_cast %reduce_sum3A_75 : vector<16xf32> to vector<1x16xf32>
    %reduce_sum3A_77 = arith.constant dense<0.000000e+00> : vector<1xf32>
    %reduce_sum3A_78 = vector.multi_reduction <add>, %reduce_sum3A_76, %reduce_sum3A_77 [1] : vector<1x16xf32> to vector<1xf32>
    %reduce_sum3A_79 = vector.shape_cast %reduce_sum3A_78 : vector<1xf32> to vector<1x1xf32>
    %reduce_sum3A_80 = vector.extract %reduce_sum3A_79[0, 0] : f32 from vector<1x1xf32>
    %div3A_81 = arith.constant 1.600000e+01 : f32
    %div3A_82 = arith.divf %reduce_sum3A_80, %div3A_81 : f32
    %neg3A = arith.constant 0.000000e+00 : f32
    %neg3A_83 = arith.subf %neg3A, %div3A_82 : f32
    %swap3A = arith.constant 0 : index
    %swap3A_84 = arith.constant 0 : index
    %swap3A_85 = vector.load %arg11[%swap3A, %swap3A_84] : memref<16x2xf32, #tpu.memory_space<vmem>>, vector<16x2xf32>
    tpu.vector_store %arg11[%swap3A, %swap3A_84], %add3A_56 {strides = array<i32>} : memref<16x2xf32, #tpu.memory_space<vmem>>, vector<16x2xf32>,
    %reshape3A = vector.broadcast %neg3A_83 : f32 to vector<1x1xf32>
    %swap3A_86 = arith.constant 0 : index
    %swap3A_87 = arith.constant 0 : index
    %swap3A_88 = vector.load %arg12[%swap3A_86, %swap3A_87] : memref<1x1xf32, #tpu.memory_space<vmem>>, vector<1x1xf32>
    tpu.vector_store %arg12[%swap3A_86, %swap3A_87], %reshape3A {strides = array<i32>} : memref<1x1xf32, #tpu.memory_space<vmem>>, vector<1x1xf32>,
    return
  }
}

</mosaic_0001>

<sc_bundles>
// kernel: kernel.16.cloned.1.call-start
scs
__scs_entry_jumppad:
0x0: {  	(pc) =	sbr.rel $0x88, $3  }
0x1: {  	(tag) =	ssettag $0x0;
	lr =	simm.s32 $0x1  }
0x2: {  	[smem:$0x3F8C] =	sst lr;
	_ =	strace $0xD0000000  }
0x3: {  	_ = 	snop  }
0x4: {  	_ = 	snop  }
0x5: {  	_ = 	snop  }
0x6: {  	_ = 	snop  }
0x7: {  	_ = 	snop  }
__scs_overlays_trampoline_lowered:
0x8: {  	[smem:$0x3F9B] =	sst s0  }
0x9: {  	[smem:$0x3F9C] =	sst s1  }
0xa: {  	[smem:$0x3F9D] =	sst s2  }
0xb: {  	[smem:$0x3F9E] =	sst s3  }
0xc: {  	[smem:$0x3F9F] =	sst s4  }
0xd: {  	[smem:$0x3FA0] =	sst s5  }
0xe: {  	[smem:$0x3FA1] =	sst s6  }
0xf: {  	[smem:$0x3FA2] =	sst s7  }
0x10: {  	[smem:$0x3FA3] =	sst s8  }
0x11: {  	[smem:$0x3FA4] =	sst s9;
	s0 =	simm.s32 @!p0 $0x0  }
0x12: {  	s1 =	sld [smem:$0x3F8A];
	s0 =	simm.s32 @p0 $0x1  }
0x13: {  	[smem:$0x3FA5] =	sst s0;
	s0 =	simm.s32 @!p1 $0x0  }
0x14: {  	s2 =	sld [smem:$0x3F89];
	s0 =	simm.s32 @p1 $0x1  }
0x15: {  	[smem:$0x3FA6] =	sst s0;
	s0 =	simm.s32 @!p2 $0x0  }
0x16: {  	s3 =	sld [smem:$0x3FDB];
	s0 =	simm.s32 @p2 $0x1  }
0x17: {  	s4 =	simm.s32 $0x1BF5;
	[smem:$0x3FA8] =	sst s0  }
0x18: {  	s0 =	sld [smem:$0x3F8B];
	_ =	swait.ge [sflag:s4], $0x0  }
0x19: {  	s7 =	sld [smem:$0x3F8C]  }
0x1a: {  	s8 =	sadd.s32 $0xFFFFE003, lr  }
0x1b: {  	s9 =	sadd.s32 $0xFFFFFEF7, lr;
	s5 =	simm.s32 $0xFFFFFFFF;
	p2 =	slt.u32 s8, $0xFFFFF086  }
0x1c: {  	p1 =	slt.u32 s9, $0xF7A;
	s5 =	simm.s32 @!p2 $0x0  }
0x1d: {  	s5 =	simm.s32 @p1 $0x1;
	p0 =	seq.s32 s7, s2  }
0x1e: {  	s7 =	smul.u32 @!p0 $0xF7A, s2;
	p2 =	seq.s32 @!p0 s5, $0x0  }
0x1f: {  	s9 =	smul.u32 $0xF7A, s1;
	s8 =	simm.s32 @!p0 $0x1BF5;
	p2 =	por !p2, p0  }
0x20: {  	[sflag:s8] =	ssyncset.s32 @!p0 $0xFFFFF086;
	s6 =	sadd.s32 @!p0 s3, s7;
	s7 =	simm.s32 @!p0 $0x108  }
0x21: {  	s3 =	sadd.s32 s3, s9;
	s6 =	sadd.s32 @!p0 $0x88, s6;
	s7 =	simm.s32 @p2 $0x1082  }
0x22: {  	[simem:s7], [sflag:s8] =	dma.local @!p0 [hbm:s6], $0xF7A  }
0x23: {  	s9 =	sor.u32 $0xD0000000, s2;
	s6 =	simm.s32 $0x108;
	_ =	swait.ge @!p0 [sflag:s8], $0x0  }
0x24: {  	s3 =	sadd.s32 $0x88, s3;
	s6 =	simm.s32 @!p1 $0x1082;
	[sflag:s4] =	ssyncset.s32 $0xFFFFF086  }
0x25: {  	[simem:s6], [sflag:s4] =	dma.local [hbm:s3], $0xF7A  }
0x26: {  	[smem:$0x3F8C] =	sst s1;
	(tag) =	ssettag s2;
	_ =	strace s9  }
0x27: {  	s1 =	sld [smem:$0x3F9C]  }
0x28: {  	s2 =	sld [smem:$0x3F9D]  }
0x29: {  	s4 =	sld [smem:$0x3F9F]  }
0x2a: {  	p0 =	seq.s32 s5, $0x0;
	s5 =	sld [smem:$0x3FA0]  }
0x2b: {  	s6 =	sld [smem:$0x3FA1]  }
0x2c: {  	s7 =	sld [smem:$0x3FA2]  }
0x2d: {  	s3 =	simm.s32 $0x108;
	s8 =	sld [smem:$0x3FA3]  }
0x2e: {  	s3 =	simm.s32 @!p0 $0x1082;
	s9 =	sld [smem:$0x3FA4]  }
0x2f: {  	lr =	sadd.s32 s0, s3;
	s0 =	sld [smem:$0x3F9B]  }
0x30: {  	s3 =	sld [smem:$0x3F9E]  }
0x31: {  	[smem:$0x3FA7] =	sst s10  }
0x32: {  	s10 =	sld [smem:$0x3FA5];
	_ =	sdelay $0x3  }
0x33: {  	p0 =	seq.s32 s10, $0x1;
	s10 =	sld [smem:$0x3FA7];
	_ =	sdelay $0x3  }
0x34: {  	[smem:$0x3FA7] =	sst s10  }
0x35: {  	s10 =	sld [smem:$0x3FA6];
	_ =	sdelay $0x3  }
0x36: {  	p1 =	seq.s32 s10, $0x1;
	s10 =	sld [smem:$0x3FA7];
	_ =	sdelay $0x3  }
0x37: {  	[smem:$0x3FA7] =	sst s10  }
0x38: {  	s10 =	sld [smem:$0x3FA8]  }
0x39: {  	_ = 	snop;
	(pc) =	sbr.ind lr, $3  }
0x3a: {  	_ = 	snop  }
0x3b: {  	_ = 	snop  }
0x3c: {  	p2 =	seq.s32 s10, $0x1;
	s10 =	sld [smem:$0x3FA7]  }
0x3d: {  	_ =	shalt  }
0x3e: {  	_ =	shalt  }
0x3f: {  	_ =	shalt  }
0x40: {  	_ =	shalt  }
0x41: {  	_ =	shalt  }
0x42: {  	_ =	shalt  }
0x43: {  	_ =	shalt  }
0x44: {  	_ =	shalt  }
0x45: {  	_ =	shalt  }
0x46: {  	_ =	shalt  }
0x47: {  	_ =	shalt  }
0x48: {  	_ =	shalt  }
0x49: {  	_ =	shalt  }
0x4a: {  	_ =	shalt  }
0x4b: {  	_ =	shalt  }
0x4c: {  	_ =	shalt  }
0x4d: {  	_ =	shalt  }
0x4e: {  	_ =	shalt  }
0x4f: {  	_ =	shalt  }
0x50: {  	_ =	shalt  }
0x51: {  	_ =	shalt  }
0x52: {  	_ =	shalt  }
0x53: {  	_ =	shalt  }
0x54: {  	_ =	shalt  }
0x55: {  	_ =	shalt  }
0x56: {  	_ =	shalt  }
0x57: {  	_ =	shalt  }
0x58: {  	_ =	shalt  }
0x59: {  	_ =	shalt  }
0x5a: {  	_ =	shalt  }
0x5b: {  	_ =	shalt  }
0x5c: {  	_ =	shalt  }
0x5d: {  	_ =	shalt  }
0x5e: {  	_ =	shalt  }
0x5f: {  	_ =	shalt  }
0x60: {  	_ =	shalt  }
0x61: {  	_ =	shalt  }
0x62: {  	_ =	shalt  }
0x63: {  	_ =	shalt  }
0x64: {  	_ =	shalt  }
0x65: {  	_ =	shalt  }
0x66: {  	_ =	shalt  }
0x67: {  	_ =	shalt  }
0x68: {  	_ =	shalt  }
0x69: {  	_ =	shalt  }
0x6a: {  	_ =	shalt  }
0x6b: {  	_ =	shalt  }
0x6c: {  	_ =	shalt  }
0x6d: {  	_ =	shalt  }
0x6e: {  	_ =	shalt  }
0x6f: {  	_ =	shalt  }
0x70: {  	_ =	shalt  }
0x71: {  	_ =	shalt  }
0x72: {  	_ =	shalt  }
0x73: {  	_ =	shalt  }
0x74: {  	_ =	shalt  }
0x75: {  	_ =	shalt  }
0x76: {  	_ =	shalt  }
0x77: {  	_ =	shalt  }
0x78: {  	_ =	shalt  }
0x79: {  	_ =	shalt  }
0x7a: {  	_ =	shalt  }
0x7b: {  	_ =	shalt  }
0x7c: {  	_ =	shalt  }
0x7d: {  	_ =	shalt  }
0x7e: {  	_ =	shalt  }
0x7f: {  	_ =	shalt  }
0x80: {  	_ =	shalt  }
0x81: {  	_ =	shalt  }
0x82: {  	_ =	shalt  }
0x83: {  	_ =	shalt  }
0x84: {  	_ =	shalt  }
0x85: {  	_ =	shalt  }
0x86: {  	_ =	shalt  }
0x87: {  	_ =	shalt  }
.Lfunc_end0:
.L_simem_size_0:
called_computation_lowered:
.L_overlay_start_0:
0x88: {  	s2 =	sld [smem:$0x3FD9]  }
0x89: {  	s3 =	sld [smem:$0x3FFE];
	_ =	sdelay $0x1  }
0x8a: {  	s1 =	srdreg.scid  }
0x8b: {  	s0 =	sand.u32 $0x1, s1  }
0x8c: {  	s16 =	sshll.u32 s0, $0xA;
	s2 =	sadd.s32 s3, s2  }
0x8d: {  	s2 =	sadd.s32 s2, s16  }
0x8e: {  	[smem:$0x3FB3] =	sst s2  }
0x8f: {  	_ = 	snop  }
0x90: {  	(tm) =	ssettm $0x1  }
0x91: {  	s17 =	sld [smem:$0x3FFB];
	_ =	sdelay $0x3  }
0x92: {  	_ =	strace s17  }
0x93: {  	s2 =	sld [smem:$0x3FFC];
	_ =	sdelay $0x3  }
0x94: {  	_ =	strace s2  }
0x95: {  	s2 =	sld [smem:$0x3FFD];
	_ =	sdelay $0x3  }
0x96: {  	_ =	strace s2  }
0x97: {  	_ =	strace $0x8FFFFFFF  }
0x98: {  	s18 =	sld [smem:$0x3FDB];
	_ =	sdelay $0x1  }
0x99: {  	s19 =	simm.s32 $_scs_section_size  }
0x9a: {  	s4 =	simm.s32 $_size__tile_overlayer_lowered;
	s5 =	simm.s32 $_tile_overlayer_lowered  }
0x9b: {  	s22 =	simm.s32 $0x1BFF;
	s21 =	sshll.u32 s5, $0x1;
	s2 =	sadd.s32 s19, s18  }
0x9c: {  	s6 =	simm.s32 $0x0;
	s20 =	sshll.u32 s4, $0x1;
	s4 =	sadd.s32 s21, s2  }
0x9d: {  	[timem:s6], [sflag:s22] =	dma.local [hbm:s4], s20  }
0x9e: {  	_ =	swait.ge [sflag:s22], s20  }
0x9f: {  	s3 =	ssub.s32 $0x0, s20;
	[sflag:s22] =	ssyncset.done $0x0  }
0xa0: {  	[sflag:s22] =	ssyncadd.s32 s3;
	_ =	sdelay $0x1  }
0xa1: {  	s23 =	simm.s32 $0x1B8B  }
0xa2: {  	_ =	swait.ge [sflag:s23], $0x1  }
0xa3: {  	[sflag:s23] =	ssyncset.done $0x0  }
0xa4: {  	s25 =	simm.s32 $0x1B8E;
	s24 =	sld [smem:$0x3FFE];
	[sflag:s23] =	ssyncadd.s32 $0xFFFFFFFF  }
0xa5: {  	s26 =	simm.s32 $execute0_lowered;
	[smem:$0x3FD2] =	sst s25  }
0xa6: {  	s4 =	sshll.u32 s26, $0x1;
	_ =	strace $0x80000046;
	[dreg:$0x1] =	wrdreg $0xFFFFFFFF  }
0xa7: {  	s28 =	simm.s32 $_size_execute0_lowered;
	s2 =	sadd.s32 s2, s4;
	[dreg:$0x0] =	wrdreg $0x0  }
0xa8: {  	s4 =	sshll.u32 s28, $0x1;
	[dreg:$0x2] =	wrdreg s2  }
0xa9: {  	[dreg:$0x3] =	wrdreg s4  }
0xaa: {  	[dreg:$0x4] =	wrdreg $0xC0  }
0xab: {  	_ =	task [dreg:s6], $0x5FFFF  }
0xac: {  	[dreg:$0x1] =	wrdreg $0xFFFFFFFF  }
0xad: {  	[dreg:$0x0] =	wrdreg $0x60  }
0xae: {  	[dreg:$0x2] =	wrdreg s24  }
0xaf: {  	[dreg:$0x3] =	wrdreg $0x9  }
0xb0: {  	_ =	task.clear_ibuf [dreg:s6], $0x4FFFF;
	_ =	strace $0x90000046  }
0xb1: {  	s29 =	simm.s32 $0x9;
	_ =	strace $0x80000048  }
0xb2: {  	_ =	swait.ge [sflag:s29], $0x1  }
0xb3: {  	[sflag:s29] =	ssyncadd.s32 $0xFFFFFFFF  }
0xb4: {  	_ =	strace $0x90000048  }
0xb5: {  	_ =	sfence  }
0xb6: {  	s30 =	sld [smem:$0x0];
	_ =	sdelay $0x2  }
0xb7: {  	s31 =	sshll.u32 s1, $0xD;
	s1 =	sshrl.u32 s1, $0x2  }
0xb8: {  	s3 =	sand.u32 $0x4000, s31;
	s1 =	sadd.s32 s1, s30  }
0xb9: {  	s0 =	sor.u32 s3, s0;
	s1 =	sshll.u32 s1, $0x11  }
0xba: {  	s0 =	sor.u32 s1, s0  }
0xbb: {  	s0 =	sadd.s32 $0x8F2B, s0  }
0xbc: {  	[sflag:s0] =	ssyncadd.remote.s32 $0x1  }
0xbd: {  	_ =	sfence.sel $0xFFFF  }
0xbe: {  	[dreg:$0x0] =	wrdreg $0xFFFFFFFF;
	(pc) =	sbr.abs _section_cstart, $3  }
0xbf: {  	[dreg:$0x1] =	wrdreg $0xFFFFFFFF  }
0xc0: {  	_ =	task.clear_ibuf [dreg:s6], $0x2FFFF;
	_ =	strace $0x9FFFFFFF  }
0xc1: {  	(tm) =	ssettm $0x7FFFFFFF  }
tec
execute0_lowered:
.L_overlay_start_1:
0x0: {  	(tag) =	ssettag $0x1  }
0x1: {  	s3 =	rddreg [dreg:$0x0]  }
0x2: {  	s0 =	rddreg [dreg:$0x1]  }
0x3: {  	s2 =	simm.s32 $0x0;
	s4 =	srdreg.scid;
	s1 =	stileid.u32  }
0x4: {  	s15 =	simm.s32 $0x80;
	s16 =	simm.s32 $0x400;
	s17 =	simm.s32 $0x1  }
0x5: {  	s18 =	simm.s32 $0x2800;
	s19 =	simm.s32 $0x2C00;
	s20 =	simm.s32 $0x3000  }
0x6: {  	s21 =	simm.s32 $0x3400;
	s22 =	simm.s32 $0x3800;
	s23 =	simm.s32 $0x3C00  }
0x7: {  	s24 =	simm.s32 $0x4000;
	s25 =	simm.s32 $0x4400;
	s26 =	simm.s32 $0x4800  }
0x8: {  	s28 =	simm.s32 $0x4C00;
	s29 =	simm.s32 $0x0;
	s4 =	sand.u32 $0x1, s4  }
0x9: {  	s5 =	sshrl.u32 s1, $0x2;
	s6 =	sshll.u32 s1, $0x8;
	[smem:$0x7FF] =	sst s2  }
0xa: {  	s7 =	sshll.u32 s4, $0x7;
	s6 =	sand.u32 $0x300, s6;
	s8 =	smul.u32 $0x14000, s5  }
0xb: {  	s5 =	sshll.u32 s5, $0xD;
	_ =	strace $0x80000047;
	s6 =	sor.u32 s7, s6  }
0xc: {  	s4 =	ssub.s32 $0x2, s4;
	s7 =	sor.u32 s8, s6;
	s5 =	sor.u32 s5, s6  }
0xd: {  	s31 =	sshrl.u32 s4, $0x1;
	s30 =	sshrl.u32 s7, $0x3;
	s5 =	sshrl.u32 s5, $0x3  }
0xe: {  	s14 =	ssub.s32 s4, s31;
	s6 =	sadd.s32 s30, s3;
	s13 =	sadd.s32 s5, s3  }
0xf: {  	s14 =	smax.u32 s14, $0x1;
	s3 =	sadd.s32 $0x1A600, s6;
	s4 =	sadd.s32 $0x24600, s13  }
0x10: {  	s5 =	sadd.s32 $0x25600, s13;
	s6 =	sadd.s32 $0x26600, s13;
	s7 =	sadd.s32 $0x27600, s13  }
0x11: {  	s8 =	sadd.s32 $0x28600, s13;
	s9 =	sadd.s32 $0x29600, s13;
	s10 =	sadd.s32 $0x2A600, s13  }
0x12: {  	v0 =	vimm.f32 $0.0e+00;
	v1 =	vimm.f32 $1.000000000e+00;
	s11 =	sadd.s32 $0x2B600, s13;
	s12 =	sadd.s32 $0x2C600, s13;
	s13 =	sadd.s32 $0x2D600, s13  }
.LBB2_1:
0x13: {  	[tilespmem:s2], [sflag:$0x1] =	stream.strided.gather [hbm4b:s3+s15], $0x2800, s16, s15, $0x38;
	[tilespmem:$0x5000] =	vst v63  }
0x14: {  	_ =	swait.ge [sflag:s17], $0x2800  }
0x15: {  	[sflag:s17] =	ssyncset.done $0x0  }
0x16: {  	s30 =	simm.s32 $0x0;
	[sflag:s17] =	ssyncadd.s32 $0xFFFFD800  }
.LBB2_2:
0x17: {  	p0 =	sne.s32 s30, $0x9FC0  }
.Ltmp0:
0x18: {  	_ = 	snop;
	(pc) =	sbr.rel @p0 .LBB2_2-.Ltmp0, $3  }
0x19: {  	_ =	sdelay $0x1  }
0x1a: {  	s31 =	sshra.s32 s30, $0x2  }
0x1b: {  	s30 =	sadd.s32 $0x40, s30;
	[tilespmem:s31+$0x2800] =	vst v0  }
0x1c: {  	s31 =	simm.s32 $0x0;
	s30 =	simm.s32 $0x40  }
.LBB2_4:
0x1d: {  	p0 =	sne.s32 s30, $0x9FC0;
	v2 =	vld [tilespmem:s31+$0x0];
	_ =	sdelay $0x3  }
.Ltmp1:
0x1e: {  	(pc) =	sbr.rel @p0 .LBB2_4-.Ltmp1, $2  }
0x1f: {  	_ =	sdelay $0x2  }
0x20: {  	s31 =	sshra.s32 s30, $0x2;
	s30 =	sadd.s32 $0x40, s30;
	[tilespmem:v2+s18+$0x0] =	vst.idx.add.f32.msk $0xffff, v1  }
0x21: {  	v2 =	vld [tilespmem:s31+$0x0];
	_ =	sdelay $0x7  }
0x22: {  	[tilespmem:v2+s18+$0x0] =	vst.idx.add.f32.msk $0xffff, v1  }
0x23: {  	[hbm4b:s4+s15] =	stream.strided.scatter [tilespmem:s18], [sflag:$0x1], $0x400, s16, s15, $0x38;
	[tilespmem:$0x5000] =	vst v63  }
0x24: {  	_ =	swait.ge [sflag:s17], $0x400  }
0x25: {  	[sflag:s17] =	ssyncset.done $0x0  }
0x26: {  	[sflag:s17] =	ssyncadd.s32 $0xFFFFFC00  }
0x27: {  	[hbm4b:s5+s15] =	stream.strided.scatter [tilespmem:s19], [sflag:$0x1], $0x400, s16, s15, $0x38;
	[tilespmem:$0x5000] =	vst v63  }
0x28: {  	_ =	swait.ge [sflag:s17], $0x400  }
0x29: {  	[sflag:s17] =	ssyncset.done $0x0  }
0x2a: {  	[sflag:s17] =	ssyncadd.s32 $0xFFFFFC00  }
0x2b: {  	[hbm4b:s6+s15] =	stream.strided.scatter [tilespmem:s20], [sflag:$0x1], $0x400, s16, s15, $0x38;
	[tilespmem:$0x5000] =	vst v63  }
0x2c: {  	_ =	swait.ge [sflag:s17], $0x400  }
0x2d: {  	[sflag:s17] =	ssyncset.done $0x0  }
0x2e: {  	[sflag:s17] =	ssyncadd.s32 $0xFFFFFC00  }
0x2f: {  	[hbm4b:s7+s15] =	stream.strided.scatter [tilespmem:s21], [sflag:$0x1], $0x400, s16, s15, $0x38;
	[tilespmem:$0x5000] =	vst v63  }
0x30: {  	_ =	swait.ge [sflag:s17], $0x400  }
0x31: {  	[sflag:s17] =	ssyncset.done $0x0  }
0x32: {  	[sflag:s17] =	ssyncadd.s32 $0xFFFFFC00  }
0x33: {  	[hbm4b:s8+s15] =	stream.strided.scatter [tilespmem:s22], [sflag:$0x1], $0x400, s16, s15, $0x38;
	[tilespmem:$0x5000] =	vst v63  }
0x34: {  	_ =	swait.ge [sflag:s17], $0x400  }
0x35: {  	[sflag:s17] =	ssyncset.done $0x0  }
0x36: {  	[sflag:s17] =	ssyncadd.s32 $0xFFFFFC00  }
0x37: {  	[hbm4b:s9+s15] =	stream.strided.scatter [tilespmem:s23], [sflag:$0x1], $0x400, s16, s15, $0x38;
	[tilespmem:$0x5000] =	vst v63  }
0x38: {  	_ =	swait.ge [sflag:s17], $0x400  }
0x39: {  	[sflag:s17] =	ssyncset.done $0x0  }
0x3a: {  	[sflag:s17] =	ssyncadd.s32 $0xFFFFFC00  }
0x3b: {  	[hbm4b:s10+s15] =	stream.strided.scatter [tilespmem:s24], [sflag:$0x1], $0x400, s16, s15, $0x38;
	[tilespmem:$0x5000] =	vst v63  }
0x3c: {  	_ =	swait.ge [sflag:s17], $0x400  }
0x3d: {  	[sflag:s17] =	ssyncset.done $0x0  }
0x3e: {  	[sflag:s17] =	ssyncadd.s32 $0xFFFFFC00  }
0x3f: {  	[hbm4b:s11+s15] =	stream.strided.scatter [tilespmem:s25], [sflag:$0x1], $0x400, s16, s15, $0x38;
	[tilespmem:$0x5000] =	vst v63  }
0x40: {  	_ =	swait.ge [sflag:s17], $0x400  }
0x41: {  	[sflag:s17] =	ssyncset.done $0x0  }
0x42: {  	[sflag:s17] =	ssyncadd.s32 $0xFFFFFC00  }
0x43: {  	[hbm4b:s12+s15] =	stream.strided.scatter [tilespmem:s26], [sflag:$0x1], $0x400, s16, s15, $0x38;
	[tilespmem:$0x5000] =	vst v63  }
0x44: {  	s29 =	sadd.s32 $0x1, s29;
	_ =	swait.ge [sflag:s17], $0x400  }
0x45: {  	p0 =	sne.s32 s29, s14;
	[sflag:s17] =	ssyncset.done $0x0  }
.Ltmp2:
0x46: {  	[sflag:s17] =	ssyncadd.s32 $0xFFFFFC00;
	(pc) =	sbr.rel @p0 .LBB2_1-.Ltmp2, $4  }
0x47: {  	[hbm4b:s13+s15] =	stream.strided.scatter [tilespmem:s28], [sflag:$0x1], $0x400, s16, s15, $0x38;
	[tilespmem:$0x5000] =	vst v63  }
0x48: {  	_ =	swait.ge [sflag:s17], $0x400  }
0x49: {  	[sflag:s17] =	ssyncset.done $0x0  }
0x4a: {  	[sflag:s17] =	ssyncadd.s32 $0xFFFFFC00  }
0x4b: {  	_ =	sfence.sel $0x180000  }
0x4c: {  	[bflag:$0x0] =	sbarrier.arrive $0xFFFF  }
0x4d: {  	p0 =	sne.s32 s1, $0x0;
	_ =	strace $0x90000047  }
0x4e: {  	s0 =	sadd.s32 @!p0 $0x100000, s0;
	[bflag:$0x2] =	sbarrier.arrive $0xFFFF  }
0x4f: {  	[sflag:s0] =	ssyncadd.tile.s32 @!p0 $0x1;
	_ =	shalt  }
.Lfunc_end2:
_tile_overlayer_lowered:
.L_overlay_start_2:
0x50: {  	(tag) =	ssettag $0x2  }
0x51: {  	s0 =	rddreg [dreg:$0x0];
	s2 =	stileid.u32  }
0x52: {  	s1 =	rddreg [dreg:$0x1];
	p0 =	sne.s32 s2, $0x0  }
0x53: {  	s3 =	rddreg [dreg:$0x2];
	[bflag:$0x3] =	sbarrier.arrive $0xFFFF;
	s2 =	simm.s32 @!p0 $0x1C01  }
0x54: {  	[timem:s3], [sflag:s2] =	dma.local @!p0 [hbm:s0], s1  }
0x55: {  	s0 =	simm.s32 @!p0 $0x1  }
0x56: {  	_ =	swait.ge @!p0 [sflag:s0], s1  }
0x57: {  	s1 =	ssub.s32 @!p0 $0x0, s1;
	[sflag:s0] =	ssyncset.done @!p0 $0x0  }
0x58: {  	[sflag:s0] =	ssyncadd.s32 @!p0 s1  }
0x59: {  	[bflag:$0x3] =	sbarrier.arrive $0xFFFF  }
0x5a: {  	_ =	shalt  }

// kernel: kernel.19.cloned.1.call-start
scs
__scs_entry_jumppad:
0x0: {  	(pc) =	sbr.rel $0x88, $3  }
0x1: {  	(tag) =	ssettag $0x0;
	lr =	simm.s32 $0x1  }
0x2: {  	[smem:$0x3F8C] =	sst lr;
	_ =	strace $0xD0000000  }
0x3: {  	_ = 	snop  }
0x4: {  	_ = 	snop  }
0x5: {  	_ = 	snop  }
0x6: {  	_ = 	snop  }
0x7: {  	_ = 	snop  }
__scs_overlays_trampoline_lowered:
0x8: {  	[smem:$0x3F9B] =	sst s0  }
0x9: {  	[smem:$0x3F9C] =	sst s1  }
0xa: {  	[smem:$0x3F9D] =	sst s2  }
0xb: {  	[smem:$0x3F9E] =	sst s3  }
0xc: {  	[smem:$0x3F9F] =	sst s4  }
0xd: {  	[smem:$0x3FA0] =	sst s5  }
0xe: {  	[smem:$0x3FA1] =	sst s6  }
0xf: {  	[smem:$0x3FA2] =	sst s7  }
0x10: {  	[smem:$0x3FA3] =	sst s8  }
0x11: {  	[smem:$0x3FA4] =	sst s9;
	s0 =	simm.s32 @!p0 $0x0  }
0x12: {  	s1 =	sld [smem:$0x3F8A];
	s0 =	simm.s32 @p0 $0x1  }
0x13: {  	[smem:$0x3FA5] =	sst s0;
	s0 =	simm.s32 @!p1 $0x0  }
0x14: {  	s2 =	sld [smem:$0x3F89];
	s0 =	simm.s32 @p1 $0x1  }
0x15: {  	[smem:$0x3FA6] =	sst s0;
	s0 =	simm.s32 @!p2 $0x0  }
0x16: {  	s3 =	sld [smem:$0x3FDB];
	s0 =	simm.s32 @p2 $0x1  }
0x17: {  	s4 =	simm.s32 $0x1BF5;
	[smem:$0x3FA8] =	sst s0  }
0x18: {  	s0 =	sld [smem:$0x3F8B];
	_ =	swait.ge [sflag:s4], $0x0  }
0x19: {  	s7 =	sld [smem:$0x3F8C]  }
0x1a: {  	s8 =	sadd.s32 $0xFFFFE003, lr  }
0x1b: {  	s9 =	sadd.s32 $0xFFFFFEF7, lr;
	s5 =	simm.s32 $0xFFFFFFFF;
	p2 =	slt.u32 s8, $0xFFFFF086  }
0x1c: {  	p1 =	slt.u32 s9, $0xF7A;
	s5 =	simm.s32 @!p2 $0x0  }
0x1d: {  	s5 =	simm.s32 @p1 $0x1;
	p0 =	seq.s32 s7, s2  }
0x1e: {  	s7 =	smul.u32 @!p0 $0xF7A, s2;
	p2 =	seq.s32 @!p0 s5, $0x0  }
0x1f: {  	s9 =	smul.u32 $0xF7A, s1;
	s8 =	simm.s32 @!p0 $0x1BF5;
	p2 =	por !p2, p0  }
0x20: {  	[sflag:s8] =	ssyncset.s32 @!p0 $0xFFFFF086;
	s6 =	sadd.s32 @!p0 s3, s7;
	s7 =	simm.s32 @!p0 $0x108  }
0x21: {  	s3 =	sadd.s32 s3, s9;
	s6 =	sadd.s32 @!p0 $0x88, s6;
	s7 =	simm.s32 @p2 $0x1082  }
0x22: {  	[simem:s7], [sflag:s8] =	dma.local @!p0 [hbm:s6], $0xF7A  }
0x23: {  	s9 =	sor.u32 $0xD0000000, s2;
	s6 =	simm.s32 $0x108;
	_ =	swait.ge @!p0 [sflag:s8], $0x0  }
0x24: {  	s3 =	sadd.s32 $0x88, s3;
	s6 =	simm.s32 @!p1 $0x1082;
	[sflag:s4] =	ssyncset.s32 $0xFFFFF086  }
0x25: {  	[simem:s6], [sflag:s4] =	dma.local [hbm:s3], $0xF7A  }
0x26: {  	[smem:$0x3F8C] =	sst s1;
	(tag) =	ssettag s2;
	_ =	strace s9  }
0x27: {  	s1 =	sld [smem:$0x3F9C]  }
0x28: {  	s2 =	sld [smem:$0x3F9D]  }
0x29: {  	s4 =	sld [smem:$0x3F9F]  }
0x2a: {  	p0 =	seq.s32 s5, $0x0;
	s5 =	sld [smem:$0x3FA0]  }
0x2b: {  	s6 =	sld [smem:$0x3FA1]  }
0x2c: {  	s7 =	sld [smem:$0x3FA2]  }
0x2d: {  	s3 =	simm.s32 $0x108;
	s8 =	sld [smem:$0x3FA3]  }
0x2e: {  	s3 =	simm.s32 @!p0 $0x1082;
	s9 =	sld [smem:$0x3FA4]  }
0x2f: {  	lr =	sadd.s32 s0, s3;
	s0 =	sld [smem:$0x3F9B]  }
0x30: {  	s3 =	sld [smem:$0x3F9E]  }
0x31: {  	[smem:$0x3FA7] =	sst s10  }
0x32: {  	s10 =	sld [smem:$0x3FA5];
	_ =	sdelay $0x3  }
0x33: {  	p0 =	seq.s32 s10, $0x1;
	s10 =	sld [smem:$0x3FA7];
	_ =	sdelay $0x3  }
0x34: {  	[smem:$0x3FA7] =	sst s10  }
0x35: {  	s10 =	sld [smem:$0x3FA6];
	_ =	sdelay $0x3  }
0x36: {  	p1 =	seq.s32 s10, $0x1;
	s10 =	sld [smem:$0x3FA7];
	_ =	sdelay $0x3  }
0x37: {  	[smem:$0x3FA7] =	sst s10  }
0x38: {  	s10 =	sld [smem:$0x3FA8]  }
0x39: {  	_ = 	snop;
	(pc) =	sbr.ind lr, $3  }
0x3a: {  	_ = 	snop  }
0x3b: {  	_ = 	snop  }
0x3c: {  	p2 =	seq.s32 s10, $0x1;
	s10 =	sld [smem:$0x3FA7]  }
0x3d: {  	_ =	shalt  }
0x3e: {  	_ =	shalt  }
0x3f: {  	_ =	shalt  }
0x40: {  	_ =	shalt  }
0x41: {  	_ =	shalt  }
0x42: {  	_ =	shalt  }
0x43: {  	_ =	shalt  }
0x44: {  	_ =	shalt  }
0x45: {  	_ =	shalt  }
0x46: {  	_ =	shalt  }
0x47: {  	_ =	shalt  }
0x48: {  	_ =	shalt  }
0x49: {  	_ =	shalt  }
0x4a: {  	_ =	shalt  }
0x4b: {  	_ =	shalt  }
0x4c: {  	_ =	shalt  }
0x4d: {  	_ =	shalt  }
0x4e: {  	_ =	shalt  }
0x4f: {  	_ =	shalt  }
0x50: {  	_ =	shalt  }
0x51: {  	_ =	shalt  }
0x52: {  	_ =	shalt  }
0x53: {  	_ =	shalt  }
0x54: {  	_ =	shalt  }
0x55: {  	_ =	shalt  }
0x56: {  	_ =	shalt  }
0x57: {  	_ =	shalt  }
0x58: {  	_ =	shalt  }
0x59: {  	_ =	shalt  }
0x5a: {  	_ =	shalt  }
0x5b: {  	_ =	shalt  }
0x5c: {  	_ =	shalt  }
0x5d: {  	_ =	shalt  }
0x5e: {  	_ =	shalt  }
0x5f: {  	_ =	shalt  }
0x60: {  	_ =	shalt  }
0x61: {  	_ =	shalt  }
0x62: {  	_ =	shalt  }
0x63: {  	_ =	shalt  }
0x64: {  	_ =	shalt  }
0x65: {  	_ =	shalt  }
0x66: {  	_ =	shalt  }
0x67: {  	_ =	shalt  }
0x68: {  	_ =	shalt  }
0x69: {  	_ =	shalt  }
0x6a: {  	_ =	shalt  }
0x6b: {  	_ =	shalt  }
0x6c: {  	_ =	shalt  }
0x6d: {  	_ =	shalt  }
0x6e: {  	_ =	shalt  }
0x6f: {  	_ =	shalt  }
0x70: {  	_ =	shalt  }
0x71: {  	_ =	shalt  }
0x72: {  	_ =	shalt  }
0x73: {  	_ =	shalt  }
0x74: {  	_ =	shalt  }
0x75: {  	_ =	shalt  }
0x76: {  	_ =	shalt  }
0x77: {  	_ =	shalt  }
0x78: {  	_ =	shalt  }
0x79: {  	_ =	shalt  }
0x7a: {  	_ =	shalt  }
0x7b: {  	_ =	shalt  }
0x7c: {  	_ =	shalt  }
0x7d: {  	_ =	shalt  }
0x7e: {  	_ =	shalt  }
0x7f: {  	_ =	shalt  }
0x80: {  	_ =	shalt  }
0x81: {  	_ =	shalt  }
0x82: {  	_ =	shalt  }
0x83: {  	_ =	shalt  }
0x84: {  	_ =	shalt  }
0x85: {  	_ =	shalt  }
0x86: {  	_ =	shalt  }
0x87: {  	_ =	shalt  }
.Lfunc_end0:
.L_simem_size_0:
called_computation.1_lowered:
.L_overlay_start_0:
0x88: {  	s2 =	sld [smem:$0x3FD9]  }
0x89: {  	s3 =	sld [smem:$0x3FFE];
	_ =	sdelay $0x1  }
0x8a: {  	s1 =	srdreg.scid  }
0x8b: {  	s0 =	sand.u32 $0x1, s1  }
0x8c: {  	s16 =	sshll.u32 s0, $0xA;
	s2 =	sadd.s32 s3, s2  }
0x8d: {  	s2 =	sadd.s32 s2, s16  }
0x8e: {  	[smem:$0x3FB3] =	sst s2  }
0x8f: {  	_ = 	snop  }
0x90: {  	(tm) =	ssettm $0x1  }
0x91: {  	s17 =	sld [smem:$0x3FFB];
	_ =	sdelay $0x3  }
0x92: {  	_ =	strace s17  }
0x93: {  	s2 =	sld [smem:$0x3FFC];
	_ =	sdelay $0x3  }
0x94: {  	_ =	strace s2  }
0x95: {  	s2 =	sld [smem:$0x3FFD];
	_ =	sdelay $0x3  }
0x96: {  	_ =	strace s2  }
0x97: {  	_ =	strace $0x8FFFFFFF  }
0x98: {  	s18 =	sld [smem:$0x3FDB];
	_ =	sdelay $0x1  }
0x99: {  	s19 =	simm.s32 $_scs_section_size  }
0x9a: {  	s4 =	simm.s32 $_size__tile_overlayer_lowered;
	s5 =	simm.s32 $_tile_overlayer_lowered  }
0x9b: {  	s22 =	simm.s32 $0x1BFF;
	s21 =	sshll.u32 s5, $0x1;
	s2 =	sadd.s32 s19, s18  }
0x9c: {  	s6 =	simm.s32 $0x0;
	s20 =	sshll.u32 s4, $0x1;
	s4 =	sadd.s32 s21, s2  }
0x9d: {  	[timem:s6], [sflag:s22] =	dma.local [hbm:s4], s20  }
0x9e: {  	_ =	swait.ge [sflag:s22], s20  }
0x9f: {  	s3 =	ssub.s32 $0x0, s20;
	[sflag:s22] =	ssyncset.done $0x0  }
0xa0: {  	[sflag:s22] =	ssyncadd.s32 s3;
	_ =	sdelay $0x1  }
0xa1: {  	s23 =	simm.s32 $0x1B8B  }
0xa2: {  	_ =	swait.ge [sflag:s23], $0x1  }
0xa3: {  	[sflag:s23] =	ssyncset.done $0x0  }
0xa4: {  	s25 =	simm.s32 $0x1B8E;
	s24 =	sld [smem:$0x3FFE];
	[sflag:s23] =	ssyncadd.s32 $0xFFFFFFFF  }
0xa5: {  	s26 =	simm.s32 $execute0_lowered;
	[smem:$0x3FD2] =	sst s25  }
0xa6: {  	s4 =	sshll.u32 s26, $0x1;
	_ =	strace $0x80000049;
	[dreg:$0x1] =	wrdreg $0xFFFFFFFF  }
0xa7: {  	s28 =	simm.s32 $_size_execute0_lowered;
	s2 =	sadd.s32 s2, s4;
	[dreg:$0x0] =	wrdreg $0x0  }
0xa8: {  	s4 =	sshll.u32 s28, $0x1;
	[dreg:$0x2] =	wrdreg s2  }
0xa9: {  	[dreg:$0x3] =	wrdreg s4  }
0xaa: {  	[dreg:$0x4] =	wrdreg $0xC0  }
0xab: {  	_ =	task [dreg:s6], $0x5FFFF  }
0xac: {  	[dreg:$0x1] =	wrdreg $0xFFFFFFFF  }
0xad: {  	[dreg:$0x0] =	wrdreg $0x60  }
0xae: {  	[dreg:$0x2] =	wrdreg s24  }
0xaf: {  	[dreg:$0x3] =	wrdreg $0xA9000  }
0xb0: {  	[dreg:$0x4] =	wrdreg $0x9  }
0xb1: {  	_ =	task.clear_ibuf [dreg:s6], $0x5FFFF;
	_ =	strace $0x90000049  }
0xb2: {  	s29 =	simm.s32 $0x9;
	_ =	strace $0x8000004B  }
0xb3: {  	_ =	swait.ge [sflag:s29], $0x1  }
0xb4: {  	[sflag:s29] =	ssyncadd.s32 $0xFFFFFFFF  }
0xb5: {  	_ =	strace $0x9000004B  }
0xb6: {  	_ =	sfence  }
0xb7: {  	s30 =	sld [smem:$0x0];
	_ =	sdelay $0x2  }
0xb8: {  	s31 =	sshll.u32 s1, $0xD;
	s1 =	sshrl.u32 s1, $0x2  }
0xb9: {  	s3 =	sand.u32 $0x4000, s31;
	s1 =	sadd.s32 s1, s30  }
0xba: {  	s0 =	sor.u32 s3, s0;
	s1 =	sshll.u32 s1, $0x11  }
0xbb: {  	s0 =	sor.u32 s1, s0  }
0xbc: {  	s0 =	sadd.s32 $0x8F2B, s0  }
0xbd: {  	[sflag:s0] =	ssyncadd.remote.s32 $0x1  }
0xbe: {  	_ =	sfence.sel $0xFFFF  }
0xbf: {  	[dreg:$0x0] =	wrdreg $0xFFFFFFFF;
	(pc) =	sbr.abs _section_cstart, $3  }
0xc0: {  	[dreg:$0x1] =	wrdreg $0xFFFFFFFF  }
0xc1: {  	_ =	task.clear_ibuf [dreg:s6], $0x2FFFF;
	_ =	strace $0x9FFFFFFF  }
0xc2: {  	(tm) =	ssettm $0x7FFFFFFF  }
0xc3: {  	_ =	shalt  }
tec
execute0_lowered:
.L_overlay_start_1:
0x0: {  	(tag) =	ssettag $0x1  }
0x1: {  	s1 =	srdreg.scid;
	s8 =	rddreg [dreg:$0x0]  }
0x2: {  	s0 =	stileid.u32;
	s2 =	rddreg [dreg:$0x1]  }
0x3: {  	s4 =	simm.s32 $0x0;
	s17 =	simm.s32 $0x2;
	s18 =	simm.s32 $0x2800  }
0x4: {  	s19 =	simm.s32 $0x80;
	s20 =	simm.s32 $0x2900;
	s21 =	simm.s32 $0x3  }
0x5: {  	s22 =	simm.s32 $0x6900;
	s23 =	simm.s32 $0x2880;
	s28 =	simm.s32 $0x7  }
0x6: {  	s29 =	simm.s32 $0x0;
	s7 =	sand.u32 $0x1, s1;
	s24 =	sshll.u32 s0, $0x1  }
0x7: {  	[smem:$0x7FF] =	sst s4;
	s10 =	smul.u32 $0x14000, s0;
	s5 =	sadd.s32 $0x2E600, s8  }
0x8: {  	s6 =	sadd.s32 $0x10600, s8;
	s13 =	smul.u32 $0x50000, s0;
	s26 =	sadd.s32 $0x56600, s8  }
0x9: {  	s1 =	sor.u32 s7, s24;
	s9 =	smul.u32 $0x140000, s7;
	_ =	strace $0x8000004A  }
0xa: {  	s25 =	ssub.s32 $0x2, s7;
	[dreg:$0x3] =	wrdreg s26;
	s24 =	simm.s32 $0x5  }
0xb: {  	s26 =	simm.s32 $0x6;
	s3 =	smul.u32 $0x2800, s1;
	s30 =	sshrl.u32 s25, $0x1  }
0xc: {  	s31 =	sshrl.u32 s13, $0x2;
	s9 =	sadd.s32 s10, s9;
	s15 =	ssub.s32 s25, s30  }
0xd: {  	s16 =	sadd.s32 s31, s2;
	s11 =	sshrl.u32 s3, $0x3;
	s9 =	sshrl.u32 s9, $0x3  }
0xe: {  	s12 =	sadd.s32 s11, s8;
	s14 =	sadd.s32 s9, s8;
	s8 =	sshll.u32 s0, $0x6  }
0xf: {  	s25 =	simm.s32 $0x4;
	s10 =	sadd.s32 s6, s11;
	s9 =	sor.u32 $0x1C01, s8  }
0x10: {  	s11 =	sadd.s32 $0x6600, s12;
	s12 =	sadd.s32 $0x10, s10;
	s13 =	sadd.s32 $0x58E00, s14  }
0x11: {  	s14 =	smax.u32 s15, $0x1;
	s15 =	sshrl.u32 s16, $0x3;
	s16 =	simm.s32 $0x1  }
.LBB2_1:
0x12: {  	s0 =	rddreg [dreg:$0x3]  }
0x13: {  	[spmem:s15], [sflag:s9] =	dma.local [hbm:s0], $0x2800  }
0x14: {  	[tilespmem:s4], [sflag:$0x2] =	stream.linear.gather [hbm4b:s11+s4], $0x2800, $0x38;
	[tilespmem:$0x1E900] =	vst v63  }
0x15: {  	_ =	swait.ge [sflag:s16], $0x2800  }
0x16: {  	[sflag:s16] =	ssyncset.done $0x0  }
0x17: {  	[sflag:s16] =	ssyncadd.s32 $0xFFFFD800  }
0x18: {  	_ =	swait.ge [sflag:s17], $0x2800  }
0x19: {  	[sflag:s17] =	ssyncset.done $0x0  }
0x1a: {  	[sflag:s17] =	ssyncadd.s32 $0xFFFFD800  }
0x1b: {  	[bflag:$0x0] =	sbarrier.arrive $0xFFFF  }
0x1c: {  	[tilespmem:s18], [sflag:$0x3] =	stream.linear.gather [hbm4b:s10+s4], $0x80, $0x38;
	[tilespmem:$0x1E900] =	vst v63  }
0x1d: {  	_ = 	snop  }
0x1e: {  	[tilespmem:s20], [sflag:$0x1] =	stream.indirect.gather [hbm4b:s5+s19], $0x80, s4, s19, $0xb8;
	[tilespmem:$0x1E900] =	vst v63  }
0x1f: {  	_ =	swait.ge [sflag:s16], $0x4000  }
0x20: {  	[sflag:s16] =	ssyncset.done $0x0  }
0x21: {  	[sflag:s16] =	ssyncadd.s32 $0xFFFFC000  }
0x22: {  	_ =	swait.ge [sflag:s21], $0x80  }
0x23: {  	[sflag:s21] =	ssyncset.done $0x0  }
0x24: {  	[sflag:s21] =	ssyncadd.s32 $0xFFFFFF80  }
0x25: {  	[spmem:s2] =	stream.indirect.scatter.add.f32 [tilespmem:s20], [sflag:$0x5], $0x80, s18, s19, $0xb8;
	[tilespmem:$0x1E900] =	vst v63  }
0x26: {  	s30 =	simm.s32 $0x100  }
0x27: {  	[tilespmem:s22], [sflag:$0x2] =	stream.indirect.gather [hbm4b:s5+s19], $0x80, s19, s19, $0xb8;
	[tilespmem:$0x1E900] =	vst v63  }
0x28: {  	s31 =	sand.u32 $0x7C00, s30  }
0x29: {  	[tilespmem:s23], [sflag:$0x4] =	stream.linear.gather [hbm4b:s12+s4], $0x80, $0x38;
	[tilespmem:$0x1E900] =	vst v63  }
0x2a: {  	s30 =	sand.u32 $0x300, s30;
	s31 =	sadd.s32 s3, s31;
	_ =	swait.ge [sflag:s24], $0x4000  }
0x2b: {  	s31 =	sor.u32 s30, s31;
	[sflag:s24] =	ssyncset.done $0x0  }
0x2c: {  	s30 =	simm.s32 $0x100;
	s31 =	sshrl.u32 s31, $0x3;
	[sflag:s24] =	ssyncadd.s32 $0xFFFFC000  }
0x2d: {  	[tilespmem:s20], [sflag:$0x1] =	stream.indirect.gather [hbm4b:s5+s19], $0x80, s30, s19, $0xb8;
	[tilespmem:$0x1E900] =	vst v63  }
0x2e: {  	s31 =	sadd.s32 s6, s31  }
0x2f: {  	[tilespmem:s18], [sflag:$0x3] =	stream.linear.gather [hbm4b:s31+s4], $0x80, $0x38;
	[tilespmem:$0x1E900] =	vst v63  }
0x30: {  	_ =	swait.ge [sflag:s17], $0x4000  }
0x31: {  	[sflag:s17] =	ssyncset.done $0x0  }
0x32: {  	[sflag:s17] =	ssyncadd.s32 $0xFFFFC000  }
0x33: {  	_ =	swait.ge [sflag:s25], $0x80  }
0x34: {  	s31 =	simm.s32 $0x180;
	[sflag:s25] =	ssyncset.done $0x0  }
0x35: {  	s1 =	sand.u32 $0x7C00, s31;
	[sflag:s25] =	ssyncadd.s32 $0xFFFFFF80  }
0x36: {  	[spmem:s2] =	stream.indirect.scatter.add.f32 [tilespmem:s22], [sflag:$0x6], $0x80, s23, s19, $0xb8;
	[tilespmem:$0x1E900] =	vst v63  }
0x37: {  	s31 =	sand.u32 $0x380, s31;
	s1 =	sadd.s32 s3, s1;
	_ =	swait.ge [sflag:s26], $0x4000  }
0x38: {  	s1 =	sor.u32 s31, s1;
	[sflag:s26] =	ssyncset.done $0x0  }
0x39: {  	s31 =	simm.s32 $0x180;
	s1 =	sshrl.u32 s1, $0x3;
	[sflag:s26] =	ssyncadd.s32 $0xFFFFC000  }
0x3a: {  	[tilespmem:s22], [sflag:$0x2] =	stream.indirect.gather [hbm4b:s5+s19], $0x80, s31, s19, $0xb8;
	[tilespmem:$0x1E900] =	vst v63  }
0x3b: {  	s1 =	sadd.s32 s6, s1  }
0x3c: {  	[tilespmem:s23], [sflag:$0x4] =	stream.linear.gather [hbm4b:s1+s4], $0x80, $0x38;
	[tilespmem:$0x1E900] =	vst v63  }
0x3d: {  	s31 =	simm.s32 $0x280;
	_ =	swait.ge [sflag:s16], $0x4000  }
.LBB2_2:
0x3e: {  	p0 =	sne.s32 s31, $0x2780  }
0x3f: {  	[sflag:s16] =	ssyncset.done $0x0;
	s30 =	sadd.s32 $0x100, s30;
	s1 =	smov.u32 s31  }
0x40: {  	s31 =	sadd.s32 $0x100, s31;
	s0 =	sadd.s32 $0xFFFFFF80, s1;
	[sflag:s16] =	ssyncadd.s32 $0xFFFFC000  }
0x41: {  	s7 =	sand.u32 $0x7C00, s0;
	_ =	swait.ge [sflag:s21], $0x80  }
0x42: {  	s0 =	sand.u32 $0x300, s0;
	s7 =	sadd.s32 s3, s7;
	[sflag:s21] =	ssyncset.done $0x0  }
0x43: {  	s0 =	sor.u32 s0, s7;
	[sflag:s21] =	ssyncadd.s32 $0xFFFFFF80  }
0x44: {  	[spmem:s2] =	stream.indirect.scatter.add.f32 [tilespmem:s20], [sflag:$0x5], $0x80, s18, s19, $0xb8;
	[tilespmem:$0x1E900] =	vst v63  }
0x45: {  	s0 =	sshrl.u32 s0, $0x3;
	_ =	swait.ge [sflag:s24], $0x4000  }
0x46: {  	[sflag:s24] =	ssyncset.done $0x0  }
0x47: {  	[sflag:s24] =	ssyncadd.s32 $0xFFFFC000  }
0x48: {  	[tilespmem:s20], [sflag:$0x1] =	stream.indirect.gather [hbm4b:s5+s19], $0x80, s30, s19, $0xb8;
	[tilespmem:$0x1E900] =	vst v63  }
0x49: {  	s0 =	sadd.s32 s6, s0  }
0x4a: {  	[tilespmem:s18], [sflag:$0x3] =	stream.linear.gather [hbm4b:s0+s4], $0x80, $0x38;
	[tilespmem:$0x1E900] =	vst v63  }
0x4b: {  	_ =	swait.ge [sflag:s17], $0x4000  }
0x4c: {  	[sflag:s17] =	ssyncset.done $0x0  }
0x4d: {  	[sflag:s17] =	ssyncadd.s32 $0xFFFFC000  }
0x4e: {  	_ =	swait.ge [sflag:s25], $0x80  }
0x4f: {  	[sflag:s25] =	ssyncset.done $0x0  }
0x50: {  	[sflag:s25] =	ssyncadd.s32 $0xFFFFFF80  }
0x51: {  	[spmem:s2] =	stream.indirect.scatter.add.f32 [tilespmem:s22], [sflag:$0x6], $0x80, s23, s19, $0xb8;
	[tilespmem:$0x1E900] =	vst v63  }
0x52: {  	s0 =	sand.u32 $0x7C00, s1;
	_ =	swait.ge [sflag:s26], $0x4000  }
0x53: {  	s1 =	sand.u32 $0x380, s1;
	s0 =	sadd.s32 s3, s0;
	[sflag:s26] =	ssyncset.done $0x0  }
0x54: {  	s7 =	sadd.s32 $0x80, s30;
	s0 =	sor.u32 s1, s0;
	[sflag:s26] =	ssyncadd.s32 $0xFFFFC000  }
0x55: {  	[tilespmem:s22], [sflag:$0x2] =	stream.indirect.gather [hbm4b:s5+s19], $0x80, s7, s19, $0xb8;
	[tilespmem:$0x1E900] =	vst v63  }
.Ltmp0:
0x56: {  	_ = 	snop;
	(pc) =	sbr.rel @p0 .LBB2_2-.Ltmp0, $4  }
0x57: {  	s0 =	sshrl.u32 s0, $0x3  }
0x58: {  	s0 =	sadd.s32 s6, s0  }
0x59: {  	[tilespmem:s23], [sflag:$0x4] =	stream.linear.gather [hbm4b:s0+s4], $0x80, $0x38;
	[tilespmem:$0x1E900] =	vst v63  }
0x5a: {  	_ =	swait.ge [sflag:s16], $0x4000  }
0x5b: {  	[sflag:s16] =	ssyncset.done $0x0  }
0x5c: {  	[sflag:s16] =	ssyncadd.s32 $0xFFFFC000  }
0x5d: {  	_ =	swait.ge [sflag:s21], $0x80  }
0x5e: {  	[sflag:s21] =	ssyncset.done $0x0  }
0x5f: {  	[sflag:s21] =	ssyncadd.s32 $0xFFFFFF80  }
0x60: {  	[spmem:s2] =	stream.indirect.scatter.add.f32 [tilespmem:s20], [sflag:$0x5], $0x80, s18, s19, $0xb8;
	[tilespmem:$0x1E900] =	vst v63  }
0x61: {  	_ =	swait.ge [sflag:s17], $0x4000  }
0x62: {  	[sflag:s17] =	ssyncset.done $0x0  }
0x63: {  	[sflag:s17] =	ssyncadd.s32 $0xFFFFC000  }
0x64: {  	_ =	swait.ge [sflag:s25], $0x80  }
0x65: {  	[sflag:s25] =	ssyncset.done $0x0  }
0x66: {  	[sflag:s25] =	ssyncadd.s32 $0xFFFFFF80  }
0x67: {  	[spmem:s2] =	stream.indirect.scatter.add.f32 [tilespmem:s22], [sflag:$0x6], $0x80, s23, s19, $0xb8;
	[tilespmem:$0x1E900] =	vst v63  }
0x68: {  	_ =	swait.ge [sflag:s24], $0x4000  }
0x69: {  	[sflag:s24] =	ssyncset.done $0x0  }
0x6a: {  	[sflag:s24] =	ssyncadd.s32 $0xFFFFC000  }
0x6b: {  	_ =	swait.ge [sflag:s26], $0x4000  }
0x6c: {  	s29 =	sadd.s32 $0x1, s29;
	[sflag:s26] =	ssyncset.done $0x0  }
0x6d: {  	p0 =	sne.s32 s29, s14;
	[sflag:s26] =	ssyncadd.s32 $0xFFFFC000  }
.Ltmp1:
0x6e: {  	s0 =	sor.u32 $0x1C07, s8;
	[bflag:$0x0] =	sbarrier.arrive $0xFFFF;
	(pc) =	sbr.rel @p0 .LBB2_1-.Ltmp1, $4  }
0x6f: {  	[hbm:s13], [sflag:s0] =	dma.local [spmem:s15], $0x2800  }
0x70: {  	_ =	swait.ge [sflag:s28], $0x2800  }
0x71: {  	[sflag:s28] =	ssyncset.done $0x0  }
0x72: {  	[sflag:s28] =	ssyncadd.s32 $0xFFFFD800  }
0x73: {  	_ =	sfence.sel $0x180000  }
0x74: {  	[bflag:$0x0] =	sbarrier.arrive $0xFFFF  }
0x75: {  	_ =	strace $0x9000004A  }
0x76: {  	s0 =	stileid.u32;
	[bflag:$0x2] =	sbarrier.arrive $0xFFFF  }
0x77: {  	p0 =	sne.s32 s0, $0x0;
	s0 =	rddreg [dreg:$0x2]  }
0x78: {  	s0 =	sadd.s32 @!p0 $0x100000, s0  }
0x79: {  	[sflag:s0] =	ssyncadd.tile.s32 @!p0 $0x1;
	_ =	shalt  }
.Lfunc_end2:
_tile_overlayer_lowered:
.L_overlay_start_2:
0x7a: {  	(tag) =	ssettag $0x2  }
0x7b: {  	s0 =	rddreg [dreg:$0x0];
	s2 =	stileid.u32  }
0x7c: {  	s1 =	rddreg [dreg:$0x1];
	p0 =	sne.s32 s2, $0x0  }
0x7d: {  	s3 =	rddreg [dreg:$0x2];
	[bflag:$0x3] =	sbarrier.arrive $0xFFFF;
	s2 =	simm.s32 @!p0 $0x1C07  }
0x7e: {  	[timem:s3], [sflag:s2] =	dma.local @!p0 [hbm:s0], s1  }
0x7f: {  	s0 =	simm.s32 @!p0 $0x7  }
0x80: {  	_ =	swait.ge @!p0 [sflag:s0], s1  }
0x81: {  	s1 =	ssub.s32 @!p0 $0x0, s1;
	[sflag:s0] =	ssyncset.done @!p0 $0x0  }
0x82: {  	[sflag:s0] =	ssyncadd.s32 @!p0 s1  }
0x83: {  	[bflag:$0x3] =	sbarrier.arrive $0xFFFF  }
0x84: {  	_ =	shalt  }

// kernel: kernel.22.cloned.1.call-start
scs
__scs_entry_jumppad:
0x0: {  	(pc) =	sbr.rel $0x88, $3  }
0x1: {  	(tag) =	ssettag $0x0;
	lr =	simm.s32 $0x1  }
0x2: {  	[smem:$0x3F8C] =	sst lr;
	_ =	strace $0xD0000000  }
0x3: {  	_ = 	snop  }
0x4: {  	_ = 	snop  }
0x5: {  	_ = 	snop  }
0x6: {  	_ = 	snop  }
0x7: {  	_ = 	snop  }
__scs_overlays_trampoline_lowered:
0x8: {  	[smem:$0x3F9B] =	sst s0  }
0x9: {  	[smem:$0x3F9C] =	sst s1  }
0xa: {  	[smem:$0x3F9D] =	sst s2  }
0xb: {  	[smem:$0x3F9E] =	sst s3  }
0xc: {  	[smem:$0x3F9F] =	sst s4  }
0xd: {  	[smem:$0x3FA0] =	sst s5  }
0xe: {  	[smem:$0x3FA1] =	sst s6  }
0xf: {  	[smem:$0x3FA2] =	sst s7  }
0x10: {  	[smem:$0x3FA3] =	sst s8  }
0x11: {  	[smem:$0x3FA4] =	sst s9;
	s0 =	simm.s32 @!p0 $0x0  }
0x12: {  	s1 =	sld [smem:$0x3F8A];
	s0 =	simm.s32 @p0 $0x1  }
0x13: {  	[smem:$0x3FA5] =	sst s0;
	s0 =	simm.s32 @!p1 $0x0  }
0x14: {  	s2 =	sld [smem:$0x3F89];
	s0 =	simm.s32 @p1 $0x1  }
0x15: {  	[smem:$0x3FA6] =	sst s0;
	s0 =	simm.s32 @!p2 $0x0  }
0x16: {  	s3 =	sld [smem:$0x3FDB];
	s0 =	simm.s32 @p2 $0x1  }
0x17: {  	s4 =	simm.s32 $0x1BF5;
	[smem:$0x3FA8] =	sst s0  }
0x18: {  	s0 =	sld [smem:$0x3F8B];
	_ =	swait.ge [sflag:s4], $0x0  }
0x19: {  	s7 =	sld [smem:$0x3F8C]  }
0x1a: {  	s8 =	sadd.s32 $0xFFFFE003, lr  }
0x1b: {  	s9 =	sadd.s32 $0xFFFFFEF7, lr;
	s5 =	simm.s32 $0xFFFFFFFF;
	p2 =	slt.u32 s8, $0xFFFFF086  }
0x1c: {  	p1 =	slt.u32 s9, $0xF7A;
	s5 =	simm.s32 @!p2 $0x0  }
0x1d: {  	s5 =	simm.s32 @p1 $0x1;
	p0 =	seq.s32 s7, s2  }
0x1e: {  	s7 =	smul.u32 @!p0 $0xF7A, s2;
	p2 =	seq.s32 @!p0 s5, $0x0  }
0x1f: {  	s9 =	smul.u32 $0xF7A, s1;
	s8 =	simm.s32 @!p0 $0x1BF5;
	p2 =	por !p2, p0  }
0x20: {  	[sflag:s8] =	ssyncset.s32 @!p0 $0xFFFFF086;
	s6 =	sadd.s32 @!p0 s3, s7;
	s7 =	simm.s32 @!p0 $0x108  }
0x21: {  	s3 =	sadd.s32 s3, s9;
	s6 =	sadd.s32 @!p0 $0x88, s6;
	s7 =	simm.s32 @p2 $0x1082  }
0x22: {  	[simem:s7], [sflag:s8] =	dma.local @!p0 [hbm:s6], $0xF7A  }
0x23: {  	s9 =	sor.u32 $0xD0000000, s2;
	s6 =	simm.s32 $0x108;
	_ =	swait.ge @!p0 [sflag:s8], $0x0  }
0x24: {  	s3 =	sadd.s32 $0x88, s3;
	s6 =	simm.s32 @!p1 $0x1082;
	[sflag:s4] =	ssyncset.s32 $0xFFFFF086  }
0x25: {  	[simem:s6], [sflag:s4] =	dma.local [hbm:s3], $0xF7A  }
0x26: {  	[smem:$0x3F8C] =	sst s1;
	(tag) =	ssettag s2;
	_ =	strace s9  }
0x27: {  	s1 =	sld [smem:$0x3F9C]  }
0x28: {  	s2 =	sld [smem:$0x3F9D]  }
0x29: {  	s4 =	sld [smem:$0x3F9F]  }
0x2a: {  	p0 =	seq.s32 s5, $0x0;
	s5 =	sld [smem:$0x3FA0]  }
0x2b: {  	s6 =	sld [smem:$0x3FA1]  }
0x2c: {  	s7 =	sld [smem:$0x3FA2]  }
0x2d: {  	s3 =	simm.s32 $0x108;
	s8 =	sld [smem:$0x3FA3]  }
0x2e: {  	s3 =	simm.s32 @!p0 $0x1082;
	s9 =	sld [smem:$0x3FA4]  }
0x2f: {  	lr =	sadd.s32 s0, s3;
	s0 =	sld [smem:$0x3F9B]  }
0x30: {  	s3 =	sld [smem:$0x3F9E]  }
0x31: {  	[smem:$0x3FA7] =	sst s10  }
0x32: {  	s10 =	sld [smem:$0x3FA5];
	_ =	sdelay $0x3  }
0x33: {  	p0 =	seq.s32 s10, $0x1;
	s10 =	sld [smem:$0x3FA7];
	_ =	sdelay $0x3  }
0x34: {  	[smem:$0x3FA7] =	sst s10  }
0x35: {  	s10 =	sld [smem:$0x3FA6];
	_ =	sdelay $0x3  }
0x36: {  	p1 =	seq.s32 s10, $0x1;
	s10 =	sld [smem:$0x3FA7];
	_ =	sdelay $0x3  }
0x37: {  	[smem:$0x3FA7] =	sst s10  }
0x38: {  	s10 =	sld [smem:$0x3FA8]  }
0x39: {  	_ = 	snop;
	(pc) =	sbr.ind lr, $3  }
0x3a: {  	_ = 	snop  }
0x3b: {  	_ = 	snop  }
0x3c: {  	p2 =	seq.s32 s10, $0x1;
	s10 =	sld [smem:$0x3FA7]  }
0x3d: {  	_ =	shalt  }
0x3e: {  	_ =	shalt  }
0x3f: {  	_ =	shalt  }
0x40: {  	_ =	shalt  }
0x41: {  	_ =	shalt  }
0x42: {  	_ =	shalt  }
0x43: {  	_ =	shalt  }
0x44: {  	_ =	shalt  }
0x45: {  	_ =	shalt  }
0x46: {  	_ =	shalt  }
0x47: {  	_ =	shalt  }
0x48: {  	_ =	shalt  }
0x49: {  	_ =	shalt  }
0x4a: {  	_ =	shalt  }
0x4b: {  	_ =	shalt  }
0x4c: {  	_ =	shalt  }
0x4d: {  	_ =	shalt  }
0x4e: {  	_ =	shalt  }
0x4f: {  	_ =	shalt  }
0x50: {  	_ =	shalt  }
0x51: {  	_ =	shalt  }
0x52: {  	_ =	shalt  }
0x53: {  	_ =	shalt  }
0x54: {  	_ =	shalt  }
0x55: {  	_ =	shalt  }
0x56: {  	_ =	shalt  }
0x57: {  	_ =	shalt  }
0x58: {  	_ =	shalt  }
0x59: {  	_ =	shalt  }
0x5a: {  	_ =	shalt  }
0x5b: {  	_ =	shalt  }
0x5c: {  	_ =	shalt  }
0x5d: {  	_ =	shalt  }
0x5e: {  	_ =	shalt  }
0x5f: {  	_ =	shalt  }
0x60: {  	_ =	shalt  }
0x61: {  	_ =	shalt  }
0x62: {  	_ =	shalt  }
0x63: {  	_ =	shalt  }
0x64: {  	_ =	shalt  }
0x65: {  	_ =	shalt  }
0x66: {  	_ =	shalt  }
0x67: {  	_ =	shalt  }
0x68: {  	_ =	shalt  }
0x69: {  	_ =	shalt  }
0x6a: {  	_ =	shalt  }
0x6b: {  	_ =	shalt  }
0x6c: {  	_ =	shalt  }
0x6d: {  	_ =	shalt  }
0x6e: {  	_ =	shalt  }
0x6f: {  	_ =	shalt  }
0x70: {  	_ =	shalt  }
0x71: {  	_ =	shalt  }
0x72: {  	_ =	shalt  }
0x73: {  	_ =	shalt  }
0x74: {  	_ =	shalt  }
0x75: {  	_ =	shalt  }
0x76: {  	_ =	shalt  }
0x77: {  	_ =	shalt  }
0x78: {  	_ =	shalt  }
0x79: {  	_ =	shalt  }
0x7a: {  	_ =	shalt  }
0x7b: {  	_ =	shalt  }
0x7c: {  	_ =	shalt  }
0x7d: {  	_ =	shalt  }
0x7e: {  	_ =	shalt  }
0x7f: {  	_ =	shalt  }
0x80: {  	_ =	shalt  }
0x81: {  	_ =	shalt  }
0x82: {  	_ =	shalt  }
0x83: {  	_ =	shalt  }
0x84: {  	_ =	shalt  }
0x85: {  	_ =	shalt  }
0x86: {  	_ =	shalt  }
0x87: {  	_ =	shalt  }
.Lfunc_end0:
.L_simem_size_0:
called_computation.2_lowered:
.L_overlay_start_0:
0x88: {  	s2 =	sld [smem:$0x3FD9]  }
0x89: {  	s3 =	sld [smem:$0x3FFE];
	_ =	sdelay $0x1  }
0x8a: {  	s1 =	srdreg.scid  }
0x8b: {  	s0 =	sand.u32 $0x1, s1  }
0x8c: {  	s16 =	sshll.u32 s0, $0xA;
	s2 =	sadd.s32 s3, s2  }
0x8d: {  	s2 =	sadd.s32 s2, s16  }
0x8e: {  	[smem:$0x3FB3] =	sst s2  }
0x8f: {  	_ = 	snop  }
0x90: {  	(tm) =	ssettm $0x1  }
0x91: {  	s17 =	sld [smem:$0x3FFB];
	_ =	sdelay $0x3  }
0x92: {  	_ =	strace s17  }
0x93: {  	s2 =	sld [smem:$0x3FFC];
	_ =	sdelay $0x3  }
0x94: {  	_ =	strace s2  }
0x95: {  	s2 =	sld [smem:$0x3FFD];
	_ =	sdelay $0x3  }
0x96: {  	_ =	strace s2  }
0x97: {  	_ =	strace $0x8FFFFFFF  }
0x98: {  	s18 =	sld [smem:$0x3FDB];
	_ =	sdelay $0x1  }
0x99: {  	s19 =	simm.s32 $_scs_section_size  }
0x9a: {  	s4 =	simm.s32 $_size__tile_overlayer_lowered;
	s5 =	simm.s32 $_tile_overlayer_lowered  }
0x9b: {  	s22 =	simm.s32 $0x1BFF;
	s21 =	sshll.u32 s5, $0x1;
	s2 =	sadd.s32 s19, s18  }
0x9c: {  	s6 =	simm.s32 $0x0;
	s20 =	sshll.u32 s4, $0x1;
	s4 =	sadd.s32 s21, s2  }
0x9d: {  	[timem:s6], [sflag:s22] =	dma.local [hbm:s4], s20  }
0x9e: {  	_ =	swait.ge [sflag:s22], s20  }
0x9f: {  	s3 =	ssub.s32 $0x0, s20;
	[sflag:s22] =	ssyncset.done $0x0  }
0xa0: {  	[sflag:s22] =	ssyncadd.s32 s3;
	_ =	sdelay $0x1  }
0xa1: {  	s23 =	simm.s32 $0x1B8B  }
0xa2: {  	_ =	swait.ge [sflag:s23], $0x1  }
0xa3: {  	[sflag:s23] =	ssyncset.done $0x0  }
0xa4: {  	s25 =	simm.s32 $0x1B8E;
	s24 =	sld [smem:$0x3FFE];
	[sflag:s23] =	ssyncadd.s32 $0xFFFFFFFF  }
0xa5: {  	s26 =	simm.s32 $execute0_lowered;
	[smem:$0x3FD2] =	sst s25  }
0xa6: {  	s4 =	sshll.u32 s26, $0x1;
	_ =	strace $0x8000004C;
	[dreg:$0x1] =	wrdreg $0xFFFFFFFF  }
0xa7: {  	s28 =	simm.s32 $_size_execute0_lowered;
	s2 =	sadd.s32 s2, s4;
	[dreg:$0x0] =	wrdreg $0x0  }
0xa8: {  	s4 =	sshll.u32 s28, $0x1;
	[dreg:$0x2] =	wrdreg s2  }
0xa9: {  	[dreg:$0x3] =	wrdreg s4  }
0xaa: {  	[dreg:$0x4] =	wrdreg $0xC0  }
0xab: {  	_ =	task [dreg:s6], $0x5FFFF  }
0xac: {  	[dreg:$0x1] =	wrdreg $0xFFFFFFFF  }
0xad: {  	[dreg:$0x0] =	wrdreg $0x60  }
0xae: {  	[dreg:$0x2] =	wrdreg s24  }
0xaf: {  	[dreg:$0x3] =	wrdreg $0xA9000  }
0xb0: {  	[dreg:$0x4] =	wrdreg $0x9  }
0xb1: {  	_ =	task.clear_ibuf [dreg:s6], $0x5FFFF;
	_ =	strace $0x9000004C  }
0xb2: {  	s29 =	simm.s32 $0x9;
	_ =	strace $0x8000004E  }
0xb3: {  	_ =	swait.ge [sflag:s29], $0x1  }
0xb4: {  	[sflag:s29] =	ssyncadd.s32 $0xFFFFFFFF  }
0xb5: {  	_ =	strace $0x9000004E  }
0xb6: {  	_ =	sfence  }
0xb7: {  	s30 =	sld [smem:$0x0];
	_ =	sdelay $0x2  }
0xb8: {  	s31 =	sshll.u32 s1, $0xD;
	s1 =	sshrl.u32 s1, $0x2  }
0xb9: {  	s3 =	sand.u32 $0x4000, s31;
	s1 =	sadd.s32 s1, s30  }
0xba: {  	s0 =	sor.u32 s3, s0;
	s1 =	sshll.u32 s1, $0x11  }
0xbb: {  	s0 =	sor.u32 s1, s0  }
0xbc: {  	s0 =	sadd.s32 $0x8F2B, s0  }
0xbd: {  	[sflag:s0] =	ssyncadd.remote.s32 $0x1  }
0xbe: {  	_ =	sfence.sel $0xFFFF  }
0xbf: {  	[dreg:$0x0] =	wrdreg $0xFFFFFFFF;
	(pc) =	sbr.abs _section_cstart, $3  }
0xc0: {  	[dreg:$0x1] =	wrdreg $0xFFFFFFFF  }
0xc1: {  	_ =	task.clear_ibuf [dreg:s6], $0x2FFFF;
	_ =	strace $0x9FFFFFFF  }
0xc2: {  	(tm) =	ssettm $0x7FFFFFFF  }
0xc3: {  	_ =	shalt  }
tec
execute0_lowered:
.L_overlay_start_1:
0x0: {  	(tag) =	ssettag $0x1  }
0x1: {  	s1 =	srdreg.scid;
	s8 =	rddreg [dreg:$0x0]  }
0x2: {  	s0 =	stileid.u32;
	s2 =	rddreg [dreg:$0x1]  }
0x3: {  	s4 =	simm.s32 $0x0;
	s17 =	simm.s32 $0x2;
	s18 =	simm.s32 $0x2800  }
0x4: {  	s19 =	simm.s32 $0x80;
	s20 =	simm.s32 $0x2900;
	s21 =	simm.s32 $0x3  }
0x5: {  	s22 =	simm.s32 $0x6900;
	s23 =	simm.s32 $0x2880;
	s28 =	simm.s32 $0x7  }
0x6: {  	s29 =	simm.s32 $0x0;
	s7 =	sand.u32 $0x1, s1;
	s24 =	sshll.u32 s0, $0x1  }
0x7: {  	[smem:$0x7FF] =	sst s4;
	s10 =	smul.u32 $0x14000, s0;
	s5 =	sadd.s32 $0x24600, s8  }
0x8: {  	s6 =	sadd.s32 $0x10600, s8;
	s13 =	smul.u32 $0x50000, s0;
	s26 =	sadd.s32 $0x56600, s8  }
0x9: {  	s1 =	sor.u32 s7, s24;
	s9 =	smul.u32 $0x140000, s7;
	_ =	strace $0x8000004D  }
0xa: {  	s25 =	ssub.s32 $0x2, s7;
	[dreg:$0x3] =	wrdreg s26;
	s24 =	simm.s32 $0x5  }
0xb: {  	s26 =	simm.s32 $0x6;
	s3 =	smul.u32 $0x2800, s1;
	s30 =	sshrl.u32 s25, $0x1  }
0xc: {  	s31 =	sshrl.u32 s13, $0x2;
	s9 =	sadd.s32 s10, s9;
	s15 =	ssub.s32 s25, s30  }
0xd: {  	s16 =	sadd.s32 s31, s2;
	s11 =	sshrl.u32 s3, $0x3;
	s9 =	sshrl.u32 s9, $0x3  }
0xe: {  	s12 =	sadd.s32 s11, s8;
	s14 =	sadd.s32 s9, s8;
	s8 =	sshll.u32 s0, $0x6  }
0xf: {  	s25 =	simm.s32 $0x4;
	s10 =	sadd.s32 s6, s11;
	s9 =	sor.u32 $0x1C01, s8  }
0x10: {  	s11 =	sadd.s32 $0x6600, s12;
	s12 =	sadd.s32 $0x10, s10;
	s13 =	sadd.s32 $0x58E00, s14  }
0x11: {  	s14 =	smax.u32 s15, $0x1;
	s15 =	sshrl.u32 s16, $0x3;
	s16 =	simm.s32 $0x1  }
.LBB2_1:
0x12: {  	s0 =	rddreg [dreg:$0x3]  }
0x13: {  	[spmem:s15], [sflag:s9] =	dma.local [hbm:s0], $0x2800  }
0x14: {  	[tilespmem:s4], [sflag:$0x2] =	stream.linear.gather [hbm4b:s11+s4], $0x2800, $0x38;
	[tilespmem:$0x1E900] =	vst v63  }
0x15: {  	_ =	swait.ge [sflag:s16], $0x2800  }
0x16: {  	[sflag:s16] =	ssyncset.done $0x0  }
0x17: {  	[sflag:s16] =	ssyncadd.s32 $0xFFFFD800  }
0x18: {  	_ =	swait.ge [sflag:s17], $0x2800  }
0x19: {  	[sflag:s17] =	ssyncset.done $0x0  }
0x1a: {  	[sflag:s17] =	ssyncadd.s32 $0xFFFFD800  }
0x1b: {  	[bflag:$0x0] =	sbarrier.arrive $0xFFFF  }
0x1c: {  	[tilespmem:s18], [sflag:$0x3] =	stream.linear.gather [hbm4b:s10+s4], $0x80, $0x38;
	[tilespmem:$0x1E900] =	vst v63  }
0x1d: {  	_ = 	snop  }
0x1e: {  	[tilespmem:s20], [sflag:$0x1] =	stream.indirect.gather [hbm4b:s5+s19], $0x80, s4, s19, $0xb8;
	[tilespmem:$0x1E900] =	vst v63  }
0x1f: {  	_ =	swait.ge [sflag:s16], $0x4000  }
0x20: {  	[sflag:s16] =	ssyncset.done $0x0  }
0x21: {  	[sflag:s16] =	ssyncadd.s32 $0xFFFFC000  }
0x22: {  	_ =	swait.ge [sflag:s21], $0x80  }
0x23: {  	[sflag:s21] =	ssyncset.done $0x0  }
0x24: {  	[sflag:s21] =	ssyncadd.s32 $0xFFFFFF80  }
0x25: {  	[spmem:s2] =	stream.indirect.scatter.add.f32 [tilespmem:s20], [sflag:$0x5], $0x80, s18, s19, $0xb8;
	[tilespmem:$0x1E900] =	vst v63  }
0x26: {  	s30 =	simm.s32 $0x100  }
0x27: {  	[tilespmem:s22], [sflag:$0x2] =	stream.indirect.gather [hbm4b:s5+s19], $0x80, s19, s19, $0xb8;
	[tilespmem:$0x1E900] =	vst v63  }
0x28: {  	s31 =	sand.u32 $0x7C00, s30  }
0x29: {  	[tilespmem:s23], [sflag:$0x4] =	stream.linear.gather [hbm4b:s12+s4], $0x80, $0x38;
	[tilespmem:$0x1E900] =	vst v63  }
0x2a: {  	s30 =	sand.u32 $0x300, s30;
	s31 =	sadd.s32 s3, s31;
	_ =	swait.ge [sflag:s24], $0x4000  }
0x2b: {  	s31 =	sor.u32 s30, s31;
	[sflag:s24] =	ssyncset.done $0x0  }
0x2c: {  	s30 =	simm.s32 $0x100;
	s31 =	sshrl.u32 s31, $0x3;
	[sflag:s24] =	ssyncadd.s32 $0xFFFFC000  }
0x2d: {  	[tilespmem:s20], [sflag:$0x1] =	stream.indirect.gather [hbm4b:s5+s19], $0x80, s30, s19, $0xb8;
	[tilespmem:$0x1E900] =	vst v63  }
0x2e: {  	s31 =	sadd.s32 s6, s31  }
0x2f: {  	[tilespmem:s18], [sflag:$0x3] =	stream.linear.gather [hbm4b:s31+s4], $0x80, $0x38;
	[tilespmem:$0x1E900] =	vst v63  }
0x30: {  	_ =	swait.ge [sflag:s17], $0x4000  }
0x31: {  	[sflag:s17] =	ssyncset.done $0x0  }
0x32: {  	[sflag:s17] =	ssyncadd.s32 $0xFFFFC000  }
0x33: {  	_ =	swait.ge [sflag:s25], $0x80  }
0x34: {  	s31 =	simm.s32 $0x180;
	[sflag:s25] =	ssyncset.done $0x0  }
0x35: {  	s1 =	sand.u32 $0x7C00, s31;
	[sflag:s25] =	ssyncadd.s32 $0xFFFFFF80  }
0x36: {  	[spmem:s2] =	stream.indirect.scatter.add.f32 [tilespmem:s22], [sflag:$0x6], $0x80, s23, s19, $0xb8;
	[tilespmem:$0x1E900] =	vst v63  }
0x37: {  	s31 =	sand.u32 $0x380, s31;
	s1 =	sadd.s32 s3, s1;
	_ =	swait.ge [sflag:s26], $0x4000  }
0x38: {  	s1 =	sor.u32 s31, s1;
	[sflag:s26] =	ssyncset.done $0x0  }
0x39: {  	s31 =	simm.s32 $0x180;
	s1 =	sshrl.u32 s1, $0x3;
	[sflag:s26] =	ssyncadd.s32 $0xFFFFC000  }
0x3a: {  	[tilespmem:s22], [sflag:$0x2] =	stream.indirect.gather [hbm4b:s5+s19], $0x80, s31, s19, $0xb8;
	[tilespmem:$0x1E900] =	vst v63  }
0x3b: {  	s1 =	sadd.s32 s6, s1  }
0x3c: {  	[tilespmem:s23], [sflag:$0x4] =	stream.linear.gather [hbm4b:s1+s4], $0x80, $0x38;
	[tilespmem:$0x1E900] =	vst v63  }
0x3d: {  	s31 =	simm.s32 $0x280;
	_ =	swait.ge [sflag:s16], $0x4000  }
.LBB2_2:
0x3e: {  	p0 =	sne.s32 s31, $0x2780  }
0x3f: {  	[sflag:s16] =	ssyncset.done $0x0;
	s30 =	sadd.s32 $0x100, s30;
	s1 =	smov.u32 s31  }
0x40: {  	s31 =	sadd.s32 $0x100, s31;
	s0 =	sadd.s32 $0xFFFFFF80, s1;
	[sflag:s16] =	ssyncadd.s32 $0xFFFFC000  }
0x41: {  	s7 =	sand.u32 $0x7C00, s0;
	_ =	swait.ge [sflag:s21], $0x80  }
0x42: {  	s0 =	sand.u32 $0x300, s0;
	s7 =	sadd.s32 s3, s7;
	[sflag:s21] =	ssyncset.done $0x0  }
0x43: {  	s0 =	sor.u32 s0, s7;
	[sflag:s21] =	ssyncadd.s32 $0xFFFFFF80  }
0x44: {  	[spmem:s2] =	stream.indirect.scatter.add.f32 [tilespmem:s20], [sflag:$0x5], $0x80, s18, s19, $0xb8;
	[tilespmem:$0x1E900] =	vst v63  }
0x45: {  	s0 =	sshrl.u32 s0, $0x3;
	_ =	swait.ge [sflag:s24], $0x4000  }
0x46: {  	[sflag:s24] =	ssyncset.done $0x0  }
0x47: {  	[sflag:s24] =	ssyncadd.s32 $0xFFFFC000  }
0x48: {  	[tilespmem:s20], [sflag:$0x1] =	stream.indirect.gather [hbm4b:s5+s19], $0x80, s30, s19, $0xb8;
	[tilespmem:$0x1E900] =	vst v63  }
0x49: {  	s0 =	sadd.s32 s6, s0  }
0x4a: {  	[tilespmem:s18], [sflag:$0x3] =	stream.linear.gather [hbm4b:s0+s4], $0x80, $0x38;
	[tilespmem:$0x1E900] =	vst v63  }
0x4b: {  	_ =	swait.ge [sflag:s17], $0x4000  }
0x4c: {  	[sflag:s17] =	ssyncset.done $0x0  }
0x4d: {  	[sflag:s17] =	ssyncadd.s32 $0xFFFFC000  }
0x4e: {  	_ =	swait.ge [sflag:s25], $0x80  }
0x4f: {  	[sflag:s25] =	ssyncset.done $0x0  }
0x50: {  	[sflag:s25] =	ssyncadd.s32 $0xFFFFFF80  }
0x51: {  	[spmem:s2] =	stream.indirect.scatter.add.f32 [tilespmem:s22], [sflag:$0x6], $0x80, s23, s19, $0xb8;
	[tilespmem:$0x1E900] =	vst v63  }
0x52: {  	s0 =	sand.u32 $0x7C00, s1;
	_ =	swait.ge [sflag:s26], $0x4000  }
0x53: {  	s1 =	sand.u32 $0x380, s1;
	s0 =	sadd.s32 s3, s0;
	[sflag:s26] =	ssyncset.done $0x0  }
0x54: {  	s7 =	sadd.s32 $0x80, s30;
	s0 =	sor.u32 s1, s0;
	[sflag:s26] =	ssyncadd.s32 $0xFFFFC000  }
0x55: {  	[tilespmem:s22], [sflag:$0x2] =	stream.indirect.gather [hbm4b:s5+s19], $0x80, s7, s19, $0xb8;
	[tilespmem:$0x1E900] =	vst v63  }
.Ltmp0:
0x56: {  	_ = 	snop;
	(pc) =	sbr.rel @p0 .LBB2_2-.Ltmp0, $4  }
0x57: {  	s0 =	sshrl.u32 s0, $0x3  }
0x58: {  	s0 =	sadd.s32 s6, s0  }
0x59: {  	[tilespmem:s23], [sflag:$0x4] =	stream.linear.gather [hbm4b:s0+s4], $0x80, $0x38;
	[tilespmem:$0x1E900] =	vst v63  }
0x5a: {  	_ =	swait.ge [sflag:s16], $0x4000  }
0x5b: {  	[sflag:s16] =	ssyncset.done $0x0  }
0x5c: {  	[sflag:s16] =	ssyncadd.s32 $0xFFFFC000  }
0x5d: {  	_ =	swait.ge [sflag:s21], $0x80  }
0x5e: {  	[sflag:s21] =	ssyncset.done $0x0  }
0x5f: {  	[sflag:s21] =	ssyncadd.s32 $0xFFFFFF80  }
0x60: {  	[spmem:s2] =	stream.indirect.scatter.add.f32 [tilespmem:s20], [sflag:$0x5], $0x80, s18, s19, $0xb8;
	[tilespmem:$0x1E900] =	vst v63  }
0x61: {  	_ =	swait.ge [sflag:s17], $0x4000  }
0x62: {  	[sflag:s17] =	ssyncset.done $0x0  }
0x63: {  	[sflag:s17] =	ssyncadd.s32 $0xFFFFC000  }
0x64: {  	_ =	swait.ge [sflag:s25], $0x80  }
0x65: {  	[sflag:s25] =	ssyncset.done $0x0  }
0x66: {  	[sflag:s25] =	ssyncadd.s32 $0xFFFFFF80  }
0x67: {  	[spmem:s2] =	stream.indirect.scatter.add.f32 [tilespmem:s22], [sflag:$0x6], $0x80, s23, s19, $0xb8;
	[tilespmem:$0x1E900] =	vst v63  }
0x68: {  	_ =	swait.ge [sflag:s24], $0x4000  }
0x69: {  	[sflag:s24] =	ssyncset.done $0x0  }
0x6a: {  	[sflag:s24] =	ssyncadd.s32 $0xFFFFC000  }
0x6b: {  	_ =	swait.ge [sflag:s26], $0x4000  }
0x6c: {  	s29 =	sadd.s32 $0x1, s29;
	[sflag:s26] =	ssyncset.done $0x0  }
0x6d: {  	p0 =	sne.s32 s29, s14;
	[sflag:s26] =	ssyncadd.s32 $0xFFFFC000  }
.Ltmp1:
0x6e: {  	s0 =	sor.u32 $0x1C07, s8;
	[bflag:$0x0] =	sbarrier.arrive $0xFFFF;
	(pc) =	sbr.rel @p0 .LBB2_1-.Ltmp1, $4  }
0x6f: {  	[hbm:s13], [sflag:s0] =	dma.local [spmem:s15], $0x2800  }
0x70: {  	_ =	swait.ge [sflag:s28], $0x2800  }
0x71: {  	[sflag:s28] =	ssyncset.done $0x0  }
0x72: {  	[sflag:s28] =	ssyncadd.s32 $0xFFFFD800  }
0x73: {  	_ =	sfence.sel $0x180000  }
0x74: {  	[bflag:$0x0] =	sbarrier.arrive $0xFFFF  }
0x75: {  	_ =	strace $0x9000004D  }
0x76: {  	s0 =	stileid.u32;
	[bflag:$0x2] =	sbarrier.arrive $0xFFFF  }
0x77: {  	p0 =	sne.s32 s0, $0x0;
	s0 =	rddreg [dreg:$0x2]  }
0x78: {  	s0 =	sadd.s32 @!p0 $0x100000, s0  }
0x79: {  	[sflag:s0] =	ssyncadd.tile.s32 @!p0 $0x1;
	_ =	shalt  }
.Lfunc_end2:
_tile_overlayer_lowered:
.L_overlay_start_2:
0x7a: {  	(tag) =	ssettag $0x2  }
0x7b: {  	s0 =	rddreg [dreg:$0x0];
	s2 =	stileid.u32  }
0x7c: {  	s1 =	rddreg [dreg:$0x1];
	p0 =	sne.s32 s2, $0x0  }
0x7d: {  	s3 =	rddreg [dreg:$0x2];
	[bflag:$0x3] =	sbarrier.arrive $0xFFFF;
	s2 =	simm.s32 @!p0 $0x1C07  }
0x7e: {  	[timem:s3], [sflag:s2] =	dma.local @!p0 [hbm:s0], s1  }
0x7f: {  	s0 =	simm.s32 @!p0 $0x7  }
0x80: {  	_ =	swait.ge @!p0 [sflag:s0], s1  }
0x81: {  	s1 =	ssub.s32 @!p0 $0x0, s1;
	[sflag:s0] =	ssyncset.done @!p0 $0x0  }
0x82: {  	[sflag:s0] =	ssyncadd.s32 @!p0 s1  }
0x83: {  	[bflag:$0x3] =	sbarrier.arrive $0xFFFF  }
0x84: {  	_ =	shalt  }

// kernel: kernel.25.cloned.1.call-start
scs
__scs_entry_jumppad:
0x0: {  	(pc) =	sbr.rel $0x88, $3  }
0x1: {  	(tag) =	ssettag $0x0;
	lr =	simm.s32 $0x1  }
0x2: {  	[smem:$0x3F8C] =	sst lr;
	_ =	strace $0xD0000000  }
0x3: {  	_ = 	snop  }
0x4: {  	_ = 	snop  }
0x5: {  	_ = 	snop  }
0x6: {  	_ = 	snop  }
0x7: {  	_ = 	snop  }
__scs_overlays_trampoline_lowered:
0x8: {  	[smem:$0x3F9B] =	sst s0  }
0x9: {  	[smem:$0x3F9C] =	sst s1  }
0xa: {  	[smem:$0x3F9D] =	sst s2  }
0xb: {  	[smem:$0x3F9E] =	sst s3  }
0xc: {  	[smem:$0x3F9F] =	sst s4  }
0xd: {  	[smem:$0x3FA0] =	sst s5  }
0xe: {  	[smem:$0x3FA1] =	sst s6  }
0xf: {  	[smem:$0x3FA2] =	sst s7  }
0x10: {  	[smem:$0x3FA3] =	sst s8  }
0x11: {  	[smem:$0x3FA4] =	sst s9;
	s0 =	simm.s32 @!p0 $0x0  }
0x12: {  	s1 =	sld [smem:$0x3F8A];
	s0 =	simm.s32 @p0 $0x1  }
0x13: {  	[smem:$0x3FA5] =	sst s0;
	s0 =	simm.s32 @!p1 $0x0  }
0x14: {  	s2 =	sld [smem:$0x3F89];
	s0 =	simm.s32 @p1 $0x1  }
0x15: {  	[smem:$0x3FA6] =	sst s0;
	s0 =	simm.s32 @!p2 $0x0  }
0x16: {  	s3 =	sld [smem:$0x3FDB];
	s0 =	simm.s32 @p2 $0x1  }
0x17: {  	s4 =	simm.s32 $0x1BF5;
	[smem:$0x3FA8] =	sst s0  }
0x18: {  	s0 =	sld [smem:$0x3F8B];
	_ =	swait.ge [sflag:s4], $0x0  }
0x19: {  	s7 =	sld [smem:$0x3F8C]  }
0x1a: {  	s8 =	sadd.s32 $0xFFFFE003, lr  }
0x1b: {  	s9 =	sadd.s32 $0xFFFFFEF7, lr;
	s5 =	simm.s32 $0xFFFFFFFF;
	p2 =	slt.u32 s8, $0xFFFFF086  }
0x1c: {  	p1 =	slt.u32 s9, $0xF7A;
	s5 =	simm.s32 @!p2 $0x0  }
0x1d: {  	s5 =	simm.s32 @p1 $0x1;
	p0 =	seq.s32 s7, s2  }
0x1e: {  	s7 =	smul.u32 @!p0 $0xF7A, s2;
	p2 =	seq.s32 @!p0 s5, $0x0  }
0x1f: {  	s9 =	smul.u32 $0xF7A, s1;
	s8 =	simm.s32 @!p0 $0x1BF5;
	p2 =	por !p2, p0  }
0x20: {  	[sflag:s8] =	ssyncset.s32 @!p0 $0xFFFFF086;
	s6 =	sadd.s32 @!p0 s3, s7;
	s7 =	simm.s32 @!p0 $0x108  }
0x21: {  	s3 =	sadd.s32 s3, s9;
	s6 =	sadd.s32 @!p0 $0x88, s6;
	s7 =	simm.s32 @p2 $0x1082  }
0x22: {  	[simem:s7], [sflag:s8] =	dma.local @!p0 [hbm:s6], $0xF7A  }
0x23: {  	s9 =	sor.u32 $0xD0000000, s2;
	s6 =	simm.s32 $0x108;
	_ =	swait.ge @!p0 [sflag:s8], $0x0  }
0x24: {  	s3 =	sadd.s32 $0x88, s3;
	s6 =	simm.s32 @!p1 $0x1082;
	[sflag:s4] =	ssyncset.s32 $0xFFFFF086  }
0x25: {  	[simem:s6], [sflag:s4] =	dma.local [hbm:s3], $0xF7A  }
0x26: {  	[smem:$0x3F8C] =	sst s1;
	(tag) =	ssettag s2;
	_ =	strace s9  }
0x27: {  	s1 =	sld [smem:$0x3F9C]  }
0x28: {  	s2 =	sld [smem:$0x3F9D]  }
0x29: {  	s4 =	sld [smem:$0x3F9F]  }
0x2a: {  	p0 =	seq.s32 s5, $0x0;
	s5 =	sld [smem:$0x3FA0]  }
0x2b: {  	s6 =	sld [smem:$0x3FA1]  }
0x2c: {  	s7 =	sld [smem:$0x3FA2]  }
0x2d: {  	s3 =	simm.s32 $0x108;
	s8 =	sld [smem:$0x3FA3]  }
0x2e: {  	s3 =	simm.s32 @!p0 $0x1082;
	s9 =	sld [smem:$0x3FA4]  }
0x2f: {  	lr =	sadd.s32 s0, s3;
	s0 =	sld [smem:$0x3F9B]  }
0x30: {  	s3 =	sld [smem:$0x3F9E]  }
0x31: {  	[smem:$0x3FA7] =	sst s10  }
0x32: {  	s10 =	sld [smem:$0x3FA5];
	_ =	sdelay $0x3  }
0x33: {  	p0 =	seq.s32 s10, $0x1;
	s10 =	sld [smem:$0x3FA7];
	_ =	sdelay $0x3  }
0x34: {  	[smem:$0x3FA7] =	sst s10  }
0x35: {  	s10 =	sld [smem:$0x3FA6];
	_ =	sdelay $0x3  }
0x36: {  	p1 =	seq.s32 s10, $0x1;
	s10 =	sld [smem:$0x3FA7];
	_ =	sdelay $0x3  }
0x37: {  	[smem:$0x3FA7] =	sst s10  }
0x38: {  	s10 =	sld [smem:$0x3FA8]  }
0x39: {  	_ = 	snop;
	(pc) =	sbr.ind lr, $3  }
0x3a: {  	_ = 	snop  }
0x3b: {  	_ = 	snop  }
0x3c: {  	p2 =	seq.s32 s10, $0x1;
	s10 =	sld [smem:$0x3FA7]  }
0x3d: {  	_ =	shalt  }
0x3e: {  	_ =	shalt  }
0x3f: {  	_ =	shalt  }
0x40: {  	_ =	shalt  }
0x41: {  	_ =	shalt  }
0x42: {  	_ =	shalt  }
0x43: {  	_ =	shalt  }
0x44: {  	_ =	shalt  }
0x45: {  	_ =	shalt  }
0x46: {  	_ =	shalt  }
0x47: {  	_ =	shalt  }
0x48: {  	_ =	shalt  }
0x49: {  	_ =	shalt  }
0x4a: {  	_ =	shalt  }
0x4b: {  	_ =	shalt  }
0x4c: {  	_ =	shalt  }
0x4d: {  	_ =	shalt  }
0x4e: {  	_ =	shalt  }
0x4f: {  	_ =	shalt  }
0x50: {  	_ =	shalt  }
0x51: {  	_ =	shalt  }
0x52: {  	_ =	shalt  }
0x53: {  	_ =	shalt  }
0x54: {  	_ =	shalt  }
0x55: {  	_ =	shalt  }
0x56: {  	_ =	shalt  }
0x57: {  	_ =	shalt  }
0x58: {  	_ =	shalt  }
0x59: {  	_ =	shalt  }
0x5a: {  	_ =	shalt  }
0x5b: {  	_ =	shalt  }
0x5c: {  	_ =	shalt  }
0x5d: {  	_ =	shalt  }
0x5e: {  	_ =	shalt  }
0x5f: {  	_ =	shalt  }
0x60: {  	_ =	shalt  }
0x61: {  	_ =	shalt  }
0x62: {  	_ =	shalt  }
0x63: {  	_ =	shalt  }
0x64: {  	_ =	shalt  }
0x65: {  	_ =	shalt  }
0x66: {  	_ =	shalt  }
0x67: {  	_ =	shalt  }
0x68: {  	_ =	shalt  }
0x69: {  	_ =	shalt  }
0x6a: {  	_ =	shalt  }
0x6b: {  	_ =	shalt  }
0x6c: {  	_ =	shalt  }
0x6d: {  	_ =	shalt  }
0x6e: {  	_ =	shalt  }
0x6f: {  	_ =	shalt  }
0x70: {  	_ =	shalt  }
0x71: {  	_ =	shalt  }
0x72: {  	_ =	shalt  }
0x73: {  	_ =	shalt  }
0x74: {  	_ =	shalt  }
0x75: {  	_ =	shalt  }
0x76: {  	_ =	shalt  }
0x77: {  	_ =	shalt  }
0x78: {  	_ =	shalt  }
0x79: {  	_ =	shalt  }
0x7a: {  	_ =	shalt  }
0x7b: {  	_ =	shalt  }
0x7c: {  	_ =	shalt  }
0x7d: {  	_ =	shalt  }
0x7e: {  	_ =	shalt  }
0x7f: {  	_ =	shalt  }
0x80: {  	_ =	shalt  }
0x81: {  	_ =	shalt  }
0x82: {  	_ =	shalt  }
0x83: {  	_ =	shalt  }
0x84: {  	_ =	shalt  }
0x85: {  	_ =	shalt  }
0x86: {  	_ =	shalt  }
0x87: {  	_ =	shalt  }
.Lfunc_end0:
.L_simem_size_0:
called_computation.3_lowered:
.L_overlay_start_0:
0x88: {  	s2 =	sld [smem:$0x3FD9]  }
0x89: {  	s3 =	sld [smem:$0x3FFE];
	_ =	sdelay $0x1  }
0x8a: {  	s1 =	srdreg.scid  }
0x8b: {  	s0 =	sand.u32 $0x1, s1  }
0x8c: {  	s16 =	sshll.u32 s0, $0xA;
	s2 =	sadd.s32 s3, s2  }
0x8d: {  	s2 =	sadd.s32 s2, s16  }
0x8e: {  	[smem:$0x3FB3] =	sst s2  }
0x8f: {  	_ = 	snop  }
0x90: {  	(tm) =	ssettm $0x1  }
0x91: {  	s17 =	sld [smem:$0x3FFB];
	_ =	sdelay $0x3  }
0x92: {  	_ =	strace s17  }
0x93: {  	s2 =	sld [smem:$0x3FFC];
	_ =	sdelay $0x3  }
0x94: {  	_ =	strace s2  }
0x95: {  	s2 =	sld [smem:$0x3FFD];
	_ =	sdelay $0x3  }
0x96: {  	_ =	strace s2  }
0x97: {  	_ =	strace $0x8FFFFFFF  }
0x98: {  	s18 =	sld [smem:$0x3FDB];
	_ =	sdelay $0x1  }
0x99: {  	s19 =	simm.s32 $_scs_section_size  }
0x9a: {  	s4 =	simm.s32 $_size__tile_overlayer_lowered;
	s5 =	simm.s32 $_tile_overlayer_lowered  }
0x9b: {  	s22 =	simm.s32 $0x1BFF;
	s21 =	sshll.u32 s5, $0x1;
	s2 =	sadd.s32 s19, s18  }
0x9c: {  	s6 =	simm.s32 $0x0;
	s20 =	sshll.u32 s4, $0x1;
	s4 =	sadd.s32 s21, s2  }
0x9d: {  	[timem:s6], [sflag:s22] =	dma.local [hbm:s4], s20  }
0x9e: {  	_ =	swait.ge [sflag:s22], s20  }
0x9f: {  	s3 =	ssub.s32 $0x0, s20;
	[sflag:s22] =	ssyncset.done $0x0  }
0xa0: {  	[sflag:s22] =	ssyncadd.s32 s3;
	_ =	sdelay $0x1  }
0xa1: {  	s23 =	simm.s32 $0x1B8B  }
0xa2: {  	_ =	swait.ge [sflag:s23], $0x1  }
0xa3: {  	[sflag:s23] =	ssyncset.done $0x0  }
0xa4: {  	s25 =	simm.s32 $0x1B8E;
	s24 =	sld [smem:$0x3FFE];
	[sflag:s23] =	ssyncadd.s32 $0xFFFFFFFF  }
0xa5: {  	s26 =	simm.s32 $execute0_lowered;
	[smem:$0x3FD2] =	sst s25  }
0xa6: {  	s4 =	sshll.u32 s26, $0x1;
	_ =	strace $0x8000004F;
	[dreg:$0x1] =	wrdreg $0xFFFFFFFF  }
0xa7: {  	s28 =	simm.s32 $_size_execute0_lowered;
	s2 =	sadd.s32 s2, s4;
	[dreg:$0x0] =	wrdreg $0x0  }
0xa8: {  	s4 =	sshll.u32 s28, $0x1;
	[dreg:$0x2] =	wrdreg s2  }
0xa9: {  	[dreg:$0x3] =	wrdreg s4  }
0xaa: {  	[dreg:$0x4] =	wrdreg $0xC0  }
0xab: {  	_ =	task [dreg:s6], $0x5FFFF  }
0xac: {  	[dreg:$0x1] =	wrdreg $0xFFFFFFFF  }
0xad: {  	[dreg:$0x0] =	wrdreg $0x60  }
0xae: {  	[dreg:$0x2] =	wrdreg s24  }
0xaf: {  	[dreg:$0x3] =	wrdreg $0xA9000  }
0xb0: {  	[dreg:$0x4] =	wrdreg $0x9  }
0xb1: {  	_ =	task.clear_ibuf [dreg:s6], $0x5FFFF;
	_ =	strace $0x9000004F  }
0xb2: {  	s29 =	simm.s32 $0x9;
	_ =	strace $0x80000051  }
0xb3: {  	_ =	swait.ge [sflag:s29], $0x1  }
0xb4: {  	[sflag:s29] =	ssyncadd.s32 $0xFFFFFFFF  }
0xb5: {  	_ =	strace $0x90000051  }
0xb6: {  	_ =	sfence  }
0xb7: {  	s30 =	sld [smem:$0x0];
	_ =	sdelay $0x2  }
0xb8: {  	s31 =	sshll.u32 s1, $0xD;
	s1 =	sshrl.u32 s1, $0x2  }
0xb9: {  	s3 =	sand.u32 $0x4000, s31;
	s1 =	sadd.s32 s1, s30  }
0xba: {  	s0 =	sor.u32 s3, s0;
	s1 =	sshll.u32 s1, $0x11  }
0xbb: {  	s0 =	sor.u32 s1, s0  }
0xbc: {  	s0 =	sadd.s32 $0x8F2B, s0  }
0xbd: {  	[sflag:s0] =	ssyncadd.remote.s32 $0x1  }
0xbe: {  	_ =	sfence.sel $0xFFFF  }
0xbf: {  	[dreg:$0x0] =	wrdreg $0xFFFFFFFF;
	(pc) =	sbr.abs _section_cstart, $3  }
0xc0: {  	[dreg:$0x1] =	wrdreg $0xFFFFFFFF  }
0xc1: {  	_ =	task.clear_ibuf [dreg:s6], $0x2FFFF;
	_ =	strace $0x9FFFFFFF  }
0xc2: {  	(tm) =	ssettm $0x7FFFFFFF  }
0xc3: {  	_ =	shalt  }
tec
execute0_lowered:
.L_overlay_start_1:
0x0: {  	(tag) =	ssettag $0x1  }
0x1: {  	s1 =	srdreg.scid;
	s8 =	rddreg [dreg:$0x0]  }
0x2: {  	s0 =	stileid.u32;
	s2 =	rddreg [dreg:$0x1]  }
0x3: {  	s4 =	simm.s32 $0x0;
	s17 =	simm.s32 $0x2;
	s18 =	simm.s32 $0x2800  }
0x4: {  	s19 =	simm.s32 $0x80;
	s20 =	simm.s32 $0x2900;
	s21 =	simm.s32 $0x3  }
0x5: {  	s22 =	simm.s32 $0x6900;
	s23 =	simm.s32 $0x2880;
	s28 =	simm.s32 $0x7  }
0x6: {  	s29 =	simm.s32 $0x0;
	s7 =	sand.u32 $0x1, s1;
	s24 =	sshll.u32 s0, $0x1  }
0x7: {  	[smem:$0x7FF] =	sst s4;
	s10 =	smul.u32 $0x14000, s0;
	s5 =	sadd.s32 $0x24600, s8  }
0x8: {  	s6 =	sadd.s32 $0x10600, s8;
	s13 =	smul.u32 $0x50000, s0;
	s26 =	sadd.s32 $0x56600, s8  }
0x9: {  	s1 =	sor.u32 s7, s24;
	s9 =	smul.u32 $0x140000, s7;
	_ =	strace $0x80000050  }
0xa: {  	s25 =	ssub.s32 $0x2, s7;
	[dreg:$0x3] =	wrdreg s26;
	s24 =	simm.s32 $0x5  }
0xb: {  	s26 =	simm.s32 $0x6;
	s3 =	smul.u32 $0x2800, s1;
	s30 =	sshrl.u32 s25, $0x1  }
0xc: {  	s31 =	sshrl.u32 s13, $0x2;
	s9 =	sadd.s32 s10, s9;
	s15 =	ssub.s32 s25, s30  }
0xd: {  	s16 =	sadd.s32 s31, s2;
	s11 =	sshrl.u32 s3, $0x3;
	s9 =	sshrl.u32 s9, $0x3  }
0xe: {  	s12 =	sadd.s32 s11, s8;
	s14 =	sadd.s32 s9, s8;
	s8 =	sshll.u32 s0, $0x6  }
0xf: {  	s25 =	simm.s32 $0x4;
	s10 =	sadd.s32 s6, s11;
	s9 =	sor.u32 $0x1C01, s8  }
0x10: {  	s11 =	sadd.s32 $0x6600, s12;
	s12 =	sadd.s32 $0x10, s10;
	s13 =	sadd.s32 $0x58E00, s14  }
0x11: {  	s14 =	smax.u32 s15, $0x1;
	s15 =	sshrl.u32 s16, $0x3;
	s16 =	simm.s32 $0x1  }
.LBB2_1:
0x12: {  	s0 =	rddreg [dreg:$0x3]  }
0x13: {  	[spmem:s15], [sflag:s9] =	dma.local [hbm:s0], $0x2800  }
0x14: {  	[tilespmem:s4], [sflag:$0x2] =	stream.linear.gather [hbm4b:s11+s4], $0x2800, $0x38;
	[tilespmem:$0x1E900] =	vst v63  }
0x15: {  	_ =	swait.ge [sflag:s16], $0x2800  }
0x16: {  	[sflag:s16] =	ssyncset.done $0x0  }
0x17: {  	[sflag:s16] =	ssyncadd.s32 $0xFFFFD800  }
0x18: {  	_ =	swait.ge [sflag:s17], $0x2800  }
0x19: {  	[sflag:s17] =	ssyncset.done $0x0  }
0x1a: {  	[sflag:s17] =	ssyncadd.s32 $0xFFFFD800  }
0x1b: {  	[bflag:$0x0] =	sbarrier.arrive $0xFFFF  }
0x1c: {  	[tilespmem:s18], [sflag:$0x3] =	stream.linear.gather [hbm4b:s10+s4], $0x80, $0x38;
	[tilespmem:$0x1E900] =	vst v63  }
0x1d: {  	_ = 	snop  }
0x1e: {  	[tilespmem:s20], [sflag:$0x1] =	stream.indirect.gather [hbm4b:s5+s19], $0x80, s4, s19, $0xb8;
	[tilespmem:$0x1E900] =	vst v63  }
0x1f: {  	_ =	swait.ge [sflag:s16], $0x4000  }
0x20: {  	[sflag:s16] =	ssyncset.done $0x0  }
0x21: {  	[sflag:s16] =	ssyncadd.s32 $0xFFFFC000  }
0x22: {  	_ =	swait.ge [sflag:s21], $0x80  }
0x23: {  	[sflag:s21] =	ssyncset.done $0x0  }
0x24: {  	[sflag:s21] =	ssyncadd.s32 $0xFFFFFF80  }
0x25: {  	[spmem:s2] =	stream.indirect.scatter.add.f32 [tilespmem:s20], [sflag:$0x5], $0x80, s18, s19, $0xb8;
	[tilespmem:$0x1E900] =	vst v63  }
0x26: {  	s30 =	simm.s32 $0x100  }
0x27: {  	[tilespmem:s22], [sflag:$0x2] =	stream.indirect.gather [hbm4b:s5+s19], $0x80, s19, s19, $0xb8;
	[tilespmem:$0x1E900] =	vst v63  }
0x28: {  	s31 =	sand.u32 $0x7C00, s30  }
0x29: {  	[tilespmem:s23], [sflag:$0x4] =	stream.linear.gather [hbm4b:s12+s4], $0x80, $0x38;
	[tilespmem:$0x1E900] =	vst v63  }
0x2a: {  	s30 =	sand.u32 $0x300, s30;
	s31 =	sadd.s32 s3, s31;
	_ =	swait.ge [sflag:s24], $0x4000  }
0x2b: {  	s31 =	sor.u32 s30, s31;
	[sflag:s24] =	ssyncset.done $0x0  }
0x2c: {  	s30 =	simm.s32 $0x100;
	s31 =	sshrl.u32 s31, $0x3;
	[sflag:s24] =	ssyncadd.s32 $0xFFFFC000  }
0x2d: {  	[tilespmem:s20], [sflag:$0x1] =	stream.indirect.gather [hbm4b:s5+s19], $0x80, s30, s19, $0xb8;
	[tilespmem:$0x1E900] =	vst v63  }
0x2e: {  	s31 =	sadd.s32 s6, s31  }
0x2f: {  	[tilespmem:s18], [sflag:$0x3] =	stream.linear.gather [hbm4b:s31+s4], $0x80, $0x38;
	[tilespmem:$0x1E900] =	vst v63  }
0x30: {  	_ =	swait.ge [sflag:s17], $0x4000  }
0x31: {  	[sflag:s17] =	ssyncset.done $0x0  }
0x32: {  	[sflag:s17] =	ssyncadd.s32 $0xFFFFC000  }
0x33: {  	_ =	swait.ge [sflag:s25], $0x80  }
0x34: {  	s31 =	simm.s32 $0x180;
	[sflag:s25] =	ssyncset.done $0x0  }
0x35: {  	s1 =	sand.u32 $0x7C00, s31;
	[sflag:s25] =	ssyncadd.s32 $0xFFFFFF80  }
0x36: {  	[spmem:s2] =	stream.indirect.scatter.add.f32 [tilespmem:s22], [sflag:$0x6], $0x80, s23, s19, $0xb8;
	[tilespmem:$0x1E900] =	vst v63  }
0x37: {  	s31 =	sand.u32 $0x380, s31;
	s1 =	sadd.s32 s3, s1;
	_ =	swait.ge [sflag:s26], $0x4000  }
0x38: {  	s1 =	sor.u32 s31, s1;
	[sflag:s26] =	ssyncset.done $0x0  }
0x39: {  	s31 =	simm.s32 $0x180;
	s1 =	sshrl.u32 s1, $0x3;
	[sflag:s26] =	ssyncadd.s32 $0xFFFFC000  }
0x3a: {  	[tilespmem:s22], [sflag:$0x2] =	stream.indirect.gather [hbm4b:s5+s19], $0x80, s31, s19, $0xb8;
	[tilespmem:$0x1E900] =	vst v63  }
0x3b: {  	s1 =	sadd.s32 s6, s1  }
0x3c: {  	[tilespmem:s23], [sflag:$0x4] =	stream.linear.gather [hbm4b:s1+s4], $0x80, $0x38;
	[tilespmem:$0x1E900] =	vst v63  }
0x3d: {  	s31 =	simm.s32 $0x280;
	_ =	swait.ge [sflag:s16], $0x4000  }
.LBB2_2:
0x3e: {  	p0 =	sne.s32 s31, $0x2780  }
0x3f: {  	[sflag:s16] =	ssyncset.done $0x0;
	s30 =	sadd.s32 $0x100, s30;
	s1 =	smov.u32 s31  }
0x40: {  	s31 =	sadd.s32 $0x100, s31;
	s0 =	sadd.s32 $0xFFFFFF80, s1;
	[sflag:s16] =	ssyncadd.s32 $0xFFFFC000  }
0x41: {  	s7 =	sand.u32 $0x7C00, s0;
	_ =	swait.ge [sflag:s21], $0x80  }
0x42: {  	s0 =	sand.u32 $0x300, s0;
	s7 =	sadd.s32 s3, s7;
	[sflag:s21] =	ssyncset.done $0x0  }
0x43: {  	s0 =	sor.u32 s0, s7;
	[sflag:s21] =	ssyncadd.s32 $0xFFFFFF80  }
0x44: {  	[spmem:s2] =	stream.indirect.scatter.add.f32 [tilespmem:s20], [sflag:$0x5], $0x80, s18, s19, $0xb8;
	[tilespmem:$0x1E900] =	vst v63  }
0x45: {  	s0 =	sshrl.u32 s0, $0x3;
	_ =	swait.ge [sflag:s24], $0x4000  }
0x46: {  	[sflag:s24] =	ssyncset.done $0x0  }
0x47: {  	[sflag:s24] =	ssyncadd.s32 $0xFFFFC000  }
0x48: {  	[tilespmem:s20], [sflag:$0x1] =	stream.indirect.gather [hbm4b:s5+s19], $0x80, s30, s19, $0xb8;
	[tilespmem:$0x1E900] =	vst v63  }
0x49: {  	s0 =	sadd.s32 s6, s0  }
0x4a: {  	[tilespmem:s18], [sflag:$0x3] =	stream.linear.gather [hbm4b:s0+s4], $0x80, $0x38;
	[tilespmem:$0x1E900] =	vst v63  }
0x4b: {  	_ =	swait.ge [sflag:s17], $0x4000  }
0x4c: {  	[sflag:s17] =	ssyncset.done $0x0  }
0x4d: {  	[sflag:s17] =	ssyncadd.s32 $0xFFFFC000  }
0x4e: {  	_ =	swait.ge [sflag:s25], $0x80  }
0x4f: {  	[sflag:s25] =	ssyncset.done $0x0  }
0x50: {  	[sflag:s25] =	ssyncadd.s32 $0xFFFFFF80  }
0x51: {  	[spmem:s2] =	stream.indirect.scatter.add.f32 [tilespmem:s22], [sflag:$0x6], $0x80, s23, s19, $0xb8;
	[tilespmem:$0x1E900] =	vst v63  }
0x52: {  	s0 =	sand.u32 $0x7C00, s1;
	_ =	swait.ge [sflag:s26], $0x4000  }
0x53: {  	s1 =	sand.u32 $0x380, s1;
	s0 =	sadd.s32 s3, s0;
	[sflag:s26] =	ssyncset.done $0x0  }
0x54: {  	s7 =	sadd.s32 $0x80, s30;
	s0 =	sor.u32 s1, s0;
	[sflag:s26] =	ssyncadd.s32 $0xFFFFC000  }
0x55: {  	[tilespmem:s22], [sflag:$0x2] =	stream.indirect.gather [hbm4b:s5+s19], $0x80, s7, s19, $0xb8;
	[tilespmem:$0x1E900] =	vst v63  }
.Ltmp0:
0x56: {  	_ = 	snop;
	(pc) =	sbr.rel @p0 .LBB2_2-.Ltmp0, $4  }
0x57: {  	s0 =	sshrl.u32 s0, $0x3  }
0x58: {  	s0 =	sadd.s32 s6, s0  }
0x59: {  	[tilespmem:s23], [sflag:$0x4] =	stream.linear.gather [hbm4b:s0+s4], $0x80, $0x38;
	[tilespmem:$0x1E900] =	vst v63  }
0x5a: {  	_ =	swait.ge [sflag:s16], $0x4000  }
0x5b: {  	[sflag:s16] =	ssyncset.done $0x0  }
0x5c: {  	[sflag:s16] =	ssyncadd.s32 $0xFFFFC000  }
0x5d: {  	_ =	swait.ge [sflag:s21], $0x80  }
0x5e: {  	[sflag:s21] =	ssyncset.done $0x0  }
0x5f: {  	[sflag:s21] =	ssyncadd.s32 $0xFFFFFF80  }
0x60: {  	[spmem:s2] =	stream.indirect.scatter.add.f32 [tilespmem:s20], [sflag:$0x5], $0x80, s18, s19, $0xb8;
	[tilespmem:$0x1E900] =	vst v63  }
0x61: {  	_ =	swait.ge [sflag:s17], $0x4000  }
0x62: {  	[sflag:s17] =	ssyncset.done $0x0  }
0x63: {  	[sflag:s17] =	ssyncadd.s32 $0xFFFFC000  }
0x64: {  	_ =	swait.ge [sflag:s25], $0x80  }
0x65: {  	[sflag:s25] =	ssyncset.done $0x0  }
0x66: {  	[sflag:s25] =	ssyncadd.s32 $0xFFFFFF80  }
0x67: {  	[spmem:s2] =	stream.indirect.scatter.add.f32 [tilespmem:s22], [sflag:$0x6], $0x80, s23, s19, $0xb8;
	[tilespmem:$0x1E900] =	vst v63  }
0x68: {  	_ =	swait.ge [sflag:s24], $0x4000  }
0x69: {  	[sflag:s24] =	ssyncset.done $0x0  }
0x6a: {  	[sflag:s24] =	ssyncadd.s32 $0xFFFFC000  }
0x6b: {  	_ =	swait.ge [sflag:s26], $0x4000  }
0x6c: {  	s29 =	sadd.s32 $0x1, s29;
	[sflag:s26] =	ssyncset.done $0x0  }
0x6d: {  	p0 =	sne.s32 s29, s14;
	[sflag:s26] =	ssyncadd.s32 $0xFFFFC000  }
.Ltmp1:
0x6e: {  	s0 =	sor.u32 $0x1C07, s8;
	[bflag:$0x0] =	sbarrier.arrive $0xFFFF;
	(pc) =	sbr.rel @p0 .LBB2_1-.Ltmp1, $4  }
0x6f: {  	[hbm:s13], [sflag:s0] =	dma.local [spmem:s15], $0x2800  }
0x70: {  	_ =	swait.ge [sflag:s28], $0x2800  }
0x71: {  	[sflag:s28] =	ssyncset.done $0x0  }
0x72: {  	[sflag:s28] =	ssyncadd.s32 $0xFFFFD800  }
0x73: {  	_ =	sfence.sel $0x180000  }
0x74: {  	[bflag:$0x0] =	sbarrier.arrive $0xFFFF  }
0x75: {  	_ =	strace $0x90000050  }
0x76: {  	s0 =	stileid.u32;
	[bflag:$0x2] =	sbarrier.arrive $0xFFFF  }
0x77: {  	p0 =	sne.s32 s0, $0x0;
	s0 =	rddreg [dreg:$0x2]  }
0x78: {  	s0 =	sadd.s32 @!p0 $0x100000, s0  }
0x79: {  	[sflag:s0] =	ssyncadd.tile.s32 @!p0 $0x1;
	_ =	shalt  }
.Lfunc_end2:
_tile_overlayer_lowered:
.L_overlay_start_2:
0x7a: {  	(tag) =	ssettag $0x2  }
0x7b: {  	s0 =	rddreg [dreg:$0x0];
	s2 =	stileid.u32  }
0x7c: {  	s1 =	rddreg [dreg:$0x1];
	p0 =	sne.s32 s2, $0x0  }
0x7d: {  	s3 =	rddreg [dreg:$0x2];
	[bflag:$0x3] =	sbarrier.arrive $0xFFFF;
	s2 =	simm.s32 @!p0 $0x1C07  }
0x7e: {  	[timem:s3], [sflag:s2] =	dma.local @!p0 [hbm:s0], s1  }
0x7f: {  	s0 =	simm.s32 @!p0 $0x7  }
0x80: {  	_ =	swait.ge @!p0 [sflag:s0], s1  }
0x81: {  	s1 =	ssub.s32 @!p0 $0x0, s1;
	[sflag:s0] =	ssyncset.done @!p0 $0x0  }
0x82: {  	[sflag:s0] =	ssyncadd.s32 @!p0 s1  }
0x83: {  	[bflag:$0x3] =	sbarrier.arrive $0xFFFF  }
0x84: {  	_ =	shalt  }

// kernel: kernel.28.cloned.1.call-start
scs
__scs_entry_jumppad:
0x0: {  	(pc) =	sbr.rel $0x88, $3  }
0x1: {  	(tag) =	ssettag $0x0;
	lr =	simm.s32 $0x1  }
0x2: {  	[smem:$0x3F8C] =	sst lr;
	_ =	strace $0xD0000000  }
0x3: {  	_ = 	snop  }
0x4: {  	_ = 	snop  }
0x5: {  	_ = 	snop  }
0x6: {  	_ = 	snop  }
0x7: {  	_ = 	snop  }
__scs_overlays_trampoline_lowered:
0x8: {  	[smem:$0x3F9B] =	sst s0  }
0x9: {  	[smem:$0x3F9C] =	sst s1  }
0xa: {  	[smem:$0x3F9D] =	sst s2  }
0xb: {  	[smem:$0x3F9E] =	sst s3  }
0xc: {  	[smem:$0x3F9F] =	sst s4  }
0xd: {  	[smem:$0x3FA0] =	sst s5  }
0xe: {  	[smem:$0x3FA1] =	sst s6  }
0xf: {  	[smem:$0x3FA2] =	sst s7  }
0x10: {  	[smem:$0x3FA3] =	sst s8  }
0x11: {  	[smem:$0x3FA4] =	sst s9;
	s0 =	simm.s32 @!p0 $0x0  }
0x12: {  	s1 =	sld [smem:$0x3F8A];
	s0 =	simm.s32 @p0 $0x1  }
0x13: {  	[smem:$0x3FA5] =	sst s0;
	s0 =	simm.s32 @!p1 $0x0  }
0x14: {  	s2 =	sld [smem:$0x3F89];
	s0 =	simm.s32 @p1 $0x1  }
0x15: {  	[smem:$0x3FA6] =	sst s0;
	s0 =	simm.s32 @!p2 $0x0  }
0x16: {  	s3 =	sld [smem:$0x3FDB];
	s0 =	simm.s32 @p2 $0x1  }
0x17: {  	s4 =	simm.s32 $0x1BF5;
	[smem:$0x3FA8] =	sst s0  }
0x18: {  	s0 =	sld [smem:$0x3F8B];
	_ =	swait.ge [sflag:s4], $0x0  }
0x19: {  	s7 =	sld [smem:$0x3F8C]  }
0x1a: {  	s8 =	sadd.s32 $0xFFFFE003, lr  }
0x1b: {  	s9 =	sadd.s32 $0xFFFFFEF7, lr;
	s5 =	simm.s32 $0xFFFFFFFF;
	p2 =	slt.u32 s8, $0xFFFFF086  }
0x1c: {  	p1 =	slt.u32 s9, $0xF7A;
	s5 =	simm.s32 @!p2 $0x0  }
0x1d: {  	s5 =	simm.s32 @p1 $0x1;
	p0 =	seq.s32 s7, s2  }
0x1e: {  	s7 =	smul.u32 @!p0 $0xF7A, s2;
	p2 =	seq.s32 @!p0 s5, $0x0  }
0x1f: {  	s9 =	smul.u32 $0xF7A, s1;
	s8 =	simm.s32 @!p0 $0x1BF5;
	p2 =	por !p2, p0  }
0x20: {  	[sflag:s8] =	ssyncset.s32 @!p0 $0xFFFFF086;
	s6 =	sadd.s32 @!p0 s3, s7;
	s7 =	simm.s32 @!p0 $0x108  }
0x21: {  	s3 =	sadd.s32 s3, s9;
	s6 =	sadd.s32 @!p0 $0x88, s6;
	s7 =	simm.s32 @p2 $0x1082  }
0x22: {  	[simem:s7], [sflag:s8] =	dma.local @!p0 [hbm:s6], $0xF7A  }
0x23: {  	s9 =	sor.u32 $0xD0000000, s2;
	s6 =	simm.s32 $0x108;
	_ =	swait.ge @!p0 [sflag:s8], $0x0  }
0x24: {  	s3 =	sadd.s32 $0x88, s3;
	s6 =	simm.s32 @!p1 $0x1082;
	[sflag:s4] =	ssyncset.s32 $0xFFFFF086  }
0x25: {  	[simem:s6], [sflag:s4] =	dma.local [hbm:s3], $0xF7A  }
0x26: {  	[smem:$0x3F8C] =	sst s1;
	(tag) =	ssettag s2;
	_ =	strace s9  }
0x27: {  	s1 =	sld [smem:$0x3F9C]  }
0x28: {  	s2 =	sld [smem:$0x3F9D]  }
0x29: {  	s4 =	sld [smem:$0x3F9F]  }
0x2a: {  	p0 =	seq.s32 s5, $0x0;
	s5 =	sld [smem:$0x3FA0]  }
0x2b: {  	s6 =	sld [smem:$0x3FA1]  }
0x2c: {  	s7 =	sld [smem:$0x3FA2]  }
0x2d: {  	s3 =	simm.s32 $0x108;
	s8 =	sld [smem:$0x3FA3]  }
0x2e: {  	s3 =	simm.s32 @!p0 $0x1082;
	s9 =	sld [smem:$0x3FA4]  }
0x2f: {  	lr =	sadd.s32 s0, s3;
	s0 =	sld [smem:$0x3F9B]  }
0x30: {  	s3 =	sld [smem:$0x3F9E]  }
0x31: {  	[smem:$0x3FA7] =	sst s10  }
0x32: {  	s10 =	sld [smem:$0x3FA5];
	_ =	sdelay $0x3  }
0x33: {  	p0 =	seq.s32 s10, $0x1;
	s10 =	sld [smem:$0x3FA7];
	_ =	sdelay $0x3  }
0x34: {  	[smem:$0x3FA7] =	sst s10  }
0x35: {  	s10 =	sld [smem:$0x3FA6];
	_ =	sdelay $0x3  }
0x36: {  	p1 =	seq.s32 s10, $0x1;
	s10 =	sld [smem:$0x3FA7];
	_ =	sdelay $0x3  }
0x37: {  	[smem:$0x3FA7] =	sst s10  }
0x38: {  	s10 =	sld [smem:$0x3FA8]  }
0x39: {  	_ = 	snop;
	(pc) =	sbr.ind lr, $3  }
0x3a: {  	_ = 	snop  }
0x3b: {  	_ = 	snop  }
0x3c: {  	p2 =	seq.s32 s10, $0x1;
	s10 =	sld [smem:$0x3FA7]  }
0x3d: {  	_ =	shalt  }
0x3e: {  	_ =	shalt  }
0x3f: {  	_ =	shalt  }
0x40: {  	_ =	shalt  }
0x41: {  	_ =	shalt  }
0x42: {  	_ =	shalt  }
0x43: {  	_ =	shalt  }
0x44: {  	_ =	shalt  }
0x45: {  	_ =	shalt  }
0x46: {  	_ =	shalt  }
0x47: {  	_ =	shalt  }
0x48: {  	_ =	shalt  }
0x49: {  	_ =	shalt  }
0x4a: {  	_ =	shalt  }
0x4b: {  	_ =	shalt  }
0x4c: {  	_ =	shalt  }
0x4d: {  	_ =	shalt  }
0x4e: {  	_ =	shalt  }
0x4f: {  	_ =	shalt  }
0x50: {  	_ =	shalt  }
0x51: {  	_ =	shalt  }
0x52: {  	_ =	shalt  }
0x53: {  	_ =	shalt  }
0x54: {  	_ =	shalt  }
0x55: {  	_ =	shalt  }
0x56: {  	_ =	shalt  }
0x57: {  	_ =	shalt  }
0x58: {  	_ =	shalt  }
0x59: {  	_ =	shalt  }
0x5a: {  	_ =	shalt  }
0x5b: {  	_ =	shalt  }
0x5c: {  	_ =	shalt  }
0x5d: {  	_ =	shalt  }
0x5e: {  	_ =	shalt  }
0x5f: {  	_ =	shalt  }
0x60: {  	_ =	shalt  }
0x61: {  	_ =	shalt  }
0x62: {  	_ =	shalt  }
0x63: {  	_ =	shalt  }
0x64: {  	_ =	shalt  }
0x65: {  	_ =	shalt  }
0x66: {  	_ =	shalt  }
0x67: {  	_ =	shalt  }
0x68: {  	_ =	shalt  }
0x69: {  	_ =	shalt  }
0x6a: {  	_ =	shalt  }
0x6b: {  	_ =	shalt  }
0x6c: {  	_ =	shalt  }
0x6d: {  	_ =	shalt  }
0x6e: {  	_ =	shalt  }
0x6f: {  	_ =	shalt  }
0x70: {  	_ =	shalt  }
0x71: {  	_ =	shalt  }
0x72: {  	_ =	shalt  }
0x73: {  	_ =	shalt  }
0x74: {  	_ =	shalt  }
0x75: {  	_ =	shalt  }
0x76: {  	_ =	shalt  }
0x77: {  	_ =	shalt  }
0x78: {  	_ =	shalt  }
0x79: {  	_ =	shalt  }
0x7a: {  	_ =	shalt  }
0x7b: {  	_ =	shalt  }
0x7c: {  	_ =	shalt  }
0x7d: {  	_ =	shalt  }
0x7e: {  	_ =	shalt  }
0x7f: {  	_ =	shalt  }
0x80: {  	_ =	shalt  }
0x81: {  	_ =	shalt  }
0x82: {  	_ =	shalt  }
0x83: {  	_ =	shalt  }
0x84: {  	_ =	shalt  }
0x85: {  	_ =	shalt  }
0x86: {  	_ =	shalt  }
0x87: {  	_ =	shalt  }
.Lfunc_end0:
.L_simem_size_0:
called_computation.4_lowered:
.L_overlay_start_0:
0x88: {  	s2 =	sld [smem:$0x3FD9]  }
0x89: {  	s3 =	sld [smem:$0x3FFE];
	_ =	sdelay $0x1  }
0x8a: {  	s1 =	srdreg.scid  }
0x8b: {  	s0 =	sand.u32 $0x1, s1  }
0x8c: {  	s16 =	sshll.u32 s0, $0xA;
	s2 =	sadd.s32 s3, s2  }
0x8d: {  	s2 =	sadd.s32 s2, s16  }
0x8e: {  	[smem:$0x3FB3] =	sst s2  }
0x8f: {  	_ = 	snop  }
0x90: {  	(tm) =	ssettm $0x1  }
0x91: {  	s17 =	sld [smem:$0x3FFB];
	_ =	sdelay $0x3  }
0x92: {  	_ =	strace s17  }
0x93: {  	s2 =	sld [smem:$0x3FFC];
	_ =	sdelay $0x3  }
0x94: {  	_ =	strace s2  }
0x95: {  	s2 =	sld [smem:$0x3FFD];
	_ =	sdelay $0x3  }
0x96: {  	_ =	strace s2  }
0x97: {  	_ =	strace $0x8FFFFFFF  }
0x98: {  	s18 =	sld [smem:$0x3FDB];
	_ =	sdelay $0x1  }
0x99: {  	s19 =	simm.s32 $_scs_section_size  }
0x9a: {  	s4 =	simm.s32 $_size__tile_overlayer_lowered;
	s5 =	simm.s32 $_tile_overlayer_lowered  }
0x9b: {  	s22 =	simm.s32 $0x1BFF;
	s21 =	sshll.u32 s5, $0x1;
	s2 =	sadd.s32 s19, s18  }
0x9c: {  	s6 =	simm.s32 $0x0;
	s20 =	sshll.u32 s4, $0x1;
	s4 =	sadd.s32 s21, s2  }
0x9d: {  	[timem:s6], [sflag:s22] =	dma.local [hbm:s4], s20  }
0x9e: {  	_ =	swait.ge [sflag:s22], s20  }
0x9f: {  	s3 =	ssub.s32 $0x0, s20;
	[sflag:s22] =	ssyncset.done $0x0  }
0xa0: {  	[sflag:s22] =	ssyncadd.s32 s3;
	_ =	sdelay $0x1  }
0xa1: {  	s23 =	simm.s32 $0x1B8B  }
0xa2: {  	_ =	swait.ge [sflag:s23], $0x1  }
0xa3: {  	[sflag:s23] =	ssyncset.done $0x0  }
0xa4: {  	s25 =	simm.s32 $0x1B8E;
	s24 =	sld [smem:$0x3FFE];
	[sflag:s23] =	ssyncadd.s32 $0xFFFFFFFF  }
0xa5: {  	s26 =	simm.s32 $execute0_lowered;
	[smem:$0x3FD2] =	sst s25  }
0xa6: {  	s4 =	sshll.u32 s26, $0x1;
	_ =	strace $0x80000052;
	[dreg:$0x1] =	wrdreg $0xFFFFFFFF  }
0xa7: {  	s28 =	simm.s32 $_size_execute0_lowered;
	s2 =	sadd.s32 s2, s4;
	[dreg:$0x0] =	wrdreg $0x0  }
0xa8: {  	s4 =	sshll.u32 s28, $0x1;
	[dreg:$0x2] =	wrdreg s2  }
0xa9: {  	[dreg:$0x3] =	wrdreg s4  }
0xaa: {  	[dreg:$0x4] =	wrdreg $0xC0  }
0xab: {  	_ =	task [dreg:s6], $0x5FFFF  }
0xac: {  	[dreg:$0x1] =	wrdreg $0xFFFFFFFF  }
0xad: {  	[dreg:$0x0] =	wrdreg $0x60  }
0xae: {  	[dreg:$0x2] =	wrdreg s24  }
0xaf: {  	[dreg:$0x3] =	wrdreg $0x9  }
0xb0: {  	_ =	task.clear_ibuf [dreg:s6], $0x4FFFF;
	_ =	strace $0x90000052  }
0xb1: {  	s29 =	simm.s32 $0x9;
	_ =	strace $0x80000054  }
0xb2: {  	_ =	swait.ge [sflag:s29], $0x1  }
0xb3: {  	[sflag:s29] =	ssyncadd.s32 $0xFFFFFFFF  }
0xb4: {  	_ =	strace $0x90000054  }
0xb5: {  	_ =	sfence  }
0xb6: {  	s30 =	sld [smem:$0x0];
	_ =	sdelay $0x2  }
0xb7: {  	s31 =	sshll.u32 s1, $0xD;
	s1 =	sshrl.u32 s1, $0x2  }
0xb8: {  	s3 =	sand.u32 $0x4000, s31;
	s1 =	sadd.s32 s1, s30  }
0xb9: {  	s0 =	sor.u32 s3, s0;
	s1 =	sshll.u32 s1, $0x11  }
0xba: {  	s0 =	sor.u32 s1, s0  }
0xbb: {  	s0 =	sadd.s32 $0x8F2B, s0  }
0xbc: {  	[sflag:s0] =	ssyncadd.remote.s32 $0x1  }
0xbd: {  	_ =	sfence.sel $0xFFFF  }
0xbe: {  	[dreg:$0x0] =	wrdreg $0xFFFFFFFF;
	(pc) =	sbr.abs _section_cstart, $3  }
0xbf: {  	[dreg:$0x1] =	wrdreg $0xFFFFFFFF  }
0xc0: {  	_ =	task.clear_ibuf [dreg:s6], $0x2FFFF;
	_ =	strace $0x9FFFFFFF  }
0xc1: {  	(tm) =	ssettm $0x7FFFFFFF  }
tec
execute0_lowered:
.L_overlay_start_1:
0x0: {  	(tag) =	ssettag $0x1  }
0x1: {  	s0 =	rddreg [dreg:$0x0];
	s2 =	simm.s32 $0x0;
	s1 =	srdreg.scid  }
0x2: {  	s4 =	stileid.u32;
	s17 =	simm.s32 $0x1;
	s18 =	simm.s32 $0x80  }
0x3: {  	s19 =	simm.s32 $0x400;
	s22 =	simm.s32 $0x7800;
	s23 =	simm.s32 $0x7C00  }
0x4: {  	s28 =	simm.s32 $0x8C00;
	s29 =	simm.s32 $0x9000;
	s30 =	simm.s32 $0x9400  }
0x5: {  	s31 =	simm.s32 $0x9800;
	[smem:$0x7FF] =	sst s2;
	s1 =	sand.u32 $0x1, s1  }
0x6: {  	s3 =	sshrl.u32 s4, $0x2;
	s4 =	sshll.u32 s4, $0x8;
	s5 =	sshll.u32 s1, $0x7  }
0x7: {  	s4 =	sand.u32 $0x300, s4;
	s6 =	smul.u32 $0x14000, s3;
	_ =	strace $0x80000053  }
0x8: {  	s24 =	sshll.u32 s3, $0xD;
	s1 =	ssub.s32 $0x2, s1;
	s4 =	sor.u32 s5, s4  }
0x9: {  	s3 =	sadd.s32 $0x6600, s0;
	s26 =	sshrl.u32 s1, $0x1;
	s6 =	sor.u32 s6, s4  }
0xa: {  	s4 =	sor.u32 s24, s4;
	s1 =	ssub.s32 s1, s26;
	s24 =	simm.s32 $0x8000  }
0xb: {  	s26 =	simm.s32 $0x8800;
	s25 =	sshrl.u32 s6, $0x3;
	s4 =	sshrl.u32 s4, $0x3  }
0xc: {  	s16 =	smax.u32 s1, $0x1;
	s1 =	simm.s32 $0x0;
	s5 =	sadd.s32 s25, s0  }
0xd: {  	s0 =	sadd.s32 s4, s0;
	s25 =	simm.s32 $0x8400;
	s4 =	sadd.s32 $0x4C600, s5  }
0xe: {  	s5 =	sadd.s32 $0x1A600, s5;
	s6 =	sadd.s32 $0x6C00, s0;
	s7 =	sadd.s32 $0x7C00, s0  }
0xf: {  	s8 =	sadd.s32 $0x8C00, s0;
	s9 =	sadd.s32 $0x9C00, s0;
	s10 =	sadd.s32 $0xAC00, s0  }
0x10: {  	s11 =	sadd.s32 $0xBC00, s0;
	s12 =	sadd.s32 $0xCC00, s0;
	s13 =	sadd.s32 $0xDC00, s0  }
0x11: {  	v0 =	vimm.f32 $0.0e+00;
	s14 =	sadd.s32 $0xEC00, s0;
	s15 =	sadd.s32 $0xFC00, s0;
	s0 =	simm.s32 $0x9C00  }
.LBB2_1:
0x12: {  	[tilespmem:s2], [sflag:$0x1] =	stream.linear.gather [hbm4b:s3+s2], $0x2800, $0x38;
	[tilespmem:$0xA000] =	vst v63  }
0x13: {  	_ =	swait.ge [sflag:s17], $0x2800  }
0x14: {  	[sflag:s17] =	ssyncset.done $0x0  }
0x15: {  	s20 =	simm.s32 $0x2800;
	[sflag:s17] =	ssyncadd.s32 $0xFFFFD800  }
0x16: {  	[tilespmem:s20], [sflag:$0x1] =	stream.strided.gather [hbm4b:s4+s18], $0x2800, s19, s18, $0x38;
	[tilespmem:$0xA000] =	vst v63  }
0x17: {  	_ =	swait.ge [sflag:s17], $0x2800  }
0x18: {  	[sflag:s17] =	ssyncset.done $0x0  }
0x19: {  	s21 =	simm.s32 $0x5000;
	[sflag:s17] =	ssyncadd.s32 $0xFFFFD800  }
0x1a: {  	[tilespmem:s21], [sflag:$0x1] =	stream.strided.gather [hbm4b:s5+s18], $0x2800, s19, s18, $0x38;
	[tilespmem:$0xA000] =	vst v63  }
0x1b: {  	_ =	swait.ge [sflag:s17], $0x2800  }
0x1c: {  	[sflag:s17] =	ssyncset.done $0x0  }
0x1d: {  	s20 =	simm.s32 $0x0;
	[sflag:s17] =	ssyncadd.s32 $0xFFFFD800  }
.LBB2_2:
0x1e: {  	p0 =	sne.s32 s20, $0x9FC0  }
.Ltmp0:
0x1f: {  	_ = 	snop;
	(pc) =	sbr.rel @p0 .LBB2_2-.Ltmp0, $3  }
0x20: {  	_ =	sdelay $0x1  }
0x21: {  	s21 =	sshra.s32 s20, $0x2  }
0x22: {  	s20 =	sadd.s32 $0x40, s20;
	[tilespmem:s21+$0x7800] =	vst v0  }
0x23: {  	s21 =	simm.s32 $0x0;
	s20 =	simm.s32 $0x40  }
.LBB2_4:
0x24: {  	p0 =	sne.s32 s20, $0x9FC0;
	v1 =	vld [tilespmem:s21+$0x2800];
	_ =	sdelay $0x5  }
0x25: {  	v2 =	vld [tilespmem:s21+$0x5000];
	_ =	sdelay $0x1  }
0x26: {  	v1 =	vld.idx.msk [tilespmem:v1+s2+$0x0], $0xffff;
	_ =	sdelay $0x1  }
.Ltmp1:
0x27: {  	(pc) =	sbr.rel @p0 .LBB2_4-.Ltmp1, $2  }
0x28: {  	_ =	sdelay $0x2  }
0x29: {  	s21 =	sshra.s32 s20, $0x2;
	s20 =	sadd.s32 $0x40, s20;
	[tilespmem:v2+s22+$0x0] =	vst.idx.add.f32.msk $0xffff, v1  }
0x2a: {  	v1 =	vld [tilespmem:s21+$0x2800];
	_ =	sdelay $0x4  }
0x2b: {  	v2 =	vld [tilespmem:s21+$0x5000];
	_ =	sdelay $0x2  }
0x2c: {  	v1 =	vld.idx.msk [tilespmem:v1+s2+$0x0], $0xffff;
	_ =	sdelay $0x4  }
0x2d: {  	[tilespmem:v2+s22+$0x0] =	vst.idx.add.f32.msk $0xffff, v1  }
0x2e: {  	[hbm4b:s6+s18] =	stream.strided.scatter [tilespmem:s22], [sflag:$0x1], $0x400, s19, s18, $0x38;
	[tilespmem:$0xA000] =	vst v63  }
0x2f: {  	_ =	swait.ge [sflag:s17], $0x400  }
0x30: {  	[sflag:s17] =	ssyncset.done $0x0  }
0x31: {  	[sflag:s17] =	ssyncadd.s32 $0xFFFFFC00  }
0x32: {  	[hbm4b:s7+s18] =	stream.strided.scatter [tilespmem:s23], [sflag:$0x1], $0x400, s19, s18, $0x38;
	[tilespmem:$0xA000] =	vst v63  }
0x33: {  	_ =	swait.ge [sflag:s17], $0x400  }
0x34: {  	[sflag:s17] =	ssyncset.done $0x0  }
0x35: {  	[sflag:s17] =	ssyncadd.s32 $0xFFFFFC00  }
0x36: {  	[hbm4b:s8+s18] =	stream.strided.scatter [tilespmem:s24], [sflag:$0x1], $0x400, s19, s18, $0x38;
	[tilespmem:$0xA000] =	vst v63  }
0x37: {  	_ =	swait.ge [sflag:s17], $0x400  }
0x38: {  	[sflag:s17] =	ssyncset.done $0x0  }
0x39: {  	[sflag:s17] =	ssyncadd.s32 $0xFFFFFC00  }
0x3a: {  	[hbm4b:s9+s18] =	stream.strided.scatter [tilespmem:s25], [sflag:$0x1], $0x400, s19, s18, $0x38;
	[tilespmem:$0xA000] =	vst v63  }
0x3b: {  	_ =	swait.ge [sflag:s17], $0x400  }
0x3c: {  	[sflag:s17] =	ssyncset.done $0x0  }
0x3d: {  	[sflag:s17] =	ssyncadd.s32 $0xFFFFFC00  }
0x3e: {  	[hbm4b:s10+s18] =	stream.strided.scatter [tilespmem:s26], [sflag:$0x1], $0x400, s19, s18, $0x38;
	[tilespmem:$0xA000] =	vst v63  }
0x3f: {  	_ =	swait.ge [sflag:s17], $0x400  }
0x40: {  	[sflag:s17] =	ssyncset.done $0x0  }
0x41: {  	[sflag:s17] =	ssyncadd.s32 $0xFFFFFC00  }
0x42: {  	[hbm4b:s11+s18] =	stream.strided.scatter [tilespmem:s28], [sflag:$0x1], $0x400, s19, s18, $0x38;
	[tilespmem:$0xA000] =	vst v63  }
0x43: {  	_ =	swait.ge [sflag:s17], $0x400  }
0x44: {  	[sflag:s17] =	ssyncset.done $0x0  }
0x45: {  	[sflag:s17] =	ssyncadd.s32 $0xFFFFFC00  }
0x46: {  	[hbm4b:s12+s18] =	stream.strided.scatter [tilespmem:s29], [sflag:$0x1], $0x400, s19, s18, $0x38;
	[tilespmem:$0xA000] =	vst v63  }
0x47: {  	_ =	swait.ge [sflag:s17], $0x400  }
0x48: {  	[sflag:s17] =	ssyncset.done $0x0  }
0x49: {  	[sflag:s17] =	ssyncadd.s32 $0xFFFFFC00  }
0x4a: {  	[hbm4b:s13+s18] =	stream.strided.scatter [tilespmem:s30], [sflag:$0x1], $0x400, s19, s18, $0x38;
	[tilespmem:$0xA000] =	vst v63  }
0x4b: {  	_ =	swait.ge [sflag:s17], $0x400  }
0x4c: {  	[sflag:s17] =	ssyncset.done $0x0  }
0x4d: {  	[sflag:s17] =	ssyncadd.s32 $0xFFFFFC00  }
0x4e: {  	[hbm4b:s14+s18] =	stream.strided.scatter [tilespmem:s31], [sflag:$0x1], $0x400, s19, s18, $0x38;
	[tilespmem:$0xA000] =	vst v63  }
0x4f: {  	s1 =	sadd.s32 $0x1, s1;
	_ =	swait.ge [sflag:s17], $0x400  }
0x50: {  	p0 =	sne.s32 s1, s16;
	[sflag:s17] =	ssyncset.done $0x0  }
.Ltmp2:
0x51: {  	[sflag:s17] =	ssyncadd.s32 $0xFFFFFC00;
	(pc) =	sbr.rel @p0 .LBB2_1-.Ltmp2, $4  }
0x52: {  	[hbm4b:s15+s18] =	stream.strided.scatter [tilespmem:s0], [sflag:$0x1], $0x400, s19, s18, $0x38;
	[tilespmem:$0xA000] =	vst v63  }
0x53: {  	_ =	swait.ge [sflag:s17], $0x400  }
0x54: {  	[sflag:s17] =	ssyncset.done $0x0  }
0x55: {  	[sflag:s17] =	ssyncadd.s32 $0xFFFFFC00  }
0x56: {  	_ =	sfence.sel $0x180000  }
0x57: {  	[bflag:$0x0] =	sbarrier.arrive $0xFFFF  }
0x58: {  	_ =	strace $0x90000053  }
0x59: {  	s0 =	stileid.u32;
	[bflag:$0x2] =	sbarrier.arrive $0xFFFF  }
0x5a: {  	p0 =	sne.s32 s0, $0x0;
	s0 =	rddreg [dreg:$0x1]  }
0x5b: {  	s0 =	sadd.s32 @!p0 $0x100000, s0  }
0x5c: {  	[sflag:s0] =	ssyncadd.tile.s32 @!p0 $0x1;
	_ =	shalt  }
.Lfunc_end2:
_tile_overlayer_lowered:
.L_overlay_start_2:
0x5d: {  	(tag) =	ssettag $0x2  }
0x5e: {  	s0 =	rddreg [dreg:$0x0];
	s2 =	stileid.u32  }
0x5f: {  	s1 =	rddreg [dreg:$0x1];
	p0 =	sne.s32 s2, $0x0  }
0x60: {  	s3 =	rddreg [dreg:$0x2];
	[bflag:$0x3] =	sbarrier.arrive $0xFFFF;
	s2 =	simm.s32 @!p0 $0x1C01  }
0x61: {  	[timem:s3], [sflag:s2] =	dma.local @!p0 [hbm:s0], s1  }
0x62: {  	s0 =	simm.s32 @!p0 $0x1  }
0x63: {  	_ =	swait.ge @!p0 [sflag:s0], s1  }
0x64: {  	s1 =	ssub.s32 @!p0 $0x0, s1;
	[sflag:s0] =	ssyncset.done @!p0 $0x0  }
0x65: {  	[sflag:s0] =	ssyncadd.s32 @!p0 s1  }
0x66: {  	[bflag:$0x3] =	sbarrier.arrive $0xFFFF  }
0x67: {  	_ =	shalt  }

</sc_bundles>
